<compile_context>
chip_gen: v7x
topology: tpu7x:2x2x1
jax: 0.10.2.dev20260603
libtpu: 0.0.44.dev20260713+nightly
codegen_flags: <defaults>
</compile_context>

<pallas_src>
import functools

import jax
import jax.numpy as jnp
from jax import lax
from jax.experimental import pallas as pl
from jax.experimental.pallas import tpu as pltpu
from jax.experimental.pallas import tpu_sc as plsc

N_NODES = 10000
NPAD = 10240
D = 128
N_EDGES = 320000

NC = 2
NS = 16
NW = NC * NS
EPW = N_EDGES // NW
CHUNK = 40
ITERS = EPW // CHUNK
ROWS_PER_TILE = NPAD // NS
ZROWS = 128

_mesh = plsc.VectorSubcoreMesh(core_axis_name="c", subcore_axis_name="s",
                               num_cores=NC, num_subcores=NS)


def _zero_fill(buf, nrows, ncols):
    zero = jnp.zeros((16,), jnp.float32)

    def body(i, carry):
        for j in range(ncols // 16):
            buf[i, pl.ds(j * 16, 16)] = zero
        return carry

    lax.fori_loop(0, nrows, body, 0)


DEG_RING = 5
DEG_DI = 3


@functools.partial(
    pl.kernel,
    out_type=jax.ShapeDtypeStruct((NC * NPAD, D), jnp.float32),
    mesh=_mesh,
    scratch_types=[
        [pltpu.VMEM((CHUNK,), jnp.int32) for _ in range(DEG_RING)],
        pltpu.VMEM((CHUNK, D), jnp.float32),
        pltpu.VMEM_SHARED((NPAD, D), jnp.float32),
        [pltpu.SemaphoreType.DMA for _ in range(DEG_RING)],
        [pltpu.SemaphoreType.DMA for _ in range(DEG_RING)],
    ],
)
def _sc_deg(dst_hbm, out, didxs, ones, acc, isems, ssems):
    cid = lax.axis_index("c")
    sid = lax.axis_index("s")
    wid = sid * NC + cid
    base = wid * EPW
    row0 = sid * ROWS_PER_TILE

    one = jnp.ones((16,), jnp.float32)

    _zero_fill(ones, CHUNK, D)
    for k in range(ROWS_PER_TILE // CHUNK):
        pltpu.async_copy(ones, acc.at[pl.ds(row0 + k * CHUNK, CHUNK)],
                         isems[0])
    for k in range(ROWS_PER_TILE // CHUNK):
        pltpu.make_async_copy(ones, acc.at[pl.ds(row0, CHUNK)],
                              isems[0]).wait()

    def refill(i, carry):
        for j in range(D // 16):
            ones[i, pl.ds(j * 16, 16)] = one
        return carry

    lax.fori_loop(0, CHUNK, refill, 0)
    plsc.subcore_barrier()

    def idx_start(j, b):
        pltpu.async_copy(dst_hbm.at[pl.ds(base + j * CHUNK, CHUNK)],
                         didxs[b], isems[b])

    def idx_wait(b):
        pltpu.make_async_copy(dst_hbm.at[pl.ds(base, CHUNK)],
                              didxs[b], isems[b]).wait()

    def scatter_wait(b):
        pltpu.make_async_copy(ones, acc.at[didxs[b]], ssems[b]).wait()

    for j in range(DEG_DI):
        idx_start(j, j)

    @pl.loop(0, ITERS, step=DEG_RING)
    def _(i0):
        for b in range(DEG_RING):
            i = i0 + b
            bi = (b + DEG_DI) % DEG_RING
            idx_wait(b)
            pltpu.async_copy(ones, acc.at[didxs[b]], ssems[b], add=True)

            @pl.when(i + DEG_DI < ITERS)
            def _():
                @pl.when(i + DEG_DI >= DEG_RING)
                def _():
                    scatter_wait(bi)

                idx_start(i + DEG_DI, bi)

    for b in range(DEG_RING):
        scatter_wait(b)

    plsc.subcore_barrier()
    pltpu.sync_copy(acc.at[pl.ds(row0, ROWS_PER_TILE)],
                    out.at[pl.ds(cid * NPAD + row0, ROWS_PER_TILE)])


RING = 5
DI = 3
DG = 2


@functools.partial(
    pl.kernel,
    out_type=jax.ShapeDtypeStruct((NC * NPAD, D), jnp.float32),
    mesh=_mesh,
    scratch_types=[
        [pltpu.VMEM((CHUNK,), jnp.int32) for _ in range(RING)],
        [pltpu.VMEM((CHUNK,), jnp.int32) for _ in range(RING)],
        [pltpu.VMEM((CHUNK, D), jnp.float32) for _ in range(RING)],
        pltpu.VMEM_SHARED((NPAD, D), jnp.float32),
        [pltpu.SemaphoreType.DMA for _ in range(RING)],
        [pltpu.SemaphoreType.DMA for _ in range(RING)],
        [pltpu.SemaphoreType.DMA for _ in range(RING)],
    ],
)
def _sc_agg(g_hbm, src_hbm, dst_hbm, out,
            sidxs, didxs, rowss, acc, isems, gsems, ssems):
    cid = lax.axis_index("c")
    sid = lax.axis_index("s")
    wid = sid * NC + cid
    base = wid * EPW
    row0 = sid * ROWS_PER_TILE

    _zero_fill(rowss[0], CHUNK, D)
    for k in range(ROWS_PER_TILE // CHUNK):
        pltpu.async_copy(rowss[0], acc.at[pl.ds(row0 + k * CHUNK, CHUNK)],
                         isems[0])
    for k in range(ROWS_PER_TILE // CHUNK):
        pltpu.make_async_copy(rowss[0], acc.at[pl.ds(row0, CHUNK)],
                              isems[0]).wait()
    plsc.subcore_barrier()

    def idx_start(j, b):
        pltpu.async_copy(src_hbm.at[pl.ds(base + j * CHUNK, CHUNK)],
                         sidxs[b], isems[b])
        pltpu.async_copy(dst_hbm.at[pl.ds(base + j * CHUNK, CHUNK)],
                         didxs[b], isems[b])

    def idx_wait(b):
        pltpu.make_async_copy(src_hbm.at[pl.ds(base, CHUNK)],
                              sidxs[b], isems[b]).wait()
        pltpu.make_async_copy(dst_hbm.at[pl.ds(base, CHUNK)],
                              didxs[b], isems[b]).wait()

    def gather_start(b):
        pltpu.async_copy(g_hbm.at[sidxs[b]], rowss[b], gsems[b])

    def gather_wait(b):
        pltpu.make_async_copy(g_hbm.at[sidxs[b]], rowss[b], gsems[b]).wait()

    def scatter_wait(b):
        pltpu.make_async_copy(rowss[b], acc.at[didxs[b]], ssems[b]).wait()

    for j in range(DI):
        idx_start(j, j)
    for j in range(DG):
        idx_wait(j)
        gather_start(j)

    @pl.loop(0, ITERS, step=RING)
    def _(i0):
        for b in range(RING):
            i = i0 + b
            bg = (b + DG) % RING
            bi = (b + DI) % RING
            gather_wait(b)
            pltpu.async_copy(rowss[b], acc.at[didxs[b]], ssems[b], add=True)

            @pl.when(i + DI < ITERS)
            def _():
                @pl.when(i + DI >= RING)
                def _():
                    scatter_wait(bi)

                idx_start(i + DI, bi)

            @pl.when(i + DG < ITERS)
            def _():
                idx_wait(bg)
                gather_start(bg)

    for b in range(RING):
        scatter_wait(b)

    plsc.subcore_barrier()
    pltpu.sync_copy(acc.at[pl.ds(row0, ROWS_PER_TILE)],
                    out.at[pl.ds(cid * NPAD + row0, ROWS_PER_TILE)])


MB = 1024


def _tc_mm_body(x_ref, w_ref, h_ref):
    h_ref[...] = jnp.dot(x_ref[...], w_ref[...],
                         preferred_element_type=jnp.float32)


def _tc_mm(x, w1):
    return pl.pallas_call(
        _tc_mm_body,
        grid=(NPAD // MB,),
        in_specs=[
            pl.BlockSpec((MB, D), lambda m: (m, 0)),
            pl.BlockSpec((D, D), lambda m: (0, 0)),
        ],
        out_specs=pl.BlockSpec((MB, D), lambda m: (m, 0)),
        out_shape=jax.ShapeDtypeStruct((NPAD, D), jnp.float32),
    )(x, w1)


def _tc_scale_body(d0_ref, d1_ref, h_ref, g_ref, dis_ref):
    deg = d0_ref[:, 0:1] + d1_ref[:, 0:1] + 1.0
    dis = lax.rsqrt(deg)
    dis_ref[...] = dis
    g_ref[...] = h_ref[...] * dis


def _tc_scale(d0, d1, h):
    return pl.pallas_call(
        _tc_scale_body,
        grid=(NPAD // MB,),
        in_specs=[
            pl.BlockSpec((MB, D), lambda m: (m, 0)),
            pl.BlockSpec((MB, D), lambda m: (m, 0)),
            pl.BlockSpec((MB, D), lambda m: (m, 0)),
        ],
        out_specs=[
            pl.BlockSpec((MB, D), lambda m: (m, 0)),
            pl.BlockSpec((MB, 1), lambda m: (m, 0)),
        ],
        out_shape=[
            jax.ShapeDtypeStruct((NPAD, D), jnp.float32),
            jax.ShapeDtypeStruct((NPAD, 1), jnp.float32),
        ],
    )(d0, d1, h)


def _tc_mid_body(a0_ref, a1_ref, g_ref, dis_ref, b_ref, w_ref, out_ref):
    dis = dis_ref[...]
    pre = dis * (a0_ref[...] + a1_ref[...] + g_ref[...]) + b_ref[...]
    r = jnp.maximum(pre, 0.0)
    out_ref[...] = jnp.dot(r, w_ref[...],
                           preferred_element_type=jnp.float32) * dis


def _tc_mid(a0, a1, g, dis, b1, w2):
    return pl.pallas_call(
        _tc_mid_body,
        grid=(NPAD // MB,),
        in_specs=[
            pl.BlockSpec((MB, D), lambda m: (m, 0)),
            pl.BlockSpec((MB, D), lambda m: (m, 0)),
            pl.BlockSpec((MB, D), lambda m: (m, 0)),
            pl.BlockSpec((MB, 1), lambda m: (m, 0)),
            pl.BlockSpec((1, D), lambda m: (0, 0)),
            pl.BlockSpec((D, D), lambda m: (0, 0)),
        ],
        out_specs=pl.BlockSpec((MB, D), lambda m: (m, 0)),
        out_shape=jax.ShapeDtypeStruct((NPAD, D), jnp.float32),
    )(a0, a1, g, dis, b1, w2)


def _tc_final_body(a0_ref, a1_ref, g_ref, dis_ref, b_ref, out_ref):
    pre = dis_ref[...] * (a0_ref[...] + a1_ref[...] + g_ref[...]) + b_ref[...]
    out_ref[...] = jnp.maximum(pre, 0.0)


def _tc_final(a0, a1, g, dis, b2):
    return pl.pallas_call(
        _tc_final_body,
        grid=(NPAD // MB,),
        in_specs=[
            pl.BlockSpec((MB, D), lambda m: (m, 0)),
            pl.BlockSpec((MB, D), lambda m: (m, 0)),
            pl.BlockSpec((MB, D), lambda m: (m, 0)),
            pl.BlockSpec((MB, 1), lambda m: (m, 0)),
            pl.BlockSpec((1, D), lambda m: (0, 0)),
        ],
        out_specs=pl.BlockSpec((MB, D), lambda m: (m, 0)),
        out_shape=jax.ShapeDtypeStruct((NPAD, D), jnp.float32),
    )(a0, a1, g, dis, b2)


def kernel(x, edge_index, batch, W1, b1, W2, b2):
    src = edge_index[0].astype(jnp.int32)
    dst = edge_index[1].astype(jnp.int32)
    xp = jnp.pad(x, ((0, NPAD - N_NODES), (0, 0)))

    h1 = _tc_mm(xp, W1)
    d = _sc_deg(dst)
    g1, dis = _tc_scale(d[:NPAD], d[NPAD:], h1)
    a = _sc_agg(g1, src, dst)
    g2 = _tc_mid(a[:NPAD], a[NPAD:], g1, dis, b1.reshape(1, D), W2)
    c = _sc_agg(g2, src, dst)
    return _tc_final(c[:NPAD], c[NPAD:], g2, dis, b2.reshape(1, D))[:N_NODES]

# --- scband reference (transcript-rebuilt; emitter-appended) ---
"""Pipeline reference for scband-gcn-28054726377560 (READ-ONLY COPY).

The authoritative reference and input builder live on the scoring server;
editing this copy changes nothing except your own understanding.
"""

import jax, jax.numpy as jnp
import numpy as np

N_NODES = 10000
D_IN = 128
HIDDEN = 128
N_CLASSES = 128
N_EDGES = 320000

def setup_inputs(seed: int = 0) -> dict:
    key = jax.random.key(seed)
    k1, k2, k3, k4 = jax.random.split(key, 4)
    x = jax.random.normal(k1, (N_NODES, D_IN), dtype=jnp.float32)
    edge_index = jax.random.randint(k2, (2, N_EDGES), 0, N_NODES, dtype=jnp.int64)
    batch = jnp.zeros((N_NODES,), dtype=jnp.int64)
    W1 = jax.random.normal(k3, (D_IN, HIDDEN), dtype=jnp.float32) * (1.0 / np.sqrt(D_IN))
    b1 = jnp.zeros((HIDDEN,), dtype=jnp.float32)
    W2 = jax.random.normal(k4, (HIDDEN, N_CLASSES), dtype=jnp.float32) * (1.0 / np.sqrt(HIDDEN))
    b2 = jnp.zeros((N_CLASSES,), dtype=jnp.float32)
    return {"x": x, "edge_index": edge_index, "batch": batch, "W1": W1, "b1": b1, "W2": W2, "b2": b2}


def _gcn_conv(x, edge_index, W, b):
    # GCNConv: out = D^{-1/2} (A + I) D^{-1/2} (X W) + b
    h = x @ W
    src = edge_index[0]
    dst = edge_index[1]
    loop = jnp.arange(N_NODES, dtype=src.dtype)
    src = jnp.concatenate([src, loop], axis=0)
    dst = jnp.concatenate([dst, loop], axis=0)
    ones = jnp.ones_like(dst, dtype=h.dtype)
    deg = jax.ops.segment_sum(ones, dst, num_segments=N_NODES)
    deg_inv_sqrt = jnp.where(deg > 0, deg ** -0.5, 0.0)
    norm = deg_inv_sqrt[src] * deg_inv_sqrt[dst]
    msg = h[src] * norm[:, None]
    out = jax.ops.segment_sum(msg, dst, num_segments=N_NODES)
    return out + b


def reference(x, edge_index, batch, W1, b1, W2, b2):
    h = jax.nn.relu(_gcn_conv(x, edge_index, W1, b1))
    h = jax.nn.relu(_gcn_conv(h, edge_index, W2, b2))
    return h

if __name__ == "__main__":
    import jax
    _d = setup_inputs()
    print(jax.jit(kernel)(*tuple(_d.values())))

</pallas_src>

<mosaic_0001>
#map = affine_map<(d0, d1) -> (0, 0)>
#map1 = affine_map<(d0, d1) -> (0)>
module attributes {stable_mosaic.version = 14 : i64} {
  func.func @_sc_agg(%arg0: i32, %arg1: i32, %arg2: memref<10240x128xf32, #tpu.memory_space<hbm>>, %arg3: memref<320000xi32, #tpu.memory_space<hbm>>, %arg4: memref<320000xi32, #tpu.memory_space<hbm>>, %arg5: memref<20480x128xf32, #tpu.memory_space<hbm>>, %arg6: memref<40xi32, #tpu.memory_space<vmem>>, %arg7: memref<40xi32, #tpu.memory_space<vmem>>, %arg8: memref<40xi32, #tpu.memory_space<vmem>>, %arg9: memref<40xi32, #tpu.memory_space<vmem>>, %arg10: memref<40xi32, #tpu.memory_space<vmem>>, %arg11: memref<40xi32, #tpu.memory_space<vmem>>, %arg12: memref<40xi32, #tpu.memory_space<vmem>>, %arg13: memref<40xi32, #tpu.memory_space<vmem>>, %arg14: memref<40xi32, #tpu.memory_space<vmem>>, %arg15: memref<40xi32, #tpu.memory_space<vmem>>, %arg16: memref<40x128xf32, #tpu.memory_space<vmem>>, %arg17: memref<40x128xf32, #tpu.memory_space<vmem>>, %arg18: memref<40x128xf32, #tpu.memory_space<vmem>>, %arg19: memref<40x128xf32, #tpu.memory_space<vmem>>, %arg20: memref<40x128xf32, #tpu.memory_space<vmem>>, %arg21: memref<10240x128xf32, #tpu.memory_space<vmem_shared>>, %arg22: memref<!tpu.dma_semaphore, #tpu.memory_space<semaphore_mem>>, %arg23: memref<!tpu.dma_semaphore, #tpu.memory_space<semaphore_mem>>, %arg24: memref<!tpu.dma_semaphore, #tpu.memory_space<semaphore_mem>>, %arg25: memref<!tpu.dma_semaphore, #tpu.memory_space<semaphore_mem>>, %arg26: memref<!tpu.dma_semaphore, #tpu.memory_space<semaphore_mem>>, %arg27: memref<!tpu.dma_semaphore, #tpu.memory_space<semaphore_mem>>, %arg28: memref<!tpu.dma_semaphore, #tpu.memory_space<semaphore_mem>>, %arg29: memref<!tpu.dma_semaphore, #tpu.memory_space<semaphore_mem>>, %arg30: memref<!tpu.dma_semaphore, #tpu.memory_space<semaphore_mem>>, %arg31: memref<!tpu.dma_semaphore, #tpu.memory_space<semaphore_mem>>, %arg32: memref<!tpu.dma_semaphore, #tpu.memory_space<semaphore_mem>>, %arg33: memref<!tpu.dma_semaphore, #tpu.memory_space<semaphore_mem>>, %arg34: memref<!tpu.dma_semaphore, #tpu.memory_space<semaphore_mem>>, %arg35: memref<!tpu.dma_semaphore, #tpu.memory_space<semaphore_mem>>, %arg36: memref<!tpu.dma_semaphore, #tpu.memory_space<semaphore_mem>>) attributes {dimension_semantics = [#tpu.dimension_semantics<core_parallel>, #tpu.dimension_semantics<subcore_parallel>], iteration_bounds = array<i64: 2, 16>, scalar_prefetch = 0 : i64, scratch_operands = 31 : i64, tpu.core_type = #tpu.core_type<sc_vector_subcore>, window_params = [{transform_indices = #map}, {transform_indices = #map1}, {transform_indices = #map1}, {transform_indices = #map}]} {
    %mul3A = arith.constant 2 : i32
    %mul3A_0 = arith.muli %arg1, %mul3A : i32
    %add3A = arith.addi %mul3A_0, %arg0 : i32
    %mul3A_1 = arith.constant 10000 : i32
    %mul3A_2 = arith.muli %add3A, %mul3A_1 : i32
    %mul3A_3 = arith.constant 640 : i32
    %mul3A_4 = arith.muli %arg1, %mul3A_3 : i32
    %broadcast_in_dim3A = arith.constant 0.000000e+00 : f32
    %broadcast_in_dim3A_5 = vector.broadcast %broadcast_in_dim3A : f32 to vector<16xf32>
    %scan3A = arith.constant 0 : i32
    %scan3A_6 = arith.constant 0 : i32
    %scan3A_7 = arith.constant 40 : i32
    %scan3A_8 = arith.addi %scan3A_6, %scan3A_7 : i32
    %scan3A_9 = arith.constant 1 : i32
    scf.for %scan3A_231 = %scan3A_6 to %scan3A_8 step %scan3A_9  : i32 {
      %swap3A = arith.index_cast %scan3A_231 : i32 to index
      %swap3A_232 = arith.constant 0 : index
      %swap3A_233 = tpu.vector_load %arg16[%swap3A, %swap3A_232] {strides = array<i32>} : memref<40x128xf32, #tpu.memory_space<vmem>>, vector<1x16xf32>,
      %swap3A_234 = vector.shape_cast %swap3A_233 : vector<1x16xf32> to vector<16xf32>
      %swap3A_235 = vector.shape_cast %broadcast_in_dim3A_5 : vector<16xf32> to vector<1x16xf32>
      tpu.vector_store %arg16[%swap3A, %swap3A_232], %swap3A_235 {strides = array<i32>} : memref<40x128xf32, #tpu.memory_space<vmem>>, vector<1x16xf32>,
      %swap3A_236 = arith.index_cast %scan3A_231 : i32 to index
      %swap3A_237 = arith.constant 16 : index
      %swap3A_238 = tpu.vector_load %arg16[%swap3A_236, %swap3A_237] {strides = array<i32>} : memref<40x128xf32, #tpu.memory_space<vmem>>, vector<1x16xf32>,
      %swap3A_239 = vector.shape_cast %swap3A_238 : vector<1x16xf32> to vector<16xf32>
      %swap3A_240 = vector.shape_cast %broadcast_in_dim3A_5 : vector<16xf32> to vector<1x16xf32>
      tpu.vector_store %arg16[%swap3A_236, %swap3A_237], %swap3A_240 {strides = array<i32>} : memref<40x128xf32, #tpu.memory_space<vmem>>, vector<1x16xf32>,
      %swap3A_241 = arith.index_cast %scan3A_231 : i32 to index
      %swap3A_242 = arith.constant 32 : index
      %swap3A_243 = tpu.vector_load %arg16[%swap3A_241, %swap3A_242] {strides = array<i32>} : memref<40x128xf32, #tpu.memory_space<vmem>>, vector<1x16xf32>,
      %swap3A_244 = vector.shape_cast %swap3A_243 : vector<1x16xf32> to vector<16xf32>
      %swap3A_245 = vector.shape_cast %broadcast_in_dim3A_5 : vector<16xf32> to vector<1x16xf32>
      tpu.vector_store %arg16[%swap3A_241, %swap3A_242], %swap3A_245 {strides = array<i32>} : memref<40x128xf32, #tpu.memory_space<vmem>>, vector<1x16xf32>,
      %swap3A_246 = arith.index_cast %scan3A_231 : i32 to index
      %swap3A_247 = arith.constant 48 : index
      %swap3A_248 = tpu.vector_load %arg16[%swap3A_246, %swap3A_247] {strides = array<i32>} : memref<40x128xf32, #tpu.memory_space<vmem>>, vector<1x16xf32>,
      %swap3A_249 = vector.shape_cast %swap3A_248 : vector<1x16xf32> to vector<16xf32>
      %swap3A_250 = vector.shape_cast %broadcast_in_dim3A_5 : vector<16xf32> to vector<1x16xf32>
      tpu.vector_store %arg16[%swap3A_246, %swap3A_247], %swap3A_250 {strides = array<i32>} : memref<40x128xf32, #tpu.memory_space<vmem>>, vector<1x16xf32>,
      %swap3A_251 = arith.index_cast %scan3A_231 : i32 to index
      %swap3A_252 = arith.constant 64 : index
      %swap3A_253 = tpu.vector_load %arg16[%swap3A_251, %swap3A_252] {strides = array<i32>} : memref<40x128xf32, #tpu.memory_space<vmem>>, vector<1x16xf32>,
      %swap3A_254 = vector.shape_cast %swap3A_253 : vector<1x16xf32> to vector<16xf32>
      %swap3A_255 = vector.shape_cast %broadcast_in_dim3A_5 : vector<16xf32> to vector<1x16xf32>
      tpu.vector_store %arg16[%swap3A_251, %swap3A_252], %swap3A_255 {strides = array<i32>} : memref<40x128xf32, #tpu.memory_space<vmem>>, vector<1x16xf32>,
      %swap3A_256 = arith.index_cast %scan3A_231 : i32 to index
      %swap3A_257 = arith.constant 80 : index
      %swap3A_258 = tpu.vector_load %arg16[%swap3A_256, %swap3A_257] {strides = array<i32>} : memref<40x128xf32, #tpu.memory_space<vmem>>, vector<1x16xf32>,
      %swap3A_259 = vector.shape_cast %swap3A_258 : vector<1x16xf32> to vector<16xf32>
      %swap3A_260 = vector.shape_cast %broadcast_in_dim3A_5 : vector<16xf32> to vector<1x16xf32>
      tpu.vector_store %arg16[%swap3A_256, %swap3A_257], %swap3A_260 {strides = array<i32>} : memref<40x128xf32, #tpu.memory_space<vmem>>, vector<1x16xf32>,
      %swap3A_261 = arith.index_cast %scan3A_231 : i32 to index
      %swap3A_262 = arith.constant 96 : index
      %swap3A_263 = tpu.vector_load %arg16[%swap3A_261, %swap3A_262] {strides = array<i32>} : memref<40x128xf32, #tpu.memory_space<vmem>>, vector<1x16xf32>,
      %swap3A_264 = vector.shape_cast %swap3A_263 : vector<1x16xf32> to vector<16xf32>
      %swap3A_265 = vector.shape_cast %broadcast_in_dim3A_5 : vector<16xf32> to vector<1x16xf32>
      tpu.vector_store %arg16[%swap3A_261, %swap3A_262], %swap3A_265 {strides = array<i32>} : memref<40x128xf32, #tpu.memory_space<vmem>>, vector<1x16xf32>,
      %swap3A_266 = arith.index_cast %scan3A_231 : i32 to index
      %swap3A_267 = arith.constant 112 : index
      %swap3A_268 = tpu.vector_load %arg16[%swap3A_266, %swap3A_267] {strides = array<i32>} : memref<40x128xf32, #tpu.memory_space<vmem>>, vector<1x16xf32>,
      %swap3A_269 = vector.shape_cast %swap3A_268 : vector<1x16xf32> to vector<16xf32>
      %swap3A_270 = vector.shape_cast %broadcast_in_dim3A_5 : vector<16xf32> to vector<1x16xf32>
      tpu.vector_store %arg16[%swap3A_266, %swap3A_267], %swap3A_270 {strides = array<i32>} : memref<40x128xf32, #tpu.memory_space<vmem>>, vector<1x16xf32>,
    }
    %scan3A_10 = arith.constant 40 : i32
    %add3A_11 = arith.constant 0 : i32
    %add3A_12 = arith.addi %mul3A_4, %add3A_11 : i32
    %dma_start3A = arith.constant 0 : i32
    %dma_start3A_13 = tpu.memref_slice %arg21[%add3A_12, %dma_start3A] : memref<10240x128xf32, #tpu.memory_space<vmem_shared>> -> memref<40x128xf32, #tpu.memory_space<vmem_shared>>
    %dma_start3A_14 = arith.constant 0 : i32
    %dma_start3A_15 = tpu.memref_slice %arg21[%add3A_12, %dma_start3A_14] : memref<10240x128xf32, #tpu.memory_space<vmem_shared>> -> memref<40x128xf32, #tpu.memory_space<vmem_shared>>
    tpu.enqueue_dma source(%arg16 : memref<40x128xf32, #tpu.memory_space<vmem>>) target(%dma_start3A_15 : memref<40x128xf32, #tpu.memory_space<vmem_shared>>) target_semaphore(%arg22 : memref<!tpu.dma_semaphore, #tpu.memory_space<semaphore_mem>>)
    %add3A_16 = arith.constant 40 : i32
    %add3A_17 = arith.addi %mul3A_4, %add3A_16 : i32
    %dma_start3A_18 = arith.constant 0 : i32
    %dma_start3A_19 = tpu.memref_slice %arg21[%add3A_17, %dma_start3A_18] : memref<10240x128xf32, #tpu.memory_space<vmem_shared>> -> memref<40x128xf32, #tpu.memory_space<vmem_shared>>
    %dma_start3A_20 = arith.constant 0 : i32
    %dma_start3A_21 = tpu.memref_slice %arg21[%add3A_17, %dma_start3A_20] : memref<10240x128xf32, #tpu.memory_space<vmem_shared>> -> memref<40x128xf32, #tpu.memory_space<vmem_shared>>
    tpu.enqueue_dma source(%arg16 : memref<40x128xf32, #tpu.memory_space<vmem>>) target(%dma_start3A_21 : memref<40x128xf32, #tpu.memory_space<vmem_shared>>) target_semaphore(%arg22 : memref<!tpu.dma_semaphore, #tpu.memory_space<semaphore_mem>>)
    %add3A_22 = arith.constant 80 : i32
    %add3A_23 = arith.addi %mul3A_4, %add3A_22 : i32
    %dma_start3A_24 = arith.constant 0 : i32
    %dma_start3A_25 = tpu.memref_slice %arg21[%add3A_23, %dma_start3A_24] : memref<10240x128xf32, #tpu.memory_space<vmem_shared>> -> memref<40x128xf32, #tpu.memory_space<vmem_shared>>
    %dma_start3A_26 = arith.constant 0 : i32
    %dma_start3A_27 = tpu.memref_slice %arg21[%add3A_23, %dma_start3A_26] : memref<10240x128xf32, #tpu.memory_space<vmem_shared>> -> memref<40x128xf32, #tpu.memory_space<vmem_shared>>
    tpu.enqueue_dma source(%arg16 : memref<40x128xf32, #tpu.memory_space<vmem>>) target(%dma_start3A_27 : memref<40x128xf32, #tpu.memory_space<vmem_shared>>) target_semaphore(%arg22 : memref<!tpu.dma_semaphore, #tpu.memory_space<semaphore_mem>>)
    %add3A_28 = arith.constant 120 : i32
    %add3A_29 = arith.addi %mul3A_4, %add3A_28 : i32
    %dma_start3A_30 = arith.constant 0 : i32
    %dma_start3A_31 = tpu.memref_slice %arg21[%add3A_29, %dma_start3A_30] : memref<10240x128xf32, #tpu.memory_space<vmem_shared>> -> memref<40x128xf32, #tpu.memory_space<vmem_shared>>
    %dma_start3A_32 = arith.constant 0 : i32
    %dma_start3A_33 = tpu.memref_slice %arg21[%add3A_29, %dma_start3A_32] : memref<10240x128xf32, #tpu.memory_space<vmem_shared>> -> memref<40x128xf32, #tpu.memory_space<vmem_shared>>
    tpu.enqueue_dma source(%arg16 : memref<40x128xf32, #tpu.memory_space<vmem>>) target(%dma_start3A_33 : memref<40x128xf32, #tpu.memory_space<vmem_shared>>) target_semaphore(%arg22 : memref<!tpu.dma_semaphore, #tpu.memory_space<semaphore_mem>>)
    %add3A_34 = arith.constant 160 : i32
    %add3A_35 = arith.addi %mul3A_4, %add3A_34 : i32
    %dma_start3A_36 = arith.constant 0 : i32
    %dma_start3A_37 = tpu.memref_slice %arg21[%add3A_35, %dma_start3A_36] : memref<10240x128xf32, #tpu.memory_space<vmem_shared>> -> memref<40x128xf32, #tpu.memory_space<vmem_shared>>
    %dma_start3A_38 = arith.constant 0 : i32
    %dma_start3A_39 = tpu.memref_slice %arg21[%add3A_35, %dma_start3A_38] : memref<10240x128xf32, #tpu.memory_space<vmem_shared>> -> memref<40x128xf32, #tpu.memory_space<vmem_shared>>
    tpu.enqueue_dma source(%arg16 : memref<40x128xf32, #tpu.memory_space<vmem>>) target(%dma_start3A_39 : memref<40x128xf32, #tpu.memory_space<vmem_shared>>) target_semaphore(%arg22 : memref<!tpu.dma_semaphore, #tpu.memory_space<semaphore_mem>>)
    %add3A_40 = arith.constant 200 : i32
    %add3A_41 = arith.addi %mul3A_4, %add3A_40 : i32
    %dma_start3A_42 = arith.constant 0 : i32
    %dma_start3A_43 = tpu.memref_slice %arg21[%add3A_41, %dma_start3A_42] : memref<10240x128xf32, #tpu.memory_space<vmem_shared>> -> memref<40x128xf32, #tpu.memory_space<vmem_shared>>
    %dma_start3A_44 = arith.constant 0 : i32
    %dma_start3A_45 = tpu.memref_slice %arg21[%add3A_41, %dma_start3A_44] : memref<10240x128xf32, #tpu.memory_space<vmem_shared>> -> memref<40x128xf32, #tpu.memory_space<vmem_shared>>
    tpu.enqueue_dma source(%arg16 : memref<40x128xf32, #tpu.memory_space<vmem>>) target(%dma_start3A_45 : memref<40x128xf32, #tpu.memory_space<vmem_shared>>) target_semaphore(%arg22 : memref<!tpu.dma_semaphore, #tpu.memory_space<semaphore_mem>>)
    %add3A_46 = arith.constant 240 : i32
    %add3A_47 = arith.addi %mul3A_4, %add3A_46 : i32
    %dma_start3A_48 = arith.constant 0 : i32
    %dma_start3A_49 = tpu.memref_slice %arg21[%add3A_47, %dma_start3A_48] : memref<10240x128xf32, #tpu.memory_space<vmem_shared>> -> memref<40x128xf32, #tpu.memory_space<vmem_shared>>
    %dma_start3A_50 = arith.constant 0 : i32
    %dma_start3A_51 = tpu.memref_slice %arg21[%add3A_47, %dma_start3A_50] : memref<10240x128xf32, #tpu.memory_space<vmem_shared>> -> memref<40x128xf32, #tpu.memory_space<vmem_shared>>
    tpu.enqueue_dma source(%arg16 : memref<40x128xf32, #tpu.memory_space<vmem>>) target(%dma_start3A_51 : memref<40x128xf32, #tpu.memory_space<vmem_shared>>) target_semaphore(%arg22 : memref<!tpu.dma_semaphore, #tpu.memory_space<semaphore_mem>>)
    %add3A_52 = arith.constant 280 : i32
    %add3A_53 = arith.addi %mul3A_4, %add3A_52 : i32
    %dma_start3A_54 = arith.constant 0 : i32
    %dma_start3A_55 = tpu.memref_slice %arg21[%add3A_53, %dma_start3A_54] : memref<10240x128xf32, #tpu.memory_space<vmem_shared>> -> memref<40x128xf32, #tpu.memory_space<vmem_shared>>
    %dma_start3A_56 = arith.constant 0 : i32
    %dma_start3A_57 = tpu.memref_slice %arg21[%add3A_53, %dma_start3A_56] : memref<10240x128xf32, #tpu.memory_space<vmem_shared>> -> memref<40x128xf32, #tpu.memory_space<vmem_shared>>
    tpu.enqueue_dma source(%arg16 : memref<40x128xf32, #tpu.memory_space<vmem>>) target(%dma_start3A_57 : memref<40x128xf32, #tpu.memory_space<vmem_shared>>) target_semaphore(%arg22 : memref<!tpu.dma_semaphore, #tpu.memory_space<semaphore_mem>>)
    %add3A_58 = arith.constant 320 : i32
    %add3A_59 = arith.addi %mul3A_4, %add3A_58 : i32
    %dma_start3A_60 = arith.constant 0 : i32
    %dma_start3A_61 = tpu.memref_slice %arg21[%add3A_59, %dma_start3A_60] : memref<10240x128xf32, #tpu.memory_space<vmem_shared>> -> memref<40x128xf32, #tpu.memory_space<vmem_shared>>
    %dma_start3A_62 = arith.constant 0 : i32
    %dma_start3A_63 = tpu.memref_slice %arg21[%add3A_59, %dma_start3A_62] : memref<10240x128xf32, #tpu.memory_space<vmem_shared>> -> memref<40x128xf32, #tpu.memory_space<vmem_shared>>
    tpu.enqueue_dma source(%arg16 : memref<40x128xf32, #tpu.memory_space<vmem>>) target(%dma_start3A_63 : memref<40x128xf32, #tpu.memory_space<vmem_shared>>) target_semaphore(%arg22 : memref<!tpu.dma_semaphore, #tpu.memory_space<semaphore_mem>>)
    %add3A_64 = arith.constant 360 : i32
    %add3A_65 = arith.addi %mul3A_4, %add3A_64 : i32
    %dma_start3A_66 = arith.constant 0 : i32
    %dma_start3A_67 = tpu.memref_slice %arg21[%add3A_65, %dma_start3A_66] : memref<10240x128xf32, #tpu.memory_space<vmem_shared>> -> memref<40x128xf32, #tpu.memory_space<vmem_shared>>
    %dma_start3A_68 = arith.constant 0 : i32
    %dma_start3A_69 = tpu.memref_slice %arg21[%add3A_65, %dma_start3A_68] : memref<10240x128xf32, #tpu.memory_space<vmem_shared>> -> memref<40x128xf32, #tpu.memory_space<vmem_shared>>
    tpu.enqueue_dma source(%arg16 : memref<40x128xf32, #tpu.memory_space<vmem>>) target(%dma_start3A_69 : memref<40x128xf32, #tpu.memory_space<vmem_shared>>) target_semaphore(%arg22 : memref<!tpu.dma_semaphore, #tpu.memory_space<semaphore_mem>>)
    %add3A_70 = arith.constant 400 : i32
    %add3A_71 = arith.addi %mul3A_4, %add3A_70 : i32
    %dma_start3A_72 = arith.constant 0 : i32
    %dma_start3A_73 = tpu.memref_slice %arg21[%add3A_71, %dma_start3A_72] : memref<10240x128xf32, #tpu.memory_space<vmem_shared>> -> memref<40x128xf32, #tpu.memory_space<vmem_shared>>
    %dma_start3A_74 = arith.constant 0 : i32
    %dma_start3A_75 = tpu.memref_slice %arg21[%add3A_71, %dma_start3A_74] : memref<10240x128xf32, #tpu.memory_space<vmem_shared>> -> memref<40x128xf32, #tpu.memory_space<vmem_shared>>
    tpu.enqueue_dma source(%arg16 : memref<40x128xf32, #tpu.memory_space<vmem>>) target(%dma_start3A_75 : memref<40x128xf32, #tpu.memory_space<vmem_shared>>) target_semaphore(%arg22 : memref<!tpu.dma_semaphore, #tpu.memory_space<semaphore_mem>>)
    %add3A_76 = arith.constant 440 : i32
    %add3A_77 = arith.addi %mul3A_4, %add3A_76 : i32
    %dma_start3A_78 = arith.constant 0 : i32
    %dma_start3A_79 = tpu.memref_slice %arg21[%add3A_77, %dma_start3A_78] : memref<10240x128xf32, #tpu.memory_space<vmem_shared>> -> memref<40x128xf32, #tpu.memory_space<vmem_shared>>
    %dma_start3A_80 = arith.constant 0 : i32
    %dma_start3A_81 = tpu.memref_slice %arg21[%add3A_77, %dma_start3A_80] : memref<10240x128xf32, #tpu.memory_space<vmem_shared>> -> memref<40x128xf32, #tpu.memory_space<vmem_shared>>
    tpu.enqueue_dma source(%arg16 : memref<40x128xf32, #tpu.memory_space<vmem>>) target(%dma_start3A_81 : memref<40x128xf32, #tpu.memory_space<vmem_shared>>) target_semaphore(%arg22 : memref<!tpu.dma_semaphore, #tpu.memory_space<semaphore_mem>>)
    %add3A_82 = arith.constant 480 : i32
    %add3A_83 = arith.addi %mul3A_4, %add3A_82 : i32
    %dma_start3A_84 = arith.constant 0 : i32
    %dma_start3A_85 = tpu.memref_slice %arg21[%add3A_83, %dma_start3A_84] : memref<10240x128xf32, #tpu.memory_space<vmem_shared>> -> memref<40x128xf32, #tpu.memory_space<vmem_shared>>
    %dma_start3A_86 = arith.constant 0 : i32
    %dma_start3A_87 = tpu.memref_slice %arg21[%add3A_83, %dma_start3A_86] : memref<10240x128xf32, #tpu.memory_space<vmem_shared>> -> memref<40x128xf32, #tpu.memory_space<vmem_shared>>
    tpu.enqueue_dma source(%arg16 : memref<40x128xf32, #tpu.memory_space<vmem>>) target(%dma_start3A_87 : memref<40x128xf32, #tpu.memory_space<vmem_shared>>) target_semaphore(%arg22 : memref<!tpu.dma_semaphore, #tpu.memory_space<semaphore_mem>>)
    %add3A_88 = arith.constant 520 : i32
    %add3A_89 = arith.addi %mul3A_4, %add3A_88 : i32
    %dma_start3A_90 = arith.constant 0 : i32
    %dma_start3A_91 = tpu.memref_slice %arg21[%add3A_89, %dma_start3A_90] : memref<10240x128xf32, #tpu.memory_space<vmem_shared>> -> memref<40x128xf32, #tpu.memory_space<vmem_shared>>
    %dma_start3A_92 = arith.constant 0 : i32
    %dma_start3A_93 = tpu.memref_slice %arg21[%add3A_89, %dma_start3A_92] : memref<10240x128xf32, #tpu.memory_space<vmem_shared>> -> memref<40x128xf32, #tpu.memory_space<vmem_shared>>
    tpu.enqueue_dma source(%arg16 : memref<40x128xf32, #tpu.memory_space<vmem>>) target(%dma_start3A_93 : memref<40x128xf32, #tpu.memory_space<vmem_shared>>) target_semaphore(%arg22 : memref<!tpu.dma_semaphore, #tpu.memory_space<semaphore_mem>>)
    %add3A_94 = arith.constant 560 : i32
    %add3A_95 = arith.addi %mul3A_4, %add3A_94 : i32
    %dma_start3A_96 = arith.constant 0 : i32
    %dma_start3A_97 = tpu.memref_slice %arg21[%add3A_95, %dma_start3A_96] : memref<10240x128xf32, #tpu.memory_space<vmem_shared>> -> memref<40x128xf32, #tpu.memory_space<vmem_shared>>
    %dma_start3A_98 = arith.constant 0 : i32
    %dma_start3A_99 = tpu.memref_slice %arg21[%add3A_95, %dma_start3A_98] : memref<10240x128xf32, #tpu.memory_space<vmem_shared>> -> memref<40x128xf32, #tpu.memory_space<vmem_shared>>
    tpu.enqueue_dma source(%arg16 : memref<40x128xf32, #tpu.memory_space<vmem>>) target(%dma_start3A_99 : memref<40x128xf32, #tpu.memory_space<vmem_shared>>) target_semaphore(%arg22 : memref<!tpu.dma_semaphore, #tpu.memory_space<semaphore_mem>>)
    %add3A_100 = arith.constant 600 : i32
    %add3A_101 = arith.addi %mul3A_4, %add3A_100 : i32
    %dma_start3A_102 = arith.constant 0 : i32
    %dma_start3A_103 = tpu.memref_slice %arg21[%add3A_101, %dma_start3A_102] : memref<10240x128xf32, #tpu.memory_space<vmem_shared>> -> memref<40x128xf32, #tpu.memory_space<vmem_shared>>
    %dma_start3A_104 = arith.constant 0 : i32
    %dma_start3A_105 = tpu.memref_slice %arg21[%add3A_101, %dma_start3A_104] : memref<10240x128xf32, #tpu.memory_space<vmem_shared>> -> memref<40x128xf32, #tpu.memory_space<vmem_shared>>
    tpu.enqueue_dma source(%arg16 : memref<40x128xf32, #tpu.memory_space<vmem>>) target(%dma_start3A_105 : memref<40x128xf32, #tpu.memory_space<vmem_shared>>) target_semaphore(%arg22 : memref<!tpu.dma_semaphore, #tpu.memory_space<semaphore_mem>>)
    %dma_wait3A = arith.constant 0 : i32
    %dma_wait3A_106 = tpu.memref_slice %arg21[%mul3A_4, %dma_wait3A] : memref<10240x128xf32, #tpu.memory_space<vmem_shared>> -> memref<40x128xf32, #tpu.memory_space<vmem_shared>>
    %dma_wait3A_107 = arith.constant 0 : i32
    %dma_wait3A_108 = tpu.memref_slice %arg21[%mul3A_4, %dma_wait3A_107] : memref<10240x128xf32, #tpu.memory_space<vmem_shared>> -> memref<40x128xf32, #tpu.memory_space<vmem_shared>>
    tpu.wait_dma2 semaphore(%arg22 : memref<!tpu.dma_semaphore, #tpu.memory_space<semaphore_mem>>) src(%arg16 : memref<40x128xf32, #tpu.memory_space<vmem>>) dst(%dma_wait3A_108 : memref<40x128xf32, #tpu.memory_space<vmem_shared>>)
    %dma_wait3A_109 = arith.constant 0 : i32
    %dma_wait3A_110 = tpu.memref_slice %arg21[%mul3A_4, %dma_wait3A_109] : memref<10240x128xf32, #tpu.memory_space<vmem_shared>> -> memref<40x128xf32, #tpu.memory_space<vmem_shared>>
    %dma_wait3A_111 = arith.constant 0 : i32
    %dma_wait3A_112 = tpu.memref_slice %arg21[%mul3A_4, %dma_wait3A_111] : memref<10240x128xf32, #tpu.memory_space<vmem_shared>> -> memref<40x128xf32, #tpu.memory_space<vmem_shared>>
    tpu.wait_dma2 semaphore(%arg22 : memref<!tpu.dma_semaphore, #tpu.memory_space<semaphore_mem>>) src(%arg16 : memref<40x128xf32, #tpu.memory_space<vmem>>) dst(%dma_wait3A_112 : memref<40x128xf32, #tpu.memory_space<vmem_shared>>)
    %dma_wait3A_113 = arith.constant 0 : i32
    %dma_wait3A_114 = tpu.memref_slice %arg21[%mul3A_4, %dma_wait3A_113] : memref<10240x128xf32, #tpu.memory_space<vmem_shared>> -> memref<40x128xf32, #tpu.memory_space<vmem_shared>>
    %dma_wait3A_115 = arith.constant 0 : i32
    %dma_wait3A_116 = tpu.memref_slice %arg21[%mul3A_4, %dma_wait3A_115] : memref<10240x128xf32, #tpu.memory_space<vmem_shared>> -> memref<40x128xf32, #tpu.memory_space<vmem_shared>>
    tpu.wait_dma2 semaphore(%arg22 : memref<!tpu.dma_semaphore, #tpu.memory_space<semaphore_mem>>) src(%arg16 : memref<40x128xf32, #tpu.memory_space<vmem>>) dst(%dma_wait3A_116 : memref<40x128xf32, #tpu.memory_space<vmem_shared>>)
    %dma_wait3A_117 = arith.constant 0 : i32
    %dma_wait3A_118 = tpu.memref_slice %arg21[%mul3A_4, %dma_wait3A_117] : memref<10240x128xf32, #tpu.memory_space<vmem_shared>> -> memref<40x128xf32, #tpu.memory_space<vmem_shared>>
    %dma_wait3A_119 = arith.constant 0 : i32
    %dma_wait3A_120 = tpu.memref_slice %arg21[%mul3A_4, %dma_wait3A_119] : memref<10240x128xf32, #tpu.memory_space<vmem_shared>> -> memref<40x128xf32, #tpu.memory_space<vmem_shared>>
    tpu.wait_dma2 semaphore(%arg22 : memref<!tpu.dma_semaphore, #tpu.memory_space<semaphore_mem>>) src(%arg16 : memref<40x128xf32, #tpu.memory_space<vmem>>) dst(%dma_wait3A_120 : memref<40x128xf32, #tpu.memory_space<vmem_shared>>)
    %dma_wait3A_121 = arith.constant 0 : i32
    %dma_wait3A_122 = tpu.memref_slice %arg21[%mul3A_4, %dma_wait3A_121] : memref<10240x128xf32, #tpu.memory_space<vmem_shared>> -> memref<40x128xf32, #tpu.memory_space<vmem_shared>>
    %dma_wait3A_123 = arith.constant 0 : i32
    %dma_wait3A_124 = tpu.memref_slice %arg21[%mul3A_4, %dma_wait3A_123] : memref<10240x128xf32, #tpu.memory_space<vmem_shared>> -> memref<40x128xf32, #tpu.memory_space<vmem_shared>>
    tpu.wait_dma2 semaphore(%arg22 : memref<!tpu.dma_semaphore, #tpu.memory_space<semaphore_mem>>) src(%arg16 : memref<40x128xf32, #tpu.memory_space<vmem>>) dst(%dma_wait3A_124 : memref<40x128xf32, #tpu.memory_space<vmem_shared>>)
    %dma_wait3A_125 = arith.constant 0 : i32
    %dma_wait3A_126 = tpu.memref_slice %arg21[%mul3A_4, %dma_wait3A_125] : memref<10240x128xf32, #tpu.memory_space<vmem_shared>> -> memref<40x128xf32, #tpu.memory_space<vmem_shared>>
    %dma_wait3A_127 = arith.constant 0 : i32
    %dma_wait3A_128 = tpu.memref_slice %arg21[%mul3A_4, %dma_wait3A_127] : memref<10240x128xf32, #tpu.memory_space<vmem_shared>> -> memref<40x128xf32, #tpu.memory_space<vmem_shared>>
    tpu.wait_dma2 semaphore(%arg22 : memref<!tpu.dma_semaphore, #tpu.memory_space<semaphore_mem>>) src(%arg16 : memref<40x128xf32, #tpu.memory_space<vmem>>) dst(%dma_wait3A_128 : memref<40x128xf32, #tpu.memory_space<vmem_shared>>)
    %dma_wait3A_129 = arith.constant 0 : i32
    %dma_wait3A_130 = tpu.memref_slice %arg21[%mul3A_4, %dma_wait3A_129] : memref<10240x128xf32, #tpu.memory_space<vmem_shared>> -> memref<40x128xf32, #tpu.memory_space<vmem_shared>>
    %dma_wait3A_131 = arith.constant 0 : i32
    %dma_wait3A_132 = tpu.memref_slice %arg21[%mul3A_4, %dma_wait3A_131] : memref<10240x128xf32, #tpu.memory_space<vmem_shared>> -> memref<40x128xf32, #tpu.memory_space<vmem_shared>>
    tpu.wait_dma2 semaphore(%arg22 : memref<!tpu.dma_semaphore, #tpu.memory_space<semaphore_mem>>) src(%arg16 : memref<40x128xf32, #tpu.memory_space<vmem>>) dst(%dma_wait3A_132 : memref<40x128xf32, #tpu.memory_space<vmem_shared>>)
    %dma_wait3A_133 = arith.constant 0 : i32
    %dma_wait3A_134 = tpu.memref_slice %arg21[%mul3A_4, %dma_wait3A_133] : memref<10240x128xf32, #tpu.memory_space<vmem_shared>> -> memref<40x128xf32, #tpu.memory_space<vmem_shared>>
    %dma_wait3A_135 = arith.constant 0 : i32
    %dma_wait3A_136 = tpu.memref_slice %arg21[%mul3A_4, %dma_wait3A_135] : memref<10240x128xf32, #tpu.memory_space<vmem_shared>> -> memref<40x128xf32, #tpu.memory_space<vmem_shared>>
    tpu.wait_dma2 semaphore(%arg22 : memref<!tpu.dma_semaphore, #tpu.memory_space<semaphore_mem>>) src(%arg16 : memref<40x128xf32, #tpu.memory_space<vmem>>) dst(%dma_wait3A_136 : memref<40x128xf32, #tpu.memory_space<vmem_shared>>)
    %dma_wait3A_137 = arith.constant 0 : i32
    %dma_wait3A_138 = tpu.memref_slice %arg21[%mul3A_4, %dma_wait3A_137] : memref<10240x128xf32, #tpu.memory_space<vmem_shared>> -> memref<40x128xf32, #tpu.memory_space<vmem_shared>>
    %dma_wait3A_139 = arith.constant 0 : i32
    %dma_wait3A_140 = tpu.memref_slice %arg21[%mul3A_4, %dma_wait3A_139] : memref<10240x128xf32, #tpu.memory_space<vmem_shared>> -> memref<40x128xf32, #tpu.memory_space<vmem_shared>>
    tpu.wait_dma2 semaphore(%arg22 : memref<!tpu.dma_semaphore, #tpu.memory_space<semaphore_mem>>) src(%arg16 : memref<40x128xf32, #tpu.memory_space<vmem>>) dst(%dma_wait3A_140 : memref<40x128xf32, #tpu.memory_space<vmem_shared>>)
    %dma_wait3A_141 = arith.constant 0 : i32
    %dma_wait3A_142 = tpu.memref_slice %arg21[%mul3A_4, %dma_wait3A_141] : memref<10240x128xf32, #tpu.memory_space<vmem_shared>> -> memref<40x128xf32, #tpu.memory_space<vmem_shared>>
    %dma_wait3A_143 = arith.constant 0 : i32
    %dma_wait3A_144 = tpu.memref_slice %arg21[%mul3A_4, %dma_wait3A_143] : memref<10240x128xf32, #tpu.memory_space<vmem_shared>> -> memref<40x128xf32, #tpu.memory_space<vmem_shared>>
    tpu.wait_dma2 semaphore(%arg22 : memref<!tpu.dma_semaphore, #tpu.memory_space<semaphore_mem>>) src(%arg16 : memref<40x128xf32, #tpu.memory_space<vmem>>) dst(%dma_wait3A_144 : memref<40x128xf32, #tpu.memory_space<vmem_shared>>)
    %dma_wait3A_145 = arith.constant 0 : i32
    %dma_wait3A_146 = tpu.memref_slice %arg21[%mul3A_4, %dma_wait3A_145] : memref<10240x128xf32, #tpu.memory_space<vmem_shared>> -> memref<40x128xf32, #tpu.memory_space<vmem_shared>>
    %dma_wait3A_147 = arith.constant 0 : i32
    %dma_wait3A_148 = tpu.memref_slice %arg21[%mul3A_4, %dma_wait3A_147] : memref<10240x128xf32, #tpu.memory_space<vmem_shared>> -> memref<40x128xf32, #tpu.memory_space<vmem_shared>>
    tpu.wait_dma2 semaphore(%arg22 : memref<!tpu.dma_semaphore, #tpu.memory_space<semaphore_mem>>) src(%arg16 : memref<40x128xf32, #tpu.memory_space<vmem>>) dst(%dma_wait3A_148 : memref<40x128xf32, #tpu.memory_space<vmem_shared>>)
    %dma_wait3A_149 = arith.constant 0 : i32
    %dma_wait3A_150 = tpu.memref_slice %arg21[%mul3A_4, %dma_wait3A_149] : memref<10240x128xf32, #tpu.memory_space<vmem_shared>> -> memref<40x128xf32, #tpu.memory_space<vmem_shared>>
    %dma_wait3A_151 = arith.constant 0 : i32
    %dma_wait3A_152 = tpu.memref_slice %arg21[%mul3A_4, %dma_wait3A_151] : memref<10240x128xf32, #tpu.memory_space<vmem_shared>> -> memref<40x128xf32, #tpu.memory_space<vmem_shared>>
    tpu.wait_dma2 semaphore(%arg22 : memref<!tpu.dma_semaphore, #tpu.memory_space<semaphore_mem>>) src(%arg16 : memref<40x128xf32, #tpu.memory_space<vmem>>) dst(%dma_wait3A_152 : memref<40x128xf32, #tpu.memory_space<vmem_shared>>)
    %dma_wait3A_153 = arith.constant 0 : i32
    %dma_wait3A_154 = tpu.memref_slice %arg21[%mul3A_4, %dma_wait3A_153] : memref<10240x128xf32, #tpu.memory_space<vmem_shared>> -> memref<40x128xf32, #tpu.memory_space<vmem_shared>>
    %dma_wait3A_155 = arith.constant 0 : i32
    %dma_wait3A_156 = tpu.memref_slice %arg21[%mul3A_4, %dma_wait3A_155] : memref<10240x128xf32, #tpu.memory_space<vmem_shared>> -> memref<40x128xf32, #tpu.memory_space<vmem_shared>>
    tpu.wait_dma2 semaphore(%arg22 : memref<!tpu.dma_semaphore, #tpu.memory_space<semaphore_mem>>) src(%arg16 : memref<40x128xf32, #tpu.memory_space<vmem>>) dst(%dma_wait3A_156 : memref<40x128xf32, #tpu.memory_space<vmem_shared>>)
    %dma_wait3A_157 = arith.constant 0 : i32
    %dma_wait3A_158 = tpu.memref_slice %arg21[%mul3A_4, %dma_wait3A_157] : memref<10240x128xf32, #tpu.memory_space<vmem_shared>> -> memref<40x128xf32, #tpu.memory_space<vmem_shared>>
    %dma_wait3A_159 = arith.constant 0 : i32
    %dma_wait3A_160 = tpu.memref_slice %arg21[%mul3A_4, %dma_wait3A_159] : memref<10240x128xf32, #tpu.memory_space<vmem_shared>> -> memref<40x128xf32, #tpu.memory_space<vmem_shared>>
    tpu.wait_dma2 semaphore(%arg22 : memref<!tpu.dma_semaphore, #tpu.memory_space<semaphore_mem>>) src(%arg16 : memref<40x128xf32, #tpu.memory_space<vmem>>) dst(%dma_wait3A_160 : memref<40x128xf32, #tpu.memory_space<vmem_shared>>)
    %dma_wait3A_161 = arith.constant 0 : i32
    %dma_wait3A_162 = tpu.memref_slice %arg21[%mul3A_4, %dma_wait3A_161] : memref<10240x128xf32, #tpu.memory_space<vmem_shared>> -> memref<40x128xf32, #tpu.memory_space<vmem_shared>>
    %dma_wait3A_163 = arith.constant 0 : i32
    %dma_wait3A_164 = tpu.memref_slice %arg21[%mul3A_4, %dma_wait3A_163] : memref<10240x128xf32, #tpu.memory_space<vmem_shared>> -> memref<40x128xf32, #tpu.memory_space<vmem_shared>>
    tpu.wait_dma2 semaphore(%arg22 : memref<!tpu.dma_semaphore, #tpu.memory_space<semaphore_mem>>) src(%arg16 : memref<40x128xf32, #tpu.memory_space<vmem>>) dst(%dma_wait3A_164 : memref<40x128xf32, #tpu.memory_space<vmem_shared>>)
    %dma_wait3A_165 = arith.constant 0 : i32
    %dma_wait3A_166 = tpu.memref_slice %arg21[%mul3A_4, %dma_wait3A_165] : memref<10240x128xf32, #tpu.memory_space<vmem_shared>> -> memref<40x128xf32, #tpu.memory_space<vmem_shared>>
    %dma_wait3A_167 = arith.constant 0 : i32
    %dma_wait3A_168 = tpu.memref_slice %arg21[%mul3A_4, %dma_wait3A_167] : memref<10240x128xf32, #tpu.memory_space<vmem_shared>> -> memref<40x128xf32, #tpu.memory_space<vmem_shared>>
    tpu.wait_dma2 semaphore(%arg22 : memref<!tpu.dma_semaphore, #tpu.memory_space<semaphore_mem>>) src(%arg16 : memref<40x128xf32, #tpu.memory_space<vmem>>) dst(%dma_wait3A_168 : memref<40x128xf32, #tpu.memory_space<vmem_shared>>)
    %barrier3A = arith.constant 0 : index
    tpu.barrier barrier_id(%barrier3A)
    %add3A_169 = arith.constant 0 : i32
    %add3A_170 = arith.addi %mul3A_2, %add3A_169 : i32
    %dma_start3A_171 = tpu.memref_slice %arg3[%add3A_170] : memref<320000xi32, #tpu.memory_space<hbm>> -> memref<40xi32, #tpu.memory_space<hbm>>
    %dma_start3A_172 = tpu.memref_slice %arg3[%add3A_170] : memref<320000xi32, #tpu.memory_space<hbm>> -> memref<40xi32, #tpu.memory_space<hbm>>
    tpu.enqueue_dma source(%dma_start3A_172 : memref<40xi32, #tpu.memory_space<hbm>>) target(%arg6 : memref<40xi32, #tpu.memory_space<vmem>>) target_semaphore(%arg22 : memref<!tpu.dma_semaphore, #tpu.memory_space<semaphore_mem>>)
    %add3A_173 = arith.constant 0 : i32
    %add3A_174 = arith.addi %mul3A_2, %add3A_173 : i32
    %dma_start3A_175 = tpu.memref_slice %arg4[%add3A_174] : memref<320000xi32, #tpu.memory_space<hbm>> -> memref<40xi32, #tpu.memory_space<hbm>>
    %dma_start3A_176 = tpu.memref_slice %arg4[%add3A_174] : memref<320000xi32, #tpu.memory_space<hbm>> -> memref<40xi32, #tpu.memory_space<hbm>>
    tpu.enqueue_dma source(%dma_start3A_176 : memref<40xi32, #tpu.memory_space<hbm>>) target(%arg11 : memref<40xi32, #tpu.memory_space<vmem>>) target_semaphore(%arg22 : memref<!tpu.dma_semaphore, #tpu.memory_space<semaphore_mem>>)
    %add3A_177 = arith.constant 40 : i32
    %add3A_178 = arith.addi %mul3A_2, %add3A_177 : i32
    %dma_start3A_179 = tpu.memref_slice %arg3[%add3A_178] : memref<320000xi32, #tpu.memory_space<hbm>> -> memref<40xi32, #tpu.memory_space<hbm>>
    %dma_start3A_180 = tpu.memref_slice %arg3[%add3A_178] : memref<320000xi32, #tpu.memory_space<hbm>> -> memref<40xi32, #tpu.memory_space<hbm>>
    tpu.enqueue_dma source(%dma_start3A_180 : memref<40xi32, #tpu.memory_space<hbm>>) target(%arg7 : memref<40xi32, #tpu.memory_space<vmem>>) target_semaphore(%arg23 : memref<!tpu.dma_semaphore, #tpu.memory_space<semaphore_mem>>)
    %add3A_181 = arith.constant 40 : i32
    %add3A_182 = arith.addi %mul3A_2, %add3A_181 : i32
    %dma_start3A_183 = tpu.memref_slice %arg4[%add3A_182] : memref<320000xi32, #tpu.memory_space<hbm>> -> memref<40xi32, #tpu.memory_space<hbm>>
    %dma_start3A_184 = tpu.memref_slice %arg4[%add3A_182] : memref<320000xi32, #tpu.memory_space<hbm>> -> memref<40xi32, #tpu.memory_space<hbm>>
    tpu.enqueue_dma source(%dma_start3A_184 : memref<40xi32, #tpu.memory_space<hbm>>) target(%arg12 : memref<40xi32, #tpu.memory_space<vmem>>) target_semaphore(%arg23 : memref<!tpu.dma_semaphore, #tpu.memory_space<semaphore_mem>>)
    %add3A_185 = arith.constant 80 : i32
    %add3A_186 = arith.addi %mul3A_2, %add3A_185 : i32
    %dma_start3A_187 = tpu.memref_slice %arg3[%add3A_186] : memref<320000xi32, #tpu.memory_space<hbm>> -> memref<40xi32, #tpu.memory_space<hbm>>
    %dma_start3A_188 = tpu.memref_slice %arg3[%add3A_186] : memref<320000xi32, #tpu.memory_space<hbm>> -> memref<40xi32, #tpu.memory_space<hbm>>
    tpu.enqueue_dma source(%dma_start3A_188 : memref<40xi32, #tpu.memory_space<hbm>>) target(%arg8 : memref<40xi32, #tpu.memory_space<vmem>>) target_semaphore(%arg24 : memref<!tpu.dma_semaphore, #tpu.memory_space<semaphore_mem>>)
    %add3A_189 = arith.constant 80 : i32
    %add3A_190 = arith.addi %mul3A_2, %add3A_189 : i32
    %dma_start3A_191 = tpu.memref_slice %arg4[%add3A_190] : memref<320000xi32, #tpu.memory_space<hbm>> -> memref<40xi32, #tpu.memory_space<hbm>>
    %dma_start3A_192 = tpu.memref_slice %arg4[%add3A_190] : memref<320000xi32, #tpu.memory_space<hbm>> -> memref<40xi32, #tpu.memory_space<hbm>>
    tpu.enqueue_dma source(%dma_start3A_192 : memref<40xi32, #tpu.memory_space<hbm>>) target(%arg13 : memref<40xi32, #tpu.memory_space<vmem>>) target_semaphore(%arg24 : memref<!tpu.dma_semaphore, #tpu.memory_space<semaphore_mem>>)
    %dma_wait3A_193 = tpu.memref_slice %arg3[%mul3A_2] : memref<320000xi32, #tpu.memory_space<hbm>> -> memref<40xi32, #tpu.memory_space<hbm>>
    %dma_wait3A_194 = tpu.memref_slice %arg3[%mul3A_2] : memref<320000xi32, #tpu.memory_space<hbm>> -> memref<40xi32, #tpu.memory_space<hbm>>
    tpu.wait_dma2 semaphore(%arg22 : memref<!tpu.dma_semaphore, #tpu.memory_space<semaphore_mem>>) src(%dma_wait3A_194 : memref<40xi32, #tpu.memory_space<hbm>>) dst(%arg6 : memref<40xi32, #tpu.memory_space<vmem>>)
    %dma_wait3A_195 = tpu.memref_slice %arg4[%mul3A_2] : memref<320000xi32, #tpu.memory_space<hbm>> -> memref<40xi32, #tpu.memory_space<hbm>>
    %dma_wait3A_196 = tpu.memref_slice %arg4[%mul3A_2] : memref<320000xi32, #tpu.memory_space<hbm>> -> memref<40xi32, #tpu.memory_space<hbm>>
    tpu.wait_dma2 semaphore(%arg22 : memref<!tpu.dma_semaphore, #tpu.memory_space<semaphore_mem>>) src(%dma_wait3A_196 : memref<40xi32, #tpu.memory_space<hbm>>) dst(%arg11 : memref<40xi32, #tpu.memory_space<vmem>>)
    %dma_start3A_197 = arith.constant 0 : i32
    %dma_start3A_198 = arith.constant 0 : i32
    %dma_start3A_199 = tpu.memref_slice %arg2[%dma_start3A_197, %dma_start3A_198] : memref<10240x128xf32, #tpu.memory_space<hbm>> -> memref<10240x128xf32, #tpu.memory_space<hbm>>
    tpu.enqueue_indirect_dma source(%dma_start3A_199 : memref<10240x128xf32, #tpu.memory_space<hbm>>) target(%arg16 : memref<40x128xf32, #tpu.memory_space<vmem>>) offsets(%arg6 : memref<40xi32, #tpu.memory_space<vmem>>) semaphore(%arg27 : memref<!tpu.dma_semaphore, #tpu.memory_space<semaphore_mem>>)
    %dma_wait3A_200 = tpu.memref_slice %arg3[%mul3A_2] : memref<320000xi32, #tpu.memory_space<hbm>> -> memref<40xi32, #tpu.memory_space<hbm>>
    %dma_wait3A_201 = tpu.memref_slice %arg3[%mul3A_2] : memref<320000xi32, #tpu.memory_space<hbm>> -> memref<40xi32, #tpu.memory_space<hbm>>
    tpu.wait_dma2 semaphore(%arg23 : memref<!tpu.dma_semaphore, #tpu.memory_space<semaphore_mem>>) src(%dma_wait3A_201 : memref<40xi32, #tpu.memory_space<hbm>>) dst(%arg7 : memref<40xi32, #tpu.memory_space<vmem>>)
    %dma_wait3A_202 = tpu.memref_slice %arg4[%mul3A_2] : memref<320000xi32, #tpu.memory_space<hbm>> -> memref<40xi32, #tpu.memory_space<hbm>>
    %dma_wait3A_203 = tpu.memref_slice %arg4[%mul3A_2] : memref<320000xi32, #tpu.memory_space<hbm>> -> memref<40xi32, #tpu.memory_space<hbm>>
    tpu.wait_dma2 semaphore(%arg23 : memref<!tpu.dma_semaphore, #tpu.memory_space<semaphore_mem>>) src(%dma_wait3A_203 : memref<40xi32, #tpu.memory_space<hbm>>) dst(%arg12 : memref<40xi32, #tpu.memory_space<vmem>>)
    %dma_start3A_204 = arith.constant 0 : i32
    %dma_start3A_205 = arith.constant 0 : i32
    %dma_start3A_206 = tpu.memref_slice %arg2[%dma_start3A_204, %dma_start3A_205] : memref<10240x128xf32, #tpu.memory_space<hbm>> -> memref<10240x128xf32, #tpu.memory_space<hbm>>
    tpu.enqueue_indirect_dma source(%dma_start3A_206 : memref<10240x128xf32, #tpu.memory_space<hbm>>) target(%arg17 : memref<40x128xf32, #tpu.memory_space<vmem>>) offsets(%arg7 : memref<40xi32, #tpu.memory_space<vmem>>) semaphore(%arg28 : memref<!tpu.dma_semaphore, #tpu.memory_space<semaphore_mem>>)
    %scan3A_207 = arith.constant 0 : i32
    %scan3A_208 = arith.constant 50 : i32
    %scan3A_209 = arith.addi %scan3A_207, %scan3A_208 : i32
    %scan3A_210 = arith.constant 1 : i32
    scf.for %scan3A_231 = %scan3A_207 to %scan3A_209 step %scan3A_210  : i32 {
      %mul3A_232 = arith.constant 5 : i32
      %mul3A_233 = arith.muli %scan3A_231, %mul3A_232 : i32
      %add3A_234 = arith.constant 0 : i32
      %add3A_235 = arith.addi %add3A_234, %mul3A_233 : i32
      %add3A_236 = arith.constant 0 : i32
      %add3A_237 = arith.addi %add3A_235, %add3A_236 : i32
      %dma_wait3A_238 = arith.constant 0 : i32
      %dma_wait3A_239 = arith.constant 0 : i32
      %dma_wait3A_240 = tpu.memref_slice %arg2[%dma_wait3A_238, %dma_wait3A_239] : memref<10240x128xf32, #tpu.memory_space<hbm>> -> memref<10240x128xf32, #tpu.memory_space<hbm>>
      tpu.wait_indirect_dma semaphore(%arg27 : memref<!tpu.dma_semaphore, #tpu.memory_space<semaphore_mem>>) src(%dma_wait3A_240 : memref<10240x128xf32, #tpu.memory_space<hbm>>) dst(%arg16 : memref<40x128xf32, #tpu.memory_space<vmem>>)
      %dma_start3A_241 = arith.constant 0 : i32
      %dma_start3A_242 = arith.constant 0 : i32
      %dma_start3A_243 = tpu.memref_slice %arg21[%dma_start3A_241, %dma_start3A_242] : memref<10240x128xf32, #tpu.memory_space<vmem_shared>> -> memref<10240x128xf32, #tpu.memory_space<vmem_shared>>
      tpu.enqueue_indirect_dma source(%arg16 : memref<40x128xf32, #tpu.memory_space<vmem>>) target(%dma_start3A_243 : memref<10240x128xf32, #tpu.memory_space<vmem_shared>>) offsets(%arg11 : memref<40xi32, #tpu.memory_space<vmem>>) semaphore(%arg32 : memref<!tpu.dma_semaphore, #tpu.memory_space<semaphore_mem>>) {add = true}
      %add3A_244 = arith.constant 3 : i32
      %add3A_245 = arith.addi %add3A_237, %add3A_244 : i32
      %lt3A = arith.constant 250 : i32
      %lt3A_246 = arith.cmpi slt, %add3A_245, %lt3A : i32
      %convert_element_type3A = arith.extui %lt3A_246 : i1 to i32
      %cond3A = arith.constant 0 : i32
      %cond3A_247 = arith.cmpi ne, %convert_element_type3A, %cond3A : i32
      scf.if %cond3A_247 {
        %add3A_343 = arith.constant 3 : i32
        %add3A_344 = arith.addi %add3A_237, %add3A_343 : i32
        %ge3A = arith.constant 5 : i32
        %ge3A_345 = arith.cmpi sge, %add3A_344, %ge3A : i32
        %convert_element_type3A_346 = arith.extui %ge3A_345 : i1 to i32
        %cond3A_347 = arith.constant 0 : i32
        %cond3A_348 = arith.cmpi ne, %convert_element_type3A_346, %cond3A_347 : i32
        scf.if %cond3A_348 {
          %dma_wait3A_361 = arith.constant 0 : i32
          %dma_wait3A_362 = arith.constant 0 : i32
          %dma_wait3A_363 = tpu.memref_slice %arg21[%dma_wait3A_361, %dma_wait3A_362] : memref<10240x128xf32, #tpu.memory_space<vmem_shared>> -> memref<10240x128xf32, #tpu.memory_space<vmem_shared>>
          tpu.wait_indirect_dma semaphore(%arg35 : memref<!tpu.dma_semaphore, #tpu.memory_space<semaphore_mem>>) src(%arg19 : memref<40x128xf32, #tpu.memory_space<vmem>>) dst(%dma_wait3A_363 : memref<10240x128xf32, #tpu.memory_space<vmem_shared>>)
        } else {
        }
        %add3A_349 = arith.constant 3 : i32
        %add3A_350 = arith.addi %add3A_237, %add3A_349 : i32
        %mul3A_351 = arith.constant 40 : i32
        %mul3A_352 = arith.muli %add3A_350, %mul3A_351 : i32
        %add3A_353 = arith.addi %mul3A_2, %mul3A_352 : i32
        %dma_start3A_354 = tpu.memref_slice %arg3[%add3A_353] : memref<320000xi32, #tpu.memory_space<hbm>> -> memref<40xi32, #tpu.memory_space<hbm>>
        %dma_start3A_355 = tpu.memref_slice %arg3[%add3A_353] : memref<320000xi32, #tpu.memory_space<hbm>> -> memref<40xi32, #tpu.memory_space<hbm>>
        tpu.enqueue_dma source(%dma_start3A_355 : memref<40xi32, #tpu.memory_space<hbm>>) target(%arg9 : memref<40xi32, #tpu.memory_space<vmem>>) target_semaphore(%arg25 : memref<!tpu.dma_semaphore, #tpu.memory_space<semaphore_mem>>)
        %mul3A_356 = arith.constant 40 : i32
        %mul3A_357 = arith.muli %add3A_350, %mul3A_356 : i32
        %add3A_358 = arith.addi %mul3A_2, %mul3A_357 : i32
        %dma_start3A_359 = tpu.memref_slice %arg4[%add3A_358] : memref<320000xi32, #tpu.memory_space<hbm>> -> memref<40xi32, #tpu.memory_space<hbm>>
        %dma_start3A_360 = tpu.memref_slice %arg4[%add3A_358] : memref<320000xi32, #tpu.memory_space<hbm>> -> memref<40xi32, #tpu.memory_space<hbm>>
        tpu.enqueue_dma source(%dma_start3A_360 : memref<40xi32, #tpu.memory_space<hbm>>) target(%arg14 : memref<40xi32, #tpu.memory_space<vmem>>) target_semaphore(%arg25 : memref<!tpu.dma_semaphore, #tpu.memory_space<semaphore_mem>>)
      } else {
      }
      %add3A_248 = arith.constant 2 : i32
      %add3A_249 = arith.addi %add3A_237, %add3A_248 : i32
      %lt3A_250 = arith.constant 250 : i32
      %lt3A_251 = arith.cmpi slt, %add3A_249, %lt3A_250 : i32
      %convert_element_type3A_252 = arith.extui %lt3A_251 : i1 to i32
      %cond3A_253 = arith.constant 0 : i32
      %cond3A_254 = arith.cmpi ne, %convert_element_type3A_252, %cond3A_253 : i32
      scf.if %cond3A_254 {
        %dma_wait3A_343 = tpu.memref_slice %arg3[%mul3A_2] : memref<320000xi32, #tpu.memory_space<hbm>> -> memref<40xi32, #tpu.memory_space<hbm>>
        %dma_wait3A_344 = tpu.memref_slice %arg3[%mul3A_2] : memref<320000xi32, #tpu.memory_space<hbm>> -> memref<40xi32, #tpu.memory_space<hbm>>
        tpu.wait_dma2 semaphore(%arg24 : memref<!tpu.dma_semaphore, #tpu.memory_space<semaphore_mem>>) src(%dma_wait3A_344 : memref<40xi32, #tpu.memory_space<hbm>>) dst(%arg8 : memref<40xi32, #tpu.memory_space<vmem>>)
        %dma_wait3A_345 = tpu.memref_slice %arg4[%mul3A_2] : memref<320000xi32, #tpu.memory_space<hbm>> -> memref<40xi32, #tpu.memory_space<hbm>>
        %dma_wait3A_346 = tpu.memref_slice %arg4[%mul3A_2] : memref<320000xi32, #tpu.memory_space<hbm>> -> memref<40xi32, #tpu.memory_space<hbm>>
        tpu.wait_dma2 semaphore(%arg24 : memref<!tpu.dma_semaphore, #tpu.memory_space<semaphore_mem>>) src(%dma_wait3A_346 : memref<40xi32, #tpu.memory_space<hbm>>) dst(%arg13 : memref<40xi32, #tpu.memory_space<vmem>>)
        %dma_start3A_347 = arith.constant 0 : i32
        %dma_start3A_348 = arith.constant 0 : i32
        %dma_start3A_349 = tpu.memref_slice %arg2[%dma_start3A_347, %dma_start3A_348] : memref<10240x128xf32, #tpu.memory_space<hbm>> -> memref<10240x128xf32, #tpu.memory_space<hbm>>
        tpu.enqueue_indirect_dma source(%dma_start3A_349 : memref<10240x128xf32, #tpu.memory_space<hbm>>) target(%arg18 : memref<40x128xf32, #tpu.memory_space<vmem>>) offsets(%arg8 : memref<40xi32, #tpu.memory_space<vmem>>) semaphore(%arg29 : memref<!tpu.dma_semaphore, #tpu.memory_space<semaphore_mem>>)
      } else {
      }
      %add3A_255 = arith.constant 1 : i32
      %add3A_256 = arith.addi %add3A_235, %add3A_255 : i32
      %dma_wait3A_257 = arith.constant 0 : i32
      %dma_wait3A_258 = arith.constant 0 : i32
      %dma_wait3A_259 = tpu.memref_slice %arg2[%dma_wait3A_257, %dma_wait3A_258] : memref<10240x128xf32, #tpu.memory_space<hbm>> -> memref<10240x128xf32, #tpu.memory_space<hbm>>
      tpu.wait_indirect_dma semaphore(%arg28 : memref<!tpu.dma_semaphore, #tpu.memory_space<semaphore_mem>>) src(%dma_wait3A_259 : memref<10240x128xf32, #tpu.memory_space<hbm>>) dst(%arg17 : memref<40x128xf32, #tpu.memory_space<vmem>>)
      %dma_start3A_260 = arith.constant 0 : i32
      %dma_start3A_261 = arith.constant 0 : i32
      %dma_start3A_262 = tpu.memref_slice %arg21[%dma_start3A_260, %dma_start3A_261] : memref<10240x128xf32, #tpu.memory_space<vmem_shared>> -> memref<10240x128xf32, #tpu.memory_space<vmem_shared>>
      tpu.enqueue_indirect_dma source(%arg17 : memref<40x128xf32, #tpu.memory_space<vmem>>) target(%dma_start3A_262 : memref<10240x128xf32, #tpu.memory_space<vmem_shared>>) offsets(%arg12 : memref<40xi32, #tpu.memory_space<vmem>>) semaphore(%arg33 : memref<!tpu.dma_semaphore, #tpu.memory_space<semaphore_mem>>) {add = true}
      %add3A_263 = arith.constant 3 : i32
      %add3A_264 = arith.addi %add3A_256, %add3A_263 : i32
      %lt3A_265 = arith.constant 250 : i32
      %lt3A_266 = arith.cmpi slt, %add3A_264, %lt3A_265 : i32
      %convert_element_type3A_267 = arith.extui %lt3A_266 : i1 to i32
      %cond3A_268 = arith.constant 0 : i32
      %cond3A_269 = arith.cmpi ne, %convert_element_type3A_267, %cond3A_268 : i32
      scf.if %cond3A_269 {
        %add3A_343 = arith.constant 3 : i32
        %add3A_344 = arith.addi %add3A_256, %add3A_343 : i32
        %ge3A = arith.constant 5 : i32
        %ge3A_345 = arith.cmpi sge, %add3A_344, %ge3A : i32
        %convert_element_type3A_346 = arith.extui %ge3A_345 : i1 to i32
        %cond3A_347 = arith.constant 0 : i32
        %cond3A_348 = arith.cmpi ne, %convert_element_type3A_346, %cond3A_347 : i32
        scf.if %cond3A_348 {
          %dma_wait3A_361 = arith.constant 0 : i32
          %dma_wait3A_362 = arith.constant 0 : i32
          %dma_wait3A_363 = tpu.memref_slice %arg21[%dma_wait3A_361, %dma_wait3A_362] : memref<10240x128xf32, #tpu.memory_space<vmem_shared>> -> memref<10240x128xf32, #tpu.memory_space<vmem_shared>>
          tpu.wait_indirect_dma semaphore(%arg36 : memref<!tpu.dma_semaphore, #tpu.memory_space<semaphore_mem>>) src(%arg20 : memref<40x128xf32, #tpu.memory_space<vmem>>) dst(%dma_wait3A_363 : memref<10240x128xf32, #tpu.memory_space<vmem_shared>>)
        } else {
        }
        %add3A_349 = arith.constant 3 : i32
        %add3A_350 = arith.addi %add3A_256, %add3A_349 : i32
        %mul3A_351 = arith.constant 40 : i32
        %mul3A_352 = arith.muli %add3A_350, %mul3A_351 : i32
        %add3A_353 = arith.addi %mul3A_2, %mul3A_352 : i32
        %dma_start3A_354 = tpu.memref_slice %arg3[%add3A_353] : memref<320000xi32, #tpu.memory_space<hbm>> -> memref<40xi32, #tpu.memory_space<hbm>>
        %dma_start3A_355 = tpu.memref_slice %arg3[%add3A_353] : memref<320000xi32, #tpu.memory_space<hbm>> -> memref<40xi32, #tpu.memory_space<hbm>>
        tpu.enqueue_dma source(%dma_start3A_355 : memref<40xi32, #tpu.memory_space<hbm>>) target(%arg10 : memref<40xi32, #tpu.memory_space<vmem>>) target_semaphore(%arg26 : memref<!tpu.dma_semaphore, #tpu.memory_space<semaphore_mem>>)
        %mul3A_356 = arith.constant 40 : i32
        %mul3A_357 = arith.muli %add3A_350, %mul3A_356 : i32
        %add3A_358 = arith.addi %mul3A_2, %mul3A_357 : i32
        %dma_start3A_359 = tpu.memref_slice %arg4[%add3A_358] : memref<320000xi32, #tpu.memory_space<hbm>> -> memref<40xi32, #tpu.memory_space<hbm>>
        %dma_start3A_360 = tpu.memref_slice %arg4[%add3A_358] : memref<320000xi32, #tpu.memory_space<hbm>> -> memref<40xi32, #tpu.memory_space<hbm>>
        tpu.enqueue_dma source(%dma_start3A_360 : memref<40xi32, #tpu.memory_space<hbm>>) target(%arg15 : memref<40xi32, #tpu.memory_space<vmem>>) target_semaphore(%arg26 : memref<!tpu.dma_semaphore, #tpu.memory_space<semaphore_mem>>)
      } else {
      }
      %add3A_270 = arith.constant 2 : i32
      %add3A_271 = arith.addi %add3A_256, %add3A_270 : i32
      %lt3A_272 = arith.constant 250 : i32
      %lt3A_273 = arith.cmpi slt, %add3A_271, %lt3A_272 : i32
      %convert_element_type3A_274 = arith.extui %lt3A_273 : i1 to i32
      %cond3A_275 = arith.constant 0 : i32
      %cond3A_276 = arith.cmpi ne, %convert_element_type3A_274, %cond3A_275 : i32
      scf.if %cond3A_276 {
        %dma_wait3A_343 = tpu.memref_slice %arg3[%mul3A_2] : memref<320000xi32, #tpu.memory_space<hbm>> -> memref<40xi32, #tpu.memory_space<hbm>>
        %dma_wait3A_344 = tpu.memref_slice %arg3[%mul3A_2] : memref<320000xi32, #tpu.memory_space<hbm>> -> memref<40xi32, #tpu.memory_space<hbm>>
        tpu.wait_dma2 semaphore(%arg25 : memref<!tpu.dma_semaphore, #tpu.memory_space<semaphore_mem>>) src(%dma_wait3A_344 : memref<40xi32, #tpu.memory_space<hbm>>) dst(%arg9 : memref<40xi32, #tpu.memory_space<vmem>>)
        %dma_wait3A_345 = tpu.memref_slice %arg4[%mul3A_2] : memref<320000xi32, #tpu.memory_space<hbm>> -> memref<40xi32, #tpu.memory_space<hbm>>
        %dma_wait3A_346 = tpu.memref_slice %arg4[%mul3A_2] : memref<320000xi32, #tpu.memory_space<hbm>> -> memref<40xi32, #tpu.memory_space<hbm>>
        tpu.wait_dma2 semaphore(%arg25 : memref<!tpu.dma_semaphore, #tpu.memory_space<semaphore_mem>>) src(%dma_wait3A_346 : memref<40xi32, #tpu.memory_space<hbm>>) dst(%arg14 : memref<40xi32, #tpu.memory_space<vmem>>)
        %dma_start3A_347 = arith.constant 0 : i32
        %dma_start3A_348 = arith.constant 0 : i32
        %dma_start3A_349 = tpu.memref_slice %arg2[%dma_start3A_347, %dma_start3A_348] : memref<10240x128xf32, #tpu.memory_space<hbm>> -> memref<10240x128xf32, #tpu.memory_space<hbm>>
        tpu.enqueue_indirect_dma source(%dma_start3A_349 : memref<10240x128xf32, #tpu.memory_space<hbm>>) target(%arg19 : memref<40x128xf32, #tpu.memory_space<vmem>>) offsets(%arg9 : memref<40xi32, #tpu.memory_space<vmem>>) semaphore(%arg30 : memref<!tpu.dma_semaphore, #tpu.memory_space<semaphore_mem>>)
      } else {
      }
      %add3A_277 = arith.constant 2 : i32
      %add3A_278 = arith.addi %add3A_235, %add3A_277 : i32
      %dma_wait3A_279 = arith.constant 0 : i32
      %dma_wait3A_280 = arith.constant 0 : i32
      %dma_wait3A_281 = tpu.memref_slice %arg2[%dma_wait3A_279, %dma_wait3A_280] : memref<10240x128xf32, #tpu.memory_space<hbm>> -> memref<10240x128xf32, #tpu.memory_space<hbm>>
      tpu.wait_indirect_dma semaphore(%arg29 : memref<!tpu.dma_semaphore, #tpu.memory_space<semaphore_mem>>) src(%dma_wait3A_281 : memref<10240x128xf32, #tpu.memory_space<hbm>>) dst(%arg18 : memref<40x128xf32, #tpu.memory_space<vmem>>)
      %dma_start3A_282 = arith.constant 0 : i32
      %dma_start3A_283 = arith.constant 0 : i32
      %dma_start3A_284 = tpu.memref_slice %arg21[%dma_start3A_282, %dma_start3A_283] : memref<10240x128xf32, #tpu.memory_space<vmem_shared>> -> memref<10240x128xf32, #tpu.memory_space<vmem_shared>>
      tpu.enqueue_indirect_dma source(%arg18 : memref<40x128xf32, #tpu.memory_space<vmem>>) target(%dma_start3A_284 : memref<10240x128xf32, #tpu.memory_space<vmem_shared>>) offsets(%arg13 : memref<40xi32, #tpu.memory_space<vmem>>) semaphore(%arg34 : memref<!tpu.dma_semaphore, #tpu.memory_space<semaphore_mem>>) {add = true}
      %add3A_285 = arith.constant 3 : i32
      %add3A_286 = arith.addi %add3A_278, %add3A_285 : i32
      %lt3A_287 = arith.constant 250 : i32
      %lt3A_288 = arith.cmpi slt, %add3A_286, %lt3A_287 : i32
      %convert_element_type3A_289 = arith.extui %lt3A_288 : i1 to i32
      %cond3A_290 = arith.constant 0 : i32
      %cond3A_291 = arith.cmpi ne, %convert_element_type3A_289, %cond3A_290 : i32
      scf.if %cond3A_291 {
        %add3A_343 = arith.constant 3 : i32
        %add3A_344 = arith.addi %add3A_278, %add3A_343 : i32
        %ge3A = arith.constant 5 : i32
        %ge3A_345 = arith.cmpi sge, %add3A_344, %ge3A : i32
        %convert_element_type3A_346 = arith.extui %ge3A_345 : i1 to i32
        %cond3A_347 = arith.constant 0 : i32
        %cond3A_348 = arith.cmpi ne, %convert_element_type3A_346, %cond3A_347 : i32
        scf.if %cond3A_348 {
          %dma_wait3A_361 = arith.constant 0 : i32
          %dma_wait3A_362 = arith.constant 0 : i32
          %dma_wait3A_363 = tpu.memref_slice %arg21[%dma_wait3A_361, %dma_wait3A_362] : memref<10240x128xf32, #tpu.memory_space<vmem_shared>> -> memref<10240x128xf32, #tpu.memory_space<vmem_shared>>
          tpu.wait_indirect_dma semaphore(%arg32 : memref<!tpu.dma_semaphore, #tpu.memory_space<semaphore_mem>>) src(%arg16 : memref<40x128xf32, #tpu.memory_space<vmem>>) dst(%dma_wait3A_363 : memref<10240x128xf32, #tpu.memory_space<vmem_shared>>)
        } else {
        }
        %add3A_349 = arith.constant 3 : i32
        %add3A_350 = arith.addi %add3A_278, %add3A_349 : i32
        %mul3A_351 = arith.constant 40 : i32
        %mul3A_352 = arith.muli %add3A_350, %mul3A_351 : i32
        %add3A_353 = arith.addi %mul3A_2, %mul3A_352 : i32
        %dma_start3A_354 = tpu.memref_slice %arg3[%add3A_353] : memref<320000xi32, #tpu.memory_space<hbm>> -> memref<40xi32, #tpu.memory_space<hbm>>
        %dma_start3A_355 = tpu.memref_slice %arg3[%add3A_353] : memref<320000xi32, #tpu.memory_space<hbm>> -> memref<40xi32, #tpu.memory_space<hbm>>
        tpu.enqueue_dma source(%dma_start3A_355 : memref<40xi32, #tpu.memory_space<hbm>>) target(%arg6 : memref<40xi32, #tpu.memory_space<vmem>>) target_semaphore(%arg22 : memref<!tpu.dma_semaphore, #tpu.memory_space<semaphore_mem>>)
        %mul3A_356 = arith.constant 40 : i32
        %mul3A_357 = arith.muli %add3A_350, %mul3A_356 : i32
        %add3A_358 = arith.addi %mul3A_2, %mul3A_357 : i32
        %dma_start3A_359 = tpu.memref_slice %arg4[%add3A_358] : memref<320000xi32, #tpu.memory_space<hbm>> -> memref<40xi32, #tpu.memory_space<hbm>>
        %dma_start3A_360 = tpu.memref_slice %arg4[%add3A_358] : memref<320000xi32, #tpu.memory_space<hbm>> -> memref<40xi32, #tpu.memory_space<hbm>>
        tpu.enqueue_dma source(%dma_start3A_360 : memref<40xi32, #tpu.memory_space<hbm>>) target(%arg11 : memref<40xi32, #tpu.memory_space<vmem>>) target_semaphore(%arg22 : memref<!tpu.dma_semaphore, #tpu.memory_space<semaphore_mem>>)
      } else {
      }
      %add3A_292 = arith.constant 2 : i32
      %add3A_293 = arith.addi %add3A_278, %add3A_292 : i32
      %lt3A_294 = arith.constant 250 : i32
      %lt3A_295 = arith.cmpi slt, %add3A_293, %lt3A_294 : i32
      %convert_element_type3A_296 = arith.extui %lt3A_295 : i1 to i32
      %cond3A_297 = arith.constant 0 : i32
      %cond3A_298 = arith.cmpi ne, %convert_element_type3A_296, %cond3A_297 : i32
      scf.if %cond3A_298 {
        %dma_wait3A_343 = tpu.memref_slice %arg3[%mul3A_2] : memref<320000xi32, #tpu.memory_space<hbm>> -> memref<40xi32, #tpu.memory_space<hbm>>
        %dma_wait3A_344 = tpu.memref_slice %arg3[%mul3A_2] : memref<320000xi32, #tpu.memory_space<hbm>> -> memref<40xi32, #tpu.memory_space<hbm>>
        tpu.wait_dma2 semaphore(%arg26 : memref<!tpu.dma_semaphore, #tpu.memory_space<semaphore_mem>>) src(%dma_wait3A_344 : memref<40xi32, #tpu.memory_space<hbm>>) dst(%arg10 : memref<40xi32, #tpu.memory_space<vmem>>)
        %dma_wait3A_345 = tpu.memref_slice %arg4[%mul3A_2] : memref<320000xi32, #tpu.memory_space<hbm>> -> memref<40xi32, #tpu.memory_space<hbm>>
        %dma_wait3A_346 = tpu.memref_slice %arg4[%mul3A_2] : memref<320000xi32, #tpu.memory_space<hbm>> -> memref<40xi32, #tpu.memory_space<hbm>>
        tpu.wait_dma2 semaphore(%arg26 : memref<!tpu.dma_semaphore, #tpu.memory_space<semaphore_mem>>) src(%dma_wait3A_346 : memref<40xi32, #tpu.memory_space<hbm>>) dst(%arg15 : memref<40xi32, #tpu.memory_space<vmem>>)
        %dma_start3A_347 = arith.constant 0 : i32
        %dma_start3A_348 = arith.constant 0 : i32
        %dma_start3A_349 = tpu.memref_slice %arg2[%dma_start3A_347, %dma_start3A_348] : memref<10240x128xf32, #tpu.memory_space<hbm>> -> memref<10240x128xf32, #tpu.memory_space<hbm>>
        tpu.enqueue_indirect_dma source(%dma_start3A_349 : memref<10240x128xf32, #tpu.memory_space<hbm>>) target(%arg20 : memref<40x128xf32, #tpu.memory_space<vmem>>) offsets(%arg10 : memref<40xi32, #tpu.memory_space<vmem>>) semaphore(%arg31 : memref<!tpu.dma_semaphore, #tpu.memory_space<semaphore_mem>>)
      } else {
      }
      %add3A_299 = arith.constant 3 : i32
      %add3A_300 = arith.addi %add3A_235, %add3A_299 : i32
      %dma_wait3A_301 = arith.constant 0 : i32
      %dma_wait3A_302 = arith.constant 0 : i32
      %dma_wait3A_303 = tpu.memref_slice %arg2[%dma_wait3A_301, %dma_wait3A_302] : memref<10240x128xf32, #tpu.memory_space<hbm>> -> memref<10240x128xf32, #tpu.memory_space<hbm>>
      tpu.wait_indirect_dma semaphore(%arg30 : memref<!tpu.dma_semaphore, #tpu.memory_space<semaphore_mem>>) src(%dma_wait3A_303 : memref<10240x128xf32, #tpu.memory_space<hbm>>) dst(%arg19 : memref<40x128xf32, #tpu.memory_space<vmem>>)
      %dma_start3A_304 = arith.constant 0 : i32
      %dma_start3A_305 = arith.constant 0 : i32
      %dma_start3A_306 = tpu.memref_slice %arg21[%dma_start3A_304, %dma_start3A_305] : memref<10240x128xf32, #tpu.memory_space<vmem_shared>> -> memref<10240x128xf32, #tpu.memory_space<vmem_shared>>
      tpu.enqueue_indirect_dma source(%arg19 : memref<40x128xf32, #tpu.memory_space<vmem>>) target(%dma_start3A_306 : memref<10240x128xf32, #tpu.memory_space<vmem_shared>>) offsets(%arg14 : memref<40xi32, #tpu.memory_space<vmem>>) semaphore(%arg35 : memref<!tpu.dma_semaphore, #tpu.memory_space<semaphore_mem>>) {add = true}
      %add3A_307 = arith.constant 3 : i32
      %add3A_308 = arith.addi %add3A_300, %add3A_307 : i32
      %lt3A_309 = arith.constant 250 : i32
      %lt3A_310 = arith.cmpi slt, %add3A_308, %lt3A_309 : i32
      %convert_element_type3A_311 = arith.extui %lt3A_310 : i1 to i32
      %cond3A_312 = arith.constant 0 : i32
      %cond3A_313 = arith.cmpi ne, %convert_element_type3A_311, %cond3A_312 : i32
      scf.if %cond3A_313 {
        %add3A_343 = arith.constant 3 : i32
        %add3A_344 = arith.addi %add3A_300, %add3A_343 : i32
        %ge3A = arith.constant 5 : i32
        %ge3A_345 = arith.cmpi sge, %add3A_344, %ge3A : i32
        %convert_element_type3A_346 = arith.extui %ge3A_345 : i1 to i32
        %cond3A_347 = arith.constant 0 : i32
        %cond3A_348 = arith.cmpi ne, %convert_element_type3A_346, %cond3A_347 : i32
        scf.if %cond3A_348 {
          %dma_wait3A_361 = arith.constant 0 : i32
          %dma_wait3A_362 = arith.constant 0 : i32
          %dma_wait3A_363 = tpu.memref_slice %arg21[%dma_wait3A_361, %dma_wait3A_362] : memref<10240x128xf32, #tpu.memory_space<vmem_shared>> -> memref<10240x128xf32, #tpu.memory_space<vmem_shared>>
          tpu.wait_indirect_dma semaphore(%arg33 : memref<!tpu.dma_semaphore, #tpu.memory_space<semaphore_mem>>) src(%arg17 : memref<40x128xf32, #tpu.memory_space<vmem>>) dst(%dma_wait3A_363 : memref<10240x128xf32, #tpu.memory_space<vmem_shared>>)
        } else {
        }
        %add3A_349 = arith.constant 3 : i32
        %add3A_350 = arith.addi %add3A_300, %add3A_349 : i32
        %mul3A_351 = arith.constant 40 : i32
        %mul3A_352 = arith.muli %add3A_350, %mul3A_351 : i32
        %add3A_353 = arith.addi %mul3A_2, %mul3A_352 : i32
        %dma_start3A_354 = tpu.memref_slice %arg3[%add3A_353] : memref<320000xi32, #tpu.memory_space<hbm>> -> memref<40xi32, #tpu.memory_space<hbm>>
        %dma_start3A_355 = tpu.memref_slice %arg3[%add3A_353] : memref<320000xi32, #tpu.memory_space<hbm>> -> memref<40xi32, #tpu.memory_space<hbm>>
        tpu.enqueue_dma source(%dma_start3A_355 : memref<40xi32, #tpu.memory_space<hbm>>) target(%arg7 : memref<40xi32, #tpu.memory_space<vmem>>) target_semaphore(%arg23 : memref<!tpu.dma_semaphore, #tpu.memory_space<semaphore_mem>>)
        %mul3A_356 = arith.constant 40 : i32
        %mul3A_357 = arith.muli %add3A_350, %mul3A_356 : i32
        %add3A_358 = arith.addi %mul3A_2, %mul3A_357 : i32
        %dma_start3A_359 = tpu.memref_slice %arg4[%add3A_358] : memref<320000xi32, #tpu.memory_space<hbm>> -> memref<40xi32, #tpu.memory_space<hbm>>
        %dma_start3A_360 = tpu.memref_slice %arg4[%add3A_358] : memref<320000xi32, #tpu.memory_space<hbm>> -> memref<40xi32, #tpu.memory_space<hbm>>
        tpu.enqueue_dma source(%dma_start3A_360 : memref<40xi32, #tpu.memory_space<hbm>>) target(%arg12 : memref<40xi32, #tpu.memory_space<vmem>>) target_semaphore(%arg23 : memref<!tpu.dma_semaphore, #tpu.memory_space<semaphore_mem>>)
      } else {
      }
      %add3A_314 = arith.constant 2 : i32
      %add3A_315 = arith.addi %add3A_300, %add3A_314 : i32
      %lt3A_316 = arith.constant 250 : i32
      %lt3A_317 = arith.cmpi slt, %add3A_315, %lt3A_316 : i32
      %convert_element_type3A_318 = arith.extui %lt3A_317 : i1 to i32
      %cond3A_319 = arith.constant 0 : i32
      %cond3A_320 = arith.cmpi ne, %convert_element_type3A_318, %cond3A_319 : i32
      scf.if %cond3A_320 {
        %dma_wait3A_343 = tpu.memref_slice %arg3[%mul3A_2] : memref<320000xi32, #tpu.memory_space<hbm>> -> memref<40xi32, #tpu.memory_space<hbm>>
        %dma_wait3A_344 = tpu.memref_slice %arg3[%mul3A_2] : memref<320000xi32, #tpu.memory_space<hbm>> -> memref<40xi32, #tpu.memory_space<hbm>>
        tpu.wait_dma2 semaphore(%arg22 : memref<!tpu.dma_semaphore, #tpu.memory_space<semaphore_mem>>) src(%dma_wait3A_344 : memref<40xi32, #tpu.memory_space<hbm>>) dst(%arg6 : memref<40xi32, #tpu.memory_space<vmem>>)
        %dma_wait3A_345 = tpu.memref_slice %arg4[%mul3A_2] : memref<320000xi32, #tpu.memory_space<hbm>> -> memref<40xi32, #tpu.memory_space<hbm>>
        %dma_wait3A_346 = tpu.memref_slice %arg4[%mul3A_2] : memref<320000xi32, #tpu.memory_space<hbm>> -> memref<40xi32, #tpu.memory_space<hbm>>
        tpu.wait_dma2 semaphore(%arg22 : memref<!tpu.dma_semaphore, #tpu.memory_space<semaphore_mem>>) src(%dma_wait3A_346 : memref<40xi32, #tpu.memory_space<hbm>>) dst(%arg11 : memref<40xi32, #tpu.memory_space<vmem>>)
        %dma_start3A_347 = arith.constant 0 : i32
        %dma_start3A_348 = arith.constant 0 : i32
        %dma_start3A_349 = tpu.memref_slice %arg2[%dma_start3A_347, %dma_start3A_348] : memref<10240x128xf32, #tpu.memory_space<hbm>> -> memref<10240x128xf32, #tpu.memory_space<hbm>>
        tpu.enqueue_indirect_dma source(%dma_start3A_349 : memref<10240x128xf32, #tpu.memory_space<hbm>>) target(%arg16 : memref<40x128xf32, #tpu.memory_space<vmem>>) offsets(%arg6 : memref<40xi32, #tpu.memory_space<vmem>>) semaphore(%arg27 : memref<!tpu.dma_semaphore, #tpu.memory_space<semaphore_mem>>)
      } else {
      }
      %add3A_321 = arith.constant 4 : i32
      %add3A_322 = arith.addi %add3A_235, %add3A_321 : i32
      %dma_wait3A_323 = arith.constant 0 : i32
      %dma_wait3A_324 = arith.constant 0 : i32
      %dma_wait3A_325 = tpu.memref_slice %arg2[%dma_wait3A_323, %dma_wait3A_324] : memref<10240x128xf32, #tpu.memory_space<hbm>> -> memref<10240x128xf32, #tpu.memory_space<hbm>>
      tpu.wait_indirect_dma semaphore(%arg31 : memref<!tpu.dma_semaphore, #tpu.memory_space<semaphore_mem>>) src(%dma_wait3A_325 : memref<10240x128xf32, #tpu.memory_space<hbm>>) dst(%arg20 : memref<40x128xf32, #tpu.memory_space<vmem>>)
      %dma_start3A_326 = arith.constant 0 : i32
      %dma_start3A_327 = arith.constant 0 : i32
      %dma_start3A_328 = tpu.memref_slice %arg21[%dma_start3A_326, %dma_start3A_327] : memref<10240x128xf32, #tpu.memory_space<vmem_shared>> -> memref<10240x128xf32, #tpu.memory_space<vmem_shared>>
      tpu.enqueue_indirect_dma source(%arg20 : memref<40x128xf32, #tpu.memory_space<vmem>>) target(%dma_start3A_328 : memref<10240x128xf32, #tpu.memory_space<vmem_shared>>) offsets(%arg15 : memref<40xi32, #tpu.memory_space<vmem>>) semaphore(%arg36 : memref<!tpu.dma_semaphore, #tpu.memory_space<semaphore_mem>>) {add = true}
      %add3A_329 = arith.constant 3 : i32
      %add3A_330 = arith.addi %add3A_322, %add3A_329 : i32
      %lt3A_331 = arith.constant 250 : i32
      %lt3A_332 = arith.cmpi slt, %add3A_330, %lt3A_331 : i32
      %convert_element_type3A_333 = arith.extui %lt3A_332 : i1 to i32
      %cond3A_334 = arith.constant 0 : i32
      %cond3A_335 = arith.cmpi ne, %convert_element_type3A_333, %cond3A_334 : i32
      scf.if %cond3A_335 {
        %add3A_343 = arith.constant 3 : i32
        %add3A_344 = arith.addi %add3A_322, %add3A_343 : i32
        %ge3A = arith.constant 5 : i32
        %ge3A_345 = arith.cmpi sge, %add3A_344, %ge3A : i32
        %convert_element_type3A_346 = arith.extui %ge3A_345 : i1 to i32
        %cond3A_347 = arith.constant 0 : i32
        %cond3A_348 = arith.cmpi ne, %convert_element_type3A_346, %cond3A_347 : i32
        scf.if %cond3A_348 {
          %dma_wait3A_361 = arith.constant 0 : i32
          %dma_wait3A_362 = arith.constant 0 : i32
          %dma_wait3A_363 = tpu.memref_slice %arg21[%dma_wait3A_361, %dma_wait3A_362] : memref<10240x128xf32, #tpu.memory_space<vmem_shared>> -> memref<10240x128xf32, #tpu.memory_space<vmem_shared>>
          tpu.wait_indirect_dma semaphore(%arg34 : memref<!tpu.dma_semaphore, #tpu.memory_space<semaphore_mem>>) src(%arg18 : memref<40x128xf32, #tpu.memory_space<vmem>>) dst(%dma_wait3A_363 : memref<10240x128xf32, #tpu.memory_space<vmem_shared>>)
        } else {
        }
        %add3A_349 = arith.constant 3 : i32
        %add3A_350 = arith.addi %add3A_322, %add3A_349 : i32
        %mul3A_351 = arith.constant 40 : i32
        %mul3A_352 = arith.muli %add3A_350, %mul3A_351 : i32
        %add3A_353 = arith.addi %mul3A_2, %mul3A_352 : i32
        %dma_start3A_354 = tpu.memref_slice %arg3[%add3A_353] : memref<320000xi32, #tpu.memory_space<hbm>> -> memref<40xi32, #tpu.memory_space<hbm>>
        %dma_start3A_355 = tpu.memref_slice %arg3[%add3A_353] : memref<320000xi32, #tpu.memory_space<hbm>> -> memref<40xi32, #tpu.memory_space<hbm>>
        tpu.enqueue_dma source(%dma_start3A_355 : memref<40xi32, #tpu.memory_space<hbm>>) target(%arg8 : memref<40xi32, #tpu.memory_space<vmem>>) target_semaphore(%arg24 : memref<!tpu.dma_semaphore, #tpu.memory_space<semaphore_mem>>)
        %mul3A_356 = arith.constant 40 : i32
        %mul3A_357 = arith.muli %add3A_350, %mul3A_356 : i32
        %add3A_358 = arith.addi %mul3A_2, %mul3A_357 : i32
        %dma_start3A_359 = tpu.memref_slice %arg4[%add3A_358] : memref<320000xi32, #tpu.memory_space<hbm>> -> memref<40xi32, #tpu.memory_space<hbm>>
        %dma_start3A_360 = tpu.memref_slice %arg4[%add3A_358] : memref<320000xi32, #tpu.memory_space<hbm>> -> memref<40xi32, #tpu.memory_space<hbm>>
        tpu.enqueue_dma source(%dma_start3A_360 : memref<40xi32, #tpu.memory_space<hbm>>) target(%arg13 : memref<40xi32, #tpu.memory_space<vmem>>) target_semaphore(%arg24 : memref<!tpu.dma_semaphore, #tpu.memory_space<semaphore_mem>>)
      } else {
      }
      %add3A_336 = arith.constant 2 : i32
      %add3A_337 = arith.addi %add3A_322, %add3A_336 : i32
      %lt3A_338 = arith.constant 250 : i32
      %lt3A_339 = arith.cmpi slt, %add3A_337, %lt3A_338 : i32
      %convert_element_type3A_340 = arith.extui %lt3A_339 : i1 to i32
      %cond3A_341 = arith.constant 0 : i32
      %cond3A_342 = arith.cmpi ne, %convert_element_type3A_340, %cond3A_341 : i32
      scf.if %cond3A_342 {
        %dma_wait3A_343 = tpu.memref_slice %arg3[%mul3A_2] : memref<320000xi32, #tpu.memory_space<hbm>> -> memref<40xi32, #tpu.memory_space<hbm>>
        %dma_wait3A_344 = tpu.memref_slice %arg3[%mul3A_2] : memref<320000xi32, #tpu.memory_space<hbm>> -> memref<40xi32, #tpu.memory_space<hbm>>
        tpu.wait_dma2 semaphore(%arg23 : memref<!tpu.dma_semaphore, #tpu.memory_space<semaphore_mem>>) src(%dma_wait3A_344 : memref<40xi32, #tpu.memory_space<hbm>>) dst(%arg7 : memref<40xi32, #tpu.memory_space<vmem>>)
        %dma_wait3A_345 = tpu.memref_slice %arg4[%mul3A_2] : memref<320000xi32, #tpu.memory_space<hbm>> -> memref<40xi32, #tpu.memory_space<hbm>>
        %dma_wait3A_346 = tpu.memref_slice %arg4[%mul3A_2] : memref<320000xi32, #tpu.memory_space<hbm>> -> memref<40xi32, #tpu.memory_space<hbm>>
        tpu.wait_dma2 semaphore(%arg23 : memref<!tpu.dma_semaphore, #tpu.memory_space<semaphore_mem>>) src(%dma_wait3A_346 : memref<40xi32, #tpu.memory_space<hbm>>) dst(%arg12 : memref<40xi32, #tpu.memory_space<vmem>>)
        %dma_start3A_347 = arith.constant 0 : i32
        %dma_start3A_348 = arith.constant 0 : i32
        %dma_start3A_349 = tpu.memref_slice %arg2[%dma_start3A_347, %dma_start3A_348] : memref<10240x128xf32, #tpu.memory_space<hbm>> -> memref<10240x128xf32, #tpu.memory_space<hbm>>
        tpu.enqueue_indirect_dma source(%dma_start3A_349 : memref<10240x128xf32, #tpu.memory_space<hbm>>) target(%arg17 : memref<40x128xf32, #tpu.memory_space<vmem>>) offsets(%arg7 : memref<40xi32, #tpu.memory_space<vmem>>) semaphore(%arg28 : memref<!tpu.dma_semaphore, #tpu.memory_space<semaphore_mem>>)
      } else {
      }
    }
    %scan3A_211 = arith.constant 50 : i32
    %dma_wait3A_212 = arith.constant 0 : i32
    %dma_wait3A_213 = arith.constant 0 : i32
    %dma_wait3A_214 = tpu.memref_slice %arg21[%dma_wait3A_212, %dma_wait3A_213] : memref<10240x128xf32, #tpu.memory_space<vmem_shared>> -> memref<10240x128xf32, #tpu.memory_space<vmem_shared>>
    tpu.wait_indirect_dma semaphore(%arg32 : memref<!tpu.dma_semaphore, #tpu.memory_space<semaphore_mem>>) src(%arg16 : memref<40x128xf32, #tpu.memory_space<vmem>>) dst(%dma_wait3A_214 : memref<10240x128xf32, #tpu.memory_space<vmem_shared>>)
    %dma_wait3A_215 = arith.constant 0 : i32
    %dma_wait3A_216 = arith.constant 0 : i32
    %dma_wait3A_217 = tpu.memref_slice %arg21[%dma_wait3A_215, %dma_wait3A_216] : memref<10240x128xf32, #tpu.memory_space<vmem_shared>> -> memref<10240x128xf32, #tpu.memory_space<vmem_shared>>
    tpu.wait_indirect_dma semaphore(%arg33 : memref<!tpu.dma_semaphore, #tpu.memory_space<semaphore_mem>>) src(%arg17 : memref<40x128xf32, #tpu.memory_space<vmem>>) dst(%dma_wait3A_217 : memref<10240x128xf32, #tpu.memory_space<vmem_shared>>)
    %dma_wait3A_218 = arith.constant 0 : i32
    %dma_wait3A_219 = arith.constant 0 : i32
    %dma_wait3A_220 = tpu.memref_slice %arg21[%dma_wait3A_218, %dma_wait3A_219] : memref<10240x128xf32, #tpu.memory_space<vmem_shared>> -> memref<10240x128xf32, #tpu.memory_space<vmem_shared>>
    tpu.wait_indirect_dma semaphore(%arg34 : memref<!tpu.dma_semaphore, #tpu.memory_space<semaphore_mem>>) src(%arg18 : memref<40x128xf32, #tpu.memory_space<vmem>>) dst(%dma_wait3A_220 : memref<10240x128xf32, #tpu.memory_space<vmem_shared>>)
    %dma_wait3A_221 = arith.constant 0 : i32
    %dma_wait3A_222 = arith.constant 0 : i32
    %dma_wait3A_223 = tpu.memref_slice %arg21[%dma_wait3A_221, %dma_wait3A_222] : memref<10240x128xf32, #tpu.memory_space<vmem_shared>> -> memref<10240x128xf32, #tpu.memory_space<vmem_shared>>
    tpu.wait_indirect_dma semaphore(%arg35 : memref<!tpu.dma_semaphore, #tpu.memory_space<semaphore_mem>>) src(%arg19 : memref<40x128xf32, #tpu.memory_space<vmem>>) dst(%dma_wait3A_223 : memref<10240x128xf32, #tpu.memory_space<vmem_shared>>)
    %dma_wait3A_224 = arith.constant 0 : i32
    %dma_wait3A_225 = arith.constant 0 : i32
    %dma_wait3A_226 = tpu.memref_slice %arg21[%dma_wait3A_224, %dma_wait3A_225] : memref<10240x128xf32, #tpu.memory_space<vmem_shared>> -> memref<10240x128xf32, #tpu.memory_space<vmem_shared>>
    tpu.wait_indirect_dma semaphore(%arg36 : memref<!tpu.dma_semaphore, #tpu.memory_space<semaphore_mem>>) src(%arg20 : memref<40x128xf32, #tpu.memory_space<vmem>>) dst(%dma_wait3A_226 : memref<10240x128xf32, #tpu.memory_space<vmem_shared>>)
    %barrier3A_227 = arith.constant 0 : index
    tpu.barrier barrier_id(%barrier3A_227)
    %mul3A_228 = arith.constant 10240 : i32
    %mul3A_229 = arith.muli %arg0, %mul3A_228 : i32
    %add3A_230 = arith.addi %mul3A_229, %mul3A_4 : i32
    "tpu.region"() ({
      %run_scoped3A = tpu.sem_alloc : memref<!tpu.dma_semaphore, #tpu.memory_space<semaphore_mem>>
      %dma_start3A_231 = arith.constant 0 : i32
      %dma_start3A_232 = tpu.memref_slice %arg5[%add3A_230, %dma_start3A_231] : memref<20480x128xf32, #tpu.memory_space<hbm>> -> memref<640x128xf32, #tpu.memory_space<hbm>>
      %dma_start3A_233 = arith.constant 0 : i32
      %dma_start3A_234 = tpu.memref_slice %arg21[%mul3A_4, %dma_start3A_233] : memref<10240x128xf32, #tpu.memory_space<vmem_shared>> -> memref<640x128xf32, #tpu.memory_space<vmem_shared>>
      tpu.enqueue_dma source(%dma_start3A_234 : memref<640x128xf32, #tpu.memory_space<vmem_shared>>) target(%dma_start3A_232 : memref<640x128xf32, #tpu.memory_space<hbm>>) target_semaphore(%run_scoped3A : memref<!tpu.dma_semaphore, #tpu.memory_space<semaphore_mem>>)
      %dma_wait3A_235 = arith.constant 0 : i32
      %dma_wait3A_236 = tpu.memref_slice %arg5[%add3A_230, %dma_wait3A_235] : memref<20480x128xf32, #tpu.memory_space<hbm>> -> memref<640x128xf32, #tpu.memory_space<hbm>>
      %dma_wait3A_237 = arith.constant 0 : i32
      %dma_wait3A_238 = tpu.memref_slice %arg21[%mul3A_4, %dma_wait3A_237] : memref<10240x128xf32, #tpu.memory_space<vmem_shared>> -> memref<640x128xf32, #tpu.memory_space<vmem_shared>>
      tpu.wait_dma2 semaphore(%run_scoped3A : memref<!tpu.dma_semaphore, #tpu.memory_space<semaphore_mem>>) src(%dma_wait3A_238 : memref<640x128xf32, #tpu.memory_space<vmem_shared>>) dst(%dma_wait3A_236 : memref<640x128xf32, #tpu.memory_space<hbm>>)
      tpu.yield
    }) : () -> ()
    return
  }
}

#map = affine_map<(d0, d1) -> (0)>
#map1 = affine_map<(d0, d1) -> (0, 0)>
module attributes {stable_mosaic.version = 14 : i64} {
  func.func @_sc_deg(%arg0: i32, %arg1: i32, %arg2: memref<320000xi32, #tpu.memory_space<hbm>>, %arg3: memref<20480x128xf32, #tpu.memory_space<hbm>>, %arg4: memref<40xi32, #tpu.memory_space<vmem>>, %arg5: memref<40xi32, #tpu.memory_space<vmem>>, %arg6: memref<40xi32, #tpu.memory_space<vmem>>, %arg7: memref<40xi32, #tpu.memory_space<vmem>>, %arg8: memref<40xi32, #tpu.memory_space<vmem>>, %arg9: memref<40x128xf32, #tpu.memory_space<vmem>>, %arg10: memref<10240x128xf32, #tpu.memory_space<vmem_shared>>, %arg11: memref<!tpu.dma_semaphore, #tpu.memory_space<semaphore_mem>>, %arg12: memref<!tpu.dma_semaphore, #tpu.memory_space<semaphore_mem>>, %arg13: memref<!tpu.dma_semaphore, #tpu.memory_space<semaphore_mem>>, %arg14: memref<!tpu.dma_semaphore, #tpu.memory_space<semaphore_mem>>, %arg15: memref<!tpu.dma_semaphore, #tpu.memory_space<semaphore_mem>>, %arg16: memref<!tpu.dma_semaphore, #tpu.memory_space<semaphore_mem>>, %arg17: memref<!tpu.dma_semaphore, #tpu.memory_space<semaphore_mem>>, %arg18: memref<!tpu.dma_semaphore, #tpu.memory_space<semaphore_mem>>, %arg19: memref<!tpu.dma_semaphore, #tpu.memory_space<semaphore_mem>>, %arg20: memref<!tpu.dma_semaphore, #tpu.memory_space<semaphore_mem>>) attributes {dimension_semantics = [#tpu.dimension_semantics<core_parallel>, #tpu.dimension_semantics<subcore_parallel>], iteration_bounds = array<i64: 2, 16>, scalar_prefetch = 0 : i64, scratch_operands = 17 : i64, tpu.core_type = #tpu.core_type<sc_vector_subcore>, window_params = [{transform_indices = #map}, {transform_indices = #map1}]} {
    %mul3A = arith.constant 2 : i32
    %mul3A_0 = arith.muli %arg1, %mul3A : i32
    %add3A = arith.addi %mul3A_0, %arg0 : i32
    %mul3A_1 = arith.constant 10000 : i32
    %mul3A_2 = arith.muli %add3A, %mul3A_1 : i32
    %mul3A_3 = arith.constant 640 : i32
    %mul3A_4 = arith.muli %arg1, %mul3A_3 : i32
    %broadcast_in_dim3A = arith.constant 1.000000e+00 : f32
    %broadcast_in_dim3A_5 = vector.broadcast %broadcast_in_dim3A : f32 to vector<16xf32>
    %broadcast_in_dim3A_6 = arith.constant 0.000000e+00 : f32
    %broadcast_in_dim3A_7 = vector.broadcast %broadcast_in_dim3A_6 : f32 to vector<16xf32>
    %scan3A = arith.constant 0 : i32
    %scan3A_8 = arith.constant 0 : i32
    %scan3A_9 = arith.constant 40 : i32
    %scan3A_10 = arith.addi %scan3A_8, %scan3A_9 : i32
    %scan3A_11 = arith.constant 1 : i32
    scf.for %scan3A_213 = %scan3A_8 to %scan3A_10 step %scan3A_11  : i32 {
      %swap3A = arith.index_cast %scan3A_213 : i32 to index
      %swap3A_214 = arith.constant 0 : index
      %swap3A_215 = tpu.vector_load %arg9[%swap3A, %swap3A_214] {strides = array<i32>} : memref<40x128xf32, #tpu.memory_space<vmem>>, vector<1x16xf32>,
      %swap3A_216 = vector.shape_cast %swap3A_215 : vector<1x16xf32> to vector<16xf32>
      %swap3A_217 = vector.shape_cast %broadcast_in_dim3A_7 : vector<16xf32> to vector<1x16xf32>
      tpu.vector_store %arg9[%swap3A, %swap3A_214], %swap3A_217 {strides = array<i32>} : memref<40x128xf32, #tpu.memory_space<vmem>>, vector<1x16xf32>,
      %swap3A_218 = arith.index_cast %scan3A_213 : i32 to index
      %swap3A_219 = arith.constant 16 : index
      %swap3A_220 = tpu.vector_load %arg9[%swap3A_218, %swap3A_219] {strides = array<i32>} : memref<40x128xf32, #tpu.memory_space<vmem>>, vector<1x16xf32>,
      %swap3A_221 = vector.shape_cast %swap3A_220 : vector<1x16xf32> to vector<16xf32>
      %swap3A_222 = vector.shape_cast %broadcast_in_dim3A_7 : vector<16xf32> to vector<1x16xf32>
      tpu.vector_store %arg9[%swap3A_218, %swap3A_219], %swap3A_222 {strides = array<i32>} : memref<40x128xf32, #tpu.memory_space<vmem>>, vector<1x16xf32>,
      %swap3A_223 = arith.index_cast %scan3A_213 : i32 to index
      %swap3A_224 = arith.constant 32 : index
      %swap3A_225 = tpu.vector_load %arg9[%swap3A_223, %swap3A_224] {strides = array<i32>} : memref<40x128xf32, #tpu.memory_space<vmem>>, vector<1x16xf32>,
      %swap3A_226 = vector.shape_cast %swap3A_225 : vector<1x16xf32> to vector<16xf32>
      %swap3A_227 = vector.shape_cast %broadcast_in_dim3A_7 : vector<16xf32> to vector<1x16xf32>
      tpu.vector_store %arg9[%swap3A_223, %swap3A_224], %swap3A_227 {strides = array<i32>} : memref<40x128xf32, #tpu.memory_space<vmem>>, vector<1x16xf32>,
      %swap3A_228 = arith.index_cast %scan3A_213 : i32 to index
      %swap3A_229 = arith.constant 48 : index
      %swap3A_230 = tpu.vector_load %arg9[%swap3A_228, %swap3A_229] {strides = array<i32>} : memref<40x128xf32, #tpu.memory_space<vmem>>, vector<1x16xf32>,
      %swap3A_231 = vector.shape_cast %swap3A_230 : vector<1x16xf32> to vector<16xf32>
      %swap3A_232 = vector.shape_cast %broadcast_in_dim3A_7 : vector<16xf32> to vector<1x16xf32>
      tpu.vector_store %arg9[%swap3A_228, %swap3A_229], %swap3A_232 {strides = array<i32>} : memref<40x128xf32, #tpu.memory_space<vmem>>, vector<1x16xf32>,
      %swap3A_233 = arith.index_cast %scan3A_213 : i32 to index
      %swap3A_234 = arith.constant 64 : index
      %swap3A_235 = tpu.vector_load %arg9[%swap3A_233, %swap3A_234] {strides = array<i32>} : memref<40x128xf32, #tpu.memory_space<vmem>>, vector<1x16xf32>,
      %swap3A_236 = vector.shape_cast %swap3A_235 : vector<1x16xf32> to vector<16xf32>
      %swap3A_237 = vector.shape_cast %broadcast_in_dim3A_7 : vector<16xf32> to vector<1x16xf32>
      tpu.vector_store %arg9[%swap3A_233, %swap3A_234], %swap3A_237 {strides = array<i32>} : memref<40x128xf32, #tpu.memory_space<vmem>>, vector<1x16xf32>,
      %swap3A_238 = arith.index_cast %scan3A_213 : i32 to index
      %swap3A_239 = arith.constant 80 : index
      %swap3A_240 = tpu.vector_load %arg9[%swap3A_238, %swap3A_239] {strides = array<i32>} : memref<40x128xf32, #tpu.memory_space<vmem>>, vector<1x16xf32>,
      %swap3A_241 = vector.shape_cast %swap3A_240 : vector<1x16xf32> to vector<16xf32>
      %swap3A_242 = vector.shape_cast %broadcast_in_dim3A_7 : vector<16xf32> to vector<1x16xf32>
      tpu.vector_store %arg9[%swap3A_238, %swap3A_239], %swap3A_242 {strides = array<i32>} : memref<40x128xf32, #tpu.memory_space<vmem>>, vector<1x16xf32>,
      %swap3A_243 = arith.index_cast %scan3A_213 : i32 to index
      %swap3A_244 = arith.constant 96 : index
      %swap3A_245 = tpu.vector_load %arg9[%swap3A_243, %swap3A_244] {strides = array<i32>} : memref<40x128xf32, #tpu.memory_space<vmem>>, vector<1x16xf32>,
      %swap3A_246 = vector.shape_cast %swap3A_245 : vector<1x16xf32> to vector<16xf32>
      %swap3A_247 = vector.shape_cast %broadcast_in_dim3A_7 : vector<16xf32> to vector<1x16xf32>
      tpu.vector_store %arg9[%swap3A_243, %swap3A_244], %swap3A_247 {strides = array<i32>} : memref<40x128xf32, #tpu.memory_space<vmem>>, vector<1x16xf32>,
      %swap3A_248 = arith.index_cast %scan3A_213 : i32 to index
      %swap3A_249 = arith.constant 112 : index
      %swap3A_250 = tpu.vector_load %arg9[%swap3A_248, %swap3A_249] {strides = array<i32>} : memref<40x128xf32, #tpu.memory_space<vmem>>, vector<1x16xf32>,
      %swap3A_251 = vector.shape_cast %swap3A_250 : vector<1x16xf32> to vector<16xf32>
      %swap3A_252 = vector.shape_cast %broadcast_in_dim3A_7 : vector<16xf32> to vector<1x16xf32>
      tpu.vector_store %arg9[%swap3A_248, %swap3A_249], %swap3A_252 {strides = array<i32>} : memref<40x128xf32, #tpu.memory_space<vmem>>, vector<1x16xf32>,
    }
    %scan3A_12 = arith.constant 40 : i32
    %add3A_13 = arith.constant 0 : i32
    %add3A_14 = arith.addi %mul3A_4, %add3A_13 : i32
    %dma_start3A = arith.constant 0 : i32
    %dma_start3A_15 = tpu.memref_slice %arg10[%add3A_14, %dma_start3A] : memref<10240x128xf32, #tpu.memory_space<vmem_shared>> -> memref<40x128xf32, #tpu.memory_space<vmem_shared>>
    %dma_start3A_16 = arith.constant 0 : i32
    %dma_start3A_17 = tpu.memref_slice %arg10[%add3A_14, %dma_start3A_16] : memref<10240x128xf32, #tpu.memory_space<vmem_shared>> -> memref<40x128xf32, #tpu.memory_space<vmem_shared>>
    tpu.enqueue_dma source(%arg9 : memref<40x128xf32, #tpu.memory_space<vmem>>) target(%dma_start3A_17 : memref<40x128xf32, #tpu.memory_space<vmem_shared>>) target_semaphore(%arg11 : memref<!tpu.dma_semaphore, #tpu.memory_space<semaphore_mem>>)
    %add3A_18 = arith.constant 40 : i32
    %add3A_19 = arith.addi %mul3A_4, %add3A_18 : i32
    %dma_start3A_20 = arith.constant 0 : i32
    %dma_start3A_21 = tpu.memref_slice %arg10[%add3A_19, %dma_start3A_20] : memref<10240x128xf32, #tpu.memory_space<vmem_shared>> -> memref<40x128xf32, #tpu.memory_space<vmem_shared>>
    %dma_start3A_22 = arith.constant 0 : i32
    %dma_start3A_23 = tpu.memref_slice %arg10[%add3A_19, %dma_start3A_22] : memref<10240x128xf32, #tpu.memory_space<vmem_shared>> -> memref<40x128xf32, #tpu.memory_space<vmem_shared>>
    tpu.enqueue_dma source(%arg9 : memref<40x128xf32, #tpu.memory_space<vmem>>) target(%dma_start3A_23 : memref<40x128xf32, #tpu.memory_space<vmem_shared>>) target_semaphore(%arg11 : memref<!tpu.dma_semaphore, #tpu.memory_space<semaphore_mem>>)
    %add3A_24 = arith.constant 80 : i32
    %add3A_25 = arith.addi %mul3A_4, %add3A_24 : i32
    %dma_start3A_26 = arith.constant 0 : i32
    %dma_start3A_27 = tpu.memref_slice %arg10[%add3A_25, %dma_start3A_26] : memref<10240x128xf32, #tpu.memory_space<vmem_shared>> -> memref<40x128xf32, #tpu.memory_space<vmem_shared>>
    %dma_start3A_28 = arith.constant 0 : i32
    %dma_start3A_29 = tpu.memref_slice %arg10[%add3A_25, %dma_start3A_28] : memref<10240x128xf32, #tpu.memory_space<vmem_shared>> -> memref<40x128xf32, #tpu.memory_space<vmem_shared>>
    tpu.enqueue_dma source(%arg9 : memref<40x128xf32, #tpu.memory_space<vmem>>) target(%dma_start3A_29 : memref<40x128xf32, #tpu.memory_space<vmem_shared>>) target_semaphore(%arg11 : memref<!tpu.dma_semaphore, #tpu.memory_space<semaphore_mem>>)
    %add3A_30 = arith.constant 120 : i32
    %add3A_31 = arith.addi %mul3A_4, %add3A_30 : i32
    %dma_start3A_32 = arith.constant 0 : i32
    %dma_start3A_33 = tpu.memref_slice %arg10[%add3A_31, %dma_start3A_32] : memref<10240x128xf32, #tpu.memory_space<vmem_shared>> -> memref<40x128xf32, #tpu.memory_space<vmem_shared>>
    %dma_start3A_34 = arith.constant 0 : i32
    %dma_start3A_35 = tpu.memref_slice %arg10[%add3A_31, %dma_start3A_34] : memref<10240x128xf32, #tpu.memory_space<vmem_shared>> -> memref<40x128xf32, #tpu.memory_space<vmem_shared>>
    tpu.enqueue_dma source(%arg9 : memref<40x128xf32, #tpu.memory_space<vmem>>) target(%dma_start3A_35 : memref<40x128xf32, #tpu.memory_space<vmem_shared>>) target_semaphore(%arg11 : memref<!tpu.dma_semaphore, #tpu.memory_space<semaphore_mem>>)
    %add3A_36 = arith.constant 160 : i32
    %add3A_37 = arith.addi %mul3A_4, %add3A_36 : i32
    %dma_start3A_38 = arith.constant 0 : i32
    %dma_start3A_39 = tpu.memref_slice %arg10[%add3A_37, %dma_start3A_38] : memref<10240x128xf32, #tpu.memory_space<vmem_shared>> -> memref<40x128xf32, #tpu.memory_space<vmem_shared>>
    %dma_start3A_40 = arith.constant 0 : i32
    %dma_start3A_41 = tpu.memref_slice %arg10[%add3A_37, %dma_start3A_40] : memref<10240x128xf32, #tpu.memory_space<vmem_shared>> -> memref<40x128xf32, #tpu.memory_space<vmem_shared>>
    tpu.enqueue_dma source(%arg9 : memref<40x128xf32, #tpu.memory_space<vmem>>) target(%dma_start3A_41 : memref<40x128xf32, #tpu.memory_space<vmem_shared>>) target_semaphore(%arg11 : memref<!tpu.dma_semaphore, #tpu.memory_space<semaphore_mem>>)
    %add3A_42 = arith.constant 200 : i32
    %add3A_43 = arith.addi %mul3A_4, %add3A_42 : i32
    %dma_start3A_44 = arith.constant 0 : i32
    %dma_start3A_45 = tpu.memref_slice %arg10[%add3A_43, %dma_start3A_44] : memref<10240x128xf32, #tpu.memory_space<vmem_shared>> -> memref<40x128xf32, #tpu.memory_space<vmem_shared>>
    %dma_start3A_46 = arith.constant 0 : i32
    %dma_start3A_47 = tpu.memref_slice %arg10[%add3A_43, %dma_start3A_46] : memref<10240x128xf32, #tpu.memory_space<vmem_shared>> -> memref<40x128xf32, #tpu.memory_space<vmem_shared>>
    tpu.enqueue_dma source(%arg9 : memref<40x128xf32, #tpu.memory_space<vmem>>) target(%dma_start3A_47 : memref<40x128xf32, #tpu.memory_space<vmem_shared>>) target_semaphore(%arg11 : memref<!tpu.dma_semaphore, #tpu.memory_space<semaphore_mem>>)
    %add3A_48 = arith.constant 240 : i32
    %add3A_49 = arith.addi %mul3A_4, %add3A_48 : i32
    %dma_start3A_50 = arith.constant 0 : i32
    %dma_start3A_51 = tpu.memref_slice %arg10[%add3A_49, %dma_start3A_50] : memref<10240x128xf32, #tpu.memory_space<vmem_shared>> -> memref<40x128xf32, #tpu.memory_space<vmem_shared>>
    %dma_start3A_52 = arith.constant 0 : i32
    %dma_start3A_53 = tpu.memref_slice %arg10[%add3A_49, %dma_start3A_52] : memref<10240x128xf32, #tpu.memory_space<vmem_shared>> -> memref<40x128xf32, #tpu.memory_space<vmem_shared>>
    tpu.enqueue_dma source(%arg9 : memref<40x128xf32, #tpu.memory_space<vmem>>) target(%dma_start3A_53 : memref<40x128xf32, #tpu.memory_space<vmem_shared>>) target_semaphore(%arg11 : memref<!tpu.dma_semaphore, #tpu.memory_space<semaphore_mem>>)
    %add3A_54 = arith.constant 280 : i32
    %add3A_55 = arith.addi %mul3A_4, %add3A_54 : i32
    %dma_start3A_56 = arith.constant 0 : i32
    %dma_start3A_57 = tpu.memref_slice %arg10[%add3A_55, %dma_start3A_56] : memref<10240x128xf32, #tpu.memory_space<vmem_shared>> -> memref<40x128xf32, #tpu.memory_space<vmem_shared>>
    %dma_start3A_58 = arith.constant 0 : i32
    %dma_start3A_59 = tpu.memref_slice %arg10[%add3A_55, %dma_start3A_58] : memref<10240x128xf32, #tpu.memory_space<vmem_shared>> -> memref<40x128xf32, #tpu.memory_space<vmem_shared>>
    tpu.enqueue_dma source(%arg9 : memref<40x128xf32, #tpu.memory_space<vmem>>) target(%dma_start3A_59 : memref<40x128xf32, #tpu.memory_space<vmem_shared>>) target_semaphore(%arg11 : memref<!tpu.dma_semaphore, #tpu.memory_space<semaphore_mem>>)
    %add3A_60 = arith.constant 320 : i32
    %add3A_61 = arith.addi %mul3A_4, %add3A_60 : i32
    %dma_start3A_62 = arith.constant 0 : i32
    %dma_start3A_63 = tpu.memref_slice %arg10[%add3A_61, %dma_start3A_62] : memref<10240x128xf32, #tpu.memory_space<vmem_shared>> -> memref<40x128xf32, #tpu.memory_space<vmem_shared>>
    %dma_start3A_64 = arith.constant 0 : i32
    %dma_start3A_65 = tpu.memref_slice %arg10[%add3A_61, %dma_start3A_64] : memref<10240x128xf32, #tpu.memory_space<vmem_shared>> -> memref<40x128xf32, #tpu.memory_space<vmem_shared>>
    tpu.enqueue_dma source(%arg9 : memref<40x128xf32, #tpu.memory_space<vmem>>) target(%dma_start3A_65 : memref<40x128xf32, #tpu.memory_space<vmem_shared>>) target_semaphore(%arg11 : memref<!tpu.dma_semaphore, #tpu.memory_space<semaphore_mem>>)
    %add3A_66 = arith.constant 360 : i32
    %add3A_67 = arith.addi %mul3A_4, %add3A_66 : i32
    %dma_start3A_68 = arith.constant 0 : i32
    %dma_start3A_69 = tpu.memref_slice %arg10[%add3A_67, %dma_start3A_68] : memref<10240x128xf32, #tpu.memory_space<vmem_shared>> -> memref<40x128xf32, #tpu.memory_space<vmem_shared>>
    %dma_start3A_70 = arith.constant 0 : i32
    %dma_start3A_71 = tpu.memref_slice %arg10[%add3A_67, %dma_start3A_70] : memref<10240x128xf32, #tpu.memory_space<vmem_shared>> -> memref<40x128xf32, #tpu.memory_space<vmem_shared>>
    tpu.enqueue_dma source(%arg9 : memref<40x128xf32, #tpu.memory_space<vmem>>) target(%dma_start3A_71 : memref<40x128xf32, #tpu.memory_space<vmem_shared>>) target_semaphore(%arg11 : memref<!tpu.dma_semaphore, #tpu.memory_space<semaphore_mem>>)
    %add3A_72 = arith.constant 400 : i32
    %add3A_73 = arith.addi %mul3A_4, %add3A_72 : i32
    %dma_start3A_74 = arith.constant 0 : i32
    %dma_start3A_75 = tpu.memref_slice %arg10[%add3A_73, %dma_start3A_74] : memref<10240x128xf32, #tpu.memory_space<vmem_shared>> -> memref<40x128xf32, #tpu.memory_space<vmem_shared>>
    %dma_start3A_76 = arith.constant 0 : i32
    %dma_start3A_77 = tpu.memref_slice %arg10[%add3A_73, %dma_start3A_76] : memref<10240x128xf32, #tpu.memory_space<vmem_shared>> -> memref<40x128xf32, #tpu.memory_space<vmem_shared>>
    tpu.enqueue_dma source(%arg9 : memref<40x128xf32, #tpu.memory_space<vmem>>) target(%dma_start3A_77 : memref<40x128xf32, #tpu.memory_space<vmem_shared>>) target_semaphore(%arg11 : memref<!tpu.dma_semaphore, #tpu.memory_space<semaphore_mem>>)
    %add3A_78 = arith.constant 440 : i32
    %add3A_79 = arith.addi %mul3A_4, %add3A_78 : i32
    %dma_start3A_80 = arith.constant 0 : i32
    %dma_start3A_81 = tpu.memref_slice %arg10[%add3A_79, %dma_start3A_80] : memref<10240x128xf32, #tpu.memory_space<vmem_shared>> -> memref<40x128xf32, #tpu.memory_space<vmem_shared>>
    %dma_start3A_82 = arith.constant 0 : i32
    %dma_start3A_83 = tpu.memref_slice %arg10[%add3A_79, %dma_start3A_82] : memref<10240x128xf32, #tpu.memory_space<vmem_shared>> -> memref<40x128xf32, #tpu.memory_space<vmem_shared>>
    tpu.enqueue_dma source(%arg9 : memref<40x128xf32, #tpu.memory_space<vmem>>) target(%dma_start3A_83 : memref<40x128xf32, #tpu.memory_space<vmem_shared>>) target_semaphore(%arg11 : memref<!tpu.dma_semaphore, #tpu.memory_space<semaphore_mem>>)
    %add3A_84 = arith.constant 480 : i32
    %add3A_85 = arith.addi %mul3A_4, %add3A_84 : i32
    %dma_start3A_86 = arith.constant 0 : i32
    %dma_start3A_87 = tpu.memref_slice %arg10[%add3A_85, %dma_start3A_86] : memref<10240x128xf32, #tpu.memory_space<vmem_shared>> -> memref<40x128xf32, #tpu.memory_space<vmem_shared>>
    %dma_start3A_88 = arith.constant 0 : i32
    %dma_start3A_89 = tpu.memref_slice %arg10[%add3A_85, %dma_start3A_88] : memref<10240x128xf32, #tpu.memory_space<vmem_shared>> -> memref<40x128xf32, #tpu.memory_space<vmem_shared>>
    tpu.enqueue_dma source(%arg9 : memref<40x128xf32, #tpu.memory_space<vmem>>) target(%dma_start3A_89 : memref<40x128xf32, #tpu.memory_space<vmem_shared>>) target_semaphore(%arg11 : memref<!tpu.dma_semaphore, #tpu.memory_space<semaphore_mem>>)
    %add3A_90 = arith.constant 520 : i32
    %add3A_91 = arith.addi %mul3A_4, %add3A_90 : i32
    %dma_start3A_92 = arith.constant 0 : i32
    %dma_start3A_93 = tpu.memref_slice %arg10[%add3A_91, %dma_start3A_92] : memref<10240x128xf32, #tpu.memory_space<vmem_shared>> -> memref<40x128xf32, #tpu.memory_space<vmem_shared>>
    %dma_start3A_94 = arith.constant 0 : i32
    %dma_start3A_95 = tpu.memref_slice %arg10[%add3A_91, %dma_start3A_94] : memref<10240x128xf32, #tpu.memory_space<vmem_shared>> -> memref<40x128xf32, #tpu.memory_space<vmem_shared>>
    tpu.enqueue_dma source(%arg9 : memref<40x128xf32, #tpu.memory_space<vmem>>) target(%dma_start3A_95 : memref<40x128xf32, #tpu.memory_space<vmem_shared>>) target_semaphore(%arg11 : memref<!tpu.dma_semaphore, #tpu.memory_space<semaphore_mem>>)
    %add3A_96 = arith.constant 560 : i32
    %add3A_97 = arith.addi %mul3A_4, %add3A_96 : i32
    %dma_start3A_98 = arith.constant 0 : i32
    %dma_start3A_99 = tpu.memref_slice %arg10[%add3A_97, %dma_start3A_98] : memref<10240x128xf32, #tpu.memory_space<vmem_shared>> -> memref<40x128xf32, #tpu.memory_space<vmem_shared>>
    %dma_start3A_100 = arith.constant 0 : i32
    %dma_start3A_101 = tpu.memref_slice %arg10[%add3A_97, %dma_start3A_100] : memref<10240x128xf32, #tpu.memory_space<vmem_shared>> -> memref<40x128xf32, #tpu.memory_space<vmem_shared>>
    tpu.enqueue_dma source(%arg9 : memref<40x128xf32, #tpu.memory_space<vmem>>) target(%dma_start3A_101 : memref<40x128xf32, #tpu.memory_space<vmem_shared>>) target_semaphore(%arg11 : memref<!tpu.dma_semaphore, #tpu.memory_space<semaphore_mem>>)
    %add3A_102 = arith.constant 600 : i32
    %add3A_103 = arith.addi %mul3A_4, %add3A_102 : i32
    %dma_start3A_104 = arith.constant 0 : i32
    %dma_start3A_105 = tpu.memref_slice %arg10[%add3A_103, %dma_start3A_104] : memref<10240x128xf32, #tpu.memory_space<vmem_shared>> -> memref<40x128xf32, #tpu.memory_space<vmem_shared>>
    %dma_start3A_106 = arith.constant 0 : i32
    %dma_start3A_107 = tpu.memref_slice %arg10[%add3A_103, %dma_start3A_106] : memref<10240x128xf32, #tpu.memory_space<vmem_shared>> -> memref<40x128xf32, #tpu.memory_space<vmem_shared>>
    tpu.enqueue_dma source(%arg9 : memref<40x128xf32, #tpu.memory_space<vmem>>) target(%dma_start3A_107 : memref<40x128xf32, #tpu.memory_space<vmem_shared>>) target_semaphore(%arg11 : memref<!tpu.dma_semaphore, #tpu.memory_space<semaphore_mem>>)
    %dma_wait3A = arith.constant 0 : i32
    %dma_wait3A_108 = tpu.memref_slice %arg10[%mul3A_4, %dma_wait3A] : memref<10240x128xf32, #tpu.memory_space<vmem_shared>> -> memref<40x128xf32, #tpu.memory_space<vmem_shared>>
    %dma_wait3A_109 = arith.constant 0 : i32
    %dma_wait3A_110 = tpu.memref_slice %arg10[%mul3A_4, %dma_wait3A_109] : memref<10240x128xf32, #tpu.memory_space<vmem_shared>> -> memref<40x128xf32, #tpu.memory_space<vmem_shared>>
    tpu.wait_dma2 semaphore(%arg11 : memref<!tpu.dma_semaphore, #tpu.memory_space<semaphore_mem>>) src(%arg9 : memref<40x128xf32, #tpu.memory_space<vmem>>) dst(%dma_wait3A_110 : memref<40x128xf32, #tpu.memory_space<vmem_shared>>)
    %dma_wait3A_111 = arith.constant 0 : i32
    %dma_wait3A_112 = tpu.memref_slice %arg10[%mul3A_4, %dma_wait3A_111] : memref<10240x128xf32, #tpu.memory_space<vmem_shared>> -> memref<40x128xf32, #tpu.memory_space<vmem_shared>>
    %dma_wait3A_113 = arith.constant 0 : i32
    %dma_wait3A_114 = tpu.memref_slice %arg10[%mul3A_4, %dma_wait3A_113] : memref<10240x128xf32, #tpu.memory_space<vmem_shared>> -> memref<40x128xf32, #tpu.memory_space<vmem_shared>>
    tpu.wait_dma2 semaphore(%arg11 : memref<!tpu.dma_semaphore, #tpu.memory_space<semaphore_mem>>) src(%arg9 : memref<40x128xf32, #tpu.memory_space<vmem>>) dst(%dma_wait3A_114 : memref<40x128xf32, #tpu.memory_space<vmem_shared>>)
    %dma_wait3A_115 = arith.constant 0 : i32
    %dma_wait3A_116 = tpu.memref_slice %arg10[%mul3A_4, %dma_wait3A_115] : memref<10240x128xf32, #tpu.memory_space<vmem_shared>> -> memref<40x128xf32, #tpu.memory_space<vmem_shared>>
    %dma_wait3A_117 = arith.constant 0 : i32
    %dma_wait3A_118 = tpu.memref_slice %arg10[%mul3A_4, %dma_wait3A_117] : memref<10240x128xf32, #tpu.memory_space<vmem_shared>> -> memref<40x128xf32, #tpu.memory_space<vmem_shared>>
    tpu.wait_dma2 semaphore(%arg11 : memref<!tpu.dma_semaphore, #tpu.memory_space<semaphore_mem>>) src(%arg9 : memref<40x128xf32, #tpu.memory_space<vmem>>) dst(%dma_wait3A_118 : memref<40x128xf32, #tpu.memory_space<vmem_shared>>)
    %dma_wait3A_119 = arith.constant 0 : i32
    %dma_wait3A_120 = tpu.memref_slice %arg10[%mul3A_4, %dma_wait3A_119] : memref<10240x128xf32, #tpu.memory_space<vmem_shared>> -> memref<40x128xf32, #tpu.memory_space<vmem_shared>>
    %dma_wait3A_121 = arith.constant 0 : i32
    %dma_wait3A_122 = tpu.memref_slice %arg10[%mul3A_4, %dma_wait3A_121] : memref<10240x128xf32, #tpu.memory_space<vmem_shared>> -> memref<40x128xf32, #tpu.memory_space<vmem_shared>>
    tpu.wait_dma2 semaphore(%arg11 : memref<!tpu.dma_semaphore, #tpu.memory_space<semaphore_mem>>) src(%arg9 : memref<40x128xf32, #tpu.memory_space<vmem>>) dst(%dma_wait3A_122 : memref<40x128xf32, #tpu.memory_space<vmem_shared>>)
    %dma_wait3A_123 = arith.constant 0 : i32
    %dma_wait3A_124 = tpu.memref_slice %arg10[%mul3A_4, %dma_wait3A_123] : memref<10240x128xf32, #tpu.memory_space<vmem_shared>> -> memref<40x128xf32, #tpu.memory_space<vmem_shared>>
    %dma_wait3A_125 = arith.constant 0 : i32
    %dma_wait3A_126 = tpu.memref_slice %arg10[%mul3A_4, %dma_wait3A_125] : memref<10240x128xf32, #tpu.memory_space<vmem_shared>> -> memref<40x128xf32, #tpu.memory_space<vmem_shared>>
    tpu.wait_dma2 semaphore(%arg11 : memref<!tpu.dma_semaphore, #tpu.memory_space<semaphore_mem>>) src(%arg9 : memref<40x128xf32, #tpu.memory_space<vmem>>) dst(%dma_wait3A_126 : memref<40x128xf32, #tpu.memory_space<vmem_shared>>)
    %dma_wait3A_127 = arith.constant 0 : i32
    %dma_wait3A_128 = tpu.memref_slice %arg10[%mul3A_4, %dma_wait3A_127] : memref<10240x128xf32, #tpu.memory_space<vmem_shared>> -> memref<40x128xf32, #tpu.memory_space<vmem_shared>>
    %dma_wait3A_129 = arith.constant 0 : i32
    %dma_wait3A_130 = tpu.memref_slice %arg10[%mul3A_4, %dma_wait3A_129] : memref<10240x128xf32, #tpu.memory_space<vmem_shared>> -> memref<40x128xf32, #tpu.memory_space<vmem_shared>>
    tpu.wait_dma2 semaphore(%arg11 : memref<!tpu.dma_semaphore, #tpu.memory_space<semaphore_mem>>) src(%arg9 : memref<40x128xf32, #tpu.memory_space<vmem>>) dst(%dma_wait3A_130 : memref<40x128xf32, #tpu.memory_space<vmem_shared>>)
    %dma_wait3A_131 = arith.constant 0 : i32
    %dma_wait3A_132 = tpu.memref_slice %arg10[%mul3A_4, %dma_wait3A_131] : memref<10240x128xf32, #tpu.memory_space<vmem_shared>> -> memref<40x128xf32, #tpu.memory_space<vmem_shared>>
    %dma_wait3A_133 = arith.constant 0 : i32
    %dma_wait3A_134 = tpu.memref_slice %arg10[%mul3A_4, %dma_wait3A_133] : memref<10240x128xf32, #tpu.memory_space<vmem_shared>> -> memref<40x128xf32, #tpu.memory_space<vmem_shared>>
    tpu.wait_dma2 semaphore(%arg11 : memref<!tpu.dma_semaphore, #tpu.memory_space<semaphore_mem>>) src(%arg9 : memref<40x128xf32, #tpu.memory_space<vmem>>) dst(%dma_wait3A_134 : memref<40x128xf32, #tpu.memory_space<vmem_shared>>)
    %dma_wait3A_135 = arith.constant 0 : i32
    %dma_wait3A_136 = tpu.memref_slice %arg10[%mul3A_4, %dma_wait3A_135] : memref<10240x128xf32, #tpu.memory_space<vmem_shared>> -> memref<40x128xf32, #tpu.memory_space<vmem_shared>>
    %dma_wait3A_137 = arith.constant 0 : i32
    %dma_wait3A_138 = tpu.memref_slice %arg10[%mul3A_4, %dma_wait3A_137] : memref<10240x128xf32, #tpu.memory_space<vmem_shared>> -> memref<40x128xf32, #tpu.memory_space<vmem_shared>>
    tpu.wait_dma2 semaphore(%arg11 : memref<!tpu.dma_semaphore, #tpu.memory_space<semaphore_mem>>) src(%arg9 : memref<40x128xf32, #tpu.memory_space<vmem>>) dst(%dma_wait3A_138 : memref<40x128xf32, #tpu.memory_space<vmem_shared>>)
    %dma_wait3A_139 = arith.constant 0 : i32
    %dma_wait3A_140 = tpu.memref_slice %arg10[%mul3A_4, %dma_wait3A_139] : memref<10240x128xf32, #tpu.memory_space<vmem_shared>> -> memref<40x128xf32, #tpu.memory_space<vmem_shared>>
    %dma_wait3A_141 = arith.constant 0 : i32
    %dma_wait3A_142 = tpu.memref_slice %arg10[%mul3A_4, %dma_wait3A_141] : memref<10240x128xf32, #tpu.memory_space<vmem_shared>> -> memref<40x128xf32, #tpu.memory_space<vmem_shared>>
    tpu.wait_dma2 semaphore(%arg11 : memref<!tpu.dma_semaphore, #tpu.memory_space<semaphore_mem>>) src(%arg9 : memref<40x128xf32, #tpu.memory_space<vmem>>) dst(%dma_wait3A_142 : memref<40x128xf32, #tpu.memory_space<vmem_shared>>)
    %dma_wait3A_143 = arith.constant 0 : i32
    %dma_wait3A_144 = tpu.memref_slice %arg10[%mul3A_4, %dma_wait3A_143] : memref<10240x128xf32, #tpu.memory_space<vmem_shared>> -> memref<40x128xf32, #tpu.memory_space<vmem_shared>>
    %dma_wait3A_145 = arith.constant 0 : i32
    %dma_wait3A_146 = tpu.memref_slice %arg10[%mul3A_4, %dma_wait3A_145] : memref<10240x128xf32, #tpu.memory_space<vmem_shared>> -> memref<40x128xf32, #tpu.memory_space<vmem_shared>>
    tpu.wait_dma2 semaphore(%arg11 : memref<!tpu.dma_semaphore, #tpu.memory_space<semaphore_mem>>) src(%arg9 : memref<40x128xf32, #tpu.memory_space<vmem>>) dst(%dma_wait3A_146 : memref<40x128xf32, #tpu.memory_space<vmem_shared>>)
    %dma_wait3A_147 = arith.constant 0 : i32
    %dma_wait3A_148 = tpu.memref_slice %arg10[%mul3A_4, %dma_wait3A_147] : memref<10240x128xf32, #tpu.memory_space<vmem_shared>> -> memref<40x128xf32, #tpu.memory_space<vmem_shared>>
    %dma_wait3A_149 = arith.constant 0 : i32
    %dma_wait3A_150 = tpu.memref_slice %arg10[%mul3A_4, %dma_wait3A_149] : memref<10240x128xf32, #tpu.memory_space<vmem_shared>> -> memref<40x128xf32, #tpu.memory_space<vmem_shared>>
    tpu.wait_dma2 semaphore(%arg11 : memref<!tpu.dma_semaphore, #tpu.memory_space<semaphore_mem>>) src(%arg9 : memref<40x128xf32, #tpu.memory_space<vmem>>) dst(%dma_wait3A_150 : memref<40x128xf32, #tpu.memory_space<vmem_shared>>)
    %dma_wait3A_151 = arith.constant 0 : i32
    %dma_wait3A_152 = tpu.memref_slice %arg10[%mul3A_4, %dma_wait3A_151] : memref<10240x128xf32, #tpu.memory_space<vmem_shared>> -> memref<40x128xf32, #tpu.memory_space<vmem_shared>>
    %dma_wait3A_153 = arith.constant 0 : i32
    %dma_wait3A_154 = tpu.memref_slice %arg10[%mul3A_4, %dma_wait3A_153] : memref<10240x128xf32, #tpu.memory_space<vmem_shared>> -> memref<40x128xf32, #tpu.memory_space<vmem_shared>>
    tpu.wait_dma2 semaphore(%arg11 : memref<!tpu.dma_semaphore, #tpu.memory_space<semaphore_mem>>) src(%arg9 : memref<40x128xf32, #tpu.memory_space<vmem>>) dst(%dma_wait3A_154 : memref<40x128xf32, #tpu.memory_space<vmem_shared>>)
    %dma_wait3A_155 = arith.constant 0 : i32
    %dma_wait3A_156 = tpu.memref_slice %arg10[%mul3A_4, %dma_wait3A_155] : memref<10240x128xf32, #tpu.memory_space<vmem_shared>> -> memref<40x128xf32, #tpu.memory_space<vmem_shared>>
    %dma_wait3A_157 = arith.constant 0 : i32
    %dma_wait3A_158 = tpu.memref_slice %arg10[%mul3A_4, %dma_wait3A_157] : memref<10240x128xf32, #tpu.memory_space<vmem_shared>> -> memref<40x128xf32, #tpu.memory_space<vmem_shared>>
    tpu.wait_dma2 semaphore(%arg11 : memref<!tpu.dma_semaphore, #tpu.memory_space<semaphore_mem>>) src(%arg9 : memref<40x128xf32, #tpu.memory_space<vmem>>) dst(%dma_wait3A_158 : memref<40x128xf32, #tpu.memory_space<vmem_shared>>)
    %dma_wait3A_159 = arith.constant 0 : i32
    %dma_wait3A_160 = tpu.memref_slice %arg10[%mul3A_4, %dma_wait3A_159] : memref<10240x128xf32, #tpu.memory_space<vmem_shared>> -> memref<40x128xf32, #tpu.memory_space<vmem_shared>>
    %dma_wait3A_161 = arith.constant 0 : i32
    %dma_wait3A_162 = tpu.memref_slice %arg10[%mul3A_4, %dma_wait3A_161] : memref<10240x128xf32, #tpu.memory_space<vmem_shared>> -> memref<40x128xf32, #tpu.memory_space<vmem_shared>>
    tpu.wait_dma2 semaphore(%arg11 : memref<!tpu.dma_semaphore, #tpu.memory_space<semaphore_mem>>) src(%arg9 : memref<40x128xf32, #tpu.memory_space<vmem>>) dst(%dma_wait3A_162 : memref<40x128xf32, #tpu.memory_space<vmem_shared>>)
    %dma_wait3A_163 = arith.constant 0 : i32
    %dma_wait3A_164 = tpu.memref_slice %arg10[%mul3A_4, %dma_wait3A_163] : memref<10240x128xf32, #tpu.memory_space<vmem_shared>> -> memref<40x128xf32, #tpu.memory_space<vmem_shared>>
    %dma_wait3A_165 = arith.constant 0 : i32
    %dma_wait3A_166 = tpu.memref_slice %arg10[%mul3A_4, %dma_wait3A_165] : memref<10240x128xf32, #tpu.memory_space<vmem_shared>> -> memref<40x128xf32, #tpu.memory_space<vmem_shared>>
    tpu.wait_dma2 semaphore(%arg11 : memref<!tpu.dma_semaphore, #tpu.memory_space<semaphore_mem>>) src(%arg9 : memref<40x128xf32, #tpu.memory_space<vmem>>) dst(%dma_wait3A_166 : memref<40x128xf32, #tpu.memory_space<vmem_shared>>)
    %dma_wait3A_167 = arith.constant 0 : i32
    %dma_wait3A_168 = tpu.memref_slice %arg10[%mul3A_4, %dma_wait3A_167] : memref<10240x128xf32, #tpu.memory_space<vmem_shared>> -> memref<40x128xf32, #tpu.memory_space<vmem_shared>>
    %dma_wait3A_169 = arith.constant 0 : i32
    %dma_wait3A_170 = tpu.memref_slice %arg10[%mul3A_4, %dma_wait3A_169] : memref<10240x128xf32, #tpu.memory_space<vmem_shared>> -> memref<40x128xf32, #tpu.memory_space<vmem_shared>>
    tpu.wait_dma2 semaphore(%arg11 : memref<!tpu.dma_semaphore, #tpu.memory_space<semaphore_mem>>) src(%arg9 : memref<40x128xf32, #tpu.memory_space<vmem>>) dst(%dma_wait3A_170 : memref<40x128xf32, #tpu.memory_space<vmem_shared>>)
    %scan3A_171 = arith.constant 0 : i32
    %scan3A_172 = arith.constant 0 : i32
    %scan3A_173 = arith.constant 40 : i32
    %scan3A_174 = arith.addi %scan3A_172, %scan3A_173 : i32
    %scan3A_175 = arith.constant 1 : i32
    scf.for %scan3A_213 = %scan3A_172 to %scan3A_174 step %scan3A_175  : i32 {
      %swap3A = arith.index_cast %scan3A_213 : i32 to index
      %swap3A_214 = arith.constant 0 : index
      %swap3A_215 = tpu.vector_load %arg9[%swap3A, %swap3A_214] {strides = array<i32>} : memref<40x128xf32, #tpu.memory_space<vmem>>, vector<1x16xf32>,
      %swap3A_216 = vector.shape_cast %swap3A_215 : vector<1x16xf32> to vector<16xf32>
      %swap3A_217 = vector.shape_cast %broadcast_in_dim3A_5 : vector<16xf32> to vector<1x16xf32>
      tpu.vector_store %arg9[%swap3A, %swap3A_214], %swap3A_217 {strides = array<i32>} : memref<40x128xf32, #tpu.memory_space<vmem>>, vector<1x16xf32>,
      %swap3A_218 = arith.index_cast %scan3A_213 : i32 to index
      %swap3A_219 = arith.constant 16 : index
      %swap3A_220 = tpu.vector_load %arg9[%swap3A_218, %swap3A_219] {strides = array<i32>} : memref<40x128xf32, #tpu.memory_space<vmem>>, vector<1x16xf32>,
      %swap3A_221 = vector.shape_cast %swap3A_220 : vector<1x16xf32> to vector<16xf32>
      %swap3A_222 = vector.shape_cast %broadcast_in_dim3A_5 : vector<16xf32> to vector<1x16xf32>
      tpu.vector_store %arg9[%swap3A_218, %swap3A_219], %swap3A_222 {strides = array<i32>} : memref<40x128xf32, #tpu.memory_space<vmem>>, vector<1x16xf32>,
      %swap3A_223 = arith.index_cast %scan3A_213 : i32 to index
      %swap3A_224 = arith.constant 32 : index
      %swap3A_225 = tpu.vector_load %arg9[%swap3A_223, %swap3A_224] {strides = array<i32>} : memref<40x128xf32, #tpu.memory_space<vmem>>, vector<1x16xf32>,
      %swap3A_226 = vector.shape_cast %swap3A_225 : vector<1x16xf32> to vector<16xf32>
      %swap3A_227 = vector.shape_cast %broadcast_in_dim3A_5 : vector<16xf32> to vector<1x16xf32>
      tpu.vector_store %arg9[%swap3A_223, %swap3A_224], %swap3A_227 {strides = array<i32>} : memref<40x128xf32, #tpu.memory_space<vmem>>, vector<1x16xf32>,
      %swap3A_228 = arith.index_cast %scan3A_213 : i32 to index
      %swap3A_229 = arith.constant 48 : index
      %swap3A_230 = tpu.vector_load %arg9[%swap3A_228, %swap3A_229] {strides = array<i32>} : memref<40x128xf32, #tpu.memory_space<vmem>>, vector<1x16xf32>,
      %swap3A_231 = vector.shape_cast %swap3A_230 : vector<1x16xf32> to vector<16xf32>
      %swap3A_232 = vector.shape_cast %broadcast_in_dim3A_5 : vector<16xf32> to vector<1x16xf32>
      tpu.vector_store %arg9[%swap3A_228, %swap3A_229], %swap3A_232 {strides = array<i32>} : memref<40x128xf32, #tpu.memory_space<vmem>>, vector<1x16xf32>,
      %swap3A_233 = arith.index_cast %scan3A_213 : i32 to index
      %swap3A_234 = arith.constant 64 : index
      %swap3A_235 = tpu.vector_load %arg9[%swap3A_233, %swap3A_234] {strides = array<i32>} : memref<40x128xf32, #tpu.memory_space<vmem>>, vector<1x16xf32>,
      %swap3A_236 = vector.shape_cast %swap3A_235 : vector<1x16xf32> to vector<16xf32>
      %swap3A_237 = vector.shape_cast %broadcast_in_dim3A_5 : vector<16xf32> to vector<1x16xf32>
      tpu.vector_store %arg9[%swap3A_233, %swap3A_234], %swap3A_237 {strides = array<i32>} : memref<40x128xf32, #tpu.memory_space<vmem>>, vector<1x16xf32>,
      %swap3A_238 = arith.index_cast %scan3A_213 : i32 to index
      %swap3A_239 = arith.constant 80 : index
      %swap3A_240 = tpu.vector_load %arg9[%swap3A_238, %swap3A_239] {strides = array<i32>} : memref<40x128xf32, #tpu.memory_space<vmem>>, vector<1x16xf32>,
      %swap3A_241 = vector.shape_cast %swap3A_240 : vector<1x16xf32> to vector<16xf32>
      %swap3A_242 = vector.shape_cast %broadcast_in_dim3A_5 : vector<16xf32> to vector<1x16xf32>
      tpu.vector_store %arg9[%swap3A_238, %swap3A_239], %swap3A_242 {strides = array<i32>} : memref<40x128xf32, #tpu.memory_space<vmem>>, vector<1x16xf32>,
      %swap3A_243 = arith.index_cast %scan3A_213 : i32 to index
      %swap3A_244 = arith.constant 96 : index
      %swap3A_245 = tpu.vector_load %arg9[%swap3A_243, %swap3A_244] {strides = array<i32>} : memref<40x128xf32, #tpu.memory_space<vmem>>, vector<1x16xf32>,
      %swap3A_246 = vector.shape_cast %swap3A_245 : vector<1x16xf32> to vector<16xf32>
      %swap3A_247 = vector.shape_cast %broadcast_in_dim3A_5 : vector<16xf32> to vector<1x16xf32>
      tpu.vector_store %arg9[%swap3A_243, %swap3A_244], %swap3A_247 {strides = array<i32>} : memref<40x128xf32, #tpu.memory_space<vmem>>, vector<1x16xf32>,
      %swap3A_248 = arith.index_cast %scan3A_213 : i32 to index
      %swap3A_249 = arith.constant 112 : index
      %swap3A_250 = tpu.vector_load %arg9[%swap3A_248, %swap3A_249] {strides = array<i32>} : memref<40x128xf32, #tpu.memory_space<vmem>>, vector<1x16xf32>,
      %swap3A_251 = vector.shape_cast %swap3A_250 : vector<1x16xf32> to vector<16xf32>
      %swap3A_252 = vector.shape_cast %broadcast_in_dim3A_5 : vector<16xf32> to vector<1x16xf32>
      tpu.vector_store %arg9[%swap3A_248, %swap3A_249], %swap3A_252 {strides = array<i32>} : memref<40x128xf32, #tpu.memory_space<vmem>>, vector<1x16xf32>,
    }
    %scan3A_176 = arith.constant 40 : i32
    %barrier3A = arith.constant 0 : index
    tpu.barrier barrier_id(%barrier3A)
    %add3A_177 = arith.constant 0 : i32
    %add3A_178 = arith.addi %mul3A_2, %add3A_177 : i32
    %dma_start3A_179 = tpu.memref_slice %arg2[%add3A_178] : memref<320000xi32, #tpu.memory_space<hbm>> -> memref<40xi32, #tpu.memory_space<hbm>>
    %dma_start3A_180 = tpu.memref_slice %arg2[%add3A_178] : memref<320000xi32, #tpu.memory_space<hbm>> -> memref<40xi32, #tpu.memory_space<hbm>>
    tpu.enqueue_dma source(%dma_start3A_180 : memref<40xi32, #tpu.memory_space<hbm>>) target(%arg4 : memref<40xi32, #tpu.memory_space<vmem>>) target_semaphore(%arg11 : memref<!tpu.dma_semaphore, #tpu.memory_space<semaphore_mem>>)
    %add3A_181 = arith.constant 40 : i32
    %add3A_182 = arith.addi %mul3A_2, %add3A_181 : i32
    %dma_start3A_183 = tpu.memref_slice %arg2[%add3A_182] : memref<320000xi32, #tpu.memory_space<hbm>> -> memref<40xi32, #tpu.memory_space<hbm>>
    %dma_start3A_184 = tpu.memref_slice %arg2[%add3A_182] : memref<320000xi32, #tpu.memory_space<hbm>> -> memref<40xi32, #tpu.memory_space<hbm>>
    tpu.enqueue_dma source(%dma_start3A_184 : memref<40xi32, #tpu.memory_space<hbm>>) target(%arg5 : memref<40xi32, #tpu.memory_space<vmem>>) target_semaphore(%arg12 : memref<!tpu.dma_semaphore, #tpu.memory_space<semaphore_mem>>)
    %add3A_185 = arith.constant 80 : i32
    %add3A_186 = arith.addi %mul3A_2, %add3A_185 : i32
    %dma_start3A_187 = tpu.memref_slice %arg2[%add3A_186] : memref<320000xi32, #tpu.memory_space<hbm>> -> memref<40xi32, #tpu.memory_space<hbm>>
    %dma_start3A_188 = tpu.memref_slice %arg2[%add3A_186] : memref<320000xi32, #tpu.memory_space<hbm>> -> memref<40xi32, #tpu.memory_space<hbm>>
    tpu.enqueue_dma source(%dma_start3A_188 : memref<40xi32, #tpu.memory_space<hbm>>) target(%arg6 : memref<40xi32, #tpu.memory_space<vmem>>) target_semaphore(%arg13 : memref<!tpu.dma_semaphore, #tpu.memory_space<semaphore_mem>>)
    %scan3A_189 = arith.constant 0 : i32
    %scan3A_190 = arith.constant 50 : i32
    %scan3A_191 = arith.addi %scan3A_189, %scan3A_190 : i32
    %scan3A_192 = arith.constant 1 : i32
    scf.for %scan3A_213 = %scan3A_189 to %scan3A_191 step %scan3A_192  : i32 {
      %mul3A_214 = arith.constant 5 : i32
      %mul3A_215 = arith.muli %scan3A_213, %mul3A_214 : i32
      %add3A_216 = arith.constant 0 : i32
      %add3A_217 = arith.addi %add3A_216, %mul3A_215 : i32
      %add3A_218 = arith.constant 0 : i32
      %add3A_219 = arith.addi %add3A_217, %add3A_218 : i32
      %dma_wait3A_220 = tpu.memref_slice %arg2[%mul3A_2] : memref<320000xi32, #tpu.memory_space<hbm>> -> memref<40xi32, #tpu.memory_space<hbm>>
      %dma_wait3A_221 = tpu.memref_slice %arg2[%mul3A_2] : memref<320000xi32, #tpu.memory_space<hbm>> -> memref<40xi32, #tpu.memory_space<hbm>>
      tpu.wait_dma2 semaphore(%arg11 : memref<!tpu.dma_semaphore, #tpu.memory_space<semaphore_mem>>) src(%dma_wait3A_221 : memref<40xi32, #tpu.memory_space<hbm>>) dst(%arg4 : memref<40xi32, #tpu.memory_space<vmem>>)
      %dma_start3A_222 = arith.constant 0 : i32
      %dma_start3A_223 = arith.constant 0 : i32
      %dma_start3A_224 = tpu.memref_slice %arg10[%dma_start3A_222, %dma_start3A_223] : memref<10240x128xf32, #tpu.memory_space<vmem_shared>> -> memref<10240x128xf32, #tpu.memory_space<vmem_shared>>
      tpu.enqueue_indirect_dma source(%arg9 : memref<40x128xf32, #tpu.memory_space<vmem>>) target(%dma_start3A_224 : memref<10240x128xf32, #tpu.memory_space<vmem_shared>>) offsets(%arg4 : memref<40xi32, #tpu.memory_space<vmem>>) semaphore(%arg16 : memref<!tpu.dma_semaphore, #tpu.memory_space<semaphore_mem>>) {add = true}
      %add3A_225 = arith.constant 3 : i32
      %add3A_226 = arith.addi %add3A_219, %add3A_225 : i32
      %lt3A = arith.constant 250 : i32
      %lt3A_227 = arith.cmpi slt, %add3A_226, %lt3A : i32
      %convert_element_type3A = arith.extui %lt3A_227 : i1 to i32
      %cond3A = arith.constant 0 : i32
      %cond3A_228 = arith.cmpi ne, %convert_element_type3A, %cond3A : i32
      scf.if %cond3A_228 {
        %add3A_285 = arith.constant 3 : i32
        %add3A_286 = arith.addi %add3A_219, %add3A_285 : i32
        %ge3A = arith.constant 5 : i32
        %ge3A_287 = arith.cmpi sge, %add3A_286, %ge3A : i32
        %convert_element_type3A_288 = arith.extui %ge3A_287 : i1 to i32
        %cond3A_289 = arith.constant 0 : i32
        %cond3A_290 = arith.cmpi ne, %convert_element_type3A_288, %cond3A_289 : i32
        scf.if %cond3A_290 {
          %dma_wait3A_298 = arith.constant 0 : i32
          %dma_wait3A_299 = arith.constant 0 : i32
          %dma_wait3A_300 = tpu.memref_slice %arg10[%dma_wait3A_298, %dma_wait3A_299] : memref<10240x128xf32, #tpu.memory_space<vmem_shared>> -> memref<10240x128xf32, #tpu.memory_space<vmem_shared>>
          tpu.wait_indirect_dma semaphore(%arg19 : memref<!tpu.dma_semaphore, #tpu.memory_space<semaphore_mem>>) src(%arg9 : memref<40x128xf32, #tpu.memory_space<vmem>>) dst(%dma_wait3A_300 : memref<10240x128xf32, #tpu.memory_space<vmem_shared>>)
        } else {
        }
        %add3A_291 = arith.constant 3 : i32
        %add3A_292 = arith.addi %add3A_219, %add3A_291 : i32
        %mul3A_293 = arith.constant 40 : i32
        %mul3A_294 = arith.muli %add3A_292, %mul3A_293 : i32
        %add3A_295 = arith.addi %mul3A_2, %mul3A_294 : i32
        %dma_start3A_296 = tpu.memref_slice %arg2[%add3A_295] : memref<320000xi32, #tpu.memory_space<hbm>> -> memref<40xi32, #tpu.memory_space<hbm>>
        %dma_start3A_297 = tpu.memref_slice %arg2[%add3A_295] : memref<320000xi32, #tpu.memory_space<hbm>> -> memref<40xi32, #tpu.memory_space<hbm>>
        tpu.enqueue_dma source(%dma_start3A_297 : memref<40xi32, #tpu.memory_space<hbm>>) target(%arg7 : memref<40xi32, #tpu.memory_space<vmem>>) target_semaphore(%arg14 : memref<!tpu.dma_semaphore, #tpu.memory_space<semaphore_mem>>)
      } else {
      }
      %add3A_229 = arith.constant 1 : i32
      %add3A_230 = arith.addi %add3A_217, %add3A_229 : i32
      %dma_wait3A_231 = tpu.memref_slice %arg2[%mul3A_2] : memref<320000xi32, #tpu.memory_space<hbm>> -> memref<40xi32, #tpu.memory_space<hbm>>
      %dma_wait3A_232 = tpu.memref_slice %arg2[%mul3A_2] : memref<320000xi32, #tpu.memory_space<hbm>> -> memref<40xi32, #tpu.memory_space<hbm>>
      tpu.wait_dma2 semaphore(%arg12 : memref<!tpu.dma_semaphore, #tpu.memory_space<semaphore_mem>>) src(%dma_wait3A_232 : memref<40xi32, #tpu.memory_space<hbm>>) dst(%arg5 : memref<40xi32, #tpu.memory_space<vmem>>)
      %dma_start3A_233 = arith.constant 0 : i32
      %dma_start3A_234 = arith.constant 0 : i32
      %dma_start3A_235 = tpu.memref_slice %arg10[%dma_start3A_233, %dma_start3A_234] : memref<10240x128xf32, #tpu.memory_space<vmem_shared>> -> memref<10240x128xf32, #tpu.memory_space<vmem_shared>>
      tpu.enqueue_indirect_dma source(%arg9 : memref<40x128xf32, #tpu.memory_space<vmem>>) target(%dma_start3A_235 : memref<10240x128xf32, #tpu.memory_space<vmem_shared>>) offsets(%arg5 : memref<40xi32, #tpu.memory_space<vmem>>) semaphore(%arg17 : memref<!tpu.dma_semaphore, #tpu.memory_space<semaphore_mem>>) {add = true}
      %add3A_236 = arith.constant 3 : i32
      %add3A_237 = arith.addi %add3A_230, %add3A_236 : i32
      %lt3A_238 = arith.constant 250 : i32
      %lt3A_239 = arith.cmpi slt, %add3A_237, %lt3A_238 : i32
      %convert_element_type3A_240 = arith.extui %lt3A_239 : i1 to i32
      %cond3A_241 = arith.constant 0 : i32
      %cond3A_242 = arith.cmpi ne, %convert_element_type3A_240, %cond3A_241 : i32
      scf.if %cond3A_242 {
        %add3A_285 = arith.constant 3 : i32
        %add3A_286 = arith.addi %add3A_230, %add3A_285 : i32
        %ge3A = arith.constant 5 : i32
        %ge3A_287 = arith.cmpi sge, %add3A_286, %ge3A : i32
        %convert_element_type3A_288 = arith.extui %ge3A_287 : i1 to i32
        %cond3A_289 = arith.constant 0 : i32
        %cond3A_290 = arith.cmpi ne, %convert_element_type3A_288, %cond3A_289 : i32
        scf.if %cond3A_290 {
          %dma_wait3A_298 = arith.constant 0 : i32
          %dma_wait3A_299 = arith.constant 0 : i32
          %dma_wait3A_300 = tpu.memref_slice %arg10[%dma_wait3A_298, %dma_wait3A_299] : memref<10240x128xf32, #tpu.memory_space<vmem_shared>> -> memref<10240x128xf32, #tpu.memory_space<vmem_shared>>
          tpu.wait_indirect_dma semaphore(%arg20 : memref<!tpu.dma_semaphore, #tpu.memory_space<semaphore_mem>>) src(%arg9 : memref<40x128xf32, #tpu.memory_space<vmem>>) dst(%dma_wait3A_300 : memref<10240x128xf32, #tpu.memory_space<vmem_shared>>)
        } else {
        }
        %add3A_291 = arith.constant 3 : i32
        %add3A_292 = arith.addi %add3A_230, %add3A_291 : i32
        %mul3A_293 = arith.constant 40 : i32
        %mul3A_294 = arith.muli %add3A_292, %mul3A_293 : i32
        %add3A_295 = arith.addi %mul3A_2, %mul3A_294 : i32
        %dma_start3A_296 = tpu.memref_slice %arg2[%add3A_295] : memref<320000xi32, #tpu.memory_space<hbm>> -> memref<40xi32, #tpu.memory_space<hbm>>
        %dma_start3A_297 = tpu.memref_slice %arg2[%add3A_295] : memref<320000xi32, #tpu.memory_space<hbm>> -> memref<40xi32, #tpu.memory_space<hbm>>
        tpu.enqueue_dma source(%dma_start3A_297 : memref<40xi32, #tpu.memory_space<hbm>>) target(%arg8 : memref<40xi32, #tpu.memory_space<vmem>>) target_semaphore(%arg15 : memref<!tpu.dma_semaphore, #tpu.memory_space<semaphore_mem>>)
      } else {
      }
      %add3A_243 = arith.constant 2 : i32
      %add3A_244 = arith.addi %add3A_217, %add3A_243 : i32
      %dma_wait3A_245 = tpu.memref_slice %arg2[%mul3A_2] : memref<320000xi32, #tpu.memory_space<hbm>> -> memref<40xi32, #tpu.memory_space<hbm>>
      %dma_wait3A_246 = tpu.memref_slice %arg2[%mul3A_2] : memref<320000xi32, #tpu.memory_space<hbm>> -> memref<40xi32, #tpu.memory_space<hbm>>
      tpu.wait_dma2 semaphore(%arg13 : memref<!tpu.dma_semaphore, #tpu.memory_space<semaphore_mem>>) src(%dma_wait3A_246 : memref<40xi32, #tpu.memory_space<hbm>>) dst(%arg6 : memref<40xi32, #tpu.memory_space<vmem>>)
      %dma_start3A_247 = arith.constant 0 : i32
      %dma_start3A_248 = arith.constant 0 : i32
      %dma_start3A_249 = tpu.memref_slice %arg10[%dma_start3A_247, %dma_start3A_248] : memref<10240x128xf32, #tpu.memory_space<vmem_shared>> -> memref<10240x128xf32, #tpu.memory_space<vmem_shared>>
      tpu.enqueue_indirect_dma source(%arg9 : memref<40x128xf32, #tpu.memory_space<vmem>>) target(%dma_start3A_249 : memref<10240x128xf32, #tpu.memory_space<vmem_shared>>) offsets(%arg6 : memref<40xi32, #tpu.memory_space<vmem>>) semaphore(%arg18 : memref<!tpu.dma_semaphore, #tpu.memory_space<semaphore_mem>>) {add = true}
      %add3A_250 = arith.constant 3 : i32
      %add3A_251 = arith.addi %add3A_244, %add3A_250 : i32
      %lt3A_252 = arith.constant 250 : i32
      %lt3A_253 = arith.cmpi slt, %add3A_251, %lt3A_252 : i32
      %convert_element_type3A_254 = arith.extui %lt3A_253 : i1 to i32
      %cond3A_255 = arith.constant 0 : i32
      %cond3A_256 = arith.cmpi ne, %convert_element_type3A_254, %cond3A_255 : i32
      scf.if %cond3A_256 {
        %add3A_285 = arith.constant 3 : i32
        %add3A_286 = arith.addi %add3A_244, %add3A_285 : i32
        %ge3A = arith.constant 5 : i32
        %ge3A_287 = arith.cmpi sge, %add3A_286, %ge3A : i32
        %convert_element_type3A_288 = arith.extui %ge3A_287 : i1 to i32
        %cond3A_289 = arith.constant 0 : i32
        %cond3A_290 = arith.cmpi ne, %convert_element_type3A_288, %cond3A_289 : i32
        scf.if %cond3A_290 {
          %dma_wait3A_298 = arith.constant 0 : i32
          %dma_wait3A_299 = arith.constant 0 : i32
          %dma_wait3A_300 = tpu.memref_slice %arg10[%dma_wait3A_298, %dma_wait3A_299] : memref<10240x128xf32, #tpu.memory_space<vmem_shared>> -> memref<10240x128xf32, #tpu.memory_space<vmem_shared>>
          tpu.wait_indirect_dma semaphore(%arg16 : memref<!tpu.dma_semaphore, #tpu.memory_space<semaphore_mem>>) src(%arg9 : memref<40x128xf32, #tpu.memory_space<vmem>>) dst(%dma_wait3A_300 : memref<10240x128xf32, #tpu.memory_space<vmem_shared>>)
        } else {
        }
        %add3A_291 = arith.constant 3 : i32
        %add3A_292 = arith.addi %add3A_244, %add3A_291 : i32
        %mul3A_293 = arith.constant 40 : i32
        %mul3A_294 = arith.muli %add3A_292, %mul3A_293 : i32
        %add3A_295 = arith.addi %mul3A_2, %mul3A_294 : i32
        %dma_start3A_296 = tpu.memref_slice %arg2[%add3A_295] : memref<320000xi32, #tpu.memory_space<hbm>> -> memref<40xi32, #tpu.memory_space<hbm>>
        %dma_start3A_297 = tpu.memref_slice %arg2[%add3A_295] : memref<320000xi32, #tpu.memory_space<hbm>> -> memref<40xi32, #tpu.memory_space<hbm>>
        tpu.enqueue_dma source(%dma_start3A_297 : memref<40xi32, #tpu.memory_space<hbm>>) target(%arg4 : memref<40xi32, #tpu.memory_space<vmem>>) target_semaphore(%arg11 : memref<!tpu.dma_semaphore, #tpu.memory_space<semaphore_mem>>)
      } else {
      }
      %add3A_257 = arith.constant 3 : i32
      %add3A_258 = arith.addi %add3A_217, %add3A_257 : i32
      %dma_wait3A_259 = tpu.memref_slice %arg2[%mul3A_2] : memref<320000xi32, #tpu.memory_space<hbm>> -> memref<40xi32, #tpu.memory_space<hbm>>
      %dma_wait3A_260 = tpu.memref_slice %arg2[%mul3A_2] : memref<320000xi32, #tpu.memory_space<hbm>> -> memref<40xi32, #tpu.memory_space<hbm>>
      tpu.wait_dma2 semaphore(%arg14 : memref<!tpu.dma_semaphore, #tpu.memory_space<semaphore_mem>>) src(%dma_wait3A_260 : memref<40xi32, #tpu.memory_space<hbm>>) dst(%arg7 : memref<40xi32, #tpu.memory_space<vmem>>)
      %dma_start3A_261 = arith.constant 0 : i32
      %dma_start3A_262 = arith.constant 0 : i32
      %dma_start3A_263 = tpu.memref_slice %arg10[%dma_start3A_261, %dma_start3A_262] : memref<10240x128xf32, #tpu.memory_space<vmem_shared>> -> memref<10240x128xf32, #tpu.memory_space<vmem_shared>>
      tpu.enqueue_indirect_dma source(%arg9 : memref<40x128xf32, #tpu.memory_space<vmem>>) target(%dma_start3A_263 : memref<10240x128xf32, #tpu.memory_space<vmem_shared>>) offsets(%arg7 : memref<40xi32, #tpu.memory_space<vmem>>) semaphore(%arg19 : memref<!tpu.dma_semaphore, #tpu.memory_space<semaphore_mem>>) {add = true}
      %add3A_264 = arith.constant 3 : i32
      %add3A_265 = arith.addi %add3A_258, %add3A_264 : i32
      %lt3A_266 = arith.constant 250 : i32
      %lt3A_267 = arith.cmpi slt, %add3A_265, %lt3A_266 : i32
      %convert_element_type3A_268 = arith.extui %lt3A_267 : i1 to i32
      %cond3A_269 = arith.constant 0 : i32
      %cond3A_270 = arith.cmpi ne, %convert_element_type3A_268, %cond3A_269 : i32
      scf.if %cond3A_270 {
        %add3A_285 = arith.constant 3 : i32
        %add3A_286 = arith.addi %add3A_258, %add3A_285 : i32
        %ge3A = arith.constant 5 : i32
        %ge3A_287 = arith.cmpi sge, %add3A_286, %ge3A : i32
        %convert_element_type3A_288 = arith.extui %ge3A_287 : i1 to i32
        %cond3A_289 = arith.constant 0 : i32
        %cond3A_290 = arith.cmpi ne, %convert_element_type3A_288, %cond3A_289 : i32
        scf.if %cond3A_290 {
          %dma_wait3A_298 = arith.constant 0 : i32
          %dma_wait3A_299 = arith.constant 0 : i32
          %dma_wait3A_300 = tpu.memref_slice %arg10[%dma_wait3A_298, %dma_wait3A_299] : memref<10240x128xf32, #tpu.memory_space<vmem_shared>> -> memref<10240x128xf32, #tpu.memory_space<vmem_shared>>
          tpu.wait_indirect_dma semaphore(%arg17 : memref<!tpu.dma_semaphore, #tpu.memory_space<semaphore_mem>>) src(%arg9 : memref<40x128xf32, #tpu.memory_space<vmem>>) dst(%dma_wait3A_300 : memref<10240x128xf32, #tpu.memory_space<vmem_shared>>)
        } else {
        }
        %add3A_291 = arith.constant 3 : i32
        %add3A_292 = arith.addi %add3A_258, %add3A_291 : i32
        %mul3A_293 = arith.constant 40 : i32
        %mul3A_294 = arith.muli %add3A_292, %mul3A_293 : i32
        %add3A_295 = arith.addi %mul3A_2, %mul3A_294 : i32
        %dma_start3A_296 = tpu.memref_slice %arg2[%add3A_295] : memref<320000xi32, #tpu.memory_space<hbm>> -> memref<40xi32, #tpu.memory_space<hbm>>
        %dma_start3A_297 = tpu.memref_slice %arg2[%add3A_295] : memref<320000xi32, #tpu.memory_space<hbm>> -> memref<40xi32, #tpu.memory_space<hbm>>
        tpu.enqueue_dma source(%dma_start3A_297 : memref<40xi32, #tpu.memory_space<hbm>>) target(%arg5 : memref<40xi32, #tpu.memory_space<vmem>>) target_semaphore(%arg12 : memref<!tpu.dma_semaphore, #tpu.memory_space<semaphore_mem>>)
      } else {
      }
      %add3A_271 = arith.constant 4 : i32
      %add3A_272 = arith.addi %add3A_217, %add3A_271 : i32
      %dma_wait3A_273 = tpu.memref_slice %arg2[%mul3A_2] : memref<320000xi32, #tpu.memory_space<hbm>> -> memref<40xi32, #tpu.memory_space<hbm>>
      %dma_wait3A_274 = tpu.memref_slice %arg2[%mul3A_2] : memref<320000xi32, #tpu.memory_space<hbm>> -> memref<40xi32, #tpu.memory_space<hbm>>
      tpu.wait_dma2 semaphore(%arg15 : memref<!tpu.dma_semaphore, #tpu.memory_space<semaphore_mem>>) src(%dma_wait3A_274 : memref<40xi32, #tpu.memory_space<hbm>>) dst(%arg8 : memref<40xi32, #tpu.memory_space<vmem>>)
      %dma_start3A_275 = arith.constant 0 : i32
      %dma_start3A_276 = arith.constant 0 : i32
      %dma_start3A_277 = tpu.memref_slice %arg10[%dma_start3A_275, %dma_start3A_276] : memref<10240x128xf32, #tpu.memory_space<vmem_shared>> -> memref<10240x128xf32, #tpu.memory_space<vmem_shared>>
      tpu.enqueue_indirect_dma source(%arg9 : memref<40x128xf32, #tpu.memory_space<vmem>>) target(%dma_start3A_277 : memref<10240x128xf32, #tpu.memory_space<vmem_shared>>) offsets(%arg8 : memref<40xi32, #tpu.memory_space<vmem>>) semaphore(%arg20 : memref<!tpu.dma_semaphore, #tpu.memory_space<semaphore_mem>>) {add = true}
      %add3A_278 = arith.constant 3 : i32
      %add3A_279 = arith.addi %add3A_272, %add3A_278 : i32
      %lt3A_280 = arith.constant 250 : i32
      %lt3A_281 = arith.cmpi slt, %add3A_279, %lt3A_280 : i32
      %convert_element_type3A_282 = arith.extui %lt3A_281 : i1 to i32
      %cond3A_283 = arith.constant 0 : i32
      %cond3A_284 = arith.cmpi ne, %convert_element_type3A_282, %cond3A_283 : i32
      scf.if %cond3A_284 {
        %add3A_285 = arith.constant 3 : i32
        %add3A_286 = arith.addi %add3A_272, %add3A_285 : i32
        %ge3A = arith.constant 5 : i32
        %ge3A_287 = arith.cmpi sge, %add3A_286, %ge3A : i32
        %convert_element_type3A_288 = arith.extui %ge3A_287 : i1 to i32
        %cond3A_289 = arith.constant 0 : i32
        %cond3A_290 = arith.cmpi ne, %convert_element_type3A_288, %cond3A_289 : i32
        scf.if %cond3A_290 {
          %dma_wait3A_298 = arith.constant 0 : i32
          %dma_wait3A_299 = arith.constant 0 : i32
          %dma_wait3A_300 = tpu.memref_slice %arg10[%dma_wait3A_298, %dma_wait3A_299] : memref<10240x128xf32, #tpu.memory_space<vmem_shared>> -> memref<10240x128xf32, #tpu.memory_space<vmem_shared>>
          tpu.wait_indirect_dma semaphore(%arg18 : memref<!tpu.dma_semaphore, #tpu.memory_space<semaphore_mem>>) src(%arg9 : memref<40x128xf32, #tpu.memory_space<vmem>>) dst(%dma_wait3A_300 : memref<10240x128xf32, #tpu.memory_space<vmem_shared>>)
        } else {
        }
        %add3A_291 = arith.constant 3 : i32
        %add3A_292 = arith.addi %add3A_272, %add3A_291 : i32
        %mul3A_293 = arith.constant 40 : i32
        %mul3A_294 = arith.muli %add3A_292, %mul3A_293 : i32
        %add3A_295 = arith.addi %mul3A_2, %mul3A_294 : i32
        %dma_start3A_296 = tpu.memref_slice %arg2[%add3A_295] : memref<320000xi32, #tpu.memory_space<hbm>> -> memref<40xi32, #tpu.memory_space<hbm>>
        %dma_start3A_297 = tpu.memref_slice %arg2[%add3A_295] : memref<320000xi32, #tpu.memory_space<hbm>> -> memref<40xi32, #tpu.memory_space<hbm>>
        tpu.enqueue_dma source(%dma_start3A_297 : memref<40xi32, #tpu.memory_space<hbm>>) target(%arg6 : memref<40xi32, #tpu.memory_space<vmem>>) target_semaphore(%arg13 : memref<!tpu.dma_semaphore, #tpu.memory_space<semaphore_mem>>)
      } else {
      }
    }
    %scan3A_193 = arith.constant 50 : i32
    %dma_wait3A_194 = arith.constant 0 : i32
    %dma_wait3A_195 = arith.constant 0 : i32
    %dma_wait3A_196 = tpu.memref_slice %arg10[%dma_wait3A_194, %dma_wait3A_195] : memref<10240x128xf32, #tpu.memory_space<vmem_shared>> -> memref<10240x128xf32, #tpu.memory_space<vmem_shared>>
    tpu.wait_indirect_dma semaphore(%arg16 : memref<!tpu.dma_semaphore, #tpu.memory_space<semaphore_mem>>) src(%arg9 : memref<40x128xf32, #tpu.memory_space<vmem>>) dst(%dma_wait3A_196 : memref<10240x128xf32, #tpu.memory_space<vmem_shared>>)
    %dma_wait3A_197 = arith.constant 0 : i32
    %dma_wait3A_198 = arith.constant 0 : i32
    %dma_wait3A_199 = tpu.memref_slice %arg10[%dma_wait3A_197, %dma_wait3A_198] : memref<10240x128xf32, #tpu.memory_space<vmem_shared>> -> memref<10240x128xf32, #tpu.memory_space<vmem_shared>>
    tpu.wait_indirect_dma semaphore(%arg17 : memref<!tpu.dma_semaphore, #tpu.memory_space<semaphore_mem>>) src(%arg9 : memref<40x128xf32, #tpu.memory_space<vmem>>) dst(%dma_wait3A_199 : memref<10240x128xf32, #tpu.memory_space<vmem_shared>>)
    %dma_wait3A_200 = arith.constant 0 : i32
    %dma_wait3A_201 = arith.constant 0 : i32
    %dma_wait3A_202 = tpu.memref_slice %arg10[%dma_wait3A_200, %dma_wait3A_201] : memref<10240x128xf32, #tpu.memory_space<vmem_shared>> -> memref<10240x128xf32, #tpu.memory_space<vmem_shared>>
    tpu.wait_indirect_dma semaphore(%arg18 : memref<!tpu.dma_semaphore, #tpu.memory_space<semaphore_mem>>) src(%arg9 : memref<40x128xf32, #tpu.memory_space<vmem>>) dst(%dma_wait3A_202 : memref<10240x128xf32, #tpu.memory_space<vmem_shared>>)
    %dma_wait3A_203 = arith.constant 0 : i32
    %dma_wait3A_204 = arith.constant 0 : i32
    %dma_wait3A_205 = tpu.memref_slice %arg10[%dma_wait3A_203, %dma_wait3A_204] : memref<10240x128xf32, #tpu.memory_space<vmem_shared>> -> memref<10240x128xf32, #tpu.memory_space<vmem_shared>>
    tpu.wait_indirect_dma semaphore(%arg19 : memref<!tpu.dma_semaphore, #tpu.memory_space<semaphore_mem>>) src(%arg9 : memref<40x128xf32, #tpu.memory_space<vmem>>) dst(%dma_wait3A_205 : memref<10240x128xf32, #tpu.memory_space<vmem_shared>>)
    %dma_wait3A_206 = arith.constant 0 : i32
    %dma_wait3A_207 = arith.constant 0 : i32
    %dma_wait3A_208 = tpu.memref_slice %arg10[%dma_wait3A_206, %dma_wait3A_207] : memref<10240x128xf32, #tpu.memory_space<vmem_shared>> -> memref<10240x128xf32, #tpu.memory_space<vmem_shared>>
    tpu.wait_indirect_dma semaphore(%arg20 : memref<!tpu.dma_semaphore, #tpu.memory_space<semaphore_mem>>) src(%arg9 : memref<40x128xf32, #tpu.memory_space<vmem>>) dst(%dma_wait3A_208 : memref<10240x128xf32, #tpu.memory_space<vmem_shared>>)
    %barrier3A_209 = arith.constant 0 : index
    tpu.barrier barrier_id(%barrier3A_209)
    %mul3A_210 = arith.constant 10240 : i32
    %mul3A_211 = arith.muli %arg0, %mul3A_210 : i32
    %add3A_212 = arith.addi %mul3A_211, %mul3A_4 : i32
    "tpu.region"() ({
      %run_scoped3A = tpu.sem_alloc : memref<!tpu.dma_semaphore, #tpu.memory_space<semaphore_mem>>
      %dma_start3A_213 = arith.constant 0 : i32
      %dma_start3A_214 = tpu.memref_slice %arg3[%add3A_212, %dma_start3A_213] : memref<20480x128xf32, #tpu.memory_space<hbm>> -> memref<640x128xf32, #tpu.memory_space<hbm>>
      %dma_start3A_215 = arith.constant 0 : i32
      %dma_start3A_216 = tpu.memref_slice %arg10[%mul3A_4, %dma_start3A_215] : memref<10240x128xf32, #tpu.memory_space<vmem_shared>> -> memref<640x128xf32, #tpu.memory_space<vmem_shared>>
      tpu.enqueue_dma source(%dma_start3A_216 : memref<640x128xf32, #tpu.memory_space<vmem_shared>>) target(%dma_start3A_214 : memref<640x128xf32, #tpu.memory_space<hbm>>) target_semaphore(%run_scoped3A : memref<!tpu.dma_semaphore, #tpu.memory_space<semaphore_mem>>)
      %dma_wait3A_217 = arith.constant 0 : i32
      %dma_wait3A_218 = tpu.memref_slice %arg3[%add3A_212, %dma_wait3A_217] : memref<20480x128xf32, #tpu.memory_space<hbm>> -> memref<640x128xf32, #tpu.memory_space<hbm>>
      %dma_wait3A_219 = arith.constant 0 : i32
      %dma_wait3A_220 = tpu.memref_slice %arg10[%mul3A_4, %dma_wait3A_219] : memref<10240x128xf32, #tpu.memory_space<vmem_shared>> -> memref<640x128xf32, #tpu.memory_space<vmem_shared>>
      tpu.wait_dma2 semaphore(%run_scoped3A : memref<!tpu.dma_semaphore, #tpu.memory_space<semaphore_mem>>) src(%dma_wait3A_220 : memref<640x128xf32, #tpu.memory_space<vmem_shared>>) dst(%dma_wait3A_218 : memref<640x128xf32, #tpu.memory_space<hbm>>)
      tpu.yield
    }) : () -> ()
    return
  }
}

#map = affine_map<(d0, d1) -> (0, 0)>
#map1 = affine_map<(d0, d1) -> (0)>
module attributes {stable_mosaic.version = 14 : i64} {
  func.func @_sc_agg(%arg0: i32, %arg1: i32, %arg2: memref<10240x128xf32, #tpu.memory_space<hbm>>, %arg3: memref<320000xi32, #tpu.memory_space<hbm>>, %arg4: memref<320000xi32, #tpu.memory_space<hbm>>, %arg5: memref<20480x128xf32, #tpu.memory_space<hbm>>, %arg6: memref<40xi32, #tpu.memory_space<vmem>>, %arg7: memref<40xi32, #tpu.memory_space<vmem>>, %arg8: memref<40xi32, #tpu.memory_space<vmem>>, %arg9: memref<40xi32, #tpu.memory_space<vmem>>, %arg10: memref<40xi32, #tpu.memory_space<vmem>>, %arg11: memref<40xi32, #tpu.memory_space<vmem>>, %arg12: memref<40xi32, #tpu.memory_space<vmem>>, %arg13: memref<40xi32, #tpu.memory_space<vmem>>, %arg14: memref<40xi32, #tpu.memory_space<vmem>>, %arg15: memref<40xi32, #tpu.memory_space<vmem>>, %arg16: memref<40x128xf32, #tpu.memory_space<vmem>>, %arg17: memref<40x128xf32, #tpu.memory_space<vmem>>, %arg18: memref<40x128xf32, #tpu.memory_space<vmem>>, %arg19: memref<40x128xf32, #tpu.memory_space<vmem>>, %arg20: memref<40x128xf32, #tpu.memory_space<vmem>>, %arg21: memref<10240x128xf32, #tpu.memory_space<vmem_shared>>, %arg22: memref<!tpu.dma_semaphore, #tpu.memory_space<semaphore_mem>>, %arg23: memref<!tpu.dma_semaphore, #tpu.memory_space<semaphore_mem>>, %arg24: memref<!tpu.dma_semaphore, #tpu.memory_space<semaphore_mem>>, %arg25: memref<!tpu.dma_semaphore, #tpu.memory_space<semaphore_mem>>, %arg26: memref<!tpu.dma_semaphore, #tpu.memory_space<semaphore_mem>>, %arg27: memref<!tpu.dma_semaphore, #tpu.memory_space<semaphore_mem>>, %arg28: memref<!tpu.dma_semaphore, #tpu.memory_space<semaphore_mem>>, %arg29: memref<!tpu.dma_semaphore, #tpu.memory_space<semaphore_mem>>, %arg30: memref<!tpu.dma_semaphore, #tpu.memory_space<semaphore_mem>>, %arg31: memref<!tpu.dma_semaphore, #tpu.memory_space<semaphore_mem>>, %arg32: memref<!tpu.dma_semaphore, #tpu.memory_space<semaphore_mem>>, %arg33: memref<!tpu.dma_semaphore, #tpu.memory_space<semaphore_mem>>, %arg34: memref<!tpu.dma_semaphore, #tpu.memory_space<semaphore_mem>>, %arg35: memref<!tpu.dma_semaphore, #tpu.memory_space<semaphore_mem>>, %arg36: memref<!tpu.dma_semaphore, #tpu.memory_space<semaphore_mem>>) attributes {dimension_semantics = [#tpu.dimension_semantics<core_parallel>, #tpu.dimension_semantics<subcore_parallel>], iteration_bounds = array<i64: 2, 16>, scalar_prefetch = 0 : i64, scratch_operands = 31 : i64, tpu.core_type = #tpu.core_type<sc_vector_subcore>, window_params = [{transform_indices = #map}, {transform_indices = #map1}, {transform_indices = #map1}, {transform_indices = #map}]} {
    %mul3A = arith.constant 2 : i32
    %mul3A_0 = arith.muli %arg1, %mul3A : i32
    %add3A = arith.addi %mul3A_0, %arg0 : i32
    %mul3A_1 = arith.constant 10000 : i32
    %mul3A_2 = arith.muli %add3A, %mul3A_1 : i32
    %mul3A_3 = arith.constant 640 : i32
    %mul3A_4 = arith.muli %arg1, %mul3A_3 : i32
    %broadcast_in_dim3A = arith.constant 0.000000e+00 : f32
    %broadcast_in_dim3A_5 = vector.broadcast %broadcast_in_dim3A : f32 to vector<16xf32>
    %scan3A = arith.constant 0 : i32
    %scan3A_6 = arith.constant 0 : i32
    %scan3A_7 = arith.constant 40 : i32
    %scan3A_8 = arith.addi %scan3A_6, %scan3A_7 : i32
    %scan3A_9 = arith.constant 1 : i32
    scf.for %scan3A_231 = %scan3A_6 to %scan3A_8 step %scan3A_9  : i32 {
      %swap3A = arith.index_cast %scan3A_231 : i32 to index
      %swap3A_232 = arith.constant 0 : index
      %swap3A_233 = tpu.vector_load %arg16[%swap3A, %swap3A_232] {strides = array<i32>} : memref<40x128xf32, #tpu.memory_space<vmem>>, vector<1x16xf32>,
      %swap3A_234 = vector.shape_cast %swap3A_233 : vector<1x16xf32> to vector<16xf32>
      %swap3A_235 = vector.shape_cast %broadcast_in_dim3A_5 : vector<16xf32> to vector<1x16xf32>
      tpu.vector_store %arg16[%swap3A, %swap3A_232], %swap3A_235 {strides = array<i32>} : memref<40x128xf32, #tpu.memory_space<vmem>>, vector<1x16xf32>,
      %swap3A_236 = arith.index_cast %scan3A_231 : i32 to index
      %swap3A_237 = arith.constant 16 : index
      %swap3A_238 = tpu.vector_load %arg16[%swap3A_236, %swap3A_237] {strides = array<i32>} : memref<40x128xf32, #tpu.memory_space<vmem>>, vector<1x16xf32>,
      %swap3A_239 = vector.shape_cast %swap3A_238 : vector<1x16xf32> to vector<16xf32>
      %swap3A_240 = vector.shape_cast %broadcast_in_dim3A_5 : vector<16xf32> to vector<1x16xf32>
      tpu.vector_store %arg16[%swap3A_236, %swap3A_237], %swap3A_240 {strides = array<i32>} : memref<40x128xf32, #tpu.memory_space<vmem>>, vector<1x16xf32>,
      %swap3A_241 = arith.index_cast %scan3A_231 : i32 to index
      %swap3A_242 = arith.constant 32 : index
      %swap3A_243 = tpu.vector_load %arg16[%swap3A_241, %swap3A_242] {strides = array<i32>} : memref<40x128xf32, #tpu.memory_space<vmem>>, vector<1x16xf32>,
      %swap3A_244 = vector.shape_cast %swap3A_243 : vector<1x16xf32> to vector<16xf32>
      %swap3A_245 = vector.shape_cast %broadcast_in_dim3A_5 : vector<16xf32> to vector<1x16xf32>
      tpu.vector_store %arg16[%swap3A_241, %swap3A_242], %swap3A_245 {strides = array<i32>} : memref<40x128xf32, #tpu.memory_space<vmem>>, vector<1x16xf32>,
      %swap3A_246 = arith.index_cast %scan3A_231 : i32 to index
      %swap3A_247 = arith.constant 48 : index
      %swap3A_248 = tpu.vector_load %arg16[%swap3A_246, %swap3A_247] {strides = array<i32>} : memref<40x128xf32, #tpu.memory_space<vmem>>, vector<1x16xf32>,
      %swap3A_249 = vector.shape_cast %swap3A_248 : vector<1x16xf32> to vector<16xf32>
      %swap3A_250 = vector.shape_cast %broadcast_in_dim3A_5 : vector<16xf32> to vector<1x16xf32>
      tpu.vector_store %arg16[%swap3A_246, %swap3A_247], %swap3A_250 {strides = array<i32>} : memref<40x128xf32, #tpu.memory_space<vmem>>, vector<1x16xf32>,
      %swap3A_251 = arith.index_cast %scan3A_231 : i32 to index
      %swap3A_252 = arith.constant 64 : index
      %swap3A_253 = tpu.vector_load %arg16[%swap3A_251, %swap3A_252] {strides = array<i32>} : memref<40x128xf32, #tpu.memory_space<vmem>>, vector<1x16xf32>,
      %swap3A_254 = vector.shape_cast %swap3A_253 : vector<1x16xf32> to vector<16xf32>
      %swap3A_255 = vector.shape_cast %broadcast_in_dim3A_5 : vector<16xf32> to vector<1x16xf32>
      tpu.vector_store %arg16[%swap3A_251, %swap3A_252], %swap3A_255 {strides = array<i32>} : memref<40x128xf32, #tpu.memory_space<vmem>>, vector<1x16xf32>,
      %swap3A_256 = arith.index_cast %scan3A_231 : i32 to index
      %swap3A_257 = arith.constant 80 : index
      %swap3A_258 = tpu.vector_load %arg16[%swap3A_256, %swap3A_257] {strides = array<i32>} : memref<40x128xf32, #tpu.memory_space<vmem>>, vector<1x16xf32>,
      %swap3A_259 = vector.shape_cast %swap3A_258 : vector<1x16xf32> to vector<16xf32>
      %swap3A_260 = vector.shape_cast %broadcast_in_dim3A_5 : vector<16xf32> to vector<1x16xf32>
      tpu.vector_store %arg16[%swap3A_256, %swap3A_257], %swap3A_260 {strides = array<i32>} : memref<40x128xf32, #tpu.memory_space<vmem>>, vector<1x16xf32>,
      %swap3A_261 = arith.index_cast %scan3A_231 : i32 to index
      %swap3A_262 = arith.constant 96 : index
      %swap3A_263 = tpu.vector_load %arg16[%swap3A_261, %swap3A_262] {strides = array<i32>} : memref<40x128xf32, #tpu.memory_space<vmem>>, vector<1x16xf32>,
      %swap3A_264 = vector.shape_cast %swap3A_263 : vector<1x16xf32> to vector<16xf32>
      %swap3A_265 = vector.shape_cast %broadcast_in_dim3A_5 : vector<16xf32> to vector<1x16xf32>
      tpu.vector_store %arg16[%swap3A_261, %swap3A_262], %swap3A_265 {strides = array<i32>} : memref<40x128xf32, #tpu.memory_space<vmem>>, vector<1x16xf32>,
      %swap3A_266 = arith.index_cast %scan3A_231 : i32 to index
      %swap3A_267 = arith.constant 112 : index
      %swap3A_268 = tpu.vector_load %arg16[%swap3A_266, %swap3A_267] {strides = array<i32>} : memref<40x128xf32, #tpu.memory_space<vmem>>, vector<1x16xf32>,
      %swap3A_269 = vector.shape_cast %swap3A_268 : vector<1x16xf32> to vector<16xf32>
      %swap3A_270 = vector.shape_cast %broadcast_in_dim3A_5 : vector<16xf32> to vector<1x16xf32>
      tpu.vector_store %arg16[%swap3A_266, %swap3A_267], %swap3A_270 {strides = array<i32>} : memref<40x128xf32, #tpu.memory_space<vmem>>, vector<1x16xf32>,
    }
    %scan3A_10 = arith.constant 40 : i32
    %add3A_11 = arith.constant 0 : i32
    %add3A_12 = arith.addi %mul3A_4, %add3A_11 : i32
    %dma_start3A = arith.constant 0 : i32
    %dma_start3A_13 = tpu.memref_slice %arg21[%add3A_12, %dma_start3A] : memref<10240x128xf32, #tpu.memory_space<vmem_shared>> -> memref<40x128xf32, #tpu.memory_space<vmem_shared>>
    %dma_start3A_14 = arith.constant 0 : i32
    %dma_start3A_15 = tpu.memref_slice %arg21[%add3A_12, %dma_start3A_14] : memref<10240x128xf32, #tpu.memory_space<vmem_shared>> -> memref<40x128xf32, #tpu.memory_space<vmem_shared>>
    tpu.enqueue_dma source(%arg16 : memref<40x128xf32, #tpu.memory_space<vmem>>) target(%dma_start3A_15 : memref<40x128xf32, #tpu.memory_space<vmem_shared>>) target_semaphore(%arg22 : memref<!tpu.dma_semaphore, #tpu.memory_space<semaphore_mem>>)
    %add3A_16 = arith.constant 40 : i32
    %add3A_17 = arith.addi %mul3A_4, %add3A_16 : i32
    %dma_start3A_18 = arith.constant 0 : i32
    %dma_start3A_19 = tpu.memref_slice %arg21[%add3A_17, %dma_start3A_18] : memref<10240x128xf32, #tpu.memory_space<vmem_shared>> -> memref<40x128xf32, #tpu.memory_space<vmem_shared>>
    %dma_start3A_20 = arith.constant 0 : i32
    %dma_start3A_21 = tpu.memref_slice %arg21[%add3A_17, %dma_start3A_20] : memref<10240x128xf32, #tpu.memory_space<vmem_shared>> -> memref<40x128xf32, #tpu.memory_space<vmem_shared>>
    tpu.enqueue_dma source(%arg16 : memref<40x128xf32, #tpu.memory_space<vmem>>) target(%dma_start3A_21 : memref<40x128xf32, #tpu.memory_space<vmem_shared>>) target_semaphore(%arg22 : memref<!tpu.dma_semaphore, #tpu.memory_space<semaphore_mem>>)
    %add3A_22 = arith.constant 80 : i32
    %add3A_23 = arith.addi %mul3A_4, %add3A_22 : i32
    %dma_start3A_24 = arith.constant 0 : i32
    %dma_start3A_25 = tpu.memref_slice %arg21[%add3A_23, %dma_start3A_24] : memref<10240x128xf32, #tpu.memory_space<vmem_shared>> -> memref<40x128xf32, #tpu.memory_space<vmem_shared>>
    %dma_start3A_26 = arith.constant 0 : i32
    %dma_start3A_27 = tpu.memref_slice %arg21[%add3A_23, %dma_start3A_26] : memref<10240x128xf32, #tpu.memory_space<vmem_shared>> -> memref<40x128xf32, #tpu.memory_space<vmem_shared>>
    tpu.enqueue_dma source(%arg16 : memref<40x128xf32, #tpu.memory_space<vmem>>) target(%dma_start3A_27 : memref<40x128xf32, #tpu.memory_space<vmem_shared>>) target_semaphore(%arg22 : memref<!tpu.dma_semaphore, #tpu.memory_space<semaphore_mem>>)
    %add3A_28 = arith.constant 120 : i32
    %add3A_29 = arith.addi %mul3A_4, %add3A_28 : i32
    %dma_start3A_30 = arith.constant 0 : i32
    %dma_start3A_31 = tpu.memref_slice %arg21[%add3A_29, %dma_start3A_30] : memref<10240x128xf32, #tpu.memory_space<vmem_shared>> -> memref<40x128xf32, #tpu.memory_space<vmem_shared>>
    %dma_start3A_32 = arith.constant 0 : i32
    %dma_start3A_33 = tpu.memref_slice %arg21[%add3A_29, %dma_start3A_32] : memref<10240x128xf32, #tpu.memory_space<vmem_shared>> -> memref<40x128xf32, #tpu.memory_space<vmem_shared>>
    tpu.enqueue_dma source(%arg16 : memref<40x128xf32, #tpu.memory_space<vmem>>) target(%dma_start3A_33 : memref<40x128xf32, #tpu.memory_space<vmem_shared>>) target_semaphore(%arg22 : memref<!tpu.dma_semaphore, #tpu.memory_space<semaphore_mem>>)
    %add3A_34 = arith.constant 160 : i32
    %add3A_35 = arith.addi %mul3A_4, %add3A_34 : i32
    %dma_start3A_36 = arith.constant 0 : i32
    %dma_start3A_37 = tpu.memref_slice %arg21[%add3A_35, %dma_start3A_36] : memref<10240x128xf32, #tpu.memory_space<vmem_shared>> -> memref<40x128xf32, #tpu.memory_space<vmem_shared>>
    %dma_start3A_38 = arith.constant 0 : i32
    %dma_start3A_39 = tpu.memref_slice %arg21[%add3A_35, %dma_start3A_38] : memref<10240x128xf32, #tpu.memory_space<vmem_shared>> -> memref<40x128xf32, #tpu.memory_space<vmem_shared>>
    tpu.enqueue_dma source(%arg16 : memref<40x128xf32, #tpu.memory_space<vmem>>) target(%dma_start3A_39 : memref<40x128xf32, #tpu.memory_space<vmem_shared>>) target_semaphore(%arg22 : memref<!tpu.dma_semaphore, #tpu.memory_space<semaphore_mem>>)
    %add3A_40 = arith.constant 200 : i32
    %add3A_41 = arith.addi %mul3A_4, %add3A_40 : i32
    %dma_start3A_42 = arith.constant 0 : i32
    %dma_start3A_43 = tpu.memref_slice %arg21[%add3A_41, %dma_start3A_42] : memref<10240x128xf32, #tpu.memory_space<vmem_shared>> -> memref<40x128xf32, #tpu.memory_space<vmem_shared>>
    %dma_start3A_44 = arith.constant 0 : i32
    %dma_start3A_45 = tpu.memref_slice %arg21[%add3A_41, %dma_start3A_44] : memref<10240x128xf32, #tpu.memory_space<vmem_shared>> -> memref<40x128xf32, #tpu.memory_space<vmem_shared>>
    tpu.enqueue_dma source(%arg16 : memref<40x128xf32, #tpu.memory_space<vmem>>) target(%dma_start3A_45 : memref<40x128xf32, #tpu.memory_space<vmem_shared>>) target_semaphore(%arg22 : memref<!tpu.dma_semaphore, #tpu.memory_space<semaphore_mem>>)
    %add3A_46 = arith.constant 240 : i32
    %add3A_47 = arith.addi %mul3A_4, %add3A_46 : i32
    %dma_start3A_48 = arith.constant 0 : i32
    %dma_start3A_49 = tpu.memref_slice %arg21[%add3A_47, %dma_start3A_48] : memref<10240x128xf32, #tpu.memory_space<vmem_shared>> -> memref<40x128xf32, #tpu.memory_space<vmem_shared>>
    %dma_start3A_50 = arith.constant 0 : i32
    %dma_start3A_51 = tpu.memref_slice %arg21[%add3A_47, %dma_start3A_50] : memref<10240x128xf32, #tpu.memory_space<vmem_shared>> -> memref<40x128xf32, #tpu.memory_space<vmem_shared>>
    tpu.enqueue_dma source(%arg16 : memref<40x128xf32, #tpu.memory_space<vmem>>) target(%dma_start3A_51 : memref<40x128xf32, #tpu.memory_space<vmem_shared>>) target_semaphore(%arg22 : memref<!tpu.dma_semaphore, #tpu.memory_space<semaphore_mem>>)
    %add3A_52 = arith.constant 280 : i32
    %add3A_53 = arith.addi %mul3A_4, %add3A_52 : i32
    %dma_start3A_54 = arith.constant 0 : i32
    %dma_start3A_55 = tpu.memref_slice %arg21[%add3A_53, %dma_start3A_54] : memref<10240x128xf32, #tpu.memory_space<vmem_shared>> -> memref<40x128xf32, #tpu.memory_space<vmem_shared>>
    %dma_start3A_56 = arith.constant 0 : i32
    %dma_start3A_57 = tpu.memref_slice %arg21[%add3A_53, %dma_start3A_56] : memref<10240x128xf32, #tpu.memory_space<vmem_shared>> -> memref<40x128xf32, #tpu.memory_space<vmem_shared>>
    tpu.enqueue_dma source(%arg16 : memref<40x128xf32, #tpu.memory_space<vmem>>) target(%dma_start3A_57 : memref<40x128xf32, #tpu.memory_space<vmem_shared>>) target_semaphore(%arg22 : memref<!tpu.dma_semaphore, #tpu.memory_space<semaphore_mem>>)
    %add3A_58 = arith.constant 320 : i32
    %add3A_59 = arith.addi %mul3A_4, %add3A_58 : i32
    %dma_start3A_60 = arith.constant 0 : i32
    %dma_start3A_61 = tpu.memref_slice %arg21[%add3A_59, %dma_start3A_60] : memref<10240x128xf32, #tpu.memory_space<vmem_shared>> -> memref<40x128xf32, #tpu.memory_space<vmem_shared>>
    %dma_start3A_62 = arith.constant 0 : i32
    %dma_start3A_63 = tpu.memref_slice %arg21[%add3A_59, %dma_start3A_62] : memref<10240x128xf32, #tpu.memory_space<vmem_shared>> -> memref<40x128xf32, #tpu.memory_space<vmem_shared>>
    tpu.enqueue_dma source(%arg16 : memref<40x128xf32, #tpu.memory_space<vmem>>) target(%dma_start3A_63 : memref<40x128xf32, #tpu.memory_space<vmem_shared>>) target_semaphore(%arg22 : memref<!tpu.dma_semaphore, #tpu.memory_space<semaphore_mem>>)
    %add3A_64 = arith.constant 360 : i32
    %add3A_65 = arith.addi %mul3A_4, %add3A_64 : i32
    %dma_start3A_66 = arith.constant 0 : i32
    %dma_start3A_67 = tpu.memref_slice %arg21[%add3A_65, %dma_start3A_66] : memref<10240x128xf32, #tpu.memory_space<vmem_shared>> -> memref<40x128xf32, #tpu.memory_space<vmem_shared>>
    %dma_start3A_68 = arith.constant 0 : i32
    %dma_start3A_69 = tpu.memref_slice %arg21[%add3A_65, %dma_start3A_68] : memref<10240x128xf32, #tpu.memory_space<vmem_shared>> -> memref<40x128xf32, #tpu.memory_space<vmem_shared>>
    tpu.enqueue_dma source(%arg16 : memref<40x128xf32, #tpu.memory_space<vmem>>) target(%dma_start3A_69 : memref<40x128xf32, #tpu.memory_space<vmem_shared>>) target_semaphore(%arg22 : memref<!tpu.dma_semaphore, #tpu.memory_space<semaphore_mem>>)
    %add3A_70 = arith.constant 400 : i32
    %add3A_71 = arith.addi %mul3A_4, %add3A_70 : i32
    %dma_start3A_72 = arith.constant 0 : i32
    %dma_start3A_73 = tpu.memref_slice %arg21[%add3A_71, %dma_start3A_72] : memref<10240x128xf32, #tpu.memory_space<vmem_shared>> -> memref<40x128xf32, #tpu.memory_space<vmem_shared>>
    %dma_start3A_74 = arith.constant 0 : i32
    %dma_start3A_75 = tpu.memref_slice %arg21[%add3A_71, %dma_start3A_74] : memref<10240x128xf32, #tpu.memory_space<vmem_shared>> -> memref<40x128xf32, #tpu.memory_space<vmem_shared>>
    tpu.enqueue_dma source(%arg16 : memref<40x128xf32, #tpu.memory_space<vmem>>) target(%dma_start3A_75 : memref<40x128xf32, #tpu.memory_space<vmem_shared>>) target_semaphore(%arg22 : memref<!tpu.dma_semaphore, #tpu.memory_space<semaphore_mem>>)
    %add3A_76 = arith.constant 440 : i32
    %add3A_77 = arith.addi %mul3A_4, %add3A_76 : i32
    %dma_start3A_78 = arith.constant 0 : i32
    %dma_start3A_79 = tpu.memref_slice %arg21[%add3A_77, %dma_start3A_78] : memref<10240x128xf32, #tpu.memory_space<vmem_shared>> -> memref<40x128xf32, #tpu.memory_space<vmem_shared>>
    %dma_start3A_80 = arith.constant 0 : i32
    %dma_start3A_81 = tpu.memref_slice %arg21[%add3A_77, %dma_start3A_80] : memref<10240x128xf32, #tpu.memory_space<vmem_shared>> -> memref<40x128xf32, #tpu.memory_space<vmem_shared>>
    tpu.enqueue_dma source(%arg16 : memref<40x128xf32, #tpu.memory_space<vmem>>) target(%dma_start3A_81 : memref<40x128xf32, #tpu.memory_space<vmem_shared>>) target_semaphore(%arg22 : memref<!tpu.dma_semaphore, #tpu.memory_space<semaphore_mem>>)
    %add3A_82 = arith.constant 480 : i32
    %add3A_83 = arith.addi %mul3A_4, %add3A_82 : i32
    %dma_start3A_84 = arith.constant 0 : i32
    %dma_start3A_85 = tpu.memref_slice %arg21[%add3A_83, %dma_start3A_84] : memref<10240x128xf32, #tpu.memory_space<vmem_shared>> -> memref<40x128xf32, #tpu.memory_space<vmem_shared>>
    %dma_start3A_86 = arith.constant 0 : i32
    %dma_start3A_87 = tpu.memref_slice %arg21[%add3A_83, %dma_start3A_86] : memref<10240x128xf32, #tpu.memory_space<vmem_shared>> -> memref<40x128xf32, #tpu.memory_space<vmem_shared>>
    tpu.enqueue_dma source(%arg16 : memref<40x128xf32, #tpu.memory_space<vmem>>) target(%dma_start3A_87 : memref<40x128xf32, #tpu.memory_space<vmem_shared>>) target_semaphore(%arg22 : memref<!tpu.dma_semaphore, #tpu.memory_space<semaphore_mem>>)
    %add3A_88 = arith.constant 520 : i32
    %add3A_89 = arith.addi %mul3A_4, %add3A_88 : i32
    %dma_start3A_90 = arith.constant 0 : i32
    %dma_start3A_91 = tpu.memref_slice %arg21[%add3A_89, %dma_start3A_90] : memref<10240x128xf32, #tpu.memory_space<vmem_shared>> -> memref<40x128xf32, #tpu.memory_space<vmem_shared>>
    %dma_start3A_92 = arith.constant 0 : i32
    %dma_start3A_93 = tpu.memref_slice %arg21[%add3A_89, %dma_start3A_92] : memref<10240x128xf32, #tpu.memory_space<vmem_shared>> -> memref<40x128xf32, #tpu.memory_space<vmem_shared>>
    tpu.enqueue_dma source(%arg16 : memref<40x128xf32, #tpu.memory_space<vmem>>) target(%dma_start3A_93 : memref<40x128xf32, #tpu.memory_space<vmem_shared>>) target_semaphore(%arg22 : memref<!tpu.dma_semaphore, #tpu.memory_space<semaphore_mem>>)
    %add3A_94 = arith.constant 560 : i32
    %add3A_95 = arith.addi %mul3A_4, %add3A_94 : i32
    %dma_start3A_96 = arith.constant 0 : i32
    %dma_start3A_97 = tpu.memref_slice %arg21[%add3A_95, %dma_start3A_96] : memref<10240x128xf32, #tpu.memory_space<vmem_shared>> -> memref<40x128xf32, #tpu.memory_space<vmem_shared>>
    %dma_start3A_98 = arith.constant 0 : i32
    %dma_start3A_99 = tpu.memref_slice %arg21[%add3A_95, %dma_start3A_98] : memref<10240x128xf32, #tpu.memory_space<vmem_shared>> -> memref<40x128xf32, #tpu.memory_space<vmem_shared>>
    tpu.enqueue_dma source(%arg16 : memref<40x128xf32, #tpu.memory_space<vmem>>) target(%dma_start3A_99 : memref<40x128xf32, #tpu.memory_space<vmem_shared>>) target_semaphore(%arg22 : memref<!tpu.dma_semaphore, #tpu.memory_space<semaphore_mem>>)
    %add3A_100 = arith.constant 600 : i32
    %add3A_101 = arith.addi %mul3A_4, %add3A_100 : i32
    %dma_start3A_102 = arith.constant 0 : i32
    %dma_start3A_103 = tpu.memref_slice %arg21[%add3A_101, %dma_start3A_102] : memref<10240x128xf32, #tpu.memory_space<vmem_shared>> -> memref<40x128xf32, #tpu.memory_space<vmem_shared>>
    %dma_start3A_104 = arith.constant 0 : i32
    %dma_start3A_105 = tpu.memref_slice %arg21[%add3A_101, %dma_start3A_104] : memref<10240x128xf32, #tpu.memory_space<vmem_shared>> -> memref<40x128xf32, #tpu.memory_space<vmem_shared>>
    tpu.enqueue_dma source(%arg16 : memref<40x128xf32, #tpu.memory_space<vmem>>) target(%dma_start3A_105 : memref<40x128xf32, #tpu.memory_space<vmem_shared>>) target_semaphore(%arg22 : memref<!tpu.dma_semaphore, #tpu.memory_space<semaphore_mem>>)
    %dma_wait3A = arith.constant 0 : i32
    %dma_wait3A_106 = tpu.memref_slice %arg21[%mul3A_4, %dma_wait3A] : memref<10240x128xf32, #tpu.memory_space<vmem_shared>> -> memref<40x128xf32, #tpu.memory_space<vmem_shared>>
    %dma_wait3A_107 = arith.constant 0 : i32
    %dma_wait3A_108 = tpu.memref_slice %arg21[%mul3A_4, %dma_wait3A_107] : memref<10240x128xf32, #tpu.memory_space<vmem_shared>> -> memref<40x128xf32, #tpu.memory_space<vmem_shared>>
    tpu.wait_dma2 semaphore(%arg22 : memref<!tpu.dma_semaphore, #tpu.memory_space<semaphore_mem>>) src(%arg16 : memref<40x128xf32, #tpu.memory_space<vmem>>) dst(%dma_wait3A_108 : memref<40x128xf32, #tpu.memory_space<vmem_shared>>)
    %dma_wait3A_109 = arith.constant 0 : i32
    %dma_wait3A_110 = tpu.memref_slice %arg21[%mul3A_4, %dma_wait3A_109] : memref<10240x128xf32, #tpu.memory_space<vmem_shared>> -> memref<40x128xf32, #tpu.memory_space<vmem_shared>>
    %dma_wait3A_111 = arith.constant 0 : i32
    %dma_wait3A_112 = tpu.memref_slice %arg21[%mul3A_4, %dma_wait3A_111] : memref<10240x128xf32, #tpu.memory_space<vmem_shared>> -> memref<40x128xf32, #tpu.memory_space<vmem_shared>>
    tpu.wait_dma2 semaphore(%arg22 : memref<!tpu.dma_semaphore, #tpu.memory_space<semaphore_mem>>) src(%arg16 : memref<40x128xf32, #tpu.memory_space<vmem>>) dst(%dma_wait3A_112 : memref<40x128xf32, #tpu.memory_space<vmem_shared>>)
    %dma_wait3A_113 = arith.constant 0 : i32
    %dma_wait3A_114 = tpu.memref_slice %arg21[%mul3A_4, %dma_wait3A_113] : memref<10240x128xf32, #tpu.memory_space<vmem_shared>> -> memref<40x128xf32, #tpu.memory_space<vmem_shared>>
    %dma_wait3A_115 = arith.constant 0 : i32
    %dma_wait3A_116 = tpu.memref_slice %arg21[%mul3A_4, %dma_wait3A_115] : memref<10240x128xf32, #tpu.memory_space<vmem_shared>> -> memref<40x128xf32, #tpu.memory_space<vmem_shared>>
    tpu.wait_dma2 semaphore(%arg22 : memref<!tpu.dma_semaphore, #tpu.memory_space<semaphore_mem>>) src(%arg16 : memref<40x128xf32, #tpu.memory_space<vmem>>) dst(%dma_wait3A_116 : memref<40x128xf32, #tpu.memory_space<vmem_shared>>)
    %dma_wait3A_117 = arith.constant 0 : i32
    %dma_wait3A_118 = tpu.memref_slice %arg21[%mul3A_4, %dma_wait3A_117] : memref<10240x128xf32, #tpu.memory_space<vmem_shared>> -> memref<40x128xf32, #tpu.memory_space<vmem_shared>>
    %dma_wait3A_119 = arith.constant 0 : i32
    %dma_wait3A_120 = tpu.memref_slice %arg21[%mul3A_4, %dma_wait3A_119] : memref<10240x128xf32, #tpu.memory_space<vmem_shared>> -> memref<40x128xf32, #tpu.memory_space<vmem_shared>>
    tpu.wait_dma2 semaphore(%arg22 : memref<!tpu.dma_semaphore, #tpu.memory_space<semaphore_mem>>) src(%arg16 : memref<40x128xf32, #tpu.memory_space<vmem>>) dst(%dma_wait3A_120 : memref<40x128xf32, #tpu.memory_space<vmem_shared>>)
    %dma_wait3A_121 = arith.constant 0 : i32
    %dma_wait3A_122 = tpu.memref_slice %arg21[%mul3A_4, %dma_wait3A_121] : memref<10240x128xf32, #tpu.memory_space<vmem_shared>> -> memref<40x128xf32, #tpu.memory_space<vmem_shared>>
    %dma_wait3A_123 = arith.constant 0 : i32
    %dma_wait3A_124 = tpu.memref_slice %arg21[%mul3A_4, %dma_wait3A_123] : memref<10240x128xf32, #tpu.memory_space<vmem_shared>> -> memref<40x128xf32, #tpu.memory_space<vmem_shared>>
    tpu.wait_dma2 semaphore(%arg22 : memref<!tpu.dma_semaphore, #tpu.memory_space<semaphore_mem>>) src(%arg16 : memref<40x128xf32, #tpu.memory_space<vmem>>) dst(%dma_wait3A_124 : memref<40x128xf32, #tpu.memory_space<vmem_shared>>)
    %dma_wait3A_125 = arith.constant 0 : i32
    %dma_wait3A_126 = tpu.memref_slice %arg21[%mul3A_4, %dma_wait3A_125] : memref<10240x128xf32, #tpu.memory_space<vmem_shared>> -> memref<40x128xf32, #tpu.memory_space<vmem_shared>>
    %dma_wait3A_127 = arith.constant 0 : i32
    %dma_wait3A_128 = tpu.memref_slice %arg21[%mul3A_4, %dma_wait3A_127] : memref<10240x128xf32, #tpu.memory_space<vmem_shared>> -> memref<40x128xf32, #tpu.memory_space<vmem_shared>>
    tpu.wait_dma2 semaphore(%arg22 : memref<!tpu.dma_semaphore, #tpu.memory_space<semaphore_mem>>) src(%arg16 : memref<40x128xf32, #tpu.memory_space<vmem>>) dst(%dma_wait3A_128 : memref<40x128xf32, #tpu.memory_space<vmem_shared>>)
    %dma_wait3A_129 = arith.constant 0 : i32
    %dma_wait3A_130 = tpu.memref_slice %arg21[%mul3A_4, %dma_wait3A_129] : memref<10240x128xf32, #tpu.memory_space<vmem_shared>> -> memref<40x128xf32, #tpu.memory_space<vmem_shared>>
    %dma_wait3A_131 = arith.constant 0 : i32
    %dma_wait3A_132 = tpu.memref_slice %arg21[%mul3A_4, %dma_wait3A_131] : memref<10240x128xf32, #tpu.memory_space<vmem_shared>> -> memref<40x128xf32, #tpu.memory_space<vmem_shared>>
    tpu.wait_dma2 semaphore(%arg22 : memref<!tpu.dma_semaphore, #tpu.memory_space<semaphore_mem>>) src(%arg16 : memref<40x128xf32, #tpu.memory_space<vmem>>) dst(%dma_wait3A_132 : memref<40x128xf32, #tpu.memory_space<vmem_shared>>)
    %dma_wait3A_133 = arith.constant 0 : i32
    %dma_wait3A_134 = tpu.memref_slice %arg21[%mul3A_4, %dma_wait3A_133] : memref<10240x128xf32, #tpu.memory_space<vmem_shared>> -> memref<40x128xf32, #tpu.memory_space<vmem_shared>>
    %dma_wait3A_135 = arith.constant 0 : i32
    %dma_wait3A_136 = tpu.memref_slice %arg21[%mul3A_4, %dma_wait3A_135] : memref<10240x128xf32, #tpu.memory_space<vmem_shared>> -> memref<40x128xf32, #tpu.memory_space<vmem_shared>>
    tpu.wait_dma2 semaphore(%arg22 : memref<!tpu.dma_semaphore, #tpu.memory_space<semaphore_mem>>) src(%arg16 : memref<40x128xf32, #tpu.memory_space<vmem>>) dst(%dma_wait3A_136 : memref<40x128xf32, #tpu.memory_space<vmem_shared>>)
    %dma_wait3A_137 = arith.constant 0 : i32
    %dma_wait3A_138 = tpu.memref_slice %arg21[%mul3A_4, %dma_wait3A_137] : memref<10240x128xf32, #tpu.memory_space<vmem_shared>> -> memref<40x128xf32, #tpu.memory_space<vmem_shared>>
    %dma_wait3A_139 = arith.constant 0 : i32
    %dma_wait3A_140 = tpu.memref_slice %arg21[%mul3A_4, %dma_wait3A_139] : memref<10240x128xf32, #tpu.memory_space<vmem_shared>> -> memref<40x128xf32, #tpu.memory_space<vmem_shared>>
    tpu.wait_dma2 semaphore(%arg22 : memref<!tpu.dma_semaphore, #tpu.memory_space<semaphore_mem>>) src(%arg16 : memref<40x128xf32, #tpu.memory_space<vmem>>) dst(%dma_wait3A_140 : memref<40x128xf32, #tpu.memory_space<vmem_shared>>)
    %dma_wait3A_141 = arith.constant 0 : i32
    %dma_wait3A_142 = tpu.memref_slice %arg21[%mul3A_4, %dma_wait3A_141] : memref<10240x128xf32, #tpu.memory_space<vmem_shared>> -> memref<40x128xf32, #tpu.memory_space<vmem_shared>>
    %dma_wait3A_143 = arith.constant 0 : i32
    %dma_wait3A_144 = tpu.memref_slice %arg21[%mul3A_4, %dma_wait3A_143] : memref<10240x128xf32, #tpu.memory_space<vmem_shared>> -> memref<40x128xf32, #tpu.memory_space<vmem_shared>>
    tpu.wait_dma2 semaphore(%arg22 : memref<!tpu.dma_semaphore, #tpu.memory_space<semaphore_mem>>) src(%arg16 : memref<40x128xf32, #tpu.memory_space<vmem>>) dst(%dma_wait3A_144 : memref<40x128xf32, #tpu.memory_space<vmem_shared>>)
    %dma_wait3A_145 = arith.constant 0 : i32
    %dma_wait3A_146 = tpu.memref_slice %arg21[%mul3A_4, %dma_wait3A_145] : memref<10240x128xf32, #tpu.memory_space<vmem_shared>> -> memref<40x128xf32, #tpu.memory_space<vmem_shared>>
    %dma_wait3A_147 = arith.constant 0 : i32
    %dma_wait3A_148 = tpu.memref_slice %arg21[%mul3A_4, %dma_wait3A_147] : memref<10240x128xf32, #tpu.memory_space<vmem_shared>> -> memref<40x128xf32, #tpu.memory_space<vmem_shared>>
    tpu.wait_dma2 semaphore(%arg22 : memref<!tpu.dma_semaphore, #tpu.memory_space<semaphore_mem>>) src(%arg16 : memref<40x128xf32, #tpu.memory_space<vmem>>) dst(%dma_wait3A_148 : memref<40x128xf32, #tpu.memory_space<vmem_shared>>)
    %dma_wait3A_149 = arith.constant 0 : i32
    %dma_wait3A_150 = tpu.memref_slice %arg21[%mul3A_4, %dma_wait3A_149] : memref<10240x128xf32, #tpu.memory_space<vmem_shared>> -> memref<40x128xf32, #tpu.memory_space<vmem_shared>>
    %dma_wait3A_151 = arith.constant 0 : i32
    %dma_wait3A_152 = tpu.memref_slice %arg21[%mul3A_4, %dma_wait3A_151] : memref<10240x128xf32, #tpu.memory_space<vmem_shared>> -> memref<40x128xf32, #tpu.memory_space<vmem_shared>>
    tpu.wait_dma2 semaphore(%arg22 : memref<!tpu.dma_semaphore, #tpu.memory_space<semaphore_mem>>) src(%arg16 : memref<40x128xf32, #tpu.memory_space<vmem>>) dst(%dma_wait3A_152 : memref<40x128xf32, #tpu.memory_space<vmem_shared>>)
    %dma_wait3A_153 = arith.constant 0 : i32
    %dma_wait3A_154 = tpu.memref_slice %arg21[%mul3A_4, %dma_wait3A_153] : memref<10240x128xf32, #tpu.memory_space<vmem_shared>> -> memref<40x128xf32, #tpu.memory_space<vmem_shared>>
    %dma_wait3A_155 = arith.constant 0 : i32
    %dma_wait3A_156 = tpu.memref_slice %arg21[%mul3A_4, %dma_wait3A_155] : memref<10240x128xf32, #tpu.memory_space<vmem_shared>> -> memref<40x128xf32, #tpu.memory_space<vmem_shared>>
    tpu.wait_dma2 semaphore(%arg22 : memref<!tpu.dma_semaphore, #tpu.memory_space<semaphore_mem>>) src(%arg16 : memref<40x128xf32, #tpu.memory_space<vmem>>) dst(%dma_wait3A_156 : memref<40x128xf32, #tpu.memory_space<vmem_shared>>)
    %dma_wait3A_157 = arith.constant 0 : i32
    %dma_wait3A_158 = tpu.memref_slice %arg21[%mul3A_4, %dma_wait3A_157] : memref<10240x128xf32, #tpu.memory_space<vmem_shared>> -> memref<40x128xf32, #tpu.memory_space<vmem_shared>>
    %dma_wait3A_159 = arith.constant 0 : i32
    %dma_wait3A_160 = tpu.memref_slice %arg21[%mul3A_4, %dma_wait3A_159] : memref<10240x128xf32, #tpu.memory_space<vmem_shared>> -> memref<40x128xf32, #tpu.memory_space<vmem_shared>>
    tpu.wait_dma2 semaphore(%arg22 : memref<!tpu.dma_semaphore, #tpu.memory_space<semaphore_mem>>) src(%arg16 : memref<40x128xf32, #tpu.memory_space<vmem>>) dst(%dma_wait3A_160 : memref<40x128xf32, #tpu.memory_space<vmem_shared>>)
    %dma_wait3A_161 = arith.constant 0 : i32
    %dma_wait3A_162 = tpu.memref_slice %arg21[%mul3A_4, %dma_wait3A_161] : memref<10240x128xf32, #tpu.memory_space<vmem_shared>> -> memref<40x128xf32, #tpu.memory_space<vmem_shared>>
    %dma_wait3A_163 = arith.constant 0 : i32
    %dma_wait3A_164 = tpu.memref_slice %arg21[%mul3A_4, %dma_wait3A_163] : memref<10240x128xf32, #tpu.memory_space<vmem_shared>> -> memref<40x128xf32, #tpu.memory_space<vmem_shared>>
    tpu.wait_dma2 semaphore(%arg22 : memref<!tpu.dma_semaphore, #tpu.memory_space<semaphore_mem>>) src(%arg16 : memref<40x128xf32, #tpu.memory_space<vmem>>) dst(%dma_wait3A_164 : memref<40x128xf32, #tpu.memory_space<vmem_shared>>)
    %dma_wait3A_165 = arith.constant 0 : i32
    %dma_wait3A_166 = tpu.memref_slice %arg21[%mul3A_4, %dma_wait3A_165] : memref<10240x128xf32, #tpu.memory_space<vmem_shared>> -> memref<40x128xf32, #tpu.memory_space<vmem_shared>>
    %dma_wait3A_167 = arith.constant 0 : i32
    %dma_wait3A_168 = tpu.memref_slice %arg21[%mul3A_4, %dma_wait3A_167] : memref<10240x128xf32, #tpu.memory_space<vmem_shared>> -> memref<40x128xf32, #tpu.memory_space<vmem_shared>>
    tpu.wait_dma2 semaphore(%arg22 : memref<!tpu.dma_semaphore, #tpu.memory_space<semaphore_mem>>) src(%arg16 : memref<40x128xf32, #tpu.memory_space<vmem>>) dst(%dma_wait3A_168 : memref<40x128xf32, #tpu.memory_space<vmem_shared>>)
    %barrier3A = arith.constant 0 : index
    tpu.barrier barrier_id(%barrier3A)
    %add3A_169 = arith.constant 0 : i32
    %add3A_170 = arith.addi %mul3A_2, %add3A_169 : i32
    %dma_start3A_171 = tpu.memref_slice %arg3[%add3A_170] : memref<320000xi32, #tpu.memory_space<hbm>> -> memref<40xi32, #tpu.memory_space<hbm>>
    %dma_start3A_172 = tpu.memref_slice %arg3[%add3A_170] : memref<320000xi32, #tpu.memory_space<hbm>> -> memref<40xi32, #tpu.memory_space<hbm>>
    tpu.enqueue_dma source(%dma_start3A_172 : memref<40xi32, #tpu.memory_space<hbm>>) target(%arg6 : memref<40xi32, #tpu.memory_space<vmem>>) target_semaphore(%arg22 : memref<!tpu.dma_semaphore, #tpu.memory_space<semaphore_mem>>)
    %add3A_173 = arith.constant 0 : i32
    %add3A_174 = arith.addi %mul3A_2, %add3A_173 : i32
    %dma_start3A_175 = tpu.memref_slice %arg4[%add3A_174] : memref<320000xi32, #tpu.memory_space<hbm>> -> memref<40xi32, #tpu.memory_space<hbm>>
    %dma_start3A_176 = tpu.memref_slice %arg4[%add3A_174] : memref<320000xi32, #tpu.memory_space<hbm>> -> memref<40xi32, #tpu.memory_space<hbm>>
    tpu.enqueue_dma source(%dma_start3A_176 : memref<40xi32, #tpu.memory_space<hbm>>) target(%arg11 : memref<40xi32, #tpu.memory_space<vmem>>) target_semaphore(%arg22 : memref<!tpu.dma_semaphore, #tpu.memory_space<semaphore_mem>>)
    %add3A_177 = arith.constant 40 : i32
    %add3A_178 = arith.addi %mul3A_2, %add3A_177 : i32
    %dma_start3A_179 = tpu.memref_slice %arg3[%add3A_178] : memref<320000xi32, #tpu.memory_space<hbm>> -> memref<40xi32, #tpu.memory_space<hbm>>
    %dma_start3A_180 = tpu.memref_slice %arg3[%add3A_178] : memref<320000xi32, #tpu.memory_space<hbm>> -> memref<40xi32, #tpu.memory_space<hbm>>
    tpu.enqueue_dma source(%dma_start3A_180 : memref<40xi32, #tpu.memory_space<hbm>>) target(%arg7 : memref<40xi32, #tpu.memory_space<vmem>>) target_semaphore(%arg23 : memref<!tpu.dma_semaphore, #tpu.memory_space<semaphore_mem>>)
    %add3A_181 = arith.constant 40 : i32
    %add3A_182 = arith.addi %mul3A_2, %add3A_181 : i32
    %dma_start3A_183 = tpu.memref_slice %arg4[%add3A_182] : memref<320000xi32, #tpu.memory_space<hbm>> -> memref<40xi32, #tpu.memory_space<hbm>>
    %dma_start3A_184 = tpu.memref_slice %arg4[%add3A_182] : memref<320000xi32, #tpu.memory_space<hbm>> -> memref<40xi32, #tpu.memory_space<hbm>>
    tpu.enqueue_dma source(%dma_start3A_184 : memref<40xi32, #tpu.memory_space<hbm>>) target(%arg12 : memref<40xi32, #tpu.memory_space<vmem>>) target_semaphore(%arg23 : memref<!tpu.dma_semaphore, #tpu.memory_space<semaphore_mem>>)
    %add3A_185 = arith.constant 80 : i32
    %add3A_186 = arith.addi %mul3A_2, %add3A_185 : i32
    %dma_start3A_187 = tpu.memref_slice %arg3[%add3A_186] : memref<320000xi32, #tpu.memory_space<hbm>> -> memref<40xi32, #tpu.memory_space<hbm>>
    %dma_start3A_188 = tpu.memref_slice %arg3[%add3A_186] : memref<320000xi32, #tpu.memory_space<hbm>> -> memref<40xi32, #tpu.memory_space<hbm>>
    tpu.enqueue_dma source(%dma_start3A_188 : memref<40xi32, #tpu.memory_space<hbm>>) target(%arg8 : memref<40xi32, #tpu.memory_space<vmem>>) target_semaphore(%arg24 : memref<!tpu.dma_semaphore, #tpu.memory_space<semaphore_mem>>)
    %add3A_189 = arith.constant 80 : i32
    %add3A_190 = arith.addi %mul3A_2, %add3A_189 : i32
    %dma_start3A_191 = tpu.memref_slice %arg4[%add3A_190] : memref<320000xi32, #tpu.memory_space<hbm>> -> memref<40xi32, #tpu.memory_space<hbm>>
    %dma_start3A_192 = tpu.memref_slice %arg4[%add3A_190] : memref<320000xi32, #tpu.memory_space<hbm>> -> memref<40xi32, #tpu.memory_space<hbm>>
    tpu.enqueue_dma source(%dma_start3A_192 : memref<40xi32, #tpu.memory_space<hbm>>) target(%arg13 : memref<40xi32, #tpu.memory_space<vmem>>) target_semaphore(%arg24 : memref<!tpu.dma_semaphore, #tpu.memory_space<semaphore_mem>>)
    %dma_wait3A_193 = tpu.memref_slice %arg3[%mul3A_2] : memref<320000xi32, #tpu.memory_space<hbm>> -> memref<40xi32, #tpu.memory_space<hbm>>
    %dma_wait3A_194 = tpu.memref_slice %arg3[%mul3A_2] : memref<320000xi32, #tpu.memory_space<hbm>> -> memref<40xi32, #tpu.memory_space<hbm>>
    tpu.wait_dma2 semaphore(%arg22 : memref<!tpu.dma_semaphore, #tpu.memory_space<semaphore_mem>>) src(%dma_wait3A_194 : memref<40xi32, #tpu.memory_space<hbm>>) dst(%arg6 : memref<40xi32, #tpu.memory_space<vmem>>)
    %dma_wait3A_195 = tpu.memref_slice %arg4[%mul3A_2] : memref<320000xi32, #tpu.memory_space<hbm>> -> memref<40xi32, #tpu.memory_space<hbm>>
    %dma_wait3A_196 = tpu.memref_slice %arg4[%mul3A_2] : memref<320000xi32, #tpu.memory_space<hbm>> -> memref<40xi32, #tpu.memory_space<hbm>>
    tpu.wait_dma2 semaphore(%arg22 : memref<!tpu.dma_semaphore, #tpu.memory_space<semaphore_mem>>) src(%dma_wait3A_196 : memref<40xi32, #tpu.memory_space<hbm>>) dst(%arg11 : memref<40xi32, #tpu.memory_space<vmem>>)
    %dma_start3A_197 = arith.constant 0 : i32
    %dma_start3A_198 = arith.constant 0 : i32
    %dma_start3A_199 = tpu.memref_slice %arg2[%dma_start3A_197, %dma_start3A_198] : memref<10240x128xf32, #tpu.memory_space<hbm>> -> memref<10240x128xf32, #tpu.memory_space<hbm>>
    tpu.enqueue_indirect_dma source(%dma_start3A_199 : memref<10240x128xf32, #tpu.memory_space<hbm>>) target(%arg16 : memref<40x128xf32, #tpu.memory_space<vmem>>) offsets(%arg6 : memref<40xi32, #tpu.memory_space<vmem>>) semaphore(%arg27 : memref<!tpu.dma_semaphore, #tpu.memory_space<semaphore_mem>>)
    %dma_wait3A_200 = tpu.memref_slice %arg3[%mul3A_2] : memref<320000xi32, #tpu.memory_space<hbm>> -> memref<40xi32, #tpu.memory_space<hbm>>
    %dma_wait3A_201 = tpu.memref_slice %arg3[%mul3A_2] : memref<320000xi32, #tpu.memory_space<hbm>> -> memref<40xi32, #tpu.memory_space<hbm>>
    tpu.wait_dma2 semaphore(%arg23 : memref<!tpu.dma_semaphore, #tpu.memory_space<semaphore_mem>>) src(%dma_wait3A_201 : memref<40xi32, #tpu.memory_space<hbm>>) dst(%arg7 : memref<40xi32, #tpu.memory_space<vmem>>)
    %dma_wait3A_202 = tpu.memref_slice %arg4[%mul3A_2] : memref<320000xi32, #tpu.memory_space<hbm>> -> memref<40xi32, #tpu.memory_space<hbm>>
    %dma_wait3A_203 = tpu.memref_slice %arg4[%mul3A_2] : memref<320000xi32, #tpu.memory_space<hbm>> -> memref<40xi32, #tpu.memory_space<hbm>>
    tpu.wait_dma2 semaphore(%arg23 : memref<!tpu.dma_semaphore, #tpu.memory_space<semaphore_mem>>) src(%dma_wait3A_203 : memref<40xi32, #tpu.memory_space<hbm>>) dst(%arg12 : memref<40xi32, #tpu.memory_space<vmem>>)
    %dma_start3A_204 = arith.constant 0 : i32
    %dma_start3A_205 = arith.constant 0 : i32
    %dma_start3A_206 = tpu.memref_slice %arg2[%dma_start3A_204, %dma_start3A_205] : memref<10240x128xf32, #tpu.memory_space<hbm>> -> memref<10240x128xf32, #tpu.memory_space<hbm>>
    tpu.enqueue_indirect_dma source(%dma_start3A_206 : memref<10240x128xf32, #tpu.memory_space<hbm>>) target(%arg17 : memref<40x128xf32, #tpu.memory_space<vmem>>) offsets(%arg7 : memref<40xi32, #tpu.memory_space<vmem>>) semaphore(%arg28 : memref<!tpu.dma_semaphore, #tpu.memory_space<semaphore_mem>>)
    %scan3A_207 = arith.constant 0 : i32
    %scan3A_208 = arith.constant 50 : i32
    %scan3A_209 = arith.addi %scan3A_207, %scan3A_208 : i32
    %scan3A_210 = arith.constant 1 : i32
    scf.for %scan3A_231 = %scan3A_207 to %scan3A_209 step %scan3A_210  : i32 {
      %mul3A_232 = arith.constant 5 : i32
      %mul3A_233 = arith.muli %scan3A_231, %mul3A_232 : i32
      %add3A_234 = arith.constant 0 : i32
      %add3A_235 = arith.addi %add3A_234, %mul3A_233 : i32
      %add3A_236 = arith.constant 0 : i32
      %add3A_237 = arith.addi %add3A_235, %add3A_236 : i32
      %dma_wait3A_238 = arith.constant 0 : i32
      %dma_wait3A_239 = arith.constant 0 : i32
      %dma_wait3A_240 = tpu.memref_slice %arg2[%dma_wait3A_238, %dma_wait3A_239] : memref<10240x128xf32, #tpu.memory_space<hbm>> -> memref<10240x128xf32, #tpu.memory_space<hbm>>
      tpu.wait_indirect_dma semaphore(%arg27 : memref<!tpu.dma_semaphore, #tpu.memory_space<semaphore_mem>>) src(%dma_wait3A_240 : memref<10240x128xf32, #tpu.memory_space<hbm>>) dst(%arg16 : memref<40x128xf32, #tpu.memory_space<vmem>>)
      %dma_start3A_241 = arith.constant 0 : i32
      %dma_start3A_242 = arith.constant 0 : i32
      %dma_start3A_243 = tpu.memref_slice %arg21[%dma_start3A_241, %dma_start3A_242] : memref<10240x128xf32, #tpu.memory_space<vmem_shared>> -> memref<10240x128xf32, #tpu.memory_space<vmem_shared>>
      tpu.enqueue_indirect_dma source(%arg16 : memref<40x128xf32, #tpu.memory_space<vmem>>) target(%dma_start3A_243 : memref<10240x128xf32, #tpu.memory_space<vmem_shared>>) offsets(%arg11 : memref<40xi32, #tpu.memory_space<vmem>>) semaphore(%arg32 : memref<!tpu.dma_semaphore, #tpu.memory_space<semaphore_mem>>) {add = true}
      %add3A_244 = arith.constant 3 : i32
      %add3A_245 = arith.addi %add3A_237, %add3A_244 : i32
      %lt3A = arith.constant 250 : i32
      %lt3A_246 = arith.cmpi slt, %add3A_245, %lt3A : i32
      %convert_element_type3A = arith.extui %lt3A_246 : i1 to i32
      %cond3A = arith.constant 0 : i32
      %cond3A_247 = arith.cmpi ne, %convert_element_type3A, %cond3A : i32
      scf.if %cond3A_247 {
        %add3A_343 = arith.constant 3 : i32
        %add3A_344 = arith.addi %add3A_237, %add3A_343 : i32
        %ge3A = arith.constant 5 : i32
        %ge3A_345 = arith.cmpi sge, %add3A_344, %ge3A : i32
        %convert_element_type3A_346 = arith.extui %ge3A_345 : i1 to i32
        %cond3A_347 = arith.constant 0 : i32
        %cond3A_348 = arith.cmpi ne, %convert_element_type3A_346, %cond3A_347 : i32
        scf.if %cond3A_348 {
          %dma_wait3A_361 = arith.constant 0 : i32
          %dma_wait3A_362 = arith.constant 0 : i32
          %dma_wait3A_363 = tpu.memref_slice %arg21[%dma_wait3A_361, %dma_wait3A_362] : memref<10240x128xf32, #tpu.memory_space<vmem_shared>> -> memref<10240x128xf32, #tpu.memory_space<vmem_shared>>
          tpu.wait_indirect_dma semaphore(%arg35 : memref<!tpu.dma_semaphore, #tpu.memory_space<semaphore_mem>>) src(%arg19 : memref<40x128xf32, #tpu.memory_space<vmem>>) dst(%dma_wait3A_363 : memref<10240x128xf32, #tpu.memory_space<vmem_shared>>)
        } else {
        }
        %add3A_349 = arith.constant 3 : i32
        %add3A_350 = arith.addi %add3A_237, %add3A_349 : i32
        %mul3A_351 = arith.constant 40 : i32
        %mul3A_352 = arith.muli %add3A_350, %mul3A_351 : i32
        %add3A_353 = arith.addi %mul3A_2, %mul3A_352 : i32
        %dma_start3A_354 = tpu.memref_slice %arg3[%add3A_353] : memref<320000xi32, #tpu.memory_space<hbm>> -> memref<40xi32, #tpu.memory_space<hbm>>
        %dma_start3A_355 = tpu.memref_slice %arg3[%add3A_353] : memref<320000xi32, #tpu.memory_space<hbm>> -> memref<40xi32, #tpu.memory_space<hbm>>
        tpu.enqueue_dma source(%dma_start3A_355 : memref<40xi32, #tpu.memory_space<hbm>>) target(%arg9 : memref<40xi32, #tpu.memory_space<vmem>>) target_semaphore(%arg25 : memref<!tpu.dma_semaphore, #tpu.memory_space<semaphore_mem>>)
        %mul3A_356 = arith.constant 40 : i32
        %mul3A_357 = arith.muli %add3A_350, %mul3A_356 : i32
        %add3A_358 = arith.addi %mul3A_2, %mul3A_357 : i32
        %dma_start3A_359 = tpu.memref_slice %arg4[%add3A_358] : memref<320000xi32, #tpu.memory_space<hbm>> -> memref<40xi32, #tpu.memory_space<hbm>>
        %dma_start3A_360 = tpu.memref_slice %arg4[%add3A_358] : memref<320000xi32, #tpu.memory_space<hbm>> -> memref<40xi32, #tpu.memory_space<hbm>>
        tpu.enqueue_dma source(%dma_start3A_360 : memref<40xi32, #tpu.memory_space<hbm>>) target(%arg14 : memref<40xi32, #tpu.memory_space<vmem>>) target_semaphore(%arg25 : memref<!tpu.dma_semaphore, #tpu.memory_space<semaphore_mem>>)
      } else {
      }
      %add3A_248 = arith.constant 2 : i32
      %add3A_249 = arith.addi %add3A_237, %add3A_248 : i32
      %lt3A_250 = arith.constant 250 : i32
      %lt3A_251 = arith.cmpi slt, %add3A_249, %lt3A_250 : i32
      %convert_element_type3A_252 = arith.extui %lt3A_251 : i1 to i32
      %cond3A_253 = arith.constant 0 : i32
      %cond3A_254 = arith.cmpi ne, %convert_element_type3A_252, %cond3A_253 : i32
      scf.if %cond3A_254 {
        %dma_wait3A_343 = tpu.memref_slice %arg3[%mul3A_2] : memref<320000xi32, #tpu.memory_space<hbm>> -> memref<40xi32, #tpu.memory_space<hbm>>
        %dma_wait3A_344 = tpu.memref_slice %arg3[%mul3A_2] : memref<320000xi32, #tpu.memory_space<hbm>> -> memref<40xi32, #tpu.memory_space<hbm>>
        tpu.wait_dma2 semaphore(%arg24 : memref<!tpu.dma_semaphore, #tpu.memory_space<semaphore_mem>>) src(%dma_wait3A_344 : memref<40xi32, #tpu.memory_space<hbm>>) dst(%arg8 : memref<40xi32, #tpu.memory_space<vmem>>)
        %dma_wait3A_345 = tpu.memref_slice %arg4[%mul3A_2] : memref<320000xi32, #tpu.memory_space<hbm>> -> memref<40xi32, #tpu.memory_space<hbm>>
        %dma_wait3A_346 = tpu.memref_slice %arg4[%mul3A_2] : memref<320000xi32, #tpu.memory_space<hbm>> -> memref<40xi32, #tpu.memory_space<hbm>>
        tpu.wait_dma2 semaphore(%arg24 : memref<!tpu.dma_semaphore, #tpu.memory_space<semaphore_mem>>) src(%dma_wait3A_346 : memref<40xi32, #tpu.memory_space<hbm>>) dst(%arg13 : memref<40xi32, #tpu.memory_space<vmem>>)
        %dma_start3A_347 = arith.constant 0 : i32
        %dma_start3A_348 = arith.constant 0 : i32
        %dma_start3A_349 = tpu.memref_slice %arg2[%dma_start3A_347, %dma_start3A_348] : memref<10240x128xf32, #tpu.memory_space<hbm>> -> memref<10240x128xf32, #tpu.memory_space<hbm>>
        tpu.enqueue_indirect_dma source(%dma_start3A_349 : memref<10240x128xf32, #tpu.memory_space<hbm>>) target(%arg18 : memref<40x128xf32, #tpu.memory_space<vmem>>) offsets(%arg8 : memref<40xi32, #tpu.memory_space<vmem>>) semaphore(%arg29 : memref<!tpu.dma_semaphore, #tpu.memory_space<semaphore_mem>>)
      } else {
      }
      %add3A_255 = arith.constant 1 : i32
      %add3A_256 = arith.addi %add3A_235, %add3A_255 : i32
      %dma_wait3A_257 = arith.constant 0 : i32
      %dma_wait3A_258 = arith.constant 0 : i32
      %dma_wait3A_259 = tpu.memref_slice %arg2[%dma_wait3A_257, %dma_wait3A_258] : memref<10240x128xf32, #tpu.memory_space<hbm>> -> memref<10240x128xf32, #tpu.memory_space<hbm>>
      tpu.wait_indirect_dma semaphore(%arg28 : memref<!tpu.dma_semaphore, #tpu.memory_space<semaphore_mem>>) src(%dma_wait3A_259 : memref<10240x128xf32, #tpu.memory_space<hbm>>) dst(%arg17 : memref<40x128xf32, #tpu.memory_space<vmem>>)
      %dma_start3A_260 = arith.constant 0 : i32
      %dma_start3A_261 = arith.constant 0 : i32
      %dma_start3A_262 = tpu.memref_slice %arg21[%dma_start3A_260, %dma_start3A_261] : memref<10240x128xf32, #tpu.memory_space<vmem_shared>> -> memref<10240x128xf32, #tpu.memory_space<vmem_shared>>
      tpu.enqueue_indirect_dma source(%arg17 : memref<40x128xf32, #tpu.memory_space<vmem>>) target(%dma_start3A_262 : memref<10240x128xf32, #tpu.memory_space<vmem_shared>>) offsets(%arg12 : memref<40xi32, #tpu.memory_space<vmem>>) semaphore(%arg33 : memref<!tpu.dma_semaphore, #tpu.memory_space<semaphore_mem>>) {add = true}
      %add3A_263 = arith.constant 3 : i32
      %add3A_264 = arith.addi %add3A_256, %add3A_263 : i32
      %lt3A_265 = arith.constant 250 : i32
      %lt3A_266 = arith.cmpi slt, %add3A_264, %lt3A_265 : i32
      %convert_element_type3A_267 = arith.extui %lt3A_266 : i1 to i32
      %cond3A_268 = arith.constant 0 : i32
      %cond3A_269 = arith.cmpi ne, %convert_element_type3A_267, %cond3A_268 : i32
      scf.if %cond3A_269 {
        %add3A_343 = arith.constant 3 : i32
        %add3A_344 = arith.addi %add3A_256, %add3A_343 : i32
        %ge3A = arith.constant 5 : i32
        %ge3A_345 = arith.cmpi sge, %add3A_344, %ge3A : i32
        %convert_element_type3A_346 = arith.extui %ge3A_345 : i1 to i32
        %cond3A_347 = arith.constant 0 : i32
        %cond3A_348 = arith.cmpi ne, %convert_element_type3A_346, %cond3A_347 : i32
        scf.if %cond3A_348 {
          %dma_wait3A_361 = arith.constant 0 : i32
          %dma_wait3A_362 = arith.constant 0 : i32
          %dma_wait3A_363 = tpu.memref_slice %arg21[%dma_wait3A_361, %dma_wait3A_362] : memref<10240x128xf32, #tpu.memory_space<vmem_shared>> -> memref<10240x128xf32, #tpu.memory_space<vmem_shared>>
          tpu.wait_indirect_dma semaphore(%arg36 : memref<!tpu.dma_semaphore, #tpu.memory_space<semaphore_mem>>) src(%arg20 : memref<40x128xf32, #tpu.memory_space<vmem>>) dst(%dma_wait3A_363 : memref<10240x128xf32, #tpu.memory_space<vmem_shared>>)
        } else {
        }
        %add3A_349 = arith.constant 3 : i32
        %add3A_350 = arith.addi %add3A_256, %add3A_349 : i32
        %mul3A_351 = arith.constant 40 : i32
        %mul3A_352 = arith.muli %add3A_350, %mul3A_351 : i32
        %add3A_353 = arith.addi %mul3A_2, %mul3A_352 : i32
        %dma_start3A_354 = tpu.memref_slice %arg3[%add3A_353] : memref<320000xi32, #tpu.memory_space<hbm>> -> memref<40xi32, #tpu.memory_space<hbm>>
        %dma_start3A_355 = tpu.memref_slice %arg3[%add3A_353] : memref<320000xi32, #tpu.memory_space<hbm>> -> memref<40xi32, #tpu.memory_space<hbm>>
        tpu.enqueue_dma source(%dma_start3A_355 : memref<40xi32, #tpu.memory_space<hbm>>) target(%arg10 : memref<40xi32, #tpu.memory_space<vmem>>) target_semaphore(%arg26 : memref<!tpu.dma_semaphore, #tpu.memory_space<semaphore_mem>>)
        %mul3A_356 = arith.constant 40 : i32
        %mul3A_357 = arith.muli %add3A_350, %mul3A_356 : i32
        %add3A_358 = arith.addi %mul3A_2, %mul3A_357 : i32
        %dma_start3A_359 = tpu.memref_slice %arg4[%add3A_358] : memref<320000xi32, #tpu.memory_space<hbm>> -> memref<40xi32, #tpu.memory_space<hbm>>
        %dma_start3A_360 = tpu.memref_slice %arg4[%add3A_358] : memref<320000xi32, #tpu.memory_space<hbm>> -> memref<40xi32, #tpu.memory_space<hbm>>
        tpu.enqueue_dma source(%dma_start3A_360 : memref<40xi32, #tpu.memory_space<hbm>>) target(%arg15 : memref<40xi32, #tpu.memory_space<vmem>>) target_semaphore(%arg26 : memref<!tpu.dma_semaphore, #tpu.memory_space<semaphore_mem>>)
      } else {
      }
      %add3A_270 = arith.constant 2 : i32
      %add3A_271 = arith.addi %add3A_256, %add3A_270 : i32
      %lt3A_272 = arith.constant 250 : i32
      %lt3A_273 = arith.cmpi slt, %add3A_271, %lt3A_272 : i32
      %convert_element_type3A_274 = arith.extui %lt3A_273 : i1 to i32
      %cond3A_275 = arith.constant 0 : i32
      %cond3A_276 = arith.cmpi ne, %convert_element_type3A_274, %cond3A_275 : i32
      scf.if %cond3A_276 {
        %dma_wait3A_343 = tpu.memref_slice %arg3[%mul3A_2] : memref<320000xi32, #tpu.memory_space<hbm>> -> memref<40xi32, #tpu.memory_space<hbm>>
        %dma_wait3A_344 = tpu.memref_slice %arg3[%mul3A_2] : memref<320000xi32, #tpu.memory_space<hbm>> -> memref<40xi32, #tpu.memory_space<hbm>>
        tpu.wait_dma2 semaphore(%arg25 : memref<!tpu.dma_semaphore, #tpu.memory_space<semaphore_mem>>) src(%dma_wait3A_344 : memref<40xi32, #tpu.memory_space<hbm>>) dst(%arg9 : memref<40xi32, #tpu.memory_space<vmem>>)
        %dma_wait3A_345 = tpu.memref_slice %arg4[%mul3A_2] : memref<320000xi32, #tpu.memory_space<hbm>> -> memref<40xi32, #tpu.memory_space<hbm>>
        %dma_wait3A_346 = tpu.memref_slice %arg4[%mul3A_2] : memref<320000xi32, #tpu.memory_space<hbm>> -> memref<40xi32, #tpu.memory_space<hbm>>
        tpu.wait_dma2 semaphore(%arg25 : memref<!tpu.dma_semaphore, #tpu.memory_space<semaphore_mem>>) src(%dma_wait3A_346 : memref<40xi32, #tpu.memory_space<hbm>>) dst(%arg14 : memref<40xi32, #tpu.memory_space<vmem>>)
        %dma_start3A_347 = arith.constant 0 : i32
        %dma_start3A_348 = arith.constant 0 : i32
        %dma_start3A_349 = tpu.memref_slice %arg2[%dma_start3A_347, %dma_start3A_348] : memref<10240x128xf32, #tpu.memory_space<hbm>> -> memref<10240x128xf32, #tpu.memory_space<hbm>>
        tpu.enqueue_indirect_dma source(%dma_start3A_349 : memref<10240x128xf32, #tpu.memory_space<hbm>>) target(%arg19 : memref<40x128xf32, #tpu.memory_space<vmem>>) offsets(%arg9 : memref<40xi32, #tpu.memory_space<vmem>>) semaphore(%arg30 : memref<!tpu.dma_semaphore, #tpu.memory_space<semaphore_mem>>)
      } else {
      }
      %add3A_277 = arith.constant 2 : i32
      %add3A_278 = arith.addi %add3A_235, %add3A_277 : i32
      %dma_wait3A_279 = arith.constant 0 : i32
      %dma_wait3A_280 = arith.constant 0 : i32
      %dma_wait3A_281 = tpu.memref_slice %arg2[%dma_wait3A_279, %dma_wait3A_280] : memref<10240x128xf32, #tpu.memory_space<hbm>> -> memref<10240x128xf32, #tpu.memory_space<hbm>>
      tpu.wait_indirect_dma semaphore(%arg29 : memref<!tpu.dma_semaphore, #tpu.memory_space<semaphore_mem>>) src(%dma_wait3A_281 : memref<10240x128xf32, #tpu.memory_space<hbm>>) dst(%arg18 : memref<40x128xf32, #tpu.memory_space<vmem>>)
      %dma_start3A_282 = arith.constant 0 : i32
      %dma_start3A_283 = arith.constant 0 : i32
      %dma_start3A_284 = tpu.memref_slice %arg21[%dma_start3A_282, %dma_start3A_283] : memref<10240x128xf32, #tpu.memory_space<vmem_shared>> -> memref<10240x128xf32, #tpu.memory_space<vmem_shared>>
      tpu.enqueue_indirect_dma source(%arg18 : memref<40x128xf32, #tpu.memory_space<vmem>>) target(%dma_start3A_284 : memref<10240x128xf32, #tpu.memory_space<vmem_shared>>) offsets(%arg13 : memref<40xi32, #tpu.memory_space<vmem>>) semaphore(%arg34 : memref<!tpu.dma_semaphore, #tpu.memory_space<semaphore_mem>>) {add = true}
      %add3A_285 = arith.constant 3 : i32
      %add3A_286 = arith.addi %add3A_278, %add3A_285 : i32
      %lt3A_287 = arith.constant 250 : i32
      %lt3A_288 = arith.cmpi slt, %add3A_286, %lt3A_287 : i32
      %convert_element_type3A_289 = arith.extui %lt3A_288 : i1 to i32
      %cond3A_290 = arith.constant 0 : i32
      %cond3A_291 = arith.cmpi ne, %convert_element_type3A_289, %cond3A_290 : i32
      scf.if %cond3A_291 {
        %add3A_343 = arith.constant 3 : i32
        %add3A_344 = arith.addi %add3A_278, %add3A_343 : i32
        %ge3A = arith.constant 5 : i32
        %ge3A_345 = arith.cmpi sge, %add3A_344, %ge3A : i32
        %convert_element_type3A_346 = arith.extui %ge3A_345 : i1 to i32
        %cond3A_347 = arith.constant 0 : i32
        %cond3A_348 = arith.cmpi ne, %convert_element_type3A_346, %cond3A_347 : i32
        scf.if %cond3A_348 {
          %dma_wait3A_361 = arith.constant 0 : i32
          %dma_wait3A_362 = arith.constant 0 : i32
          %dma_wait3A_363 = tpu.memref_slice %arg21[%dma_wait3A_361, %dma_wait3A_362] : memref<10240x128xf32, #tpu.memory_space<vmem_shared>> -> memref<10240x128xf32, #tpu.memory_space<vmem_shared>>
          tpu.wait_indirect_dma semaphore(%arg32 : memref<!tpu.dma_semaphore, #tpu.memory_space<semaphore_mem>>) src(%arg16 : memref<40x128xf32, #tpu.memory_space<vmem>>) dst(%dma_wait3A_363 : memref<10240x128xf32, #tpu.memory_space<vmem_shared>>)
        } else {
        }
        %add3A_349 = arith.constant 3 : i32
        %add3A_350 = arith.addi %add3A_278, %add3A_349 : i32
        %mul3A_351 = arith.constant 40 : i32
        %mul3A_352 = arith.muli %add3A_350, %mul3A_351 : i32
        %add3A_353 = arith.addi %mul3A_2, %mul3A_352 : i32
        %dma_start3A_354 = tpu.memref_slice %arg3[%add3A_353] : memref<320000xi32, #tpu.memory_space<hbm>> -> memref<40xi32, #tpu.memory_space<hbm>>
        %dma_start3A_355 = tpu.memref_slice %arg3[%add3A_353] : memref<320000xi32, #tpu.memory_space<hbm>> -> memref<40xi32, #tpu.memory_space<hbm>>
        tpu.enqueue_dma source(%dma_start3A_355 : memref<40xi32, #tpu.memory_space<hbm>>) target(%arg6 : memref<40xi32, #tpu.memory_space<vmem>>) target_semaphore(%arg22 : memref<!tpu.dma_semaphore, #tpu.memory_space<semaphore_mem>>)
        %mul3A_356 = arith.constant 40 : i32
        %mul3A_357 = arith.muli %add3A_350, %mul3A_356 : i32
        %add3A_358 = arith.addi %mul3A_2, %mul3A_357 : i32
        %dma_start3A_359 = tpu.memref_slice %arg4[%add3A_358] : memref<320000xi32, #tpu.memory_space<hbm>> -> memref<40xi32, #tpu.memory_space<hbm>>
        %dma_start3A_360 = tpu.memref_slice %arg4[%add3A_358] : memref<320000xi32, #tpu.memory_space<hbm>> -> memref<40xi32, #tpu.memory_space<hbm>>
        tpu.enqueue_dma source(%dma_start3A_360 : memref<40xi32, #tpu.memory_space<hbm>>) target(%arg11 : memref<40xi32, #tpu.memory_space<vmem>>) target_semaphore(%arg22 : memref<!tpu.dma_semaphore, #tpu.memory_space<semaphore_mem>>)
      } else {
      }
      %add3A_292 = arith.constant 2 : i32
      %add3A_293 = arith.addi %add3A_278, %add3A_292 : i32
      %lt3A_294 = arith.constant 250 : i32
      %lt3A_295 = arith.cmpi slt, %add3A_293, %lt3A_294 : i32
      %convert_element_type3A_296 = arith.extui %lt3A_295 : i1 to i32
      %cond3A_297 = arith.constant 0 : i32
      %cond3A_298 = arith.cmpi ne, %convert_element_type3A_296, %cond3A_297 : i32
      scf.if %cond3A_298 {
        %dma_wait3A_343 = tpu.memref_slice %arg3[%mul3A_2] : memref<320000xi32, #tpu.memory_space<hbm>> -> memref<40xi32, #tpu.memory_space<hbm>>
        %dma_wait3A_344 = tpu.memref_slice %arg3[%mul3A_2] : memref<320000xi32, #tpu.memory_space<hbm>> -> memref<40xi32, #tpu.memory_space<hbm>>
        tpu.wait_dma2 semaphore(%arg26 : memref<!tpu.dma_semaphore, #tpu.memory_space<semaphore_mem>>) src(%dma_wait3A_344 : memref<40xi32, #tpu.memory_space<hbm>>) dst(%arg10 : memref<40xi32, #tpu.memory_space<vmem>>)
        %dma_wait3A_345 = tpu.memref_slice %arg4[%mul3A_2] : memref<320000xi32, #tpu.memory_space<hbm>> -> memref<40xi32, #tpu.memory_space<hbm>>
        %dma_wait3A_346 = tpu.memref_slice %arg4[%mul3A_2] : memref<320000xi32, #tpu.memory_space<hbm>> -> memref<40xi32, #tpu.memory_space<hbm>>
        tpu.wait_dma2 semaphore(%arg26 : memref<!tpu.dma_semaphore, #tpu.memory_space<semaphore_mem>>) src(%dma_wait3A_346 : memref<40xi32, #tpu.memory_space<hbm>>) dst(%arg15 : memref<40xi32, #tpu.memory_space<vmem>>)
        %dma_start3A_347 = arith.constant 0 : i32
        %dma_start3A_348 = arith.constant 0 : i32
        %dma_start3A_349 = tpu.memref_slice %arg2[%dma_start3A_347, %dma_start3A_348] : memref<10240x128xf32, #tpu.memory_space<hbm>> -> memref<10240x128xf32, #tpu.memory_space<hbm>>
        tpu.enqueue_indirect_dma source(%dma_start3A_349 : memref<10240x128xf32, #tpu.memory_space<hbm>>) target(%arg20 : memref<40x128xf32, #tpu.memory_space<vmem>>) offsets(%arg10 : memref<40xi32, #tpu.memory_space<vmem>>) semaphore(%arg31 : memref<!tpu.dma_semaphore, #tpu.memory_space<semaphore_mem>>)
      } else {
      }
      %add3A_299 = arith.constant 3 : i32
      %add3A_300 = arith.addi %add3A_235, %add3A_299 : i32
      %dma_wait3A_301 = arith.constant 0 : i32
      %dma_wait3A_302 = arith.constant 0 : i32
      %dma_wait3A_303 = tpu.memref_slice %arg2[%dma_wait3A_301, %dma_wait3A_302] : memref<10240x128xf32, #tpu.memory_space<hbm>> -> memref<10240x128xf32, #tpu.memory_space<hbm>>
      tpu.wait_indirect_dma semaphore(%arg30 : memref<!tpu.dma_semaphore, #tpu.memory_space<semaphore_mem>>) src(%dma_wait3A_303 : memref<10240x128xf32, #tpu.memory_space<hbm>>) dst(%arg19 : memref<40x128xf32, #tpu.memory_space<vmem>>)
      %dma_start3A_304 = arith.constant 0 : i32
      %dma_start3A_305 = arith.constant 0 : i32
      %dma_start3A_306 = tpu.memref_slice %arg21[%dma_start3A_304, %dma_start3A_305] : memref<10240x128xf32, #tpu.memory_space<vmem_shared>> -> memref<10240x128xf32, #tpu.memory_space<vmem_shared>>
      tpu.enqueue_indirect_dma source(%arg19 : memref<40x128xf32, #tpu.memory_space<vmem>>) target(%dma_start3A_306 : memref<10240x128xf32, #tpu.memory_space<vmem_shared>>) offsets(%arg14 : memref<40xi32, #tpu.memory_space<vmem>>) semaphore(%arg35 : memref<!tpu.dma_semaphore, #tpu.memory_space<semaphore_mem>>) {add = true}
      %add3A_307 = arith.constant 3 : i32
      %add3A_308 = arith.addi %add3A_300, %add3A_307 : i32
      %lt3A_309 = arith.constant 250 : i32
      %lt3A_310 = arith.cmpi slt, %add3A_308, %lt3A_309 : i32
      %convert_element_type3A_311 = arith.extui %lt3A_310 : i1 to i32
      %cond3A_312 = arith.constant 0 : i32
      %cond3A_313 = arith.cmpi ne, %convert_element_type3A_311, %cond3A_312 : i32
      scf.if %cond3A_313 {
        %add3A_343 = arith.constant 3 : i32
        %add3A_344 = arith.addi %add3A_300, %add3A_343 : i32
        %ge3A = arith.constant 5 : i32
        %ge3A_345 = arith.cmpi sge, %add3A_344, %ge3A : i32
        %convert_element_type3A_346 = arith.extui %ge3A_345 : i1 to i32
        %cond3A_347 = arith.constant 0 : i32
        %cond3A_348 = arith.cmpi ne, %convert_element_type3A_346, %cond3A_347 : i32
        scf.if %cond3A_348 {
          %dma_wait3A_361 = arith.constant 0 : i32
          %dma_wait3A_362 = arith.constant 0 : i32
          %dma_wait3A_363 = tpu.memref_slice %arg21[%dma_wait3A_361, %dma_wait3A_362] : memref<10240x128xf32, #tpu.memory_space<vmem_shared>> -> memref<10240x128xf32, #tpu.memory_space<vmem_shared>>
          tpu.wait_indirect_dma semaphore(%arg33 : memref<!tpu.dma_semaphore, #tpu.memory_space<semaphore_mem>>) src(%arg17 : memref<40x128xf32, #tpu.memory_space<vmem>>) dst(%dma_wait3A_363 : memref<10240x128xf32, #tpu.memory_space<vmem_shared>>)
        } else {
        }
        %add3A_349 = arith.constant 3 : i32
        %add3A_350 = arith.addi %add3A_300, %add3A_349 : i32
        %mul3A_351 = arith.constant 40 : i32
        %mul3A_352 = arith.muli %add3A_350, %mul3A_351 : i32
        %add3A_353 = arith.addi %mul3A_2, %mul3A_352 : i32
        %dma_start3A_354 = tpu.memref_slice %arg3[%add3A_353] : memref<320000xi32, #tpu.memory_space<hbm>> -> memref<40xi32, #tpu.memory_space<hbm>>
        %dma_start3A_355 = tpu.memref_slice %arg3[%add3A_353] : memref<320000xi32, #tpu.memory_space<hbm>> -> memref<40xi32, #tpu.memory_space<hbm>>
        tpu.enqueue_dma source(%dma_start3A_355 : memref<40xi32, #tpu.memory_space<hbm>>) target(%arg7 : memref<40xi32, #tpu.memory_space<vmem>>) target_semaphore(%arg23 : memref<!tpu.dma_semaphore, #tpu.memory_space<semaphore_mem>>)
        %mul3A_356 = arith.constant 40 : i32
        %mul3A_357 = arith.muli %add3A_350, %mul3A_356 : i32
        %add3A_358 = arith.addi %mul3A_2, %mul3A_357 : i32
        %dma_start3A_359 = tpu.memref_slice %arg4[%add3A_358] : memref<320000xi32, #tpu.memory_space<hbm>> -> memref<40xi32, #tpu.memory_space<hbm>>
        %dma_start3A_360 = tpu.memref_slice %arg4[%add3A_358] : memref<320000xi32, #tpu.memory_space<hbm>> -> memref<40xi32, #tpu.memory_space<hbm>>
        tpu.enqueue_dma source(%dma_start3A_360 : memref<40xi32, #tpu.memory_space<hbm>>) target(%arg12 : memref<40xi32, #tpu.memory_space<vmem>>) target_semaphore(%arg23 : memref<!tpu.dma_semaphore, #tpu.memory_space<semaphore_mem>>)
      } else {
      }
      %add3A_314 = arith.constant 2 : i32
      %add3A_315 = arith.addi %add3A_300, %add3A_314 : i32
      %lt3A_316 = arith.constant 250 : i32
      %lt3A_317 = arith.cmpi slt, %add3A_315, %lt3A_316 : i32
      %convert_element_type3A_318 = arith.extui %lt3A_317 : i1 to i32
      %cond3A_319 = arith.constant 0 : i32
      %cond3A_320 = arith.cmpi ne, %convert_element_type3A_318, %cond3A_319 : i32
      scf.if %cond3A_320 {
        %dma_wait3A_343 = tpu.memref_slice %arg3[%mul3A_2] : memref<320000xi32, #tpu.memory_space<hbm>> -> memref<40xi32, #tpu.memory_space<hbm>>
        %dma_wait3A_344 = tpu.memref_slice %arg3[%mul3A_2] : memref<320000xi32, #tpu.memory_space<hbm>> -> memref<40xi32, #tpu.memory_space<hbm>>
        tpu.wait_dma2 semaphore(%arg22 : memref<!tpu.dma_semaphore, #tpu.memory_space<semaphore_mem>>) src(%dma_wait3A_344 : memref<40xi32, #tpu.memory_space<hbm>>) dst(%arg6 : memref<40xi32, #tpu.memory_space<vmem>>)
        %dma_wait3A_345 = tpu.memref_slice %arg4[%mul3A_2] : memref<320000xi32, #tpu.memory_space<hbm>> -> memref<40xi32, #tpu.memory_space<hbm>>
        %dma_wait3A_346 = tpu.memref_slice %arg4[%mul3A_2] : memref<320000xi32, #tpu.memory_space<hbm>> -> memref<40xi32, #tpu.memory_space<hbm>>
        tpu.wait_dma2 semaphore(%arg22 : memref<!tpu.dma_semaphore, #tpu.memory_space<semaphore_mem>>) src(%dma_wait3A_346 : memref<40xi32, #tpu.memory_space<hbm>>) dst(%arg11 : memref<40xi32, #tpu.memory_space<vmem>>)
        %dma_start3A_347 = arith.constant 0 : i32
        %dma_start3A_348 = arith.constant 0 : i32
        %dma_start3A_349 = tpu.memref_slice %arg2[%dma_start3A_347, %dma_start3A_348] : memref<10240x128xf32, #tpu.memory_space<hbm>> -> memref<10240x128xf32, #tpu.memory_space<hbm>>
        tpu.enqueue_indirect_dma source(%dma_start3A_349 : memref<10240x128xf32, #tpu.memory_space<hbm>>) target(%arg16 : memref<40x128xf32, #tpu.memory_space<vmem>>) offsets(%arg6 : memref<40xi32, #tpu.memory_space<vmem>>) semaphore(%arg27 : memref<!tpu.dma_semaphore, #tpu.memory_space<semaphore_mem>>)
      } else {
      }
      %add3A_321 = arith.constant 4 : i32
      %add3A_322 = arith.addi %add3A_235, %add3A_321 : i32
      %dma_wait3A_323 = arith.constant 0 : i32
      %dma_wait3A_324 = arith.constant 0 : i32
      %dma_wait3A_325 = tpu.memref_slice %arg2[%dma_wait3A_323, %dma_wait3A_324] : memref<10240x128xf32, #tpu.memory_space<hbm>> -> memref<10240x128xf32, #tpu.memory_space<hbm>>
      tpu.wait_indirect_dma semaphore(%arg31 : memref<!tpu.dma_semaphore, #tpu.memory_space<semaphore_mem>>) src(%dma_wait3A_325 : memref<10240x128xf32, #tpu.memory_space<hbm>>) dst(%arg20 : memref<40x128xf32, #tpu.memory_space<vmem>>)
      %dma_start3A_326 = arith.constant 0 : i32
      %dma_start3A_327 = arith.constant 0 : i32
      %dma_start3A_328 = tpu.memref_slice %arg21[%dma_start3A_326, %dma_start3A_327] : memref<10240x128xf32, #tpu.memory_space<vmem_shared>> -> memref<10240x128xf32, #tpu.memory_space<vmem_shared>>
      tpu.enqueue_indirect_dma source(%arg20 : memref<40x128xf32, #tpu.memory_space<vmem>>) target(%dma_start3A_328 : memref<10240x128xf32, #tpu.memory_space<vmem_shared>>) offsets(%arg15 : memref<40xi32, #tpu.memory_space<vmem>>) semaphore(%arg36 : memref<!tpu.dma_semaphore, #tpu.memory_space<semaphore_mem>>) {add = true}
      %add3A_329 = arith.constant 3 : i32
      %add3A_330 = arith.addi %add3A_322, %add3A_329 : i32
      %lt3A_331 = arith.constant 250 : i32
      %lt3A_332 = arith.cmpi slt, %add3A_330, %lt3A_331 : i32
      %convert_element_type3A_333 = arith.extui %lt3A_332 : i1 to i32
      %cond3A_334 = arith.constant 0 : i32
      %cond3A_335 = arith.cmpi ne, %convert_element_type3A_333, %cond3A_334 : i32
      scf.if %cond3A_335 {
        %add3A_343 = arith.constant 3 : i32
        %add3A_344 = arith.addi %add3A_322, %add3A_343 : i32
        %ge3A = arith.constant 5 : i32
        %ge3A_345 = arith.cmpi sge, %add3A_344, %ge3A : i32
        %convert_element_type3A_346 = arith.extui %ge3A_345 : i1 to i32
        %cond3A_347 = arith.constant 0 : i32
        %cond3A_348 = arith.cmpi ne, %convert_element_type3A_346, %cond3A_347 : i32
        scf.if %cond3A_348 {
          %dma_wait3A_361 = arith.constant 0 : i32
          %dma_wait3A_362 = arith.constant 0 : i32
          %dma_wait3A_363 = tpu.memref_slice %arg21[%dma_wait3A_361, %dma_wait3A_362] : memref<10240x128xf32, #tpu.memory_space<vmem_shared>> -> memref<10240x128xf32, #tpu.memory_space<vmem_shared>>
          tpu.wait_indirect_dma semaphore(%arg34 : memref<!tpu.dma_semaphore, #tpu.memory_space<semaphore_mem>>) src(%arg18 : memref<40x128xf32, #tpu.memory_space<vmem>>) dst(%dma_wait3A_363 : memref<10240x128xf32, #tpu.memory_space<vmem_shared>>)
        } else {
        }
        %add3A_349 = arith.constant 3 : i32
        %add3A_350 = arith.addi %add3A_322, %add3A_349 : i32
        %mul3A_351 = arith.constant 40 : i32
        %mul3A_352 = arith.muli %add3A_350, %mul3A_351 : i32
        %add3A_353 = arith.addi %mul3A_2, %mul3A_352 : i32
        %dma_start3A_354 = tpu.memref_slice %arg3[%add3A_353] : memref<320000xi32, #tpu.memory_space<hbm>> -> memref<40xi32, #tpu.memory_space<hbm>>
        %dma_start3A_355 = tpu.memref_slice %arg3[%add3A_353] : memref<320000xi32, #tpu.memory_space<hbm>> -> memref<40xi32, #tpu.memory_space<hbm>>
        tpu.enqueue_dma source(%dma_start3A_355 : memref<40xi32, #tpu.memory_space<hbm>>) target(%arg8 : memref<40xi32, #tpu.memory_space<vmem>>) target_semaphore(%arg24 : memref<!tpu.dma_semaphore, #tpu.memory_space<semaphore_mem>>)
        %mul3A_356 = arith.constant 40 : i32
        %mul3A_357 = arith.muli %add3A_350, %mul3A_356 : i32
        %add3A_358 = arith.addi %mul3A_2, %mul3A_357 : i32
        %dma_start3A_359 = tpu.memref_slice %arg4[%add3A_358] : memref<320000xi32, #tpu.memory_space<hbm>> -> memref<40xi32, #tpu.memory_space<hbm>>
        %dma_start3A_360 = tpu.memref_slice %arg4[%add3A_358] : memref<320000xi32, #tpu.memory_space<hbm>> -> memref<40xi32, #tpu.memory_space<hbm>>
        tpu.enqueue_dma source(%dma_start3A_360 : memref<40xi32, #tpu.memory_space<hbm>>) target(%arg13 : memref<40xi32, #tpu.memory_space<vmem>>) target_semaphore(%arg24 : memref<!tpu.dma_semaphore, #tpu.memory_space<semaphore_mem>>)
      } else {
      }
      %add3A_336 = arith.constant 2 : i32
      %add3A_337 = arith.addi %add3A_322, %add3A_336 : i32
      %lt3A_338 = arith.constant 250 : i32
      %lt3A_339 = arith.cmpi slt, %add3A_337, %lt3A_338 : i32
      %convert_element_type3A_340 = arith.extui %lt3A_339 : i1 to i32
      %cond3A_341 = arith.constant 0 : i32
      %cond3A_342 = arith.cmpi ne, %convert_element_type3A_340, %cond3A_341 : i32
      scf.if %cond3A_342 {
        %dma_wait3A_343 = tpu.memref_slice %arg3[%mul3A_2] : memref<320000xi32, #tpu.memory_space<hbm>> -> memref<40xi32, #tpu.memory_space<hbm>>
        %dma_wait3A_344 = tpu.memref_slice %arg3[%mul3A_2] : memref<320000xi32, #tpu.memory_space<hbm>> -> memref<40xi32, #tpu.memory_space<hbm>>
        tpu.wait_dma2 semaphore(%arg23 : memref<!tpu.dma_semaphore, #tpu.memory_space<semaphore_mem>>) src(%dma_wait3A_344 : memref<40xi32, #tpu.memory_space<hbm>>) dst(%arg7 : memref<40xi32, #tpu.memory_space<vmem>>)
        %dma_wait3A_345 = tpu.memref_slice %arg4[%mul3A_2] : memref<320000xi32, #tpu.memory_space<hbm>> -> memref<40xi32, #tpu.memory_space<hbm>>
        %dma_wait3A_346 = tpu.memref_slice %arg4[%mul3A_2] : memref<320000xi32, #tpu.memory_space<hbm>> -> memref<40xi32, #tpu.memory_space<hbm>>
        tpu.wait_dma2 semaphore(%arg23 : memref<!tpu.dma_semaphore, #tpu.memory_space<semaphore_mem>>) src(%dma_wait3A_346 : memref<40xi32, #tpu.memory_space<hbm>>) dst(%arg12 : memref<40xi32, #tpu.memory_space<vmem>>)
        %dma_start3A_347 = arith.constant 0 : i32
        %dma_start3A_348 = arith.constant 0 : i32
        %dma_start3A_349 = tpu.memref_slice %arg2[%dma_start3A_347, %dma_start3A_348] : memref<10240x128xf32, #tpu.memory_space<hbm>> -> memref<10240x128xf32, #tpu.memory_space<hbm>>
        tpu.enqueue_indirect_dma source(%dma_start3A_349 : memref<10240x128xf32, #tpu.memory_space<hbm>>) target(%arg17 : memref<40x128xf32, #tpu.memory_space<vmem>>) offsets(%arg7 : memref<40xi32, #tpu.memory_space<vmem>>) semaphore(%arg28 : memref<!tpu.dma_semaphore, #tpu.memory_space<semaphore_mem>>)
      } else {
      }
    }
    %scan3A_211 = arith.constant 50 : i32
    %dma_wait3A_212 = arith.constant 0 : i32
    %dma_wait3A_213 = arith.constant 0 : i32
    %dma_wait3A_214 = tpu.memref_slice %arg21[%dma_wait3A_212, %dma_wait3A_213] : memref<10240x128xf32, #tpu.memory_space<vmem_shared>> -> memref<10240x128xf32, #tpu.memory_space<vmem_shared>>
    tpu.wait_indirect_dma semaphore(%arg32 : memref<!tpu.dma_semaphore, #tpu.memory_space<semaphore_mem>>) src(%arg16 : memref<40x128xf32, #tpu.memory_space<vmem>>) dst(%dma_wait3A_214 : memref<10240x128xf32, #tpu.memory_space<vmem_shared>>)
    %dma_wait3A_215 = arith.constant 0 : i32
    %dma_wait3A_216 = arith.constant 0 : i32
    %dma_wait3A_217 = tpu.memref_slice %arg21[%dma_wait3A_215, %dma_wait3A_216] : memref<10240x128xf32, #tpu.memory_space<vmem_shared>> -> memref<10240x128xf32, #tpu.memory_space<vmem_shared>>
    tpu.wait_indirect_dma semaphore(%arg33 : memref<!tpu.dma_semaphore, #tpu.memory_space<semaphore_mem>>) src(%arg17 : memref<40x128xf32, #tpu.memory_space<vmem>>) dst(%dma_wait3A_217 : memref<10240x128xf32, #tpu.memory_space<vmem_shared>>)
    %dma_wait3A_218 = arith.constant 0 : i32
    %dma_wait3A_219 = arith.constant 0 : i32
    %dma_wait3A_220 = tpu.memref_slice %arg21[%dma_wait3A_218, %dma_wait3A_219] : memref<10240x128xf32, #tpu.memory_space<vmem_shared>> -> memref<10240x128xf32, #tpu.memory_space<vmem_shared>>
    tpu.wait_indirect_dma semaphore(%arg34 : memref<!tpu.dma_semaphore, #tpu.memory_space<semaphore_mem>>) src(%arg18 : memref<40x128xf32, #tpu.memory_space<vmem>>) dst(%dma_wait3A_220 : memref<10240x128xf32, #tpu.memory_space<vmem_shared>>)
    %dma_wait3A_221 = arith.constant 0 : i32
    %dma_wait3A_222 = arith.constant 0 : i32
    %dma_wait3A_223 = tpu.memref_slice %arg21[%dma_wait3A_221, %dma_wait3A_222] : memref<10240x128xf32, #tpu.memory_space<vmem_shared>> -> memref<10240x128xf32, #tpu.memory_space<vmem_shared>>
    tpu.wait_indirect_dma semaphore(%arg35 : memref<!tpu.dma_semaphore, #tpu.memory_space<semaphore_mem>>) src(%arg19 : memref<40x128xf32, #tpu.memory_space<vmem>>) dst(%dma_wait3A_223 : memref<10240x128xf32, #tpu.memory_space<vmem_shared>>)
    %dma_wait3A_224 = arith.constant 0 : i32
    %dma_wait3A_225 = arith.constant 0 : i32
    %dma_wait3A_226 = tpu.memref_slice %arg21[%dma_wait3A_224, %dma_wait3A_225] : memref<10240x128xf32, #tpu.memory_space<vmem_shared>> -> memref<10240x128xf32, #tpu.memory_space<vmem_shared>>
    tpu.wait_indirect_dma semaphore(%arg36 : memref<!tpu.dma_semaphore, #tpu.memory_space<semaphore_mem>>) src(%arg20 : memref<40x128xf32, #tpu.memory_space<vmem>>) dst(%dma_wait3A_226 : memref<10240x128xf32, #tpu.memory_space<vmem_shared>>)
    %barrier3A_227 = arith.constant 0 : index
    tpu.barrier barrier_id(%barrier3A_227)
    %mul3A_228 = arith.constant 10240 : i32
    %mul3A_229 = arith.muli %arg0, %mul3A_228 : i32
    %add3A_230 = arith.addi %mul3A_229, %mul3A_4 : i32
    "tpu.region"() ({
      %run_scoped3A = tpu.sem_alloc : memref<!tpu.dma_semaphore, #tpu.memory_space<semaphore_mem>>
      %dma_start3A_231 = arith.constant 0 : i32
      %dma_start3A_232 = tpu.memref_slice %arg5[%add3A_230, %dma_start3A_231] : memref<20480x128xf32, #tpu.memory_space<hbm>> -> memref<640x128xf32, #tpu.memory_space<hbm>>
      %dma_start3A_233 = arith.constant 0 : i32
      %dma_start3A_234 = tpu.memref_slice %arg21[%mul3A_4, %dma_start3A_233] : memref<10240x128xf32, #tpu.memory_space<vmem_shared>> -> memref<640x128xf32, #tpu.memory_space<vmem_shared>>
      tpu.enqueue_dma source(%dma_start3A_234 : memref<640x128xf32, #tpu.memory_space<vmem_shared>>) target(%dma_start3A_232 : memref<640x128xf32, #tpu.memory_space<hbm>>) target_semaphore(%run_scoped3A : memref<!tpu.dma_semaphore, #tpu.memory_space<semaphore_mem>>)
      %dma_wait3A_235 = arith.constant 0 : i32
      %dma_wait3A_236 = tpu.memref_slice %arg5[%add3A_230, %dma_wait3A_235] : memref<20480x128xf32, #tpu.memory_space<hbm>> -> memref<640x128xf32, #tpu.memory_space<hbm>>
      %dma_wait3A_237 = arith.constant 0 : i32
      %dma_wait3A_238 = tpu.memref_slice %arg21[%mul3A_4, %dma_wait3A_237] : memref<10240x128xf32, #tpu.memory_space<vmem_shared>> -> memref<640x128xf32, #tpu.memory_space<vmem_shared>>
      tpu.wait_dma2 semaphore(%run_scoped3A : memref<!tpu.dma_semaphore, #tpu.memory_space<semaphore_mem>>) src(%dma_wait3A_238 : memref<640x128xf32, #tpu.memory_space<vmem_shared>>) dst(%dma_wait3A_236 : memref<640x128xf32, #tpu.memory_space<hbm>>)
      tpu.yield
    }) : () -> ()
    return
  }
}

module attributes {stable_mosaic.version = 14 : i64} {
  func.func @_tc_mm_body(%arg0: i32, %arg1: memref<1024x128xf32, #tpu.memory_space<vmem>>, %arg2: memref<128x128xf32, #tpu.memory_space<vmem>>, %arg3: memref<1024x128xf32, #tpu.memory_space<vmem>>) attributes {dimension_semantics = [#tpu.dimension_semantics<arbitrary>], iteration_bounds = array<i64: 10>, scalar_prefetch = 0 : i64, scratch_operands = 0 : i64, tpu.core_type = #tpu.core_type<tc>, window_params = [{transform_indices = @transform_0, window_bounds = array<i64: 1024, 128>}, {pipeline_mode = #tpu.pipeline_mode<synchronous>, transform_indices = @transform_1, window_bounds = array<i64: 128, 128>}, {transform_indices = @transform_2, window_bounds = array<i64: 1024, 128>}]} {
    %get3A = arith.constant 0 : index
    %get3A_0 = arith.constant 0 : index
    %get3A_1 = vector.load %arg1[%get3A, %get3A_0] : memref<1024x128xf32, #tpu.memory_space<vmem>>, vector<1024x128xf32>
    %get3A_2 = arith.constant 0 : index
    %get3A_3 = arith.constant 0 : index
    %get3A_4 = vector.load %arg2[%get3A_2, %get3A_3] : memref<128x128xf32, #tpu.memory_space<vmem>>, vector<128x128xf32>
    %dot_general3A = arith.constant dense<0.000000e+00> : vector<1024x128xf32>
    %dot_general3A_5 = tpu.matmul %get3A_1, %get3A_4, %dot_general3A {dimension_numbers = #tpu.dot_dimension_numbers<[1], [0], [0], [1], [0, 0, 1, 1], [], []>, transpose_lhs_hint = false} : vector<1024x128xf32>, vector<128x128xf32>, vector<1024x128xf32> -> vector<1024x128xf32>
    %swap3A = arith.constant 0 : index
    %swap3A_6 = arith.constant 0 : index
    %swap3A_7 = vector.load %arg3[%swap3A, %swap3A_6] : memref<1024x128xf32, #tpu.memory_space<vmem>>, vector<1024x128xf32>
    tpu.vector_store %arg3[%swap3A, %swap3A_6], %dot_general3A_5 {strides = array<i32>} : memref<1024x128xf32, #tpu.memory_space<vmem>>, vector<1024x128xf32>,
    return
  }
  func.func @transform_0(%arg0: i32) -> (i32, i32) {
    %c0_i32 = arith.constant 0 : i32
    %c0_i32_0 = arith.constant 0 : i32
    return %arg0, %c0_i32 : i32, i32
  }
  func.func @transform_1(%arg0: i32) -> (i32, i32) {
    %c0_i32 = arith.constant 0 : i32
    %c0_i32_0 = arith.constant 0 : i32
    %c0_i32_1 = arith.constant 0 : i32
    return %c0_i32, %c0_i32_0 : i32, i32
  }
  func.func @transform_2(%arg0: i32) -> (i32, i32) {
    %c0_i32 = arith.constant 0 : i32
    %c0_i32_0 = arith.constant 0 : i32
    return %arg0, %c0_i32 : i32, i32
  }
}

module attributes {stable_mosaic.version = 14 : i64} {
  func.func @_tc_scale_body(%arg0: i32, %arg1: memref<1024x128xf32, #tpu.memory_space<vmem>>, %arg2: memref<1024x128xf32, #tpu.memory_space<vmem>>, %arg3: memref<1024x128xf32, #tpu.memory_space<vmem>>, %arg4: memref<1024x128xf32, #tpu.memory_space<vmem>>, %arg5: memref<1024x1xf32, #tpu.memory_space<vmem>>) attributes {dimension_semantics = [#tpu.dimension_semantics<arbitrary>], iteration_bounds = array<i64: 10>, scalar_prefetch = 0 : i64, scratch_operands = 0 : i64, tpu.core_type = #tpu.core_type<tc>, window_params = [{transform_indices = @transform_0, window_bounds = array<i64: 1024, 128>}, {transform_indices = @transform_1, window_bounds = array<i64: 1024, 128>}, {transform_indices = @transform_2, window_bounds = array<i64: 1024, 128>}, {transform_indices = @transform_3, window_bounds = array<i64: 1024, 128>}, {transform_indices = @transform_4, window_bounds = array<i64: 1024, 1>}]} {
    %get3A = arith.constant 0 : index
    %get3A_0 = arith.constant 0 : index
    %get3A_1 = vector.load %arg1[%get3A, %get3A_0] : memref<1024x128xf32, #tpu.memory_space<vmem>>, vector<1024x1xf32>
    %get3A_2 = arith.constant 0 : index
    %get3A_3 = arith.constant 0 : index
    %get3A_4 = vector.load %arg2[%get3A_2, %get3A_3] : memref<1024x128xf32, #tpu.memory_space<vmem>>, vector<1024x1xf32>
    %add3A = arith.addf %get3A_1, %get3A_4 : vector<1024x1xf32>
    %add3A_5 = arith.constant 1.000000e+00 : f32
    %add3A_6 = vector.broadcast %add3A_5 : f32 to vector<1024x1xf32>
    %add3A_7 = arith.addf %add3A, %add3A_6 : vector<1024x1xf32>
    %rsqrt3A = math.rsqrt %add3A_7 : vector<1024x1xf32>
    %swap3A = arith.constant 0 : index
    %swap3A_8 = arith.constant 0 : index
    %swap3A_9 = vector.load %arg5[%swap3A, %swap3A_8] : memref<1024x1xf32, #tpu.memory_space<vmem>>, vector<1024x1xf32>
    tpu.vector_store %arg5[%swap3A, %swap3A_8], %rsqrt3A {strides = array<i32>} : memref<1024x1xf32, #tpu.memory_space<vmem>>, vector<1024x1xf32>,
    %get3A_10 = arith.constant 0 : index
    %get3A_11 = arith.constant 0 : index
    %get3A_12 = vector.load %arg3[%get3A_10, %get3A_11] : memref<1024x128xf32, #tpu.memory_space<vmem>>, vector<1024x128xf32>
    %mul3A = vector.broadcast %rsqrt3A : vector<1024x1xf32> to vector<1024x128xf32>
    %mul3A_13 = arith.mulf %get3A_12, %mul3A : vector<1024x128xf32>
    %swap3A_14 = arith.constant 0 : index
    %swap3A_15 = arith.constant 0 : index
    %swap3A_16 = vector.load %arg4[%swap3A_14, %swap3A_15] : memref<1024x128xf32, #tpu.memory_space<vmem>>, vector<1024x128xf32>
    tpu.vector_store %arg4[%swap3A_14, %swap3A_15], %mul3A_13 {strides = array<i32>} : memref<1024x128xf32, #tpu.memory_space<vmem>>, vector<1024x128xf32>,
    return
  }
  func.func @transform_0(%arg0: i32) -> (i32, i32) {
    %c0_i32 = arith.constant 0 : i32
    %c0_i32_0 = arith.constant 0 : i32
    return %arg0, %c0_i32 : i32, i32
  }
  func.func @transform_1(%arg0: i32) -> (i32, i32) {
    %c0_i32 = arith.constant 0 : i32
    %c0_i32_0 = arith.constant 0 : i32
    return %arg0, %c0_i32 : i32, i32
  }
  func.func @transform_2(%arg0: i32) -> (i32, i32) {
    %c0_i32 = arith.constant 0 : i32
    %c0_i32_0 = arith.constant 0 : i32
    return %arg0, %c0_i32 : i32, i32
  }
  func.func @transform_3(%arg0: i32) -> (i32, i32) {
    %c0_i32 = arith.constant 0 : i32
    %c0_i32_0 = arith.constant 0 : i32
    return %arg0, %c0_i32 : i32, i32
  }
  func.func @transform_4(%arg0: i32) -> (i32, i32) {
    %c0_i32 = arith.constant 0 : i32
    %c0_i32_0 = arith.constant 0 : i32
    return %arg0, %c0_i32 : i32, i32
  }
}

module attributes {stable_mosaic.version = 14 : i64} {
  func.func @_tc_mid_body(%arg0: i32, %arg1: memref<1024x128xf32, #tpu.memory_space<vmem>>, %arg2: memref<1024x128xf32, #tpu.memory_space<vmem>>, %arg3: memref<1024x128xf32, #tpu.memory_space<vmem>>, %arg4: memref<1024x1xf32, #tpu.memory_space<vmem>>, %arg5: memref<1x128xf32, #tpu.memory_space<vmem>>, %arg6: memref<128x128xf32, #tpu.memory_space<vmem>>, %arg7: memref<1024x128xf32, #tpu.memory_space<vmem>>) attributes {dimension_semantics = [#tpu.dimension_semantics<arbitrary>], iteration_bounds = array<i64: 10>, scalar_prefetch = 0 : i64, scratch_operands = 0 : i64, tpu.core_type = #tpu.core_type<tc>, window_params = [{transform_indices = @transform_0, window_bounds = array<i64: 1024, 128>}, {transform_indices = @transform_1, window_bounds = array<i64: 1024, 128>}, {transform_indices = @transform_2, window_bounds = array<i64: 1024, 128>}, {transform_indices = @transform_3, window_bounds = array<i64: 1024, 1>}, {pipeline_mode = #tpu.pipeline_mode<synchronous>, transform_indices = @transform_4, window_bounds = array<i64: 1, 128>}, {pipeline_mode = #tpu.pipeline_mode<synchronous>, transform_indices = @transform_5, window_bounds = array<i64: 128, 128>}, {transform_indices = @transform_6, window_bounds = array<i64: 1024, 128>}]} {
    %get3A = arith.constant 0 : index
    %get3A_0 = arith.constant 0 : index
    %get3A_1 = vector.load %arg4[%get3A, %get3A_0] : memref<1024x1xf32, #tpu.memory_space<vmem>>, vector<1024x1xf32>
    %get3A_2 = arith.constant 0 : index
    %get3A_3 = arith.constant 0 : index
    %get3A_4 = vector.load %arg1[%get3A_2, %get3A_3] : memref<1024x128xf32, #tpu.memory_space<vmem>>, vector<1024x128xf32>
    %get3A_5 = arith.constant 0 : index
    %get3A_6 = arith.constant 0 : index
    %get3A_7 = vector.load %arg2[%get3A_5, %get3A_6] : memref<1024x128xf32, #tpu.memory_space<vmem>>, vector<1024x128xf32>
    %add3A = arith.addf %get3A_4, %get3A_7 : vector<1024x128xf32>
    %get3A_8 = arith.constant 0 : index
    %get3A_9 = arith.constant 0 : index
    %get3A_10 = vector.load %arg3[%get3A_8, %get3A_9] : memref<1024x128xf32, #tpu.memory_space<vmem>>, vector<1024x128xf32>
    %add3A_11 = arith.addf %add3A, %get3A_10 : vector<1024x128xf32>
    %mul3A = vector.broadcast %get3A_1 : vector<1024x1xf32> to vector<1024x128xf32>
    %mul3A_12 = arith.mulf %mul3A, %add3A_11 : vector<1024x128xf32>
    %get3A_13 = arith.constant 0 : index
    %get3A_14 = arith.constant 0 : index
    %get3A_15 = vector.load %arg5[%get3A_13, %get3A_14] : memref<1x128xf32, #tpu.memory_space<vmem>>, vector<1x128xf32>
    %add3A_16 = vector.broadcast %get3A_15 : vector<1x128xf32> to vector<1024x128xf32>
    %add3A_17 = arith.addf %mul3A_12, %add3A_16 : vector<1024x128xf32>
    %max3A = arith.constant 0.000000e+00 : f32
    %max3A_18 = vector.broadcast %max3A : f32 to vector<1024x128xf32>
    %max3A_19 = arith.maximumf %add3A_17, %max3A_18 : vector<1024x128xf32>
    %get3A_20 = arith.constant 0 : index
    %get3A_21 = arith.constant 0 : index
    %get3A_22 = vector.load %arg6[%get3A_20, %get3A_21] : memref<128x128xf32, #tpu.memory_space<vmem>>, vector<128x128xf32>
    %dot_general3A = arith.constant dense<0.000000e+00> : vector<1024x128xf32>
    %dot_general3A_23 = tpu.matmul %max3A_19, %get3A_22, %dot_general3A {dimension_numbers = #tpu.dot_dimension_numbers<[1], [0], [0], [1], [0, 0, 1, 1], [], []>, transpose_lhs_hint = false} : vector<1024x128xf32>, vector<128x128xf32>, vector<1024x128xf32> -> vector<1024x128xf32>
    %mul3A_24 = vector.broadcast %get3A_1 : vector<1024x1xf32> to vector<1024x128xf32>
    %mul3A_25 = arith.mulf %dot_general3A_23, %mul3A_24 : vector<1024x128xf32>
    %swap3A = arith.constant 0 : index
    %swap3A_26 = arith.constant 0 : index
    %swap3A_27 = vector.load %arg7[%swap3A, %swap3A_26] : memref<1024x128xf32, #tpu.memory_space<vmem>>, vector<1024x128xf32>
    tpu.vector_store %arg7[%swap3A, %swap3A_26], %mul3A_25 {strides = array<i32>} : memref<1024x128xf32, #tpu.memory_space<vmem>>, vector<1024x128xf32>,
    return
  }
  func.func @transform_0(%arg0: i32) -> (i32, i32) {
    %c0_i32 = arith.constant 0 : i32
    %c0_i32_0 = arith.constant 0 : i32
    return %arg0, %c0_i32 : i32, i32
  }
  func.func @transform_1(%arg0: i32) -> (i32, i32) {
    %c0_i32 = arith.constant 0 : i32
    %c0_i32_0 = arith.constant 0 : i32
    return %arg0, %c0_i32 : i32, i32
  }
  func.func @transform_2(%arg0: i32) -> (i32, i32) {
    %c0_i32 = arith.constant 0 : i32
    %c0_i32_0 = arith.constant 0 : i32
    return %arg0, %c0_i32 : i32, i32
  }
  func.func @transform_3(%arg0: i32) -> (i32, i32) {
    %c0_i32 = arith.constant 0 : i32
    %c0_i32_0 = arith.constant 0 : i32
    return %arg0, %c0_i32 : i32, i32
  }
  func.func @transform_4(%arg0: i32) -> (i32, i32) {
    %c0_i32 = arith.constant 0 : i32
    %c0_i32_0 = arith.constant 0 : i32
    %c0_i32_1 = arith.constant 0 : i32
    return %c0_i32, %c0_i32_0 : i32, i32
  }
  func.func @transform_5(%arg0: i32) -> (i32, i32) {
    %c0_i32 = arith.constant 0 : i32
    %c0_i32_0 = arith.constant 0 : i32
    %c0_i32_1 = arith.constant 0 : i32
    return %c0_i32, %c0_i32_0 : i32, i32
  }
  func.func @transform_6(%arg0: i32) -> (i32, i32) {
    %c0_i32 = arith.constant 0 : i32
    %c0_i32_0 = arith.constant 0 : i32
    return %arg0, %c0_i32 : i32, i32
  }
}

module attributes {stable_mosaic.version = 14 : i64} {
  func.func @_tc_final_body(%arg0: i32, %arg1: memref<1024x128xf32, #tpu.memory_space<vmem>>, %arg2: memref<1024x128xf32, #tpu.memory_space<vmem>>, %arg3: memref<1024x128xf32, #tpu.memory_space<vmem>>, %arg4: memref<1024x1xf32, #tpu.memory_space<vmem>>, %arg5: memref<1x128xf32, #tpu.memory_space<vmem>>, %arg6: memref<1024x128xf32, #tpu.memory_space<vmem>>) attributes {dimension_semantics = [#tpu.dimension_semantics<arbitrary>], iteration_bounds = array<i64: 10>, scalar_prefetch = 0 : i64, scratch_operands = 0 : i64, tpu.core_type = #tpu.core_type<tc>, window_params = [{transform_indices = @transform_0, window_bounds = array<i64: 1024, 128>}, {transform_indices = @transform_1, window_bounds = array<i64: 1024, 128>}, {transform_indices = @transform_2, window_bounds = array<i64: 1024, 128>}, {transform_indices = @transform_3, window_bounds = array<i64: 1024, 1>}, {pipeline_mode = #tpu.pipeline_mode<synchronous>, transform_indices = @transform_4, window_bounds = array<i64: 1, 128>}, {transform_indices = @transform_5, window_bounds = array<i64: 1024, 128>}]} {
    %get3A = arith.constant 0 : index
    %get3A_0 = arith.constant 0 : index
    %get3A_1 = vector.load %arg4[%get3A, %get3A_0] : memref<1024x1xf32, #tpu.memory_space<vmem>>, vector<1024x1xf32>
    %get3A_2 = arith.constant 0 : index
    %get3A_3 = arith.constant 0 : index
    %get3A_4 = vector.load %arg1[%get3A_2, %get3A_3] : memref<1024x128xf32, #tpu.memory_space<vmem>>, vector<1024x128xf32>
    %get3A_5 = arith.constant 0 : index
    %get3A_6 = arith.constant 0 : index
    %get3A_7 = vector.load %arg2[%get3A_5, %get3A_6] : memref<1024x128xf32, #tpu.memory_space<vmem>>, vector<1024x128xf32>
    %add3A = arith.addf %get3A_4, %get3A_7 : vector<1024x128xf32>
    %get3A_8 = arith.constant 0 : index
    %get3A_9 = arith.constant 0 : index
    %get3A_10 = vector.load %arg3[%get3A_8, %get3A_9] : memref<1024x128xf32, #tpu.memory_space<vmem>>, vector<1024x128xf32>
    %add3A_11 = arith.addf %add3A, %get3A_10 : vector<1024x128xf32>
    %mul3A = vector.broadcast %get3A_1 : vector<1024x1xf32> to vector<1024x128xf32>
    %mul3A_12 = arith.mulf %mul3A, %add3A_11 : vector<1024x128xf32>
    %get3A_13 = arith.constant 0 : index
    %get3A_14 = arith.constant 0 : index
    %get3A_15 = vector.load %arg5[%get3A_13, %get3A_14] : memref<1x128xf32, #tpu.memory_space<vmem>>, vector<1x128xf32>
    %add3A_16 = vector.broadcast %get3A_15 : vector<1x128xf32> to vector<1024x128xf32>
    %add3A_17 = arith.addf %mul3A_12, %add3A_16 : vector<1024x128xf32>
    %max3A = arith.constant 0.000000e+00 : f32
    %max3A_18 = vector.broadcast %max3A : f32 to vector<1024x128xf32>
    %max3A_19 = arith.maximumf %add3A_17, %max3A_18 : vector<1024x128xf32>
    %swap3A = arith.constant 0 : index
    %swap3A_20 = arith.constant 0 : index
    %swap3A_21 = vector.load %arg6[%swap3A, %swap3A_20] : memref<1024x128xf32, #tpu.memory_space<vmem>>, vector<1024x128xf32>
    tpu.vector_store %arg6[%swap3A, %swap3A_20], %max3A_19 {strides = array<i32>} : memref<1024x128xf32, #tpu.memory_space<vmem>>, vector<1024x128xf32>,
    return
  }
  func.func @transform_0(%arg0: i32) -> (i32, i32) {
    %c0_i32 = arith.constant 0 : i32
    %c0_i32_0 = arith.constant 0 : i32
    return %arg0, %c0_i32 : i32, i32
  }
  func.func @transform_1(%arg0: i32) -> (i32, i32) {
    %c0_i32 = arith.constant 0 : i32
    %c0_i32_0 = arith.constant 0 : i32
    return %arg0, %c0_i32 : i32, i32
  }
  func.func @transform_2(%arg0: i32) -> (i32, i32) {
    %c0_i32 = arith.constant 0 : i32
    %c0_i32_0 = arith.constant 0 : i32
    return %arg0, %c0_i32 : i32, i32
  }
  func.func @transform_3(%arg0: i32) -> (i32, i32) {
    %c0_i32 = arith.constant 0 : i32
    %c0_i32_0 = arith.constant 0 : i32
    return %arg0, %c0_i32 : i32, i32
  }
  func.func @transform_4(%arg0: i32) -> (i32, i32) {
    %c0_i32 = arith.constant 0 : i32
    %c0_i32_0 = arith.constant 0 : i32
    %c0_i32_1 = arith.constant 0 : i32
    return %c0_i32, %c0_i32_0 : i32, i32
  }
  func.func @transform_5(%arg0: i32) -> (i32, i32) {
    %c0_i32 = arith.constant 0 : i32
    %c0_i32_0 = arith.constant 0 : i32
    return %arg0, %c0_i32 : i32, i32
  }
}

</mosaic_0001>

<sc_bundles>
// kernel: kernel.12.cloned.1.call-start
scs
__scs_entry_jumppad:
0x0: {  	(pc) =	sbr.rel $0x88, $3  }
0x1: {  	(tag) =	ssettag $0x0;
	lr =	simm.s32 $0x1  }
0x2: {  	[smem:$0x3F9B] =	sst lr;
	_ =	strace $0xD0000000  }
0x3: {  	_ = 	snop  }
0x4: {  	_ = 	snop  }
0x5: {  	_ = 	snop  }
0x6: {  	_ = 	snop  }
0x7: {  	_ = 	snop  }
__scs_overlays_trampoline_lowered:
0x8: {  	[smem:$0x3FAA] =	sst s0  }
0x9: {  	[smem:$0x3FAB] =	sst s1  }
0xa: {  	[smem:$0x3FAC] =	sst s2  }
0xb: {  	[smem:$0x3FAD] =	sst s3  }
0xc: {  	[smem:$0x3FAE] =	sst s4  }
0xd: {  	[smem:$0x3FAF] =	sst s5  }
0xe: {  	[smem:$0x3FB0] =	sst s6  }
0xf: {  	[smem:$0x3FB1] =	sst s7  }
0x10: {  	[smem:$0x3FB2] =	sst s8  }
0x11: {  	[smem:$0x3FB3] =	sst s9;
	s0 =	simm.s32 @!p0 $0x0  }
0x12: {  	s1 =	sld [smem:$0x3F99];
	s0 =	simm.s32 @p0 $0x1  }
0x13: {  	[smem:$0x3FB4] =	sst s0;
	s0 =	simm.s32 @!p1 $0x0  }
0x14: {  	s2 =	sld [smem:$0x3F98];
	s0 =	simm.s32 @p1 $0x1  }
0x15: {  	[smem:$0x3FB5] =	sst s0;
	s0 =	simm.s32 @!p2 $0x0  }
0x16: {  	s3 =	sld [smem:$0x3FDB];
	s0 =	simm.s32 @p2 $0x1  }
0x17: {  	s4 =	simm.s32 $0x1BF5;
	[smem:$0x3FB7] =	sst s0  }
0x18: {  	s0 =	sld [smem:$0x3F9A];
	_ =	swait.ge [sflag:s4], $0x0  }
0x19: {  	s7 =	sld [smem:$0x3F9B]  }
0x1a: {  	s8 =	sadd.s32 $0xFFFFE003, lr  }
0x1b: {  	s9 =	sadd.s32 $0xFFFFFEF7, lr;
	s5 =	simm.s32 $0xFFFFFFFF;
	p2 =	slt.u32 s8, $0xFFFFF086  }
0x1c: {  	p1 =	slt.u32 s9, $0xF7A;
	s5 =	simm.s32 @!p2 $0x0  }
0x1d: {  	s5 =	simm.s32 @p1 $0x1;
	p0 =	seq.s32 s7, s2  }
0x1e: {  	s7 =	smul.u32 @!p0 $0xF7A, s2;
	p2 =	seq.s32 @!p0 s5, $0x0  }
0x1f: {  	s9 =	smul.u32 $0xF7A, s1;
	s8 =	simm.s32 @!p0 $0x1BF5;
	p2 =	por !p2, p0  }
0x20: {  	[sflag:s8] =	ssyncset.s32 @!p0 $0xFFFFF086;
	s6 =	sadd.s32 @!p0 s3, s7;
	s7 =	simm.s32 @!p0 $0x108  }
0x21: {  	s3 =	sadd.s32 s3, s9;
	s6 =	sadd.s32 @!p0 $0x88, s6;
	s7 =	simm.s32 @p2 $0x1082  }
0x22: {  	[simem:s7], [sflag:s8] =	dma.local @!p0 [hbm:s6], $0xF7A  }
0x23: {  	s9 =	sor.u32 $0xD0000000, s2;
	s6 =	simm.s32 $0x108;
	_ =	swait.ge @!p0 [sflag:s8], $0x0  }
0x24: {  	s3 =	sadd.s32 $0x88, s3;
	s6 =	simm.s32 @!p1 $0x1082;
	[sflag:s4] =	ssyncset.s32 $0xFFFFF086  }
0x25: {  	[simem:s6], [sflag:s4] =	dma.local [hbm:s3], $0xF7A  }
0x26: {  	[smem:$0x3F9B] =	sst s1;
	(tag) =	ssettag s2;
	_ =	strace s9  }
0x27: {  	s1 =	sld [smem:$0x3FAB]  }
0x28: {  	s2 =	sld [smem:$0x3FAC]  }
0x29: {  	s4 =	sld [smem:$0x3FAE]  }
0x2a: {  	p0 =	seq.s32 s5, $0x0;
	s5 =	sld [smem:$0x3FAF]  }
0x2b: {  	s6 =	sld [smem:$0x3FB0]  }
0x2c: {  	s7 =	sld [smem:$0x3FB1]  }
0x2d: {  	s3 =	simm.s32 $0x108;
	s8 =	sld [smem:$0x3FB2]  }
0x2e: {  	s3 =	simm.s32 @!p0 $0x1082;
	s9 =	sld [smem:$0x3FB3]  }
0x2f: {  	lr =	sadd.s32 s0, s3;
	s0 =	sld [smem:$0x3FAA]  }
0x30: {  	s3 =	sld [smem:$0x3FAD]  }
0x31: {  	[smem:$0x3FB6] =	sst s10  }
0x32: {  	s10 =	sld [smem:$0x3FB4];
	_ =	sdelay $0x3  }
0x33: {  	p0 =	seq.s32 s10, $0x1;
	s10 =	sld [smem:$0x3FB6];
	_ =	sdelay $0x3  }
0x34: {  	[smem:$0x3FB6] =	sst s10  }
0x35: {  	s10 =	sld [smem:$0x3FB5];
	_ =	sdelay $0x3  }
0x36: {  	p1 =	seq.s32 s10, $0x1;
	s10 =	sld [smem:$0x3FB6];
	_ =	sdelay $0x3  }
0x37: {  	[smem:$0x3FB6] =	sst s10  }
0x38: {  	s10 =	sld [smem:$0x3FB7]  }
0x39: {  	_ = 	snop;
	(pc) =	sbr.ind lr, $3  }
0x3a: {  	_ = 	snop  }
0x3b: {  	_ = 	snop  }
0x3c: {  	p2 =	seq.s32 s10, $0x1;
	s10 =	sld [smem:$0x3FB6]  }
0x3d: {  	_ =	shalt  }
0x3e: {  	_ =	shalt  }
0x3f: {  	_ =	shalt  }
0x40: {  	_ =	shalt  }
0x41: {  	_ =	shalt  }
0x42: {  	_ =	shalt  }
0x43: {  	_ =	shalt  }
0x44: {  	_ =	shalt  }
0x45: {  	_ =	shalt  }
0x46: {  	_ =	shalt  }
0x47: {  	_ =	shalt  }
0x48: {  	_ =	shalt  }
0x49: {  	_ =	shalt  }
0x4a: {  	_ =	shalt  }
0x4b: {  	_ =	shalt  }
0x4c: {  	_ =	shalt  }
0x4d: {  	_ =	shalt  }
0x4e: {  	_ =	shalt  }
0x4f: {  	_ =	shalt  }
0x50: {  	_ =	shalt  }
0x51: {  	_ =	shalt  }
0x52: {  	_ =	shalt  }
0x53: {  	_ =	shalt  }
0x54: {  	_ =	shalt  }
0x55: {  	_ =	shalt  }
0x56: {  	_ =	shalt  }
0x57: {  	_ =	shalt  }
0x58: {  	_ =	shalt  }
0x59: {  	_ =	shalt  }
0x5a: {  	_ =	shalt  }
0x5b: {  	_ =	shalt  }
0x5c: {  	_ =	shalt  }
0x5d: {  	_ =	shalt  }
0x5e: {  	_ =	shalt  }
0x5f: {  	_ =	shalt  }
0x60: {  	_ =	shalt  }
0x61: {  	_ =	shalt  }
0x62: {  	_ =	shalt  }
0x63: {  	_ =	shalt  }
0x64: {  	_ =	shalt  }
0x65: {  	_ =	shalt  }
0x66: {  	_ =	shalt  }
0x67: {  	_ =	shalt  }
0x68: {  	_ =	shalt  }
0x69: {  	_ =	shalt  }
0x6a: {  	_ =	shalt  }
0x6b: {  	_ =	shalt  }
0x6c: {  	_ =	shalt  }
0x6d: {  	_ =	shalt  }
0x6e: {  	_ =	shalt  }
0x6f: {  	_ =	shalt  }
0x70: {  	_ =	shalt  }
0x71: {  	_ =	shalt  }
0x72: {  	_ =	shalt  }
0x73: {  	_ =	shalt  }
0x74: {  	_ =	shalt  }
0x75: {  	_ =	shalt  }
0x76: {  	_ =	shalt  }
0x77: {  	_ =	shalt  }
0x78: {  	_ =	shalt  }
0x79: {  	_ =	shalt  }
0x7a: {  	_ =	shalt  }
0x7b: {  	_ =	shalt  }
0x7c: {  	_ =	shalt  }
0x7d: {  	_ =	shalt  }
0x7e: {  	_ =	shalt  }
0x7f: {  	_ =	shalt  }
0x80: {  	_ =	shalt  }
0x81: {  	_ =	shalt  }
0x82: {  	_ =	shalt  }
0x83: {  	_ =	shalt  }
0x84: {  	_ =	shalt  }
0x85: {  	_ =	shalt  }
0x86: {  	_ =	shalt  }
0x87: {  	_ =	shalt  }
.Lfunc_end0:
.L_simem_size_0:
called_computation.1_lowered:
.L_overlay_start_0:
0x88: {  	s2 =	sld [smem:$0x3FD9]  }
0x89: {  	s3 =	sld [smem:$0x3FFE];
	_ =	sdelay $0x1  }
0x8a: {  	s1 =	srdreg.scid  }
0x8b: {  	s0 =	sand.u32 $0x1, s1  }
0x8c: {  	s17 =	sshll.u32 s0, $0xA;
	s2 =	sadd.s32 s3, s2  }
0x8d: {  	s2 =	sadd.s32 s2, s17  }
0x8e: {  	[smem:$0x3FC2] =	sst s2  }
0x8f: {  	_ = 	snop  }
0x90: {  	s2 =	sld [smem:$0x3FD0];
	(tm) =	ssettm $0x1  }
0x91: {  	s18 =	sld [smem:$0x3FFB];
	_ =	sdelay $0x3  }
0x92: {  	_ =	strace s18  }
0x93: {  	s3 =	sld [smem:$0x3FFC];
	_ =	sdelay $0x3  }
0x94: {  	_ =	strace s3  }
0x95: {  	s3 =	sld [smem:$0x3FFD];
	_ =	sdelay $0x3  }
0x96: {  	_ =	strace s3  }
0x97: {  	_ =	strace $0x8FFFFFFF  }
0x98: {  	s19 =	sld [smem:$0x3FDB];
	_ =	sdelay $0x1  }
0x99: {  	s4 =	simm.s32 $_scs_section_size  }
0x9a: {  	s5 =	simm.s32 $_size__tile_overlayer_lowered;
	s6 =	simm.s32 $_tile_overlayer_lowered  }
0x9b: {  	s22 =	simm.s32 $0x1BFF;
	s21 =	sshll.u32 s6, $0x1;
	s3 =	sadd.s32 s4, s19  }
0x9c: {  	s7 =	simm.s32 $0x0;
	s20 =	sshll.u32 s5, $0x1;
	s5 =	sadd.s32 s21, s3  }
0x9d: {  	[timem:s7], [sflag:s22] =	dma.local [hbm:s5], s20  }
0x9e: {  	_ =	swait.ge [sflag:s22], s20  }
0x9f: {  	s4 =	ssub.s32 $0x0, s20;
	[sflag:s22] =	ssyncset.done $0x0  }
0xa0: {  	[sflag:s22] =	ssyncadd.s32 s4;
	_ =	sdelay $0x1  }
0xa1: {  	s23 =	simm.s32 $0x1B8B  }
0xa2: {  	_ =	swait.ge [sflag:s23], $0x1  }
0xa3: {  	[sflag:s23] =	ssyncset.done $0x0  }
0xa4: {  	s25 =	simm.s32 $0x1B8E;
	s24 =	sld [smem:$0x3FFE];
	[sflag:s23] =	ssyncadd.s32 $0xFFFFFFFF  }
0xa5: {  	s26 =	simm.s32 $execute0_lowered;
	[smem:$0x3FD2] =	sst s25  }
0xa6: {  	s5 =	sshll.u32 s26, $0x1;
	_ =	strace $0x80000049;
	[dreg:$0x1] =	wrdreg $0xFFFFFFFF  }
0xa7: {  	s28 =	simm.s32 $_size_execute0_lowered;
	s3 =	sadd.s32 s3, s5;
	[dreg:$0x0] =	wrdreg $0x0  }
0xa8: {  	s5 =	sshll.u32 s28, $0x1;
	[dreg:$0x2] =	wrdreg s3  }
0xa9: {  	[dreg:$0x3] =	wrdreg s5  }
0xaa: {  	[dreg:$0x4] =	wrdreg $0xC0  }
0xab: {  	_ =	task [dreg:s7], $0x5FFFF  }
0xac: {  	[dreg:$0x1] =	wrdreg $0xFFFFFFFF  }
0xad: {  	[dreg:$0x0] =	wrdreg $0x60  }
0xae: {  	[dreg:$0x2] =	wrdreg s24  }
0xaf: {  	[dreg:$0x3] =	wrdreg s2  }
0xb0: {  	[dreg:$0x4] =	wrdreg $0x69000  }
0xb1: {  	[dreg:$0x5] =	wrdreg $0x9  }
0xb2: {  	_ =	task.clear_ibuf [dreg:s7], $0x6FFFF;
	_ =	strace $0x90000049  }
0xb3: {  	s29 =	simm.s32 $0x9;
	_ =	strace $0x8000004B  }
0xb4: {  	_ =	swait.ge [sflag:s29], $0x1  }
0xb5: {  	[sflag:s29] =	ssyncadd.s32 $0xFFFFFFFF  }
0xb6: {  	_ =	strace $0x9000004B  }
0xb7: {  	_ =	sfence  }
0xb8: {  	s30 =	sld [smem:$0x0];
	_ =	sdelay $0x2  }
0xb9: {  	s31 =	sshll.u32 s1, $0xD;
	s1 =	sshrl.u32 s1, $0x2  }
0xba: {  	s3 =	sand.u32 $0x4000, s31;
	s1 =	sadd.s32 s1, s30  }
0xbb: {  	s0 =	sor.u32 s3, s0;
	s1 =	sshll.u32 s1, $0x11  }
0xbc: {  	s0 =	sor.u32 s1, s0  }
0xbd: {  	s0 =	sadd.s32 $0x8F2B, s0  }
0xbe: {  	[sflag:s0] =	ssyncadd.remote.s32 $0x1  }
0xbf: {  	_ =	sfence.sel $0xFFFF  }
0xc0: {  	[dreg:$0x0] =	wrdreg $0xFFFFFFFF;
	(pc) =	sbr.abs _section_cstart, $3  }
0xc1: {  	[dreg:$0x1] =	wrdreg $0xFFFFFFFF  }
0xc2: {  	_ =	task.clear_ibuf [dreg:s7], $0x2FFFF;
	_ =	strace $0x9FFFFFFF  }
0xc3: {  	(tm) =	ssettm $0x7FFFFFFF  }
tec
execute0_lowered:
.L_overlay_start_1:
0x0: {  	(tag) =	ssettag $0x1  }
0x1: {  	s0 =	rddreg [dreg:$0x0]  }
0x2: {  	s11 =	rddreg [dreg:$0x1]  }
0x3: {  	s3 =	rddreg [dreg:$0x2];
	s1 =	srdreg.scid  }
0x4: {  	s10 =	stileid.u32;
	s4 =	simm.s32 $0x0;
	s28 =	simm.s32 $0x300  }
0x5: {  	s29 =	simm.s32 $0x100;
	s31 =	simm.s32 $0x28;
	s2 =	smul.u32 $0x2800, s10  }
0x6: {  	s1 =	sand.u32 $0x1, s1;
	[smem:$0x7FF] =	sst s4;
	s7 =	smul.u32 $0x50000, s10  }
0x7: {  	s5 =	sadd.s32 $0xCC00, s0;
	s12 =	sadd.s32 $0x2E00, s0;
	s18 =	smul.u32 $0x4E20, s10  }
0x8: {  	s15 =	sshll.u32 s10, $0x1;
	s6 =	smul.u32 $0x28000, s1;
	_ =	strace $0x8000004A  }
0x9: {  	s8 =	ssub.s32 $0x2, s1;
	[dreg:$0x4] =	wrdreg s12;
	s7 =	sshrl.u32 s7, $0x2  }
0xa: {  	s9 =	sshrl.u32 s8, $0x1;
	s2 =	sadd.s32 s2, s6;
	s26 =	sadd.s32 s7, s3  }
0xb: {  	s16 =	ssub.s32 s8, s9;
	s7 =	sadd.s32 $0x1400, s26;
	[dreg:$0x5] =	wrdreg s26  }
0xc: {  	s0 =	sadd.s32 s2, s0;
	s2 =	smax.u32 s16, $0x1;
	[dreg:$0x6] =	wrdreg s7  }
0xd: {  	s6 =	sor.u32 s1, s15;
	s13 =	sadd.s32 $0x2800, s26;
	[dreg:$0xe] =	wrdreg s2  }
0xe: {  	s1 =	smul.u32 $0x2710, s1;
	s14 =	sadd.s32 $0x3C00, s26;
	[dreg:$0x18] =	wrdreg s13  }
0xf: {  	s6 =	smul.u32 $0x2710, s6;
	s15 =	sadd.s32 $0x5000, s26;
	[dreg:$0x19] =	wrdreg s14  }
0x10: {  	s16 =	sadd.s32 $0x6400, s26;
	s1 =	sadd.s32 s1, s18;
	[dreg:$0x1a] =	wrdreg s15  }
0x11: {  	s0 =	sadd.s32 $0x5CC00, s0;
	[dreg:$0x1b] =	wrdreg s16;
	s18 =	sadd.s32 $0x8C00, s26  }
0x12: {  	s15 =	simm.s32 $0x500;
	s17 =	sshrl.u32 s6, $0x3;
	[dreg:$0xd] =	wrdreg s0  }
0x13: {  	s6 =	sadd.s32 $0x28, s6;
	s8 =	sadd.s32 $0xC8, s1;
	[dreg:$0x1d] =	wrdreg s18  }
0x14: {  	s24 =	sadd.s32 $0x118, s1;
	s19 =	sadd.s32 s11, s17;
	[dreg:$0x13] =	wrdreg s8  }
0x15: {  	s6 =	sshrl.u32 s6, $0x3;
	s20 =	sadd.s32 s12, s17;
	[dreg:$0x7] =	wrdreg s19  }
0x16: {  	s7 =	sadd.s32 $0xA, s17;
	s17 =	sadd.s32 $0x7800, s26;
	[dreg:$0x8] =	wrdreg s20  }
0x17: {  	s0 =	sshrl.u32 s24, $0x3;
	s24 =	sadd.s32 $0x10400, s26;
	[dreg:$0x1c] =	wrdreg s17  }
0x18: {  	s16 =	simm.s32 $0x1;
	s21 =	sadd.s32 s11, s6;
	[smem:$0x7FB] =	sst s24  }
0x19: {  	s13 =	simm.s32 $0x7;
	s6 =	sadd.s32 s12, s6;
	[dreg:$0x9] =	wrdreg s21  }
0x1a: {  	s14 =	simm.s32 $0x200;
	s22 =	sadd.s32 s11, s7;
	[dreg:$0xa] =	wrdreg s6  }
0x1b: {  	s25 =	sadd.s32 $0xF0, s1;
	s23 =	sadd.s32 s12, s7;
	[dreg:$0xb] =	wrdreg s22  }
0x1c: {  	s18 =	simm.s32 $0x5500;
	s30 =	sadd.s32 s0, s12;
	[dreg:$0xc] =	wrdreg s23  }
0x1d: {  	s8 =	simm.s32 $0x6;
	s0 =	sadd.s32 s0, s11;
	[dreg:$0xf] =	wrdreg s30  }
0x1e: {  	s7 =	sadd.s32 $0xA0, s1;
	s19 =	sadd.s32 $0xA000, s26;
	[dreg:$0x10] =	wrdreg s0  }
0x1f: {  	s1 =	sadd.s32 $0x78, s1;
	s20 =	sadd.s32 $0xB400, s26;
	[dreg:$0x1e] =	wrdreg s19  }
0x20: {  	s17 =	simm.s32 $0x5;
	[dreg:$0x1f] =	wrdreg s20;
	s21 =	sadd.s32 $0xC800, s26  }
0x21: {  	s6 =	sshrl.u32 s25, $0x3;
	s22 =	sadd.s32 $0xDC00, s26;
	[smem:$0x7F8] =	sst s21  }
0x22: {  	s10 =	sshrl.u32 s1, $0x3;
	s23 =	sadd.s32 $0xF000, s26;
	[smem:$0x7F9] =	sst s22  }
0x23: {  	s25 =	sadd.s32 $0x11800, s26;
	s30 =	sadd.s32 $0x12C00, s26;
	[smem:$0x7FA] =	sst s23  }
0x24: {  	s19 =	simm.s32 $0x9;
	s20 =	simm.s32 $0xA;
	[smem:$0x7FC] =	sst s25  }
0x25: {  	s2 =	sadd.s32 s6, s12;
	s0 =	sadd.s32 s6, s11;
	[smem:$0x7FD] =	sst s30  }
0x26: {  	s1 =	sadd.s32 s10, s12;
	s21 =	simm.s32 $0x4100;
	[dreg:$0x11] =	wrdreg s2  }
0x27: {  	s6 =	simm.s32 $0x8;
	s22 =	simm.s32 $0xC;
	[dreg:$0x12] =	wrdreg s0  }
0x28: {  	s23 =	simm.s32 $0xD;
	s0 =	sshrl.u32 s7, $0x3;
	[dreg:$0x16] =	wrdreg s1  }
.Ltmp0:
0x29: {  	s1 =	simm.s32 $0x380;
	s9 =	sadd.s32 s0, s12;
	(pc) =	sbr.rel .LBB2_1-.Ltmp0, $4  }
0x2a: {  	s7 =	simm.s32 $0x480;
	s0 =	sadd.s32 s0, s11;
	[dreg:$0x14] =	wrdreg s9  }
0x2b: {  	s2 =	simm.s32 $0x4;
	s12 =	simm.s32 $0x400;
	[dreg:$0x15] =	wrdreg s0  }
0x2c: {  	s0 =	sadd.s32 s10, s11;
	s9 =	simm.s32 $0x1900;
	s11 =	simm.s32 $0x3  }
0x2d: {  	v0 =	vimm.f32 $0.0e+00;
	s10 =	simm.s32 $0x0;
	[dreg:$0x17] =	wrdreg s0;
	s0 =	simm.s32 $0x2  }
.LBB2_6:
0x2e: {  	_ =	swait.ge [sflag:s20], $0x1400  }
0x2f: {  	[sflag:s20] =	ssyncset.done $0x0  }
0x30: {  	s1 =	simm.s32 $0xB;
	[sflag:s20] =	ssyncadd.s32 $0xFFFFEC00  }
0x31: {  	[spmem:s3] =	stream.indirect.scatter.add.f32 [tilespmem:s18], [sflag:$0xF], $0x80, s7, s31, $0xb8;
	[tilespmem:$0x1A900] =	vst v63  }
0x32: {  	_ =	swait.ge [sflag:s1], $0x1400  }
0x33: {  	[sflag:s1] =	ssyncset.done $0x0  }
0x34: {  	[sflag:s1] =	ssyncadd.s32 $0xFFFFEC00  }
0x35: {  	_ =	swait.ge [sflag:s22], $0x1400  }
0x36: {  	[sflag:s22] =	ssyncset.done $0x0  }
0x37: {  	[sflag:s22] =	ssyncadd.s32 $0xFFFFEC00  }
0x38: {  	_ =	swait.ge [sflag:s23], $0x1400  }
0x39: {  	[sflag:s23] =	ssyncset.done $0x0  }
0x3a: {  	s10 =	simm.s32 $0xE;
	[sflag:s23] =	ssyncadd.s32 $0xFFFFEC00  }
0x3b: {  	_ =	swait.ge [sflag:s10], $0x1400  }
0x3c: {  	[sflag:s10] =	ssyncset.done $0x0  }
0x3d: {  	s24 =	simm.s32 $0xF;
	[sflag:s10] =	ssyncadd.s32 $0xFFFFEC00  }
0x3e: {  	_ =	swait.ge [sflag:s24], $0x1400  }
0x3f: {  	[sflag:s24] =	ssyncset.done $0x0  }
0x40: {  	[sflag:s24] =	ssyncadd.s32 $0xFFFFEC00  }
0x41: {  	s24 =	stileid.u32;
	[bflag:$0x0] =	sbarrier.arrive $0xFFFF  }
0x42: {  	s24 =	sshll.u32 s24, $0x6;
	s26 =	rddreg [dreg:$0x5]  }
0x43: {  	s24 =	sor.u32 $0x1C10, s24;
	s28 =	rddreg [dreg:$0xd];
	s25 =	sshrl.u32 s26, $0x3  }
0x44: {  	[hbm:s28], [sflag:s24] =	dma.local [spmem:s25], $0x2800  }
0x45: {  	s25 =	simm.s32 $0x10  }
0x46: {  	_ =	swait.ge [sflag:s25], $0x2800  }
0x47: {  	s10 =	sld [smem:$0x7F7];
	_ =	sdelay $0x2  }
0x48: {  	s30 =	rddreg [dreg:$0xe];
	s10 =	sadd.s32 $0x1, s10  }
0x49: {  	p0 =	sne.s32 s10, s30  }
.Ltmp1:
0x4a: {  	_ = 	snop;
	(pc) =	sbr.rel @!p0 .LBB2_7-.Ltmp1, $3  }
0x4b: {  	_ =	sdelay $0x1  }
0x4c: {  	s29 =	simm.s32 $0x100;
	s9 =	simm.s32 $0x1900;
	[sflag:s25] =	ssyncset.done $0x0  }
0x4d: {  	s1 =	simm.s32 $0x380;
	s28 =	simm.s32 $0x300;
	[sflag:s25] =	ssyncadd.s32 $0xFFFFD800  }
.LBB2_1:
0x4e: {  	[smem:$0x7F7] =	sst s10;
	s24 =	simm.s32 $0x0;
	s25 =	simm.s32 $0x200  }
.LBB2_2:
0x4f: {  	p0 =	sne.s32 s25, $0x4E00;
	[tilespmem:s24+$0x570] =	vst v0  }
0x50: {  	[tilespmem:s24+$0x500] =	vst v0  }
0x51: {  	[tilespmem:s24+$0x510] =	vst v0  }
.Ltmp2:
0x52: {  	[tilespmem:s24+$0x520] =	vst v0;
	(pc) =	sbr.rel @p0 .LBB2_2-.Ltmp2, $4  }
0x53: {  	[tilespmem:s24+$0x530] =	vst v0  }
0x54: {  	[tilespmem:s24+$0x540] =	vst v0  }
0x55: {  	[tilespmem:s24+$0x550] =	vst v0  }
0x56: {  	[tilespmem:s24+$0x560] =	vst v0;
	s24 =	sshra.s32 s25, $0x2;
	s25 =	sadd.s32 $0x200, s25  }
0x57: {  	[tilespmem:s24+$0x570] =	vst v0  }
0x58: {  	[tilespmem:s24+$0x500] =	vst v0  }
0x59: {  	[tilespmem:s24+$0x510] =	vst v0  }
0x5a: {  	[tilespmem:s24+$0x520] =	vst v0  }
0x5b: {  	[tilespmem:s24+$0x530] =	vst v0  }
0x5c: {  	[tilespmem:s24+$0x540] =	vst v0  }
0x5d: {  	[tilespmem:s24+$0x550] =	vst v0  }
0x5e: {  	[tilespmem:s24+$0x560] =	vst v0;
	s30 =	rddreg [dreg:$0x6]  }
0x5f: {  	[spmem:s26] =	stream.linear.scatter [tilespmem:s15], [sflag:$0x1], $0x1400, $0x38;
	[tilespmem:$0x1A900] =	vst v63  }
0x60: {  	s10 =	rddreg [dreg:$0x18]  }
0x61: {  	[spmem:s30] =	stream.linear.scatter [tilespmem:s15], [sflag:$0x1], $0x1400, $0x38;
	[tilespmem:$0x1A900] =	vst v63  }
0x62: {  	s25 =	rddreg [dreg:$0x19]  }
0x63: {  	[spmem:s10] =	stream.linear.scatter [tilespmem:s15], [sflag:$0x1], $0x1400, $0x38;
	[tilespmem:$0x1A900] =	vst v63  }
0x64: {  	s26 =	rddreg [dreg:$0x1a]  }
0x65: {  	[spmem:s25] =	stream.linear.scatter [tilespmem:s15], [sflag:$0x1], $0x1400, $0x38;
	[tilespmem:$0x1A900] =	vst v63  }
0x66: {  	s30 =	rddreg [dreg:$0x1b]  }
0x67: {  	[spmem:s26] =	stream.linear.scatter [tilespmem:s15], [sflag:$0x1], $0x1400, $0x38;
	[tilespmem:$0x1A900] =	vst v63  }
0x68: {  	s10 =	rddreg [dreg:$0x1c]  }
0x69: {  	[spmem:s30] =	stream.linear.scatter [tilespmem:s15], [sflag:$0x1], $0x1400, $0x38;
	[tilespmem:$0x1A900] =	vst v63  }
0x6a: {  	s25 =	rddreg [dreg:$0x1d]  }
0x6b: {  	[spmem:s10] =	stream.linear.scatter [tilespmem:s15], [sflag:$0x1], $0x1400, $0x38;
	[tilespmem:$0x1A900] =	vst v63  }
0x6c: {  	s26 =	rddreg [dreg:$0x1e]  }
0x6d: {  	[spmem:s25] =	stream.linear.scatter [tilespmem:s15], [sflag:$0x1], $0x1400, $0x38;
	[tilespmem:$0x1A900] =	vst v63  }
0x6e: {  	s30 =	rddreg [dreg:$0x1f]  }
0x6f: {  	[spmem:s26] =	stream.linear.scatter [tilespmem:s15], [sflag:$0x1], $0x1400, $0x38;
	[tilespmem:$0x1A900] =	vst v63  }
0x70: {  	s10 =	sld [smem:$0x7F8]  }
0x71: {  	[spmem:s30] =	stream.linear.scatter [tilespmem:s15], [sflag:$0x1], $0x1400, $0x38;
	[tilespmem:$0x1A900] =	vst v63  }
0x72: {  	s25 =	sld [smem:$0x7F9]  }
0x73: {  	[spmem:s10] =	stream.linear.scatter [tilespmem:s15], [sflag:$0x1], $0x1400, $0x38;
	[tilespmem:$0x1A900] =	vst v63  }
0x74: {  	s26 =	sld [smem:$0x7FA]  }
0x75: {  	[spmem:s25] =	stream.linear.scatter [tilespmem:s15], [sflag:$0x1], $0x1400, $0x38;
	[tilespmem:$0x1A900] =	vst v63  }
0x76: {  	s30 =	sld [smem:$0x7FB]  }
0x77: {  	[spmem:s26] =	stream.linear.scatter [tilespmem:s15], [sflag:$0x1], $0x1400, $0x38;
	[tilespmem:$0x1A900] =	vst v63  }
0x78: {  	s10 =	sld [smem:$0x7FC]  }
0x79: {  	[spmem:s30] =	stream.linear.scatter [tilespmem:s15], [sflag:$0x1], $0x1400, $0x38;
	[tilespmem:$0x1A900] =	vst v63  }
0x7a: {  	s25 =	sld [smem:$0x7FD]  }
0x7b: {  	[spmem:s10] =	stream.linear.scatter [tilespmem:s15], [sflag:$0x1], $0x1400, $0x38;
	[tilespmem:$0x1A900] =	vst v63  }
0x7c: {  	_ = 	snop  }
0x7d: {  	[spmem:s25] =	stream.linear.scatter [tilespmem:s15], [sflag:$0x1], $0x1400, $0x38;
	[tilespmem:$0x1A900] =	vst v63  }
0x7e: {  	_ =	swait.ge [sflag:s16], $0x1400  }
0x7f: {  	[sflag:s16] =	ssyncset.done $0x0  }
0x80: {  	[sflag:s16] =	ssyncadd.s32 $0xFFFFEC00  }
0x81: {  	_ =	swait.ge [sflag:s16], $0x1400  }
0x82: {  	[sflag:s16] =	ssyncset.done $0x0  }
0x83: {  	[sflag:s16] =	ssyncadd.s32 $0xFFFFEC00  }
0x84: {  	_ =	swait.ge [sflag:s16], $0x1400  }
0x85: {  	[sflag:s16] =	ssyncset.done $0x0  }
0x86: {  	[sflag:s16] =	ssyncadd.s32 $0xFFFFEC00  }
0x87: {  	_ =	swait.ge [sflag:s16], $0x1400  }
0x88: {  	[sflag:s16] =	ssyncset.done $0x0  }
0x89: {  	[sflag:s16] =	ssyncadd.s32 $0xFFFFEC00  }
0x8a: {  	_ =	swait.ge [sflag:s16], $0x1400  }
0x8b: {  	[sflag:s16] =	ssyncset.done $0x0  }
0x8c: {  	[sflag:s16] =	ssyncadd.s32 $0xFFFFEC00  }
0x8d: {  	_ =	swait.ge [sflag:s16], $0x1400  }
0x8e: {  	[sflag:s16] =	ssyncset.done $0x0  }
0x8f: {  	[sflag:s16] =	ssyncadd.s32 $0xFFFFEC00  }
0x90: {  	_ =	swait.ge [sflag:s16], $0x1400  }
0x91: {  	[sflag:s16] =	ssyncset.done $0x0  }
0x92: {  	[sflag:s16] =	ssyncadd.s32 $0xFFFFEC00  }
0x93: {  	_ =	swait.ge [sflag:s16], $0x1400  }
0x94: {  	[sflag:s16] =	ssyncset.done $0x0  }
0x95: {  	[sflag:s16] =	ssyncadd.s32 $0xFFFFEC00  }
0x96: {  	_ =	swait.ge [sflag:s16], $0x1400  }
0x97: {  	[sflag:s16] =	ssyncset.done $0x0  }
0x98: {  	[sflag:s16] =	ssyncadd.s32 $0xFFFFEC00  }
0x99: {  	_ =	swait.ge [sflag:s16], $0x1400  }
0x9a: {  	[sflag:s16] =	ssyncset.done $0x0  }
0x9b: {  	[sflag:s16] =	ssyncadd.s32 $0xFFFFEC00  }
0x9c: {  	_ =	swait.ge [sflag:s16], $0x1400  }
0x9d: {  	[sflag:s16] =	ssyncset.done $0x0  }
0x9e: {  	[sflag:s16] =	ssyncadd.s32 $0xFFFFEC00  }
0x9f: {  	_ =	swait.ge [sflag:s16], $0x1400  }
0xa0: {  	[sflag:s16] =	ssyncset.done $0x0  }
0xa1: {  	[sflag:s16] =	ssyncadd.s32 $0xFFFFEC00  }
0xa2: {  	_ =	swait.ge [sflag:s16], $0x1400  }
0xa3: {  	[sflag:s16] =	ssyncset.done $0x0  }
0xa4: {  	[sflag:s16] =	ssyncadd.s32 $0xFFFFEC00  }
0xa5: {  	_ =	swait.ge [sflag:s16], $0x1400  }
0xa6: {  	[sflag:s16] =	ssyncset.done $0x0  }
0xa7: {  	[sflag:s16] =	ssyncadd.s32 $0xFFFFEC00  }
0xa8: {  	_ =	swait.ge [sflag:s16], $0x1400  }
0xa9: {  	[sflag:s16] =	ssyncset.done $0x0  }
0xaa: {  	[sflag:s16] =	ssyncadd.s32 $0xFFFFEC00  }
0xab: {  	_ =	swait.ge [sflag:s16], $0x1400  }
0xac: {  	[sflag:s16] =	ssyncset.done $0x0  }
0xad: {  	[sflag:s16] =	ssyncadd.s32 $0xFFFFEC00  }
0xae: {  	[bflag:$0x0] =	sbarrier.arrive $0xFFFF  }
0xaf: {  	s24 =	simm.s32 $0x0;
	s25 =	rddreg [dreg:$0x7]  }
0xb0: {  	[tilespmem:s24], [sflag:$0x1] =	stream.linear.gather [hbm4b:s25+s24], $0x28, $0x38;
	[tilespmem:$0x1A900] =	vst v63  }
0xb1: {  	s30 =	simm.s32 $0x280;
	s26 =	rddreg [dreg:$0x8]  }
0xb2: {  	[tilespmem:s30], [sflag:$0x1] =	stream.linear.gather [hbm4b:s26+s24], $0x28, $0x38;
	[tilespmem:$0x1A900] =	vst v63  }
0xb3: {  	s10 =	rddreg [dreg:$0x9];
	s26 =	simm.s32 $0x80  }
0xb4: {  	[tilespmem:s26], [sflag:$0x2] =	stream.linear.gather [hbm4b:s10+s24], $0x28, $0x38;
	[tilespmem:$0x1A900] =	vst v63  }
0xb5: {  	s30 =	rddreg [dreg:$0xa]  }
0xb6: {  	[tilespmem:s28], [sflag:$0x2] =	stream.linear.gather [hbm4b:s30+s24], $0x28, $0x38;
	[tilespmem:$0x1A900] =	vst v63  }
0xb7: {  	s10 =	rddreg [dreg:$0xb]  }
0xb8: {  	[tilespmem:s29], [sflag:$0x3] =	stream.linear.gather [hbm4b:s10+s24], $0x28, $0x38;
	[tilespmem:$0x1A900] =	vst v63  }
0xb9: {  	s30 =	rddreg [dreg:$0xc]  }
0xba: {  	[tilespmem:s1], [sflag:$0x3] =	stream.linear.gather [hbm4b:s30+s24], $0x28, $0x38;
	[tilespmem:$0x1A900] =	vst v63  }
0xbb: {  	_ =	swait.ge [sflag:s16], $0x28  }
0xbc: {  	[sflag:s16] =	ssyncset.done $0x0  }
0xbd: {  	[sflag:s16] =	ssyncadd.s32 $0xFFFFFFD8  }
0xbe: {  	_ =	swait.ge [sflag:s16], $0x28  }
0xbf: {  	[sflag:s16] =	ssyncset.done $0x0  }
0xc0: {  	[sflag:s16] =	ssyncadd.s32 $0xFFFFFFD8  }
0xc1: {  	[tilespmem:s15], [sflag:$0x6] =	stream.indirect.gather [hbm4b:s5+s31], $0x80, s24, s31, $0xb8;
	[tilespmem:$0x1A900] =	vst v63  }
0xc2: {  	_ =	swait.ge [sflag:s0], $0x28  }
0xc3: {  	[sflag:s0] =	ssyncset.done $0x0  }
0xc4: {  	[sflag:s0] =	ssyncadd.s32 $0xFFFFFFD8  }
0xc5: {  	_ =	swait.ge [sflag:s0], $0x28  }
0xc6: {  	[sflag:s0] =	ssyncset.done $0x0  }
0xc7: {  	s25 =	rddreg [dreg:$0x13];
	[sflag:s0] =	ssyncadd.s32 $0xFFFFFFD8  }
0xc8: {  	[tilespmem:s9], [sflag:$0x7] =	stream.indirect.gather [hbm4b:s5+s31], $0x80, s26, s31, $0xb8;
	[tilespmem:$0x1A900] =	vst v63  }
.LBB2_4:
0xc9: {  	_ =	swait.ge [sflag:s8], $0x1400  }
0xca: {  	[sflag:s8] =	ssyncset.done $0x0  }
0xcb: {  	s26 =	simm.s32 $0x280;
	p0 =	seq.s32 s24, $0x0;
	[sflag:s8] =	ssyncadd.s32 $0xFFFFEC00  }
0xcc: {  	[spmem:s3] =	stream.indirect.scatter.add.f32 [tilespmem:s15], [sflag:$0xB], $0x80, s26, s31, $0xb8;
	[tilespmem:$0x1A900] =	vst v63  }
0xcd: {  	s26 =	simm.s32 @!p0 $0xE  }
0xce: {  	_ =	swait.ge @!p0 [sflag:s26], $0x1400  }
0xcf: {  	[sflag:s26] =	ssyncset.done @!p0 $0x0;
	s10 =	rddreg [dreg:$0x17]  }
0xd0: {  	[sflag:s26] =	ssyncadd.s32 @!p0 $0xFFFFEC00;
	s26 =	sadd.s32 s24, s10;
	s10 =	simm.s32 $0x180  }
0xd1: {  	[tilespmem:s10], [sflag:$0x4] =	stream.linear.gather [hbm4b:s26+s4], $0x28, $0x38;
	[tilespmem:$0x1A900] =	vst v63  }
0xd2: {  	s26 =	rddreg [dreg:$0x16]  }
0xd3: {  	s26 =	sadd.s32 s24, s26  }
0xd4: {  	[tilespmem:s12], [sflag:$0x4] =	stream.linear.gather [hbm4b:s26+s4], $0x28, $0x38;
	[tilespmem:$0x1A900] =	vst v63  }
0xd5: {  	_ =	swait.ge [sflag:s11], $0x28  }
0xd6: {  	[sflag:s11] =	ssyncset.done $0x0  }
0xd7: {  	[sflag:s11] =	ssyncadd.s32 $0xFFFFFFD8  }
0xd8: {  	_ =	swait.ge [sflag:s11], $0x28  }
0xd9: {  	[sflag:s11] =	ssyncset.done $0x0  }
0xda: {  	s30 =	simm.s32 $0x2D00;
	[sflag:s11] =	ssyncadd.s32 $0xFFFFFFD8  }
0xdb: {  	[tilespmem:s30], [sflag:$0x8] =	stream.indirect.gather [hbm4b:s5+s31], $0x80, s29, s31, $0xb8;
	[tilespmem:$0x1A900] =	vst v63  }
0xdc: {  	_ =	swait.ge [sflag:s13], $0x1400  }
0xdd: {  	[sflag:s13] =	ssyncset.done $0x0  }
0xde: {  	s26 =	simm.s32 @!p0 $0xF;
	[sflag:s13] =	ssyncadd.s32 $0xFFFFEC00  }
0xdf: {  	[spmem:s3] =	stream.indirect.scatter.add.f32 [tilespmem:s9], [sflag:$0xC], $0x80, s28, s31, $0xb8;
	[tilespmem:$0x1A900] =	vst v63  }
0xe0: {  	_ =	swait.ge @!p0 [sflag:s26], $0x1400  }
0xe1: {  	[sflag:s26] =	ssyncset.done @!p0 $0x0;
	s28 =	rddreg [dreg:$0x15]  }
0xe2: {  	s29 =	rddreg [dreg:$0x14];
	[sflag:s26] =	ssyncadd.s32 @!p0 $0xFFFFEC00;
	s26 =	sadd.s32 s24, s28  }
0xe3: {  	[tilespmem:s14], [sflag:$0x5] =	stream.linear.gather [hbm4b:s26+s4], $0x28, $0x38;
	[tilespmem:$0x1A900] =	vst v63  }
0xe4: {  	s26 =	sadd.s32 s24, s29  }
0xe5: {  	[tilespmem:s7], [sflag:$0x5] =	stream.linear.gather [hbm4b:s26+s4], $0x28, $0x38;
	[tilespmem:$0x1A900] =	vst v63  }
0xe6: {  	_ =	swait.ge [sflag:s2], $0x28  }
0xe7: {  	[sflag:s2] =	ssyncset.done $0x0  }
0xe8: {  	[sflag:s2] =	ssyncadd.s32 $0xFFFFFFD8  }
0xe9: {  	_ =	swait.ge [sflag:s2], $0x28  }
0xea: {  	[sflag:s2] =	ssyncset.done $0x0  }
0xeb: {  	[sflag:s2] =	ssyncadd.s32 $0xFFFFFFD8  }
0xec: {  	[tilespmem:s21], [sflag:$0x9] =	stream.indirect.gather [hbm4b:s5+s31], $0x80, s10, s31, $0xb8;
	[tilespmem:$0x1A900] =	vst v63  }
0xed: {  	_ =	swait.ge [sflag:s6], $0x1400  }
0xee: {  	p0 =	seq.s32 s24, $0x4C9;
	[sflag:s6] =	ssyncset.done $0x0  }
0xef: {  	s26 =	simm.s32 @!p0 $0xB;
	[sflag:s6] =	ssyncadd.s32 $0xFFFFEC00  }
0xf0: {  	[spmem:s3] =	stream.indirect.scatter.add.f32 [tilespmem:s30], [sflag:$0xD], $0x80, s1, s31, $0xb8;
	[tilespmem:$0x1A900] =	vst v63  }
0xf1: {  	_ =	swait.ge @!p0 [sflag:s26], $0x1400  }
0xf2: {  	[sflag:s26] =	ssyncset.done @!p0 $0x0  }
0xf3: {  	[sflag:s26] =	ssyncadd.s32 @!p0 $0xFFFFEC00  }
0xf4: {  	s28 =	sshrl.u32 @!p0 s25, $0x3;
	s26 =	rddreg [dreg:$0x1]  }
0xf5: {  	s29 =	simm.s32 @!p0 $0x0;
	s26 =	sadd.s32 @!p0 s26, s28  }
0xf6: {  	[tilespmem:s29], [sflag:$0x1] =	stream.linear.gather @!p0 [hbm4b:s26+s29], $0x28, $0x38;
	[tilespmem:$0x1A900] =	vst v63  }
0xf7: {  	s26 =	rddreg [dreg:$0x4]  }
0xf8: {  	s26 =	sadd.s32 @!p0 s26, s28;
	s28 =	simm.s32 @!p0 $0x280  }
0xf9: {  	[tilespmem:s28], [sflag:$0x1] =	stream.linear.gather @!p0 [hbm4b:s26+s29], $0x28, $0x38;
	[tilespmem:$0x1A900] =	vst v63  }
0xfa: {  	_ =	swait.ge [sflag:s17], $0x28  }
0xfb: {  	[sflag:s17] =	ssyncset.done $0x0  }
0xfc: {  	[sflag:s17] =	ssyncadd.s32 $0xFFFFFFD8  }
0xfd: {  	_ =	swait.ge [sflag:s17], $0x28  }
0xfe: {  	[sflag:s17] =	ssyncset.done $0x0  }
0xff: {  	[sflag:s17] =	ssyncadd.s32 $0xFFFFFFD8  }
0x100: {  	[tilespmem:s18], [sflag:$0xA] =	stream.indirect.gather [hbm4b:s5+s31], $0x80, s14, s31, $0xb8;
	[tilespmem:$0x1A900] =	vst v63  }
.Ltmp3:
0x101: {  	_ = 	snop;
	(pc) =	sbr.rel @p0 .LBB2_6-.Ltmp3, $4  }
0x102: {  	_ =	swait.ge [sflag:s19], $0x1400  }
0x103: {  	s9 =	simm.s32 $0x380;
	s10 =	simm.s32 $0x1900;
	[sflag:s19] =	ssyncset.done $0x0  }
0x104: {  	s30 =	simm.s32 $0x300;
	s1 =	simm.s32 $0x100;
	[sflag:s19] =	ssyncadd.s32 $0xFFFFEC00  }
0x105: {  	[spmem:s3] =	stream.indirect.scatter.add.f32 [tilespmem:s21], [sflag:$0xE], $0x80, s12, s31, $0xb8;
	[tilespmem:$0x1A900] =	vst v63  }
0x106: {  	_ =	swait.ge [sflag:s22], $0x1400  }
0x107: {  	[sflag:s22] =	ssyncset.done $0x0;
	s26 =	rddreg [dreg:$0x12]  }
0x108: {  	s28 =	simm.s32 $0x80;
	[sflag:s22] =	ssyncadd.s32 $0xFFFFEC00;
	s26 =	sadd.s32 s24, s26  }
0x109: {  	[tilespmem:s28], [sflag:$0x2] =	stream.linear.gather [hbm4b:s26+s4], $0x28, $0x38;
	[tilespmem:$0x1A900] =	vst v63  }
0x10a: {  	s26 =	rddreg [dreg:$0x11]  }
0x10b: {  	s26 =	sadd.s32 s24, s26  }
0x10c: {  	[tilespmem:s30], [sflag:$0x2] =	stream.linear.gather [hbm4b:s26+s4], $0x28, $0x38;
	[tilespmem:$0x1A900] =	vst v63  }
0x10d: {  	_ =	swait.ge [sflag:s16], $0x28  }
0x10e: {  	[sflag:s16] =	ssyncset.done $0x0  }
0x10f: {  	[sflag:s16] =	ssyncadd.s32 $0xFFFFFFD8  }
0x110: {  	_ =	swait.ge [sflag:s16], $0x28  }
0x111: {  	[sflag:s16] =	ssyncset.done $0x0  }
0x112: {  	[sflag:s16] =	ssyncadd.s32 $0xFFFFFFD8  }
0x113: {  	[tilespmem:s15], [sflag:$0x6] =	stream.indirect.gather [hbm4b:s5+s31], $0x80, s4, s31, $0xb8;
	[tilespmem:$0x1A900] =	vst v63  }
0x114: {  	_ =	swait.ge [sflag:s20], $0x1400  }
0x115: {  	[sflag:s20] =	ssyncset.done $0x0  }
0x116: {  	[sflag:s20] =	ssyncadd.s32 $0xFFFFEC00  }
0x117: {  	[spmem:s3] =	stream.indirect.scatter.add.f32 [tilespmem:s18], [sflag:$0xF], $0x80, s7, s31, $0xb8;
	[tilespmem:$0x1A900] =	vst v63  }
0x118: {  	_ =	swait.ge [sflag:s23], $0x1400  }
0x119: {  	[sflag:s23] =	ssyncset.done $0x0;
	s30 =	rddreg [dreg:$0x10]  }
0x11a: {  	[sflag:s23] =	ssyncadd.s32 $0xFFFFEC00;
	s26 =	sadd.s32 s24, s30;
	s30 =	rddreg [dreg:$0xf]  }
0x11b: {  	[tilespmem:s1], [sflag:$0x3] =	stream.linear.gather [hbm4b:s26+s4], $0x28, $0x38;
	[tilespmem:$0x1A900] =	vst v63  }
0x11c: {  	s26 =	sadd.s32 s24, s30  }
0x11d: {  	[tilespmem:s9], [sflag:$0x3] =	stream.linear.gather [hbm4b:s26+s4], $0x28, $0x38;
	[tilespmem:$0x1A900] =	vst v63  }
0x11e: {  	_ =	swait.ge [sflag:s0], $0x28  }
0x11f: {  	[sflag:s0] =	ssyncset.done $0x0  }
0x120: {  	[sflag:s0] =	ssyncadd.s32 $0xFFFFFFD8  }
.Ltmp4:
0x121: {  	_ =	swait.ge [sflag:s0], $0x28;
	(pc) =	sbr.rel .LBB2_4-.Ltmp4, $4  }
0x122: {  	s25 =	sadd.s32 $0xC8, s25;
	[sflag:s0] =	ssyncset.done $0x0  }
0x123: {  	s29 =	simm.s32 $0x100;
	s24 =	sadd.s32 $0x19, s24;
	[sflag:s0] =	ssyncadd.s32 $0xFFFFFFD8  }
0x124: {  	[tilespmem:s10], [sflag:$0x7] =	stream.indirect.gather [hbm4b:s5+s31], $0x80, s28, s31, $0xb8;
	[tilespmem:$0x1A900] =	vst v63  }
0x125: {  	s1 =	simm.s32 $0x380;
	s9 =	simm.s32 $0x1900;
	s28 =	simm.s32 $0x300  }
.LBB2_7:
0x126: {  	_ =	sfence.sel $0x180000  }
0x127: {  	[bflag:$0x0] =	sbarrier.arrive $0xFFFF  }
0x128: {  	_ =	strace $0x9000004A  }
0x129: {  	s0 =	stileid.u32;
	[bflag:$0x2] =	sbarrier.arrive $0xFFFF  }
0x12a: {  	p0 =	sne.s32 s0, $0x0;
	s0 =	rddreg [dreg:$0x3]  }
0x12b: {  	s0 =	sadd.s32 @!p0 $0x100000, s0  }
0x12c: {  	[sflag:s0] =	ssyncadd.tile.s32 @!p0 $0x1;
	_ =	shalt  }
.Lfunc_end2:
_tile_overlayer_lowered:
.L_overlay_start_2:
0x12d: {  	(tag) =	ssettag $0x2  }
0x12e: {  	s0 =	rddreg [dreg:$0x0];
	s2 =	stileid.u32  }
0x12f: {  	s1 =	rddreg [dreg:$0x1];
	p0 =	sne.s32 s2, $0x0  }
0x130: {  	s3 =	rddreg [dreg:$0x2];
	[bflag:$0x3] =	sbarrier.arrive $0xFFFF;
	s2 =	simm.s32 @!p0 $0x1C10  }
0x131: {  	[timem:s3], [sflag:s2] =	dma.local @!p0 [hbm:s0], s1  }
0x132: {  	s0 =	simm.s32 @!p0 $0x10  }
0x133: {  	_ =	swait.ge @!p0 [sflag:s0], s1  }
0x134: {  	s1 =	ssub.s32 @!p0 $0x0, s1;
	[sflag:s0] =	ssyncset.done @!p0 $0x0  }
0x135: {  	[sflag:s0] =	ssyncadd.s32 @!p0 s1  }
0x136: {  	[bflag:$0x3] =	sbarrier.arrive $0xFFFF  }
0x137: {  	_ =	shalt  }

// kernel: kernel.15.cloned.1.call-start
scs
__scs_entry_jumppad:
0x0: {  	(pc) =	sbr.rel $0x88, $3  }
0x1: {  	(tag) =	ssettag $0x0;
	lr =	simm.s32 $0x1  }
0x2: {  	[smem:$0x3F9B] =	sst lr;
	_ =	strace $0xD0000000  }
0x3: {  	_ = 	snop  }
0x4: {  	_ = 	snop  }
0x5: {  	_ = 	snop  }
0x6: {  	_ = 	snop  }
0x7: {  	_ = 	snop  }
__scs_overlays_trampoline_lowered:
0x8: {  	[smem:$0x3FAA] =	sst s0  }
0x9: {  	[smem:$0x3FAB] =	sst s1  }
0xa: {  	[smem:$0x3FAC] =	sst s2  }
0xb: {  	[smem:$0x3FAD] =	sst s3  }
0xc: {  	[smem:$0x3FAE] =	sst s4  }
0xd: {  	[smem:$0x3FAF] =	sst s5  }
0xe: {  	[smem:$0x3FB0] =	sst s6  }
0xf: {  	[smem:$0x3FB1] =	sst s7  }
0x10: {  	[smem:$0x3FB2] =	sst s8  }
0x11: {  	[smem:$0x3FB3] =	sst s9;
	s0 =	simm.s32 @!p0 $0x0  }
0x12: {  	s1 =	sld [smem:$0x3F99];
	s0 =	simm.s32 @p0 $0x1  }
0x13: {  	[smem:$0x3FB4] =	sst s0;
	s0 =	simm.s32 @!p1 $0x0  }
0x14: {  	s2 =	sld [smem:$0x3F98];
	s0 =	simm.s32 @p1 $0x1  }
0x15: {  	[smem:$0x3FB5] =	sst s0;
	s0 =	simm.s32 @!p2 $0x0  }
0x16: {  	s3 =	sld [smem:$0x3FDB];
	s0 =	simm.s32 @p2 $0x1  }
0x17: {  	s4 =	simm.s32 $0x1BF5;
	[smem:$0x3FB7] =	sst s0  }
0x18: {  	s0 =	sld [smem:$0x3F9A];
	_ =	swait.ge [sflag:s4], $0x0  }
0x19: {  	s7 =	sld [smem:$0x3F9B]  }
0x1a: {  	s8 =	sadd.s32 $0xFFFFE003, lr  }
0x1b: {  	s9 =	sadd.s32 $0xFFFFFEF7, lr;
	s5 =	simm.s32 $0xFFFFFFFF;
	p2 =	slt.u32 s8, $0xFFFFF086  }
0x1c: {  	p1 =	slt.u32 s9, $0xF7A;
	s5 =	simm.s32 @!p2 $0x0  }
0x1d: {  	s5 =	simm.s32 @p1 $0x1;
	p0 =	seq.s32 s7, s2  }
0x1e: {  	s7 =	smul.u32 @!p0 $0xF7A, s2;
	p2 =	seq.s32 @!p0 s5, $0x0  }
0x1f: {  	s9 =	smul.u32 $0xF7A, s1;
	s8 =	simm.s32 @!p0 $0x1BF5;
	p2 =	por !p2, p0  }
0x20: {  	[sflag:s8] =	ssyncset.s32 @!p0 $0xFFFFF086;
	s6 =	sadd.s32 @!p0 s3, s7;
	s7 =	simm.s32 @!p0 $0x108  }
0x21: {  	s3 =	sadd.s32 s3, s9;
	s6 =	sadd.s32 @!p0 $0x88, s6;
	s7 =	simm.s32 @p2 $0x1082  }
0x22: {  	[simem:s7], [sflag:s8] =	dma.local @!p0 [hbm:s6], $0xF7A  }
0x23: {  	s9 =	sor.u32 $0xD0000000, s2;
	s6 =	simm.s32 $0x108;
	_ =	swait.ge @!p0 [sflag:s8], $0x0  }
0x24: {  	s3 =	sadd.s32 $0x88, s3;
	s6 =	simm.s32 @!p1 $0x1082;
	[sflag:s4] =	ssyncset.s32 $0xFFFFF086  }
0x25: {  	[simem:s6], [sflag:s4] =	dma.local [hbm:s3], $0xF7A  }
0x26: {  	[smem:$0x3F9B] =	sst s1;
	(tag) =	ssettag s2;
	_ =	strace s9  }
0x27: {  	s1 =	sld [smem:$0x3FAB]  }
0x28: {  	s2 =	sld [smem:$0x3FAC]  }
0x29: {  	s4 =	sld [smem:$0x3FAE]  }
0x2a: {  	p0 =	seq.s32 s5, $0x0;
	s5 =	sld [smem:$0x3FAF]  }
0x2b: {  	s6 =	sld [smem:$0x3FB0]  }
0x2c: {  	s7 =	sld [smem:$0x3FB1]  }
0x2d: {  	s3 =	simm.s32 $0x108;
	s8 =	sld [smem:$0x3FB2]  }
0x2e: {  	s3 =	simm.s32 @!p0 $0x1082;
	s9 =	sld [smem:$0x3FB3]  }
0x2f: {  	lr =	sadd.s32 s0, s3;
	s0 =	sld [smem:$0x3FAA]  }
0x30: {  	s3 =	sld [smem:$0x3FAD]  }
0x31: {  	[smem:$0x3FB6] =	sst s10  }
0x32: {  	s10 =	sld [smem:$0x3FB4];
	_ =	sdelay $0x3  }
0x33: {  	p0 =	seq.s32 s10, $0x1;
	s10 =	sld [smem:$0x3FB6];
	_ =	sdelay $0x3  }
0x34: {  	[smem:$0x3FB6] =	sst s10  }
0x35: {  	s10 =	sld [smem:$0x3FB5];
	_ =	sdelay $0x3  }
0x36: {  	p1 =	seq.s32 s10, $0x1;
	s10 =	sld [smem:$0x3FB6];
	_ =	sdelay $0x3  }
0x37: {  	[smem:$0x3FB6] =	sst s10  }
0x38: {  	s10 =	sld [smem:$0x3FB7]  }
0x39: {  	_ = 	snop;
	(pc) =	sbr.ind lr, $3  }
0x3a: {  	_ = 	snop  }
0x3b: {  	_ = 	snop  }
0x3c: {  	p2 =	seq.s32 s10, $0x1;
	s10 =	sld [smem:$0x3FB6]  }
0x3d: {  	_ =	shalt  }
0x3e: {  	_ =	shalt  }
0x3f: {  	_ =	shalt  }
0x40: {  	_ =	shalt  }
0x41: {  	_ =	shalt  }
0x42: {  	_ =	shalt  }
0x43: {  	_ =	shalt  }
0x44: {  	_ =	shalt  }
0x45: {  	_ =	shalt  }
0x46: {  	_ =	shalt  }
0x47: {  	_ =	shalt  }
0x48: {  	_ =	shalt  }
0x49: {  	_ =	shalt  }
0x4a: {  	_ =	shalt  }
0x4b: {  	_ =	shalt  }
0x4c: {  	_ =	shalt  }
0x4d: {  	_ =	shalt  }
0x4e: {  	_ =	shalt  }
0x4f: {  	_ =	shalt  }
0x50: {  	_ =	shalt  }
0x51: {  	_ =	shalt  }
0x52: {  	_ =	shalt  }
0x53: {  	_ =	shalt  }
0x54: {  	_ =	shalt  }
0x55: {  	_ =	shalt  }
0x56: {  	_ =	shalt  }
0x57: {  	_ =	shalt  }
0x58: {  	_ =	shalt  }
0x59: {  	_ =	shalt  }
0x5a: {  	_ =	shalt  }
0x5b: {  	_ =	shalt  }
0x5c: {  	_ =	shalt  }
0x5d: {  	_ =	shalt  }
0x5e: {  	_ =	shalt  }
0x5f: {  	_ =	shalt  }
0x60: {  	_ =	shalt  }
0x61: {  	_ =	shalt  }
0x62: {  	_ =	shalt  }
0x63: {  	_ =	shalt  }
0x64: {  	_ =	shalt  }
0x65: {  	_ =	shalt  }
0x66: {  	_ =	shalt  }
0x67: {  	_ =	shalt  }
0x68: {  	_ =	shalt  }
0x69: {  	_ =	shalt  }
0x6a: {  	_ =	shalt  }
0x6b: {  	_ =	shalt  }
0x6c: {  	_ =	shalt  }
0x6d: {  	_ =	shalt  }
0x6e: {  	_ =	shalt  }
0x6f: {  	_ =	shalt  }
0x70: {  	_ =	shalt  }
0x71: {  	_ =	shalt  }
0x72: {  	_ =	shalt  }
0x73: {  	_ =	shalt  }
0x74: {  	_ =	shalt  }
0x75: {  	_ =	shalt  }
0x76: {  	_ =	shalt  }
0x77: {  	_ =	shalt  }
0x78: {  	_ =	shalt  }
0x79: {  	_ =	shalt  }
0x7a: {  	_ =	shalt  }
0x7b: {  	_ =	shalt  }
0x7c: {  	_ =	shalt  }
0x7d: {  	_ =	shalt  }
0x7e: {  	_ =	shalt  }
0x7f: {  	_ =	shalt  }
0x80: {  	_ =	shalt  }
0x81: {  	_ =	shalt  }
0x82: {  	_ =	shalt  }
0x83: {  	_ =	shalt  }
0x84: {  	_ =	shalt  }
0x85: {  	_ =	shalt  }
0x86: {  	_ =	shalt  }
0x87: {  	_ =	shalt  }
.Lfunc_end0:
.L_simem_size_0:
called_computation.2_lowered:
.L_overlay_start_0:
0x88: {  	s2 =	sld [smem:$0x3FD9]  }
0x89: {  	s3 =	sld [smem:$0x3FFE];
	_ =	sdelay $0x1  }
0x8a: {  	s1 =	srdreg.scid  }
0x8b: {  	s0 =	sand.u32 $0x1, s1  }
0x8c: {  	s17 =	sshll.u32 s0, $0xA;
	s2 =	sadd.s32 s3, s2  }
0x8d: {  	s2 =	sadd.s32 s2, s17  }
0x8e: {  	[smem:$0x3FC2] =	sst s2  }
0x8f: {  	_ = 	snop  }
0x90: {  	s2 =	sld [smem:$0x3FD0];
	(tm) =	ssettm $0x1  }
0x91: {  	s18 =	sld [smem:$0x3FFB];
	_ =	sdelay $0x3  }
0x92: {  	_ =	strace s18  }
0x93: {  	s3 =	sld [smem:$0x3FFC];
	_ =	sdelay $0x3  }
0x94: {  	_ =	strace s3  }
0x95: {  	s3 =	sld [smem:$0x3FFD];
	_ =	sdelay $0x3  }
0x96: {  	_ =	strace s3  }
0x97: {  	_ =	strace $0x8FFFFFFF  }
0x98: {  	s19 =	sld [smem:$0x3FDB];
	_ =	sdelay $0x1  }
0x99: {  	s4 =	simm.s32 $_scs_section_size  }
0x9a: {  	s5 =	simm.s32 $_size__tile_overlayer_lowered;
	s6 =	simm.s32 $_tile_overlayer_lowered  }
0x9b: {  	s22 =	simm.s32 $0x1BFF;
	s21 =	sshll.u32 s6, $0x1;
	s3 =	sadd.s32 s4, s19  }
0x9c: {  	s7 =	simm.s32 $0x0;
	s20 =	sshll.u32 s5, $0x1;
	s5 =	sadd.s32 s21, s3  }
0x9d: {  	[timem:s7], [sflag:s22] =	dma.local [hbm:s5], s20  }
0x9e: {  	_ =	swait.ge [sflag:s22], s20  }
0x9f: {  	s4 =	ssub.s32 $0x0, s20;
	[sflag:s22] =	ssyncset.done $0x0  }
0xa0: {  	[sflag:s22] =	ssyncadd.s32 s4;
	_ =	sdelay $0x1  }
0xa1: {  	s23 =	simm.s32 $0x1B8B  }
0xa2: {  	_ =	swait.ge [sflag:s23], $0x1  }
0xa3: {  	[sflag:s23] =	ssyncset.done $0x0  }
0xa4: {  	s25 =	simm.s32 $0x1B8E;
	s24 =	sld [smem:$0x3FFE];
	[sflag:s23] =	ssyncadd.s32 $0xFFFFFFFF  }
0xa5: {  	s26 =	simm.s32 $execute0_lowered;
	[smem:$0x3FD2] =	sst s25  }
0xa6: {  	s5 =	sshll.u32 s26, $0x1;
	_ =	strace $0x8000004C;
	[dreg:$0x1] =	wrdreg $0xFFFFFFFF  }
0xa7: {  	s28 =	simm.s32 $_size_execute0_lowered;
	s3 =	sadd.s32 s3, s5;
	[dreg:$0x0] =	wrdreg $0x0  }
0xa8: {  	s5 =	sshll.u32 s28, $0x1;
	[dreg:$0x2] =	wrdreg s3  }
0xa9: {  	[dreg:$0x3] =	wrdreg s5  }
0xaa: {  	[dreg:$0x4] =	wrdreg $0xC0  }
0xab: {  	_ =	task [dreg:s7], $0x5FFFF  }
0xac: {  	[dreg:$0x1] =	wrdreg $0xFFFFFFFF  }
0xad: {  	[dreg:$0x0] =	wrdreg $0x60  }
0xae: {  	[dreg:$0x2] =	wrdreg s24  }
0xaf: {  	[dreg:$0x3] =	wrdreg s2  }
0xb0: {  	[dreg:$0x4] =	wrdreg $0x69000  }
0xb1: {  	[dreg:$0x5] =	wrdreg $0x9  }
0xb2: {  	_ =	task.clear_ibuf [dreg:s7], $0x6FFFF;
	_ =	strace $0x9000004C  }
0xb3: {  	s29 =	simm.s32 $0x9;
	_ =	strace $0x8000004E  }
0xb4: {  	_ =	swait.ge [sflag:s29], $0x1  }
0xb5: {  	[sflag:s29] =	ssyncadd.s32 $0xFFFFFFFF  }
0xb6: {  	_ =	strace $0x9000004E  }
0xb7: {  	_ =	sfence  }
0xb8: {  	s30 =	sld [smem:$0x0];
	_ =	sdelay $0x2  }
0xb9: {  	s31 =	sshll.u32 s1, $0xD;
	s1 =	sshrl.u32 s1, $0x2  }
0xba: {  	s3 =	sand.u32 $0x4000, s31;
	s1 =	sadd.s32 s1, s30  }
0xbb: {  	s0 =	sor.u32 s3, s0;
	s1 =	sshll.u32 s1, $0x11  }
0xbc: {  	s0 =	sor.u32 s1, s0  }
0xbd: {  	s0 =	sadd.s32 $0x8F2B, s0  }
0xbe: {  	[sflag:s0] =	ssyncadd.remote.s32 $0x1  }
0xbf: {  	_ =	sfence.sel $0xFFFF  }
0xc0: {  	[dreg:$0x0] =	wrdreg $0xFFFFFFFF;
	(pc) =	sbr.abs _section_cstart, $3  }
0xc1: {  	[dreg:$0x1] =	wrdreg $0xFFFFFFFF  }
0xc2: {  	_ =	task.clear_ibuf [dreg:s7], $0x2FFFF;
	_ =	strace $0x9FFFFFFF  }
0xc3: {  	(tm) =	ssettm $0x7FFFFFFF  }
tec
execute0_lowered:
.L_overlay_start_1:
0x0: {  	(tag) =	ssettag $0x1  }
0x1: {  	s0 =	rddreg [dreg:$0x0]  }
0x2: {  	s11 =	rddreg [dreg:$0x1]  }
0x3: {  	s3 =	rddreg [dreg:$0x2];
	s1 =	srdreg.scid  }
0x4: {  	s10 =	stileid.u32;
	s4 =	simm.s32 $0x0;
	s28 =	simm.s32 $0x300  }
0x5: {  	s29 =	simm.s32 $0x100;
	s31 =	simm.s32 $0x28;
	s2 =	smul.u32 $0x2800, s10  }
0x6: {  	s1 =	sand.u32 $0x1, s1;
	[smem:$0x7FF] =	sst s4;
	s7 =	smul.u32 $0x50000, s10  }
0x7: {  	s5 =	sadd.s32 $0xCC00, s0;
	s12 =	sadd.s32 $0x2E00, s0;
	s18 =	smul.u32 $0x4E20, s10  }
0x8: {  	s15 =	sshll.u32 s10, $0x1;
	s6 =	smul.u32 $0x28000, s1;
	_ =	strace $0x8000004D  }
0x9: {  	s8 =	ssub.s32 $0x2, s1;
	[dreg:$0x4] =	wrdreg s12;
	s7 =	sshrl.u32 s7, $0x2  }
0xa: {  	s9 =	sshrl.u32 s8, $0x1;
	s2 =	sadd.s32 s2, s6;
	s26 =	sadd.s32 s7, s3  }
0xb: {  	s16 =	ssub.s32 s8, s9;
	s7 =	sadd.s32 $0x1400, s26;
	[dreg:$0x5] =	wrdreg s26  }
0xc: {  	s0 =	sadd.s32 s2, s0;
	s2 =	smax.u32 s16, $0x1;
	[dreg:$0x6] =	wrdreg s7  }
0xd: {  	s6 =	sor.u32 s1, s15;
	s13 =	sadd.s32 $0x2800, s26;
	[dreg:$0xe] =	wrdreg s2  }
0xe: {  	s1 =	smul.u32 $0x2710, s1;
	s14 =	sadd.s32 $0x3C00, s26;
	[dreg:$0x18] =	wrdreg s13  }
0xf: {  	s6 =	smul.u32 $0x2710, s6;
	s15 =	sadd.s32 $0x5000, s26;
	[dreg:$0x19] =	wrdreg s14  }
0x10: {  	s16 =	sadd.s32 $0x6400, s26;
	s1 =	sadd.s32 s1, s18;
	[dreg:$0x1a] =	wrdreg s15  }
0x11: {  	s0 =	sadd.s32 $0x5CC00, s0;
	[dreg:$0x1b] =	wrdreg s16;
	s18 =	sadd.s32 $0x8C00, s26  }
0x12: {  	s15 =	simm.s32 $0x500;
	s17 =	sshrl.u32 s6, $0x3;
	[dreg:$0xd] =	wrdreg s0  }
0x13: {  	s6 =	sadd.s32 $0x28, s6;
	s8 =	sadd.s32 $0xC8, s1;
	[dreg:$0x1d] =	wrdreg s18  }
0x14: {  	s24 =	sadd.s32 $0x118, s1;
	s19 =	sadd.s32 s11, s17;
	[dreg:$0x13] =	wrdreg s8  }
0x15: {  	s6 =	sshrl.u32 s6, $0x3;
	s20 =	sadd.s32 s12, s17;
	[dreg:$0x7] =	wrdreg s19  }
0x16: {  	s7 =	sadd.s32 $0xA, s17;
	s17 =	sadd.s32 $0x7800, s26;
	[dreg:$0x8] =	wrdreg s20  }
0x17: {  	s0 =	sshrl.u32 s24, $0x3;
	s24 =	sadd.s32 $0x10400, s26;
	[dreg:$0x1c] =	wrdreg s17  }
0x18: {  	s16 =	simm.s32 $0x1;
	s21 =	sadd.s32 s11, s6;
	[smem:$0x7FB] =	sst s24  }
0x19: {  	s13 =	simm.s32 $0x7;
	s6 =	sadd.s32 s12, s6;
	[dreg:$0x9] =	wrdreg s21  }
0x1a: {  	s14 =	simm.s32 $0x200;
	s22 =	sadd.s32 s11, s7;
	[dreg:$0xa] =	wrdreg s6  }
0x1b: {  	s25 =	sadd.s32 $0xF0, s1;
	s23 =	sadd.s32 s12, s7;
	[dreg:$0xb] =	wrdreg s22  }
0x1c: {  	s18 =	simm.s32 $0x5500;
	s30 =	sadd.s32 s0, s12;
	[dreg:$0xc] =	wrdreg s23  }
0x1d: {  	s8 =	simm.s32 $0x6;
	s0 =	sadd.s32 s0, s11;
	[dreg:$0xf] =	wrdreg s30  }
0x1e: {  	s7 =	sadd.s32 $0xA0, s1;
	s19 =	sadd.s32 $0xA000, s26;
	[dreg:$0x10] =	wrdreg s0  }
0x1f: {  	s1 =	sadd.s32 $0x78, s1;
	s20 =	sadd.s32 $0xB400, s26;
	[dreg:$0x1e] =	wrdreg s19  }
0x20: {  	s17 =	simm.s32 $0x5;
	[dreg:$0x1f] =	wrdreg s20;
	s21 =	sadd.s32 $0xC800, s26  }
0x21: {  	s6 =	sshrl.u32 s25, $0x3;
	s22 =	sadd.s32 $0xDC00, s26;
	[smem:$0x7F8] =	sst s21  }
0x22: {  	s10 =	sshrl.u32 s1, $0x3;
	s23 =	sadd.s32 $0xF000, s26;
	[smem:$0x7F9] =	sst s22  }
0x23: {  	s25 =	sadd.s32 $0x11800, s26;
	s30 =	sadd.s32 $0x12C00, s26;
	[smem:$0x7FA] =	sst s23  }
0x24: {  	s19 =	simm.s32 $0x9;
	s20 =	simm.s32 $0xA;
	[smem:$0x7FC] =	sst s25  }
0x25: {  	s2 =	sadd.s32 s6, s12;
	s0 =	sadd.s32 s6, s11;
	[smem:$0x7FD] =	sst s30  }
0x26: {  	s1 =	sadd.s32 s10, s12;
	s21 =	simm.s32 $0x4100;
	[dreg:$0x11] =	wrdreg s2  }
0x27: {  	s6 =	simm.s32 $0x8;
	s22 =	simm.s32 $0xC;
	[dreg:$0x12] =	wrdreg s0  }
0x28: {  	s23 =	simm.s32 $0xD;
	s0 =	sshrl.u32 s7, $0x3;
	[dreg:$0x16] =	wrdreg s1  }
.Ltmp0:
0x29: {  	s1 =	simm.s32 $0x380;
	s9 =	sadd.s32 s0, s12;
	(pc) =	sbr.rel .LBB2_1-.Ltmp0, $4  }
0x2a: {  	s7 =	simm.s32 $0x480;
	s0 =	sadd.s32 s0, s11;
	[dreg:$0x14] =	wrdreg s9  }
0x2b: {  	s2 =	simm.s32 $0x4;
	s12 =	simm.s32 $0x400;
	[dreg:$0x15] =	wrdreg s0  }
0x2c: {  	s0 =	sadd.s32 s10, s11;
	s9 =	simm.s32 $0x1900;
	s11 =	simm.s32 $0x3  }
0x2d: {  	v0 =	vimm.f32 $0.0e+00;
	s10 =	simm.s32 $0x0;
	[dreg:$0x17] =	wrdreg s0;
	s0 =	simm.s32 $0x2  }
.LBB2_6:
0x2e: {  	_ =	swait.ge [sflag:s20], $0x1400  }
0x2f: {  	[sflag:s20] =	ssyncset.done $0x0  }
0x30: {  	s1 =	simm.s32 $0xB;
	[sflag:s20] =	ssyncadd.s32 $0xFFFFEC00  }
0x31: {  	[spmem:s3] =	stream.indirect.scatter.add.f32 [tilespmem:s18], [sflag:$0xF], $0x80, s7, s31, $0xb8;
	[tilespmem:$0x1A900] =	vst v63  }
0x32: {  	_ =	swait.ge [sflag:s1], $0x1400  }
0x33: {  	[sflag:s1] =	ssyncset.done $0x0  }
0x34: {  	[sflag:s1] =	ssyncadd.s32 $0xFFFFEC00  }
0x35: {  	_ =	swait.ge [sflag:s22], $0x1400  }
0x36: {  	[sflag:s22] =	ssyncset.done $0x0  }
0x37: {  	[sflag:s22] =	ssyncadd.s32 $0xFFFFEC00  }
0x38: {  	_ =	swait.ge [sflag:s23], $0x1400  }
0x39: {  	[sflag:s23] =	ssyncset.done $0x0  }
0x3a: {  	s10 =	simm.s32 $0xE;
	[sflag:s23] =	ssyncadd.s32 $0xFFFFEC00  }
0x3b: {  	_ =	swait.ge [sflag:s10], $0x1400  }
0x3c: {  	[sflag:s10] =	ssyncset.done $0x0  }
0x3d: {  	s24 =	simm.s32 $0xF;
	[sflag:s10] =	ssyncadd.s32 $0xFFFFEC00  }
0x3e: {  	_ =	swait.ge [sflag:s24], $0x1400  }
0x3f: {  	[sflag:s24] =	ssyncset.done $0x0  }
0x40: {  	[sflag:s24] =	ssyncadd.s32 $0xFFFFEC00  }
0x41: {  	s24 =	stileid.u32;
	[bflag:$0x0] =	sbarrier.arrive $0xFFFF  }
0x42: {  	s24 =	sshll.u32 s24, $0x6;
	s26 =	rddreg [dreg:$0x5]  }
0x43: {  	s24 =	sor.u32 $0x1C10, s24;
	s28 =	rddreg [dreg:$0xd];
	s25 =	sshrl.u32 s26, $0x3  }
0x44: {  	[hbm:s28], [sflag:s24] =	dma.local [spmem:s25], $0x2800  }
0x45: {  	s25 =	simm.s32 $0x10  }
0x46: {  	_ =	swait.ge [sflag:s25], $0x2800  }
0x47: {  	s10 =	sld [smem:$0x7F7];
	_ =	sdelay $0x2  }
0x48: {  	s30 =	rddreg [dreg:$0xe];
	s10 =	sadd.s32 $0x1, s10  }
0x49: {  	p0 =	sne.s32 s10, s30  }
.Ltmp1:
0x4a: {  	_ = 	snop;
	(pc) =	sbr.rel @!p0 .LBB2_7-.Ltmp1, $3  }
0x4b: {  	_ =	sdelay $0x1  }
0x4c: {  	s29 =	simm.s32 $0x100;
	s9 =	simm.s32 $0x1900;
	[sflag:s25] =	ssyncset.done $0x0  }
0x4d: {  	s1 =	simm.s32 $0x380;
	s28 =	simm.s32 $0x300;
	[sflag:s25] =	ssyncadd.s32 $0xFFFFD800  }
.LBB2_1:
0x4e: {  	[smem:$0x7F7] =	sst s10;
	s24 =	simm.s32 $0x0;
	s25 =	simm.s32 $0x200  }
.LBB2_2:
0x4f: {  	p0 =	sne.s32 s25, $0x4E00;
	[tilespmem:s24+$0x570] =	vst v0  }
0x50: {  	[tilespmem:s24+$0x500] =	vst v0  }
0x51: {  	[tilespmem:s24+$0x510] =	vst v0  }
.Ltmp2:
0x52: {  	[tilespmem:s24+$0x520] =	vst v0;
	(pc) =	sbr.rel @p0 .LBB2_2-.Ltmp2, $4  }
0x53: {  	[tilespmem:s24+$0x530] =	vst v0  }
0x54: {  	[tilespmem:s24+$0x540] =	vst v0  }
0x55: {  	[tilespmem:s24+$0x550] =	vst v0  }
0x56: {  	[tilespmem:s24+$0x560] =	vst v0;
	s24 =	sshra.s32 s25, $0x2;
	s25 =	sadd.s32 $0x200, s25  }
0x57: {  	[tilespmem:s24+$0x570] =	vst v0  }
0x58: {  	[tilespmem:s24+$0x500] =	vst v0  }
0x59: {  	[tilespmem:s24+$0x510] =	vst v0  }
0x5a: {  	[tilespmem:s24+$0x520] =	vst v0  }
0x5b: {  	[tilespmem:s24+$0x530] =	vst v0  }
0x5c: {  	[tilespmem:s24+$0x540] =	vst v0  }
0x5d: {  	[tilespmem:s24+$0x550] =	vst v0  }
0x5e: {  	[tilespmem:s24+$0x560] =	vst v0;
	s30 =	rddreg [dreg:$0x6]  }
0x5f: {  	[spmem:s26] =	stream.linear.scatter [tilespmem:s15], [sflag:$0x1], $0x1400, $0x38;
	[tilespmem:$0x1A900] =	vst v63  }
0x60: {  	s10 =	rddreg [dreg:$0x18]  }
0x61: {  	[spmem:s30] =	stream.linear.scatter [tilespmem:s15], [sflag:$0x1], $0x1400, $0x38;
	[tilespmem:$0x1A900] =	vst v63  }
0x62: {  	s25 =	rddreg [dreg:$0x19]  }
0x63: {  	[spmem:s10] =	stream.linear.scatter [tilespmem:s15], [sflag:$0x1], $0x1400, $0x38;
	[tilespmem:$0x1A900] =	vst v63  }
0x64: {  	s26 =	rddreg [dreg:$0x1a]  }
0x65: {  	[spmem:s25] =	stream.linear.scatter [tilespmem:s15], [sflag:$0x1], $0x1400, $0x38;
	[tilespmem:$0x1A900] =	vst v63  }
0x66: {  	s30 =	rddreg [dreg:$0x1b]  }
0x67: {  	[spmem:s26] =	stream.linear.scatter [tilespmem:s15], [sflag:$0x1], $0x1400, $0x38;
	[tilespmem:$0x1A900] =	vst v63  }
0x68: {  	s10 =	rddreg [dreg:$0x1c]  }
0x69: {  	[spmem:s30] =	stream.linear.scatter [tilespmem:s15], [sflag:$0x1], $0x1400, $0x38;
	[tilespmem:$0x1A900] =	vst v63  }
0x6a: {  	s25 =	rddreg [dreg:$0x1d]  }
0x6b: {  	[spmem:s10] =	stream.linear.scatter [tilespmem:s15], [sflag:$0x1], $0x1400, $0x38;
	[tilespmem:$0x1A900] =	vst v63  }
0x6c: {  	s26 =	rddreg [dreg:$0x1e]  }
0x6d: {  	[spmem:s25] =	stream.linear.scatter [tilespmem:s15], [sflag:$0x1], $0x1400, $0x38;
	[tilespmem:$0x1A900] =	vst v63  }
0x6e: {  	s30 =	rddreg [dreg:$0x1f]  }
0x6f: {  	[spmem:s26] =	stream.linear.scatter [tilespmem:s15], [sflag:$0x1], $0x1400, $0x38;
	[tilespmem:$0x1A900] =	vst v63  }
0x70: {  	s10 =	sld [smem:$0x7F8]  }
0x71: {  	[spmem:s30] =	stream.linear.scatter [tilespmem:s15], [sflag:$0x1], $0x1400, $0x38;
	[tilespmem:$0x1A900] =	vst v63  }
0x72: {  	s25 =	sld [smem:$0x7F9]  }
0x73: {  	[spmem:s10] =	stream.linear.scatter [tilespmem:s15], [sflag:$0x1], $0x1400, $0x38;
	[tilespmem:$0x1A900] =	vst v63  }
0x74: {  	s26 =	sld [smem:$0x7FA]  }
0x75: {  	[spmem:s25] =	stream.linear.scatter [tilespmem:s15], [sflag:$0x1], $0x1400, $0x38;
	[tilespmem:$0x1A900] =	vst v63  }
0x76: {  	s30 =	sld [smem:$0x7FB]  }
0x77: {  	[spmem:s26] =	stream.linear.scatter [tilespmem:s15], [sflag:$0x1], $0x1400, $0x38;
	[tilespmem:$0x1A900] =	vst v63  }
0x78: {  	s10 =	sld [smem:$0x7FC]  }
0x79: {  	[spmem:s30] =	stream.linear.scatter [tilespmem:s15], [sflag:$0x1], $0x1400, $0x38;
	[tilespmem:$0x1A900] =	vst v63  }
0x7a: {  	s25 =	sld [smem:$0x7FD]  }
0x7b: {  	[spmem:s10] =	stream.linear.scatter [tilespmem:s15], [sflag:$0x1], $0x1400, $0x38;
	[tilespmem:$0x1A900] =	vst v63  }
0x7c: {  	_ = 	snop  }
0x7d: {  	[spmem:s25] =	stream.linear.scatter [tilespmem:s15], [sflag:$0x1], $0x1400, $0x38;
	[tilespmem:$0x1A900] =	vst v63  }
0x7e: {  	_ =	swait.ge [sflag:s16], $0x1400  }
0x7f: {  	[sflag:s16] =	ssyncset.done $0x0  }
0x80: {  	[sflag:s16] =	ssyncadd.s32 $0xFFFFEC00  }
0x81: {  	_ =	swait.ge [sflag:s16], $0x1400  }
0x82: {  	[sflag:s16] =	ssyncset.done $0x0  }
0x83: {  	[sflag:s16] =	ssyncadd.s32 $0xFFFFEC00  }
0x84: {  	_ =	swait.ge [sflag:s16], $0x1400  }
0x85: {  	[sflag:s16] =	ssyncset.done $0x0  }
0x86: {  	[sflag:s16] =	ssyncadd.s32 $0xFFFFEC00  }
0x87: {  	_ =	swait.ge [sflag:s16], $0x1400  }
0x88: {  	[sflag:s16] =	ssyncset.done $0x0  }
0x89: {  	[sflag:s16] =	ssyncadd.s32 $0xFFFFEC00  }
0x8a: {  	_ =	swait.ge [sflag:s16], $0x1400  }
0x8b: {  	[sflag:s16] =	ssyncset.done $0x0  }
0x8c: {  	[sflag:s16] =	ssyncadd.s32 $0xFFFFEC00  }
0x8d: {  	_ =	swait.ge [sflag:s16], $0x1400  }
0x8e: {  	[sflag:s16] =	ssyncset.done $0x0  }
0x8f: {  	[sflag:s16] =	ssyncadd.s32 $0xFFFFEC00  }
0x90: {  	_ =	swait.ge [sflag:s16], $0x1400  }
0x91: {  	[sflag:s16] =	ssyncset.done $0x0  }
0x92: {  	[sflag:s16] =	ssyncadd.s32 $0xFFFFEC00  }
0x93: {  	_ =	swait.ge [sflag:s16], $0x1400  }
0x94: {  	[sflag:s16] =	ssyncset.done $0x0  }
0x95: {  	[sflag:s16] =	ssyncadd.s32 $0xFFFFEC00  }
0x96: {  	_ =	swait.ge [sflag:s16], $0x1400  }
0x97: {  	[sflag:s16] =	ssyncset.done $0x0  }
0x98: {  	[sflag:s16] =	ssyncadd.s32 $0xFFFFEC00  }
0x99: {  	_ =	swait.ge [sflag:s16], $0x1400  }
0x9a: {  	[sflag:s16] =	ssyncset.done $0x0  }
0x9b: {  	[sflag:s16] =	ssyncadd.s32 $0xFFFFEC00  }
0x9c: {  	_ =	swait.ge [sflag:s16], $0x1400  }
0x9d: {  	[sflag:s16] =	ssyncset.done $0x0  }
0x9e: {  	[sflag:s16] =	ssyncadd.s32 $0xFFFFEC00  }
0x9f: {  	_ =	swait.ge [sflag:s16], $0x1400  }
0xa0: {  	[sflag:s16] =	ssyncset.done $0x0  }
0xa1: {  	[sflag:s16] =	ssyncadd.s32 $0xFFFFEC00  }
0xa2: {  	_ =	swait.ge [sflag:s16], $0x1400  }
0xa3: {  	[sflag:s16] =	ssyncset.done $0x0  }
0xa4: {  	[sflag:s16] =	ssyncadd.s32 $0xFFFFEC00  }
0xa5: {  	_ =	swait.ge [sflag:s16], $0x1400  }
0xa6: {  	[sflag:s16] =	ssyncset.done $0x0  }
0xa7: {  	[sflag:s16] =	ssyncadd.s32 $0xFFFFEC00  }
0xa8: {  	_ =	swait.ge [sflag:s16], $0x1400  }
0xa9: {  	[sflag:s16] =	ssyncset.done $0x0  }
0xaa: {  	[sflag:s16] =	ssyncadd.s32 $0xFFFFEC00  }
0xab: {  	_ =	swait.ge [sflag:s16], $0x1400  }
0xac: {  	[sflag:s16] =	ssyncset.done $0x0  }
0xad: {  	[sflag:s16] =	ssyncadd.s32 $0xFFFFEC00  }
0xae: {  	[bflag:$0x0] =	sbarrier.arrive $0xFFFF  }
0xaf: {  	s24 =	simm.s32 $0x0;
	s25 =	rddreg [dreg:$0x7]  }
0xb0: {  	[tilespmem:s24], [sflag:$0x1] =	stream.linear.gather [hbm4b:s25+s24], $0x28, $0x38;
	[tilespmem:$0x1A900] =	vst v63  }
0xb1: {  	s30 =	simm.s32 $0x280;
	s26 =	rddreg [dreg:$0x8]  }
0xb2: {  	[tilespmem:s30], [sflag:$0x1] =	stream.linear.gather [hbm4b:s26+s24], $0x28, $0x38;
	[tilespmem:$0x1A900] =	vst v63  }
0xb3: {  	s10 =	rddreg [dreg:$0x9];
	s26 =	simm.s32 $0x80  }
0xb4: {  	[tilespmem:s26], [sflag:$0x2] =	stream.linear.gather [hbm4b:s10+s24], $0x28, $0x38;
	[tilespmem:$0x1A900] =	vst v63  }
0xb5: {  	s30 =	rddreg [dreg:$0xa]  }
0xb6: {  	[tilespmem:s28], [sflag:$0x2] =	stream.linear.gather [hbm4b:s30+s24], $0x28, $0x38;
	[tilespmem:$0x1A900] =	vst v63  }
0xb7: {  	s10 =	rddreg [dreg:$0xb]  }
0xb8: {  	[tilespmem:s29], [sflag:$0x3] =	stream.linear.gather [hbm4b:s10+s24], $0x28, $0x38;
	[tilespmem:$0x1A900] =	vst v63  }
0xb9: {  	s30 =	rddreg [dreg:$0xc]  }
0xba: {  	[tilespmem:s1], [sflag:$0x3] =	stream.linear.gather [hbm4b:s30+s24], $0x28, $0x38;
	[tilespmem:$0x1A900] =	vst v63  }
0xbb: {  	_ =	swait.ge [sflag:s16], $0x28  }
0xbc: {  	[sflag:s16] =	ssyncset.done $0x0  }
0xbd: {  	[sflag:s16] =	ssyncadd.s32 $0xFFFFFFD8  }
0xbe: {  	_ =	swait.ge [sflag:s16], $0x28  }
0xbf: {  	[sflag:s16] =	ssyncset.done $0x0  }
0xc0: {  	[sflag:s16] =	ssyncadd.s32 $0xFFFFFFD8  }
0xc1: {  	[tilespmem:s15], [sflag:$0x6] =	stream.indirect.gather [hbm4b:s5+s31], $0x80, s24, s31, $0xb8;
	[tilespmem:$0x1A900] =	vst v63  }
0xc2: {  	_ =	swait.ge [sflag:s0], $0x28  }
0xc3: {  	[sflag:s0] =	ssyncset.done $0x0  }
0xc4: {  	[sflag:s0] =	ssyncadd.s32 $0xFFFFFFD8  }
0xc5: {  	_ =	swait.ge [sflag:s0], $0x28  }
0xc6: {  	[sflag:s0] =	ssyncset.done $0x0  }
0xc7: {  	s25 =	rddreg [dreg:$0x13];
	[sflag:s0] =	ssyncadd.s32 $0xFFFFFFD8  }
0xc8: {  	[tilespmem:s9], [sflag:$0x7] =	stream.indirect.gather [hbm4b:s5+s31], $0x80, s26, s31, $0xb8;
	[tilespmem:$0x1A900] =	vst v63  }
.LBB2_4:
0xc9: {  	_ =	swait.ge [sflag:s8], $0x1400  }
0xca: {  	[sflag:s8] =	ssyncset.done $0x0  }
0xcb: {  	s26 =	simm.s32 $0x280;
	p0 =	seq.s32 s24, $0x0;
	[sflag:s8] =	ssyncadd.s32 $0xFFFFEC00  }
0xcc: {  	[spmem:s3] =	stream.indirect.scatter.add.f32 [tilespmem:s15], [sflag:$0xB], $0x80, s26, s31, $0xb8;
	[tilespmem:$0x1A900] =	vst v63  }
0xcd: {  	s26 =	simm.s32 @!p0 $0xE  }
0xce: {  	_ =	swait.ge @!p0 [sflag:s26], $0x1400  }
0xcf: {  	[sflag:s26] =	ssyncset.done @!p0 $0x0;
	s10 =	rddreg [dreg:$0x17]  }
0xd0: {  	[sflag:s26] =	ssyncadd.s32 @!p0 $0xFFFFEC00;
	s26 =	sadd.s32 s24, s10;
	s10 =	simm.s32 $0x180  }
0xd1: {  	[tilespmem:s10], [sflag:$0x4] =	stream.linear.gather [hbm4b:s26+s4], $0x28, $0x38;
	[tilespmem:$0x1A900] =	vst v63  }
0xd2: {  	s26 =	rddreg [dreg:$0x16]  }
0xd3: {  	s26 =	sadd.s32 s24, s26  }
0xd4: {  	[tilespmem:s12], [sflag:$0x4] =	stream.linear.gather [hbm4b:s26+s4], $0x28, $0x38;
	[tilespmem:$0x1A900] =	vst v63  }
0xd5: {  	_ =	swait.ge [sflag:s11], $0x28  }
0xd6: {  	[sflag:s11] =	ssyncset.done $0x0  }
0xd7: {  	[sflag:s11] =	ssyncadd.s32 $0xFFFFFFD8  }
0xd8: {  	_ =	swait.ge [sflag:s11], $0x28  }
0xd9: {  	[sflag:s11] =	ssyncset.done $0x0  }
0xda: {  	s30 =	simm.s32 $0x2D00;
	[sflag:s11] =	ssyncadd.s32 $0xFFFFFFD8  }
0xdb: {  	[tilespmem:s30], [sflag:$0x8] =	stream.indirect.gather [hbm4b:s5+s31], $0x80, s29, s31, $0xb8;
	[tilespmem:$0x1A900] =	vst v63  }
0xdc: {  	_ =	swait.ge [sflag:s13], $0x1400  }
0xdd: {  	[sflag:s13] =	ssyncset.done $0x0  }
0xde: {  	s26 =	simm.s32 @!p0 $0xF;
	[sflag:s13] =	ssyncadd.s32 $0xFFFFEC00  }
0xdf: {  	[spmem:s3] =	stream.indirect.scatter.add.f32 [tilespmem:s9], [sflag:$0xC], $0x80, s28, s31, $0xb8;
	[tilespmem:$0x1A900] =	vst v63  }
0xe0: {  	_ =	swait.ge @!p0 [sflag:s26], $0x1400  }
0xe1: {  	[sflag:s26] =	ssyncset.done @!p0 $0x0;
	s28 =	rddreg [dreg:$0x15]  }
0xe2: {  	s29 =	rddreg [dreg:$0x14];
	[sflag:s26] =	ssyncadd.s32 @!p0 $0xFFFFEC00;
	s26 =	sadd.s32 s24, s28  }
0xe3: {  	[tilespmem:s14], [sflag:$0x5] =	stream.linear.gather [hbm4b:s26+s4], $0x28, $0x38;
	[tilespmem:$0x1A900] =	vst v63  }
0xe4: {  	s26 =	sadd.s32 s24, s29  }
0xe5: {  	[tilespmem:s7], [sflag:$0x5] =	stream.linear.gather [hbm4b:s26+s4], $0x28, $0x38;
	[tilespmem:$0x1A900] =	vst v63  }
0xe6: {  	_ =	swait.ge [sflag:s2], $0x28  }
0xe7: {  	[sflag:s2] =	ssyncset.done $0x0  }
0xe8: {  	[sflag:s2] =	ssyncadd.s32 $0xFFFFFFD8  }
0xe9: {  	_ =	swait.ge [sflag:s2], $0x28  }
0xea: {  	[sflag:s2] =	ssyncset.done $0x0  }
0xeb: {  	[sflag:s2] =	ssyncadd.s32 $0xFFFFFFD8  }
0xec: {  	[tilespmem:s21], [sflag:$0x9] =	stream.indirect.gather [hbm4b:s5+s31], $0x80, s10, s31, $0xb8;
	[tilespmem:$0x1A900] =	vst v63  }
0xed: {  	_ =	swait.ge [sflag:s6], $0x1400  }
0xee: {  	p0 =	seq.s32 s24, $0x4C9;
	[sflag:s6] =	ssyncset.done $0x0  }
0xef: {  	s26 =	simm.s32 @!p0 $0xB;
	[sflag:s6] =	ssyncadd.s32 $0xFFFFEC00  }
0xf0: {  	[spmem:s3] =	stream.indirect.scatter.add.f32 [tilespmem:s30], [sflag:$0xD], $0x80, s1, s31, $0xb8;
	[tilespmem:$0x1A900] =	vst v63  }
0xf1: {  	_ =	swait.ge @!p0 [sflag:s26], $0x1400  }
0xf2: {  	[sflag:s26] =	ssyncset.done @!p0 $0x0  }
0xf3: {  	[sflag:s26] =	ssyncadd.s32 @!p0 $0xFFFFEC00  }
0xf4: {  	s28 =	sshrl.u32 @!p0 s25, $0x3;
	s26 =	rddreg [dreg:$0x1]  }
0xf5: {  	s29 =	simm.s32 @!p0 $0x0;
	s26 =	sadd.s32 @!p0 s26, s28  }
0xf6: {  	[tilespmem:s29], [sflag:$0x1] =	stream.linear.gather @!p0 [hbm4b:s26+s29], $0x28, $0x38;
	[tilespmem:$0x1A900] =	vst v63  }
0xf7: {  	s26 =	rddreg [dreg:$0x4]  }
0xf8: {  	s26 =	sadd.s32 @!p0 s26, s28;
	s28 =	simm.s32 @!p0 $0x280  }
0xf9: {  	[tilespmem:s28], [sflag:$0x1] =	stream.linear.gather @!p0 [hbm4b:s26+s29], $0x28, $0x38;
	[tilespmem:$0x1A900] =	vst v63  }
0xfa: {  	_ =	swait.ge [sflag:s17], $0x28  }
0xfb: {  	[sflag:s17] =	ssyncset.done $0x0  }
0xfc: {  	[sflag:s17] =	ssyncadd.s32 $0xFFFFFFD8  }
0xfd: {  	_ =	swait.ge [sflag:s17], $0x28  }
0xfe: {  	[sflag:s17] =	ssyncset.done $0x0  }
0xff: {  	[sflag:s17] =	ssyncadd.s32 $0xFFFFFFD8  }
0x100: {  	[tilespmem:s18], [sflag:$0xA] =	stream.indirect.gather [hbm4b:s5+s31], $0x80, s14, s31, $0xb8;
	[tilespmem:$0x1A900] =	vst v63  }
.Ltmp3:
0x101: {  	_ = 	snop;
	(pc) =	sbr.rel @p0 .LBB2_6-.Ltmp3, $4  }
0x102: {  	_ =	swait.ge [sflag:s19], $0x1400  }
0x103: {  	s9 =	simm.s32 $0x380;
	s10 =	simm.s32 $0x1900;
	[sflag:s19] =	ssyncset.done $0x0  }
0x104: {  	s30 =	simm.s32 $0x300;
	s1 =	simm.s32 $0x100;
	[sflag:s19] =	ssyncadd.s32 $0xFFFFEC00  }
0x105: {  	[spmem:s3] =	stream.indirect.scatter.add.f32 [tilespmem:s21], [sflag:$0xE], $0x80, s12, s31, $0xb8;
	[tilespmem:$0x1A900] =	vst v63  }
0x106: {  	_ =	swait.ge [sflag:s22], $0x1400  }
0x107: {  	[sflag:s22] =	ssyncset.done $0x0;
	s26 =	rddreg [dreg:$0x12]  }
0x108: {  	s28 =	simm.s32 $0x80;
	[sflag:s22] =	ssyncadd.s32 $0xFFFFEC00;
	s26 =	sadd.s32 s24, s26  }
0x109: {  	[tilespmem:s28], [sflag:$0x2] =	stream.linear.gather [hbm4b:s26+s4], $0x28, $0x38;
	[tilespmem:$0x1A900] =	vst v63  }
0x10a: {  	s26 =	rddreg [dreg:$0x11]  }
0x10b: {  	s26 =	sadd.s32 s24, s26  }
0x10c: {  	[tilespmem:s30], [sflag:$0x2] =	stream.linear.gather [hbm4b:s26+s4], $0x28, $0x38;
	[tilespmem:$0x1A900] =	vst v63  }
0x10d: {  	_ =	swait.ge [sflag:s16], $0x28  }
0x10e: {  	[sflag:s16] =	ssyncset.done $0x0  }
0x10f: {  	[sflag:s16] =	ssyncadd.s32 $0xFFFFFFD8  }
0x110: {  	_ =	swait.ge [sflag:s16], $0x28  }
0x111: {  	[sflag:s16] =	ssyncset.done $0x0  }
0x112: {  	[sflag:s16] =	ssyncadd.s32 $0xFFFFFFD8  }
0x113: {  	[tilespmem:s15], [sflag:$0x6] =	stream.indirect.gather [hbm4b:s5+s31], $0x80, s4, s31, $0xb8;
	[tilespmem:$0x1A900] =	vst v63  }
0x114: {  	_ =	swait.ge [sflag:s20], $0x1400  }
0x115: {  	[sflag:s20] =	ssyncset.done $0x0  }
0x116: {  	[sflag:s20] =	ssyncadd.s32 $0xFFFFEC00  }
0x117: {  	[spmem:s3] =	stream.indirect.scatter.add.f32 [tilespmem:s18], [sflag:$0xF], $0x80, s7, s31, $0xb8;
	[tilespmem:$0x1A900] =	vst v63  }
0x118: {  	_ =	swait.ge [sflag:s23], $0x1400  }
0x119: {  	[sflag:s23] =	ssyncset.done $0x0;
	s30 =	rddreg [dreg:$0x10]  }
0x11a: {  	[sflag:s23] =	ssyncadd.s32 $0xFFFFEC00;
	s26 =	sadd.s32 s24, s30;
	s30 =	rddreg [dreg:$0xf]  }
0x11b: {  	[tilespmem:s1], [sflag:$0x3] =	stream.linear.gather [hbm4b:s26+s4], $0x28, $0x38;
	[tilespmem:$0x1A900] =	vst v63  }
0x11c: {  	s26 =	sadd.s32 s24, s30  }
0x11d: {  	[tilespmem:s9], [sflag:$0x3] =	stream.linear.gather [hbm4b:s26+s4], $0x28, $0x38;
	[tilespmem:$0x1A900] =	vst v63  }
0x11e: {  	_ =	swait.ge [sflag:s0], $0x28  }
0x11f: {  	[sflag:s0] =	ssyncset.done $0x0  }
0x120: {  	[sflag:s0] =	ssyncadd.s32 $0xFFFFFFD8  }
.Ltmp4:
0x121: {  	_ =	swait.ge [sflag:s0], $0x28;
	(pc) =	sbr.rel .LBB2_4-.Ltmp4, $4  }
0x122: {  	s25 =	sadd.s32 $0xC8, s25;
	[sflag:s0] =	ssyncset.done $0x0  }
0x123: {  	s29 =	simm.s32 $0x100;
	s24 =	sadd.s32 $0x19, s24;
	[sflag:s0] =	ssyncadd.s32 $0xFFFFFFD8  }
0x124: {  	[tilespmem:s10], [sflag:$0x7] =	stream.indirect.gather [hbm4b:s5+s31], $0x80, s28, s31, $0xb8;
	[tilespmem:$0x1A900] =	vst v63  }
0x125: {  	s1 =	simm.s32 $0x380;
	s9 =	simm.s32 $0x1900;
	s28 =	simm.s32 $0x300  }
.LBB2_7:
0x126: {  	_ =	sfence.sel $0x180000  }
0x127: {  	[bflag:$0x0] =	sbarrier.arrive $0xFFFF  }
0x128: {  	_ =	strace $0x9000004D  }
0x129: {  	s0 =	stileid.u32;
	[bflag:$0x2] =	sbarrier.arrive $0xFFFF  }
0x12a: {  	p0 =	sne.s32 s0, $0x0;
	s0 =	rddreg [dreg:$0x3]  }
0x12b: {  	s0 =	sadd.s32 @!p0 $0x100000, s0  }
0x12c: {  	[sflag:s0] =	ssyncadd.tile.s32 @!p0 $0x1;
	_ =	shalt  }
.Lfunc_end2:
_tile_overlayer_lowered:
.L_overlay_start_2:
0x12d: {  	(tag) =	ssettag $0x2  }
0x12e: {  	s0 =	rddreg [dreg:$0x0];
	s2 =	stileid.u32  }
0x12f: {  	s1 =	rddreg [dreg:$0x1];
	p0 =	sne.s32 s2, $0x0  }
0x130: {  	s3 =	rddreg [dreg:$0x2];
	[bflag:$0x3] =	sbarrier.arrive $0xFFFF;
	s2 =	simm.s32 @!p0 $0x1C10  }
0x131: {  	[timem:s3], [sflag:s2] =	dma.local @!p0 [hbm:s0], s1  }
0x132: {  	s0 =	simm.s32 @!p0 $0x10  }
0x133: {  	_ =	swait.ge @!p0 [sflag:s0], s1  }
0x134: {  	s1 =	ssub.s32 @!p0 $0x0, s1;
	[sflag:s0] =	ssyncset.done @!p0 $0x0  }
0x135: {  	[sflag:s0] =	ssyncadd.s32 @!p0 s1  }
0x136: {  	[bflag:$0x3] =	sbarrier.arrive $0xFFFF  }
0x137: {  	_ =	shalt  }

// kernel: kernel.9.cloned.1.call-start
scs
__scs_entry_jumppad:
0x0: {  	(pc) =	sbr.rel $0x88, $3  }
0x1: {  	(tag) =	ssettag $0x0;
	lr =	simm.s32 $0x1  }
0x2: {  	[smem:$0x3F9B] =	sst lr;
	_ =	strace $0xD0000000  }
0x3: {  	_ = 	snop  }
0x4: {  	_ = 	snop  }
0x5: {  	_ = 	snop  }
0x6: {  	_ = 	snop  }
0x7: {  	_ = 	snop  }
__scs_overlays_trampoline_lowered:
0x8: {  	[smem:$0x3FAA] =	sst s0  }
0x9: {  	[smem:$0x3FAB] =	sst s1  }
0xa: {  	[smem:$0x3FAC] =	sst s2  }
0xb: {  	[smem:$0x3FAD] =	sst s3  }
0xc: {  	[smem:$0x3FAE] =	sst s4  }
0xd: {  	[smem:$0x3FAF] =	sst s5  }
0xe: {  	[smem:$0x3FB0] =	sst s6  }
0xf: {  	[smem:$0x3FB1] =	sst s7  }
0x10: {  	[smem:$0x3FB2] =	sst s8  }
0x11: {  	[smem:$0x3FB3] =	sst s9;
	s0 =	simm.s32 @!p0 $0x0  }
0x12: {  	s1 =	sld [smem:$0x3F99];
	s0 =	simm.s32 @p0 $0x1  }
0x13: {  	[smem:$0x3FB4] =	sst s0;
	s0 =	simm.s32 @!p1 $0x0  }
0x14: {  	s2 =	sld [smem:$0x3F98];
	s0 =	simm.s32 @p1 $0x1  }
0x15: {  	[smem:$0x3FB5] =	sst s0;
	s0 =	simm.s32 @!p2 $0x0  }
0x16: {  	s3 =	sld [smem:$0x3FDB];
	s0 =	simm.s32 @p2 $0x1  }
0x17: {  	s4 =	simm.s32 $0x1BF5;
	[smem:$0x3FB7] =	sst s0  }
0x18: {  	s0 =	sld [smem:$0x3F9A];
	_ =	swait.ge [sflag:s4], $0x0  }
0x19: {  	s7 =	sld [smem:$0x3F9B]  }
0x1a: {  	s8 =	sadd.s32 $0xFFFFE003, lr  }
0x1b: {  	s9 =	sadd.s32 $0xFFFFFEF7, lr;
	s5 =	simm.s32 $0xFFFFFFFF;
	p2 =	slt.u32 s8, $0xFFFFF086  }
0x1c: {  	p1 =	slt.u32 s9, $0xF7A;
	s5 =	simm.s32 @!p2 $0x0  }
0x1d: {  	s5 =	simm.s32 @p1 $0x1;
	p0 =	seq.s32 s7, s2  }
0x1e: {  	s7 =	smul.u32 @!p0 $0xF7A, s2;
	p2 =	seq.s32 @!p0 s5, $0x0  }
0x1f: {  	s9 =	smul.u32 $0xF7A, s1;
	s8 =	simm.s32 @!p0 $0x1BF5;
	p2 =	por !p2, p0  }
0x20: {  	[sflag:s8] =	ssyncset.s32 @!p0 $0xFFFFF086;
	s6 =	sadd.s32 @!p0 s3, s7;
	s7 =	simm.s32 @!p0 $0x108  }
0x21: {  	s3 =	sadd.s32 s3, s9;
	s6 =	sadd.s32 @!p0 $0x88, s6;
	s7 =	simm.s32 @p2 $0x1082  }
0x22: {  	[simem:s7], [sflag:s8] =	dma.local @!p0 [hbm:s6], $0xF7A  }
0x23: {  	s9 =	sor.u32 $0xD0000000, s2;
	s6 =	simm.s32 $0x108;
	_ =	swait.ge @!p0 [sflag:s8], $0x0  }
0x24: {  	s3 =	sadd.s32 $0x88, s3;
	s6 =	simm.s32 @!p1 $0x1082;
	[sflag:s4] =	ssyncset.s32 $0xFFFFF086  }
0x25: {  	[simem:s6], [sflag:s4] =	dma.local [hbm:s3], $0xF7A  }
0x26: {  	[smem:$0x3F9B] =	sst s1;
	(tag) =	ssettag s2;
	_ =	strace s9  }
0x27: {  	s1 =	sld [smem:$0x3FAB]  }
0x28: {  	s2 =	sld [smem:$0x3FAC]  }
0x29: {  	s4 =	sld [smem:$0x3FAE]  }
0x2a: {  	p0 =	seq.s32 s5, $0x0;
	s5 =	sld [smem:$0x3FAF]  }
0x2b: {  	s6 =	sld [smem:$0x3FB0]  }
0x2c: {  	s7 =	sld [smem:$0x3FB1]  }
0x2d: {  	s3 =	simm.s32 $0x108;
	s8 =	sld [smem:$0x3FB2]  }
0x2e: {  	s3 =	simm.s32 @!p0 $0x1082;
	s9 =	sld [smem:$0x3FB3]  }
0x2f: {  	lr =	sadd.s32 s0, s3;
	s0 =	sld [smem:$0x3FAA]  }
0x30: {  	s3 =	sld [smem:$0x3FAD]  }
0x31: {  	[smem:$0x3FB6] =	sst s10  }
0x32: {  	s10 =	sld [smem:$0x3FB4];
	_ =	sdelay $0x3  }
0x33: {  	p0 =	seq.s32 s10, $0x1;
	s10 =	sld [smem:$0x3FB6];
	_ =	sdelay $0x3  }
0x34: {  	[smem:$0x3FB6] =	sst s10  }
0x35: {  	s10 =	sld [smem:$0x3FB5];
	_ =	sdelay $0x3  }
0x36: {  	p1 =	seq.s32 s10, $0x1;
	s10 =	sld [smem:$0x3FB6];
	_ =	sdelay $0x3  }
0x37: {  	[smem:$0x3FB6] =	sst s10  }
0x38: {  	s10 =	sld [smem:$0x3FB7]  }
0x39: {  	_ = 	snop;
	(pc) =	sbr.ind lr, $3  }
0x3a: {  	_ = 	snop  }
0x3b: {  	_ = 	snop  }
0x3c: {  	p2 =	seq.s32 s10, $0x1;
	s10 =	sld [smem:$0x3FB6]  }
0x3d: {  	_ =	shalt  }
0x3e: {  	_ =	shalt  }
0x3f: {  	_ =	shalt  }
0x40: {  	_ =	shalt  }
0x41: {  	_ =	shalt  }
0x42: {  	_ =	shalt  }
0x43: {  	_ =	shalt  }
0x44: {  	_ =	shalt  }
0x45: {  	_ =	shalt  }
0x46: {  	_ =	shalt  }
0x47: {  	_ =	shalt  }
0x48: {  	_ =	shalt  }
0x49: {  	_ =	shalt  }
0x4a: {  	_ =	shalt  }
0x4b: {  	_ =	shalt  }
0x4c: {  	_ =	shalt  }
0x4d: {  	_ =	shalt  }
0x4e: {  	_ =	shalt  }
0x4f: {  	_ =	shalt  }
0x50: {  	_ =	shalt  }
0x51: {  	_ =	shalt  }
0x52: {  	_ =	shalt  }
0x53: {  	_ =	shalt  }
0x54: {  	_ =	shalt  }
0x55: {  	_ =	shalt  }
0x56: {  	_ =	shalt  }
0x57: {  	_ =	shalt  }
0x58: {  	_ =	shalt  }
0x59: {  	_ =	shalt  }
0x5a: {  	_ =	shalt  }
0x5b: {  	_ =	shalt  }
0x5c: {  	_ =	shalt  }
0x5d: {  	_ =	shalt  }
0x5e: {  	_ =	shalt  }
0x5f: {  	_ =	shalt  }
0x60: {  	_ =	shalt  }
0x61: {  	_ =	shalt  }
0x62: {  	_ =	shalt  }
0x63: {  	_ =	shalt  }
0x64: {  	_ =	shalt  }
0x65: {  	_ =	shalt  }
0x66: {  	_ =	shalt  }
0x67: {  	_ =	shalt  }
0x68: {  	_ =	shalt  }
0x69: {  	_ =	shalt  }
0x6a: {  	_ =	shalt  }
0x6b: {  	_ =	shalt  }
0x6c: {  	_ =	shalt  }
0x6d: {  	_ =	shalt  }
0x6e: {  	_ =	shalt  }
0x6f: {  	_ =	shalt  }
0x70: {  	_ =	shalt  }
0x71: {  	_ =	shalt  }
0x72: {  	_ =	shalt  }
0x73: {  	_ =	shalt  }
0x74: {  	_ =	shalt  }
0x75: {  	_ =	shalt  }
0x76: {  	_ =	shalt  }
0x77: {  	_ =	shalt  }
0x78: {  	_ =	shalt  }
0x79: {  	_ =	shalt  }
0x7a: {  	_ =	shalt  }
0x7b: {  	_ =	shalt  }
0x7c: {  	_ =	shalt  }
0x7d: {  	_ =	shalt  }
0x7e: {  	_ =	shalt  }
0x7f: {  	_ =	shalt  }
0x80: {  	_ =	shalt  }
0x81: {  	_ =	shalt  }
0x82: {  	_ =	shalt  }
0x83: {  	_ =	shalt  }
0x84: {  	_ =	shalt  }
0x85: {  	_ =	shalt  }
0x86: {  	_ =	shalt  }
0x87: {  	_ =	shalt  }
.Lfunc_end0:
.L_simem_size_0:
called_computation_lowered:
.L_overlay_start_0:
0x88: {  	s2 =	sld [smem:$0x3FD9]  }
0x89: {  	s3 =	sld [smem:$0x3FFE];
	_ =	sdelay $0x1  }
0x8a: {  	s1 =	srdreg.scid  }
0x8b: {  	s0 =	sand.u32 $0x1, s1  }
0x8c: {  	s16 =	sshll.u32 s0, $0xA;
	s2 =	sadd.s32 s3, s2  }
0x8d: {  	s2 =	sadd.s32 s2, s16  }
0x8e: {  	[smem:$0x3FC2] =	sst s2  }
0x8f: {  	_ = 	snop  }
0x90: {  	(tm) =	ssettm $0x1  }
0x91: {  	s17 =	sld [smem:$0x3FFB];
	_ =	sdelay $0x3  }
0x92: {  	_ =	strace s17  }
0x93: {  	s2 =	sld [smem:$0x3FFC];
	_ =	sdelay $0x3  }
0x94: {  	_ =	strace s2  }
0x95: {  	s2 =	sld [smem:$0x3FFD];
	_ =	sdelay $0x3  }
0x96: {  	_ =	strace s2  }
0x97: {  	_ =	strace $0x8FFFFFFF  }
0x98: {  	s18 =	sld [smem:$0x3FDB];
	_ =	sdelay $0x1  }
0x99: {  	s19 =	simm.s32 $_scs_section_size  }
0x9a: {  	s4 =	simm.s32 $_size__tile_overlayer_lowered;
	s5 =	simm.s32 $_tile_overlayer_lowered  }
0x9b: {  	s22 =	simm.s32 $0x1BFF;
	s21 =	sshll.u32 s5, $0x1;
	s2 =	sadd.s32 s19, s18  }
0x9c: {  	s6 =	simm.s32 $0x0;
	s20 =	sshll.u32 s4, $0x1;
	s4 =	sadd.s32 s21, s2  }
0x9d: {  	[timem:s6], [sflag:s22] =	dma.local [hbm:s4], s20  }
0x9e: {  	_ =	swait.ge [sflag:s22], s20  }
0x9f: {  	s3 =	ssub.s32 $0x0, s20;
	[sflag:s22] =	ssyncset.done $0x0  }
0xa0: {  	[sflag:s22] =	ssyncadd.s32 s3;
	_ =	sdelay $0x1  }
0xa1: {  	s23 =	simm.s32 $0x1B8B  }
0xa2: {  	_ =	swait.ge [sflag:s23], $0x1  }
0xa3: {  	[sflag:s23] =	ssyncset.done $0x0  }
0xa4: {  	s25 =	simm.s32 $0x1B8E;
	s24 =	sld [smem:$0x3FFE];
	[sflag:s23] =	ssyncadd.s32 $0xFFFFFFFF  }
0xa5: {  	s26 =	simm.s32 $execute0_lowered;
	[smem:$0x3FD2] =	sst s25  }
0xa6: {  	s4 =	sshll.u32 s26, $0x1;
	_ =	strace $0x80000046;
	[dreg:$0x1] =	wrdreg $0xFFFFFFFF  }
0xa7: {  	s28 =	simm.s32 $_size_execute0_lowered;
	s2 =	sadd.s32 s2, s4;
	[dreg:$0x0] =	wrdreg $0x0  }
0xa8: {  	s4 =	sshll.u32 s28, $0x1;
	[dreg:$0x2] =	wrdreg s2  }
0xa9: {  	[dreg:$0x3] =	wrdreg s4  }
0xaa: {  	[dreg:$0x4] =	wrdreg $0xC0  }
0xab: {  	_ =	task [dreg:s6], $0x5FFFF  }
0xac: {  	[dreg:$0x1] =	wrdreg $0xFFFFFFFF  }
0xad: {  	[dreg:$0x0] =	wrdreg $0x60  }
0xae: {  	[dreg:$0x2] =	wrdreg s24  }
0xaf: {  	[dreg:$0x3] =	wrdreg $0x16800  }
0xb0: {  	[dreg:$0x4] =	wrdreg $0x9  }
0xb1: {  	_ =	task.clear_ibuf [dreg:s6], $0x5FFFF;
	_ =	strace $0x90000046  }
0xb2: {  	s29 =	simm.s32 $0x9;
	_ =	strace $0x80000048  }
0xb3: {  	_ =	swait.ge [sflag:s29], $0x1  }
0xb4: {  	[sflag:s29] =	ssyncadd.s32 $0xFFFFFFFF  }
0xb5: {  	_ =	strace $0x90000048  }
0xb6: {  	_ =	sfence  }
0xb7: {  	s30 =	sld [smem:$0x0];
	_ =	sdelay $0x2  }
0xb8: {  	s31 =	sshll.u32 s1, $0xD;
	s1 =	sshrl.u32 s1, $0x2  }
0xb9: {  	s3 =	sand.u32 $0x4000, s31;
	s1 =	sadd.s32 s1, s30  }
0xba: {  	s0 =	sor.u32 s3, s0;
	s1 =	sshll.u32 s1, $0x11  }
0xbb: {  	s0 =	sor.u32 s1, s0  }
0xbc: {  	s0 =	sadd.s32 $0x8F2B, s0  }
0xbd: {  	[sflag:s0] =	ssyncadd.remote.s32 $0x1  }
0xbe: {  	_ =	sfence.sel $0xFFFF  }
0xbf: {  	[dreg:$0x0] =	wrdreg $0xFFFFFFFF;
	(pc) =	sbr.abs _section_cstart, $3  }
0xc0: {  	[dreg:$0x1] =	wrdreg $0xFFFFFFFF  }
0xc1: {  	_ =	task.clear_ibuf [dreg:s6], $0x2FFFF;
	_ =	strace $0x9FFFFFFF  }
0xc2: {  	(tm) =	ssettm $0x7FFFFFFF  }
0xc3: {  	_ =	shalt  }
tec
execute0_lowered:
.L_overlay_start_1:
0x0: {  	(tag) =	ssettag $0x1  }
0x1: {  	s0 =	rddreg [dreg:$0x0];
	s9 =	stileid.u32  }
0x2: {  	s1 =	srdreg.scid;
	s4 =	smul.u32 $0x2800, s9  }
0x3: {  	s2 =	rddreg [dreg:$0x1];
	s3 =	simm.s32 $0x0;
	s6 =	smul.u32 $0x50000, s9  }
0x4: {  	s1 =	sand.u32 $0x1, s1;
	[smem:$0x7FF] =	sst s3;
	s10 =	smul.u32 $0x4E20, s9  }
0x5: {  	s8 =	sshll.u32 s9, $0x1;
	s5 =	smul.u32 $0x28000, s1;
	_ =	strace $0x80000047  }
0x6: {  	s22 =	ssub.s32 $0x2, s1;
	s8 =	sor.u32 s1, s8;
	s1 =	smul.u32 $0x2710, s1  }
0x7: {  	s7 =	sshrl.u32 s22, $0x1;
	s6 =	sshrl.u32 s6, $0x2;
	s23 =	smul.u32 $0x2710, s8  }
0x8: {  	s8 =	simm.s32 $0x28;
	s5 =	sadd.s32 s4, s5;
	s4 =	sadd.s32 $0x2E00, s0  }
0x9: {  	s7 =	ssub.s32 s22, s7;
	s1 =	sadd.s32 s1, s10;
	s10 =	simm.s32 $0x2  }
0xa: {  	s0 =	sadd.s32 s5, s0;
	s5 =	sadd.s32 s6, s2;
	s15 =	sadd.s32 $0x28, s23  }
0xb: {  	s6 =	sshrl.u32 s23, $0x3;
	s18 =	sadd.s32 $0x118, s1;
	s7 =	smax.u32 s7, $0x1  }
0xc: {  	s20 =	sadd.s32 $0xF0, s1;
	s24 =	sadd.s32 $0x1400, s5;
	[dreg:$0x11] =	wrdreg s7  }
0xd: {  	s23 =	sadd.s32 $0xA0, s1;
	s25 =	sadd.s32 $0x2800, s5;
	[dreg:$0x3] =	wrdreg s24  }
0xe: {  	s26 =	sadd.s32 $0x3C00, s5;
	s28 =	sadd.s32 $0x5000, s5;
	[dreg:$0x4] =	wrdreg s25  }
0xf: {  	s29 =	sadd.s32 $0x6400, s5;
	s30 =	sadd.s32 $0x7800, s5;
	[dreg:$0x5] =	wrdreg s26  }
0x10: {  	s31 =	sadd.s32 $0x8C00, s5;
	s11 =	sadd.s32 $0xA000, s5;
	[dreg:$0x6] =	wrdreg s28  }
0x11: {  	s12 =	sadd.s32 $0xB400, s5;
	s13 =	sadd.s32 $0xC800, s5;
	[dreg:$0x7] =	wrdreg s29  }
0x12: {  	s14 =	sadd.s32 $0xDC00, s5;
	s9 =	sshrl.u32 s15, $0x3;
	[dreg:$0x8] =	wrdreg s30  }
0x13: {  	s16 =	sadd.s32 s4, s6;
	s0 =	sadd.s32 $0xCC00, s0;
	[dreg:$0x9] =	wrdreg s31  }
0x14: {  	s19 =	sshrl.u32 s18, $0x3;
	s22 =	sshrl.u32 s20, $0x3;
	[dreg:$0xa] =	wrdreg s11  }
0x15: {  	s6 =	simm.s32 $0x80;
	s7 =	simm.s32 $0x100;
	[dreg:$0xb] =	wrdreg s12  }
0x16: {  	s15 =	simm.s32 $0x7;
	s18 =	simm.s32 $0x9;
	[dreg:$0xc] =	wrdreg s13  }
0x17: {  	s20 =	simm.s32 $0xB;
	[dreg:$0xd] =	wrdreg s14;
	s17 =	sadd.s32 s4, s9  }
0x18: {  	[dreg:$0x10] =	wrdreg s0;
	s21 =	sadd.s32 s19, s4;
	s22 =	sadd.s32 s22, s4  }
0x19: {  	s24 =	sadd.s32 $0x78, s1;
	s1 =	sadd.s32 $0xC8, s1;
	s0 =	sshrl.u32 s23, $0x3  }
0x1a: {  	s26 =	sadd.s32 $0xF000, s5;
	s28 =	sadd.s32 $0x10400, s5;
	[dreg:$0xe] =	wrdreg s16  }
0x1b: {  	s29 =	sadd.s32 $0x11800, s5;
	s30 =	sadd.s32 $0x12C00, s5;
	[dreg:$0xf] =	wrdreg s17  }
0x1c: {  	s31 =	sadd.s32 $0xA, s16;
	s9 =	simm.s32 $0x180;
	[dreg:$0x12] =	wrdreg s1  }
0x1d: {  	s11 =	simm.s32 $0x200;
	s12 =	simm.s32 $0x3;
	[dreg:$0x13] =	wrdreg s26  }
.Ltmp0:
0x1e: {  	s13 =	simm.s32 $0x5;
	[dreg:$0x14] =	wrdreg s28;
	(pc) =	sbr.rel .LBB2_1-.Ltmp0, $4  }
0x1f: {  	s14 =	simm.s32 $0x6;
	s16 =	simm.s32 $0x8;
	[dreg:$0x15] =	wrdreg s29  }
0x20: {  	s19 =	simm.s32 $0xA;
	s25 =	sshrl.u32 s24, $0x3;
	[dreg:$0x16] =	wrdreg s30  }
0x21: {  	s24 =	sadd.s32 s0, s4;
	[dreg:$0x17] =	wrdreg s31;
	s1 =	simm.s32 $0x280  }
0x22: {  	v0 =	vimm.f32 $0.0e+00;
	v1 =	vimm.f32 $1.000000000e+00;
	s0 =	simm.s32 $0x1;
	s17 =	simm.s32 $0x0;
	s25 =	sadd.s32 s25, s4  }
.LBB2_8:
0x23: {  	_ =	swait.ge [sflag:s14], $0x1400  }
0x24: {  	[sflag:s14] =	ssyncset.done $0x0  }
0x25: {  	[sflag:s14] =	ssyncadd.s32 $0xFFFFEC00  }
0x26: {  	_ =	swait.ge [sflag:s15], $0x1400  }
0x27: {  	[sflag:s15] =	ssyncset.done $0x0  }
0x28: {  	[sflag:s15] =	ssyncadd.s32 $0xFFFFEC00  }
0x29: {  	_ =	swait.ge [sflag:s16], $0x1400  }
0x2a: {  	[sflag:s16] =	ssyncset.done $0x0  }
0x2b: {  	[sflag:s16] =	ssyncadd.s32 $0xFFFFEC00  }
0x2c: {  	_ =	swait.ge [sflag:s18], $0x1400  }
0x2d: {  	[sflag:s18] =	ssyncset.done $0x0  }
0x2e: {  	[sflag:s18] =	ssyncadd.s32 $0xFFFFEC00  }
0x2f: {  	_ =	swait.ge [sflag:s19], $0x1400  }
0x30: {  	[sflag:s19] =	ssyncset.done $0x0  }
0x31: {  	s23 =	stileid.u32;
	[sflag:s19] =	ssyncadd.s32 $0xFFFFEC00  }
0x32: {  	s23 =	sshll.u32 s23, $0x6;
	[bflag:$0x0] =	sbarrier.arrive $0xFFFF  }
0x33: {  	s26 =	sshrl.u32 s5, $0x3;
	s23 =	sor.u32 $0x1C0B, s23;
	s28 =	rddreg [dreg:$0x10]  }
0x34: {  	[hbm:s28], [sflag:s23] =	dma.local [spmem:s26], $0x2800  }
0x35: {  	_ =	swait.ge [sflag:s20], $0x2800  }
0x36: {  	s17 =	sadd.s32 $0x1, s17;
	s31 =	rddreg [dreg:$0x11]  }
0x37: {  	p0 =	sne.s32 s17, s31  }
.Ltmp1:
0x38: {  	_ = 	snop;
	(pc) =	sbr.rel @!p0 .LBB2_9-.Ltmp1, $3  }
0x39: {  	_ =	sdelay $0x1  }
0x3a: {  	[sflag:s20] =	ssyncset.done $0x0  }
0x3b: {  	[sflag:s20] =	ssyncadd.s32 $0xFFFFD800  }
.LBB2_1:
0x3c: {  	s23 =	simm.s32 $0x0;
	s26 =	simm.s32 $0x200  }
.LBB2_2:
0x3d: {  	p0 =	sne.s32 s26, $0x4E00;
	[tilespmem:s23+$0x2F0] =	vst v0  }
0x3e: {  	[tilespmem:s23+$0x280] =	vst v0  }
0x3f: {  	[tilespmem:s23+$0x290] =	vst v0  }
.Ltmp2:
0x40: {  	[tilespmem:s23+$0x2A0] =	vst v0;
	(pc) =	sbr.rel @p0 .LBB2_2-.Ltmp2, $4  }
0x41: {  	[tilespmem:s23+$0x2B0] =	vst v0  }
0x42: {  	[tilespmem:s23+$0x2C0] =	vst v0  }
0x43: {  	[tilespmem:s23+$0x2D0] =	vst v0  }
0x44: {  	[tilespmem:s23+$0x2E0] =	vst v0;
	s23 =	sshra.s32 s26, $0x2;
	s26 =	sadd.s32 $0x200, s26  }
0x45: {  	[tilespmem:s23+$0x2F0] =	vst v0  }
0x46: {  	[tilespmem:s23+$0x280] =	vst v0  }
0x47: {  	[tilespmem:s23+$0x290] =	vst v0  }
0x48: {  	[tilespmem:s23+$0x2A0] =	vst v0  }
0x49: {  	[tilespmem:s23+$0x2B0] =	vst v0  }
0x4a: {  	[tilespmem:s23+$0x2C0] =	vst v0  }
0x4b: {  	[tilespmem:s23+$0x2D0] =	vst v0  }
0x4c: {  	[tilespmem:s23+$0x2E0] =	vst v0  }
0x4d: {  	[spmem:s5] =	stream.linear.scatter [tilespmem:s1], [sflag:$0x1], $0x1400, $0x38;
	[tilespmem:$0x15680] =	vst v63  }
0x4e: {  	s26 =	rddreg [dreg:$0x3]  }
0x4f: {  	[spmem:s26] =	stream.linear.scatter [tilespmem:s1], [sflag:$0x1], $0x1400, $0x38;
	[tilespmem:$0x15680] =	vst v63  }
0x50: {  	s28 =	rddreg [dreg:$0x4]  }
0x51: {  	[spmem:s28] =	stream.linear.scatter [tilespmem:s1], [sflag:$0x1], $0x1400, $0x38;
	[tilespmem:$0x15680] =	vst v63  }
0x52: {  	s29 =	rddreg [dreg:$0x5]  }
0x53: {  	[spmem:s29] =	stream.linear.scatter [tilespmem:s1], [sflag:$0x1], $0x1400, $0x38;
	[tilespmem:$0x15680] =	vst v63  }
0x54: {  	s30 =	rddreg [dreg:$0x6]  }
0x55: {  	[spmem:s30] =	stream.linear.scatter [tilespmem:s1], [sflag:$0x1], $0x1400, $0x38;
	[tilespmem:$0x15680] =	vst v63  }
0x56: {  	s31 =	rddreg [dreg:$0x7]  }
0x57: {  	[spmem:s31] =	stream.linear.scatter [tilespmem:s1], [sflag:$0x1], $0x1400, $0x38;
	[tilespmem:$0x15680] =	vst v63  }
0x58: {  	s26 =	rddreg [dreg:$0x8]  }
0x59: {  	[spmem:s26] =	stream.linear.scatter [tilespmem:s1], [sflag:$0x1], $0x1400, $0x38;
	[tilespmem:$0x15680] =	vst v63  }
0x5a: {  	s28 =	rddreg [dreg:$0x9]  }
0x5b: {  	[spmem:s28] =	stream.linear.scatter [tilespmem:s1], [sflag:$0x1], $0x1400, $0x38;
	[tilespmem:$0x15680] =	vst v63  }
0x5c: {  	s29 =	rddreg [dreg:$0xa]  }
0x5d: {  	[spmem:s29] =	stream.linear.scatter [tilespmem:s1], [sflag:$0x1], $0x1400, $0x38;
	[tilespmem:$0x15680] =	vst v63  }
0x5e: {  	s30 =	rddreg [dreg:$0xb]  }
0x5f: {  	[spmem:s30] =	stream.linear.scatter [tilespmem:s1], [sflag:$0x1], $0x1400, $0x38;
	[tilespmem:$0x15680] =	vst v63  }
0x60: {  	s31 =	rddreg [dreg:$0xc]  }
0x61: {  	[spmem:s31] =	stream.linear.scatter [tilespmem:s1], [sflag:$0x1], $0x1400, $0x38;
	[tilespmem:$0x15680] =	vst v63  }
0x62: {  	s26 =	rddreg [dreg:$0xd]  }
0x63: {  	[spmem:s26] =	stream.linear.scatter [tilespmem:s1], [sflag:$0x1], $0x1400, $0x38;
	[tilespmem:$0x15680] =	vst v63  }
0x64: {  	s28 =	rddreg [dreg:$0x13]  }
0x65: {  	[spmem:s28] =	stream.linear.scatter [tilespmem:s1], [sflag:$0x1], $0x1400, $0x38;
	[tilespmem:$0x15680] =	vst v63  }
0x66: {  	s29 =	rddreg [dreg:$0x14]  }
0x67: {  	[spmem:s29] =	stream.linear.scatter [tilespmem:s1], [sflag:$0x1], $0x1400, $0x38;
	[tilespmem:$0x15680] =	vst v63  }
0x68: {  	s30 =	rddreg [dreg:$0x15]  }
0x69: {  	[spmem:s30] =	stream.linear.scatter [tilespmem:s1], [sflag:$0x1], $0x1400, $0x38;
	[tilespmem:$0x15680] =	vst v63  }
0x6a: {  	s31 =	rddreg [dreg:$0x16]  }
0x6b: {  	[spmem:s31] =	stream.linear.scatter [tilespmem:s1], [sflag:$0x1], $0x1400, $0x38;
	[tilespmem:$0x15680] =	vst v63  }
0x6c: {  	_ =	swait.ge [sflag:s0], $0x1400  }
0x6d: {  	[sflag:s0] =	ssyncset.done $0x0  }
0x6e: {  	[sflag:s0] =	ssyncadd.s32 $0xFFFFEC00  }
0x6f: {  	_ =	swait.ge [sflag:s0], $0x1400  }
0x70: {  	[sflag:s0] =	ssyncset.done $0x0  }
0x71: {  	[sflag:s0] =	ssyncadd.s32 $0xFFFFEC00  }
0x72: {  	_ =	swait.ge [sflag:s0], $0x1400  }
0x73: {  	[sflag:s0] =	ssyncset.done $0x0  }
0x74: {  	[sflag:s0] =	ssyncadd.s32 $0xFFFFEC00  }
0x75: {  	_ =	swait.ge [sflag:s0], $0x1400  }
0x76: {  	[sflag:s0] =	ssyncset.done $0x0  }
0x77: {  	[sflag:s0] =	ssyncadd.s32 $0xFFFFEC00  }
0x78: {  	_ =	swait.ge [sflag:s0], $0x1400  }
0x79: {  	[sflag:s0] =	ssyncset.done $0x0  }
0x7a: {  	[sflag:s0] =	ssyncadd.s32 $0xFFFFEC00  }
0x7b: {  	_ =	swait.ge [sflag:s0], $0x1400  }
0x7c: {  	[sflag:s0] =	ssyncset.done $0x0  }
0x7d: {  	[sflag:s0] =	ssyncadd.s32 $0xFFFFEC00  }
0x7e: {  	_ =	swait.ge [sflag:s0], $0x1400  }
0x7f: {  	[sflag:s0] =	ssyncset.done $0x0  }
0x80: {  	[sflag:s0] =	ssyncadd.s32 $0xFFFFEC00  }
0x81: {  	_ =	swait.ge [sflag:s0], $0x1400  }
0x82: {  	[sflag:s0] =	ssyncset.done $0x0  }
0x83: {  	[sflag:s0] =	ssyncadd.s32 $0xFFFFEC00  }
0x84: {  	_ =	swait.ge [sflag:s0], $0x1400  }
0x85: {  	[sflag:s0] =	ssyncset.done $0x0  }
0x86: {  	[sflag:s0] =	ssyncadd.s32 $0xFFFFEC00  }
0x87: {  	_ =	swait.ge [sflag:s0], $0x1400  }
0x88: {  	[sflag:s0] =	ssyncset.done $0x0  }
0x89: {  	[sflag:s0] =	ssyncadd.s32 $0xFFFFEC00  }
0x8a: {  	_ =	swait.ge [sflag:s0], $0x1400  }
0x8b: {  	[sflag:s0] =	ssyncset.done $0x0  }
0x8c: {  	[sflag:s0] =	ssyncadd.s32 $0xFFFFEC00  }
0x8d: {  	_ =	swait.ge [sflag:s0], $0x1400  }
0x8e: {  	[sflag:s0] =	ssyncset.done $0x0  }
0x8f: {  	[sflag:s0] =	ssyncadd.s32 $0xFFFFEC00  }
0x90: {  	_ =	swait.ge [sflag:s0], $0x1400  }
0x91: {  	[sflag:s0] =	ssyncset.done $0x0  }
0x92: {  	[sflag:s0] =	ssyncadd.s32 $0xFFFFEC00  }
0x93: {  	_ =	swait.ge [sflag:s0], $0x1400  }
0x94: {  	[sflag:s0] =	ssyncset.done $0x0  }
0x95: {  	[sflag:s0] =	ssyncadd.s32 $0xFFFFEC00  }
0x96: {  	_ =	swait.ge [sflag:s0], $0x1400  }
0x97: {  	[sflag:s0] =	ssyncset.done $0x0  }
0x98: {  	[sflag:s0] =	ssyncadd.s32 $0xFFFFEC00  }
0x99: {  	_ =	swait.ge [sflag:s0], $0x1400  }
0x9a: {  	[sflag:s0] =	ssyncset.done $0x0  }
0x9b: {  	s23 =	simm.s32 $0x0;
	s26 =	simm.s32 $0x200;
	[sflag:s0] =	ssyncadd.s32 $0xFFFFEC00  }
.LBB2_4:
0x9c: {  	p0 =	sne.s32 s26, $0x4E00;
	[tilespmem:s23+$0x2F0] =	vst v1  }
0x9d: {  	[tilespmem:s23+$0x280] =	vst v1  }
0x9e: {  	[tilespmem:s23+$0x290] =	vst v1  }
.Ltmp3:
0x9f: {  	[tilespmem:s23+$0x2A0] =	vst v1;
	(pc) =	sbr.rel @p0 .LBB2_4-.Ltmp3, $4  }
0xa0: {  	[tilespmem:s23+$0x2B0] =	vst v1  }
0xa1: {  	[tilespmem:s23+$0x2C0] =	vst v1  }
0xa2: {  	[tilespmem:s23+$0x2D0] =	vst v1  }
0xa3: {  	[tilespmem:s23+$0x2E0] =	vst v1;
	s23 =	sshra.s32 s26, $0x2;
	s26 =	sadd.s32 $0x200, s26  }
0xa4: {  	[tilespmem:s23+$0x2F0] =	vst v1  }
0xa5: {  	[tilespmem:s23+$0x280] =	vst v1  }
0xa6: {  	[tilespmem:s23+$0x290] =	vst v1  }
0xa7: {  	[tilespmem:s23+$0x2A0] =	vst v1  }
0xa8: {  	[tilespmem:s23+$0x2B0] =	vst v1  }
0xa9: {  	[tilespmem:s23+$0x2C0] =	vst v1  }
0xaa: {  	[tilespmem:s23+$0x2D0] =	vst v1  }
0xab: {  	[tilespmem:s23+$0x2E0] =	vst v1  }
0xac: {  	[bflag:$0x0] =	sbarrier.arrive $0xFFFF  }
0xad: {  	s26 =	rddreg [dreg:$0xe]  }
0xae: {  	s23 =	simm.s32 $0x0;
	s30 =	rddreg [dreg:$0xf]  }
0xaf: {  	[tilespmem:s23], [sflag:$0x1] =	stream.linear.gather [hbm4b:s26+s23], $0x28, $0x38;
	[tilespmem:$0x15680] =	vst v63  }
0xb0: {  	s31 =	rddreg [dreg:$0x17]  }
0xb1: {  	[tilespmem:s6], [sflag:$0x2] =	stream.linear.gather [hbm4b:s30+s23], $0x28, $0x38;
	[tilespmem:$0x15680] =	vst v63  }
0xb2: {  	s26 =	rddreg [dreg:$0x12]  }
0xb3: {  	[tilespmem:s7], [sflag:$0x3] =	stream.linear.gather [hbm4b:s31+s23], $0x28, $0x38;
	[tilespmem:$0x15680] =	vst v63  }
.LBB2_6:
0xb4: {  	_ =	swait.ge [sflag:s0], $0x28  }
0xb5: {  	p0 =	seq.s32 s23, $0x0;
	[sflag:s0] =	ssyncset.done $0x0  }
0xb6: {  	s28 =	simm.s32 @!p0 $0x9;
	[sflag:s0] =	ssyncadd.s32 $0xFFFFFFD8  }
0xb7: {  	[spmem:s2] =	stream.indirect.scatter.add.f32 [tilespmem:s1], [sflag:$0x6], $0x80, s3, s8, $0xb8;
	[tilespmem:$0x15680] =	vst v63  }
0xb8: {  	_ =	swait.ge @!p0 [sflag:s28], $0x1400  }
0xb9: {  	[sflag:s28] =	ssyncset.done @!p0 $0x0  }
0xba: {  	s30 =	sadd.s32 s23, s25;
	[sflag:s28] =	ssyncadd.s32 @!p0 $0xFFFFEC00  }
0xbb: {  	[tilespmem:s9], [sflag:$0x4] =	stream.linear.gather [hbm4b:s30+s3], $0x28, $0x38;
	[tilespmem:$0x15680] =	vst v63  }
0xbc: {  	_ =	swait.ge [sflag:s10], $0x28  }
0xbd: {  	[sflag:s10] =	ssyncset.done $0x0  }
0xbe: {  	s28 =	simm.s32 @!p0 $0xA;
	[sflag:s10] =	ssyncadd.s32 $0xFFFFFFD8  }
0xbf: {  	[spmem:s2] =	stream.indirect.scatter.add.f32 [tilespmem:s1], [sflag:$0x7], $0x80, s6, s8, $0xb8;
	[tilespmem:$0x15680] =	vst v63  }
0xc0: {  	_ =	swait.ge @!p0 [sflag:s28], $0x1400  }
0xc1: {  	[sflag:s28] =	ssyncset.done @!p0 $0x0  }
0xc2: {  	s31 =	sadd.s32 s23, s24;
	[sflag:s28] =	ssyncadd.s32 @!p0 $0xFFFFEC00  }
0xc3: {  	[tilespmem:s11], [sflag:$0x5] =	stream.linear.gather [hbm4b:s31+s3], $0x28, $0x38;
	[tilespmem:$0x15680] =	vst v63  }
0xc4: {  	_ =	swait.ge [sflag:s12], $0x28  }
0xc5: {  	p0 =	seq.s32 s23, $0x4C9;
	[sflag:s12] =	ssyncset.done $0x0  }
0xc6: {  	s28 =	simm.s32 @p0 $0x4;
	[sflag:s12] =	ssyncadd.s32 $0xFFFFFFD8  }
0xc7: {  	[spmem:s2] =	stream.indirect.scatter.add.f32 [tilespmem:s1], [sflag:$0x8], $0x80, s7, s8, $0xb8;
	[tilespmem:$0x15680] =	vst v63  }
0xc8: {  	_ =	swait.ge @p0 [sflag:s28], $0x28  }
0xc9: {  	s29 =	simm.s32 @p0 $0x180;
	[sflag:s28] =	ssyncset.done @p0 $0x0  }
0xca: {  	s30 =	simm.s32 @p0 $0x280;
	[sflag:s28] =	ssyncadd.s32 @p0 $0xFFFFFFD8;
	s28 =	simm.s32 @p0 $0x28  }
0xcb: {  	[spmem:s2] =	stream.indirect.scatter.add.f32 @p0 [tilespmem:s30], [sflag:$0x9], $0x80, s29, s28, $0xb8;
	[tilespmem:$0x15680] =	vst v63  }
0xcc: {  	s28 =	simm.s32 @!p0 $0x6  }
0xcd: {  	_ =	swait.ge @!p0 [sflag:s28], $0x1400  }
0xce: {  	s29 =	sshrl.u32 @!p0 s26, $0x3;
	[sflag:s28] =	ssyncset.done @!p0 $0x0  }
0xcf: {  	[sflag:s28] =	ssyncadd.s32 @!p0 $0xFFFFEC00;
	s28 =	sadd.s32 @!p0 s4, s29;
	s29 =	simm.s32 @!p0 $0x0  }
0xd0: {  	[tilespmem:s29], [sflag:$0x1] =	stream.linear.gather @!p0 [hbm4b:s28+s29], $0x28, $0x38;
	[tilespmem:$0x15680] =	vst v63  }
0xd1: {  	s28 =	simm.s32 @!p0 $0x4  }
0xd2: {  	_ =	swait.ge @!p0 [sflag:s28], $0x28  }
0xd3: {  	s31 =	simm.s32 @!p0 $0x280;
	[sflag:s28] =	ssyncset.done @!p0 $0x0  }
0xd4: {  	s30 =	simm.s32 @!p0 $0x180;
	[sflag:s28] =	ssyncadd.s32 @!p0 $0xFFFFFFD8;
	s28 =	simm.s32 @!p0 $0x28  }
0xd5: {  	[spmem:s2] =	stream.indirect.scatter.add.f32 @!p0 [tilespmem:s31], [sflag:$0x9], $0x80, s30, s28, $0xb8;
	[tilespmem:$0x15680] =	vst v63  }
0xd6: {  	s28 =	simm.s32 @!p0 $0x7  }
0xd7: {  	_ =	swait.ge @!p0 [sflag:s28], $0x1400  }
0xd8: {  	[sflag:s28] =	ssyncset.done @!p0 $0x0  }
0xd9: {  	s30 =	simm.s32 @!p0 $0x80;
	[sflag:s28] =	ssyncadd.s32 @!p0 $0xFFFFEC00;
	s28 =	sadd.s32 @!p0 s23, s22  }
0xda: {  	[tilespmem:s30], [sflag:$0x2] =	stream.linear.gather @!p0 [hbm4b:s28+s29], $0x28, $0x38;
	[tilespmem:$0x15680] =	vst v63  }
.Ltmp4:
0xdb: {  	_ = 	snop;
	(pc) =	sbr.rel @p0 .LBB2_8-.Ltmp4, $4  }
0xdc: {  	_ =	swait.ge [sflag:s13], $0x28  }
0xdd: {  	[sflag:s13] =	ssyncset.done $0x0  }
0xde: {  	[sflag:s13] =	ssyncadd.s32 $0xFFFFFFD8  }
0xdf: {  	[spmem:s2] =	stream.indirect.scatter.add.f32 [tilespmem:s1], [sflag:$0xA], $0x80, s11, s8, $0xb8;
	[tilespmem:$0x15680] =	vst v63  }
.Ltmp5:
0xe0: {  	(pc) =	sbr.rel .LBB2_6-.Ltmp5, $4  }
0xe1: {  	_ =	swait.ge [sflag:s16], $0x1400  }
0xe2: {  	s28 =	sadd.s32 s23, s21;
	[sflag:s16] =	ssyncset.done $0x0  }
0xe3: {  	s23 =	sadd.s32 $0x19, s23;
	s26 =	sadd.s32 $0xC8, s26;
	[sflag:s16] =	ssyncadd.s32 $0xFFFFEC00  }
0xe4: {  	[tilespmem:s7], [sflag:$0x3] =	stream.linear.gather [hbm4b:s28+s3], $0x28, $0x38;
	[tilespmem:$0x15680] =	vst v63  }
.LBB2_9:
0xe5: {  	_ =	sfence.sel $0x180000  }
0xe6: {  	[bflag:$0x0] =	sbarrier.arrive $0xFFFF  }
0xe7: {  	_ =	strace $0x90000047  }
0xe8: {  	s0 =	stileid.u32;
	[bflag:$0x2] =	sbarrier.arrive $0xFFFF  }
0xe9: {  	p0 =	sne.s32 s0, $0x0;
	s0 =	rddreg [dreg:$0x2]  }
0xea: {  	s0 =	sadd.s32 @!p0 $0x100000, s0  }
0xeb: {  	[sflag:s0] =	ssyncadd.tile.s32 @!p0 $0x1;
	_ =	shalt  }
.Lfunc_end2:
_tile_overlayer_lowered:
.L_overlay_start_2:
0xec: {  	(tag) =	ssettag $0x2  }
0xed: {  	s0 =	rddreg [dreg:$0x0];
	s2 =	stileid.u32  }
0xee: {  	s1 =	rddreg [dreg:$0x1];
	p0 =	sne.s32 s2, $0x0  }
0xef: {  	s3 =	rddreg [dreg:$0x2];
	[bflag:$0x3] =	sbarrier.arrive $0xFFFF;
	s2 =	simm.s32 @!p0 $0x1C0B  }
0xf0: {  	[timem:s3], [sflag:s2] =	dma.local @!p0 [hbm:s0], s1  }
0xf1: {  	s0 =	simm.s32 @!p0 $0xB  }
0xf2: {  	_ =	swait.ge @!p0 [sflag:s0], s1  }
0xf3: {  	s1 =	ssub.s32 @!p0 $0x0, s1;
	[sflag:s0] =	ssyncset.done @!p0 $0x0  }
0xf4: {  	[sflag:s0] =	ssyncadd.s32 @!p0 s1  }
0xf5: {  	[bflag:$0x3] =	sbarrier.arrive $0xFFFF  }
0xf6: {  	_ =	shalt  }

</sc_bundles>
